<compile_context>
chip_gen: v7x
topology: tpu7x:2x2x1
jax: 0.10.2.dev20260603
libtpu: 0.0.44.dev20260713+nightly
codegen_flags: <defaults>
</compile_context>

<pallas_src>
import functools

import jax
import jax.numpy as jnp
from jax import lax
from jax.experimental import pallas as pl
from jax.experimental.pallas import tpu as pltpu
from jax.experimental.pallas import tpu_sc as plsc

N = 10000
NPAD = 10240
IN_SIZE = 256
HID = 512
OUT_SIZE = 256
C = 4
FC = 128
E = 160000
TILES = 16
EB = 64
NB = 160
NBH = NB // 4
EPT = NB * EB
EPAD = TILES * EPT
RPT = NPAD // TILES

_MESH = plsc.VectorSubcoreMesh(core_axis_name="c", subcore_axis_name="s")



def _seg_body(h3d, srcr, dstr, zeros_hbm, o3d,
              src_s, dst_s, bufs, acc, semg, sems):
    cid = lax.axis_index("c")
    sid = lax.axis_index("s")
    row0 = sid * RPT

    def process(hc, outc):
        pltpu.sync_copy(zeros_hbm.at[pl.ds(row0, RPT)], acc.at[pl.ds(row0, RPT)])
        plsc.subcore_barrier()

        def phase(j, q):
            qf = (q + 3) % 4

            @pl.when(j > 0)
            def _():
                pltpu.make_async_copy(
                    bufs.at[qf], acc.at[dst_s.at[j - 1]], sems).wait()

            @pl.when(j + 3 < NBH)
            def _():
                pltpu.async_copy(hc.at[src_s.at[j + 3]], bufs.at[qf],
                                 semg.at[qf])

            pltpu.make_async_copy(hc.at[src_s.at[j]], bufs.at[q], semg.at[q]).wait()
            pltpu.async_copy(bufs.at[q], acc.at[dst_s.at[j]], sems, add=True)

        def quad(i, carry):
            for q in range(4):
                phase(i * 4 + q, q)
            return carry

        for hh in range(4):
            pltpu.sync_copy(srcr.at[sid, hh], src_s)
            pltpu.sync_copy(dstr.at[sid, hh], dst_s)
            for b in range(3):
                pltpu.async_copy(hc.at[src_s.at[b]], bufs.at[b], semg.at[b])
            lax.fori_loop(0, NBH // 4, quad, 0, unroll=False)
            pltpu.make_async_copy(bufs.at[(NBH - 1) % 4],
                                  acc.at[dst_s.at[NBH - 1]], sems).wait()
        plsc.subcore_barrier()
        pltpu.sync_copy(acc.at[pl.ds(row0, RPT)], outc.at[pl.ds(row0, RPT)])
        plsc.subcore_barrier()

    for k in range(2):
        chunk = cid * 2 + k
        process(h3d.at[chunk], o3d.at[chunk])


@functools.partial(jax.jit, donate_argnums=())
def _segment_sum_sc(hc, srcr, dstr, zeros_hbm):
    return pl.kernel(
        _seg_body,
        out_type=jax.ShapeDtypeStruct((C, NPAD, FC), jnp.float32),
        mesh=_MESH,
        scratch_types=[
            pltpu.VMEM((NBH, EB), jnp.int32),
            pltpu.VMEM((NBH, EB), jnp.int32),
            pltpu.VMEM((4, EB, FC), jnp.float32),
            pltpu.VMEM_SHARED((NPAD, FC), jnp.float32),
            pltpu.SemaphoreType.DMA((4,)),
            pltpu.SemaphoreType.DMA,
        ],
    )(hc, srcr, dstr, zeros_hbm)



def _pre_body(x_ref, w_ref, b_ref, o_ref):
    acc = jnp.dot(x_ref[...], w_ref[...], preferred_element_type=jnp.float32)
    for c in range(C):
        o_ref[c] = jnp.maximum(acc[:, c * FC:(c + 1) * FC] + b_ref[c], 0.0)


def _mid_body(h_ref, g_ref, w_ref, b_ref, a_ref, o_ref):
    s = h_ref[...] + g_ref[...]
    acc = jnp.dot(s[0], w_ref[0:FC, :], preferred_element_type=jnp.float32)
    for c in range(1, C):
        acc += jnp.dot(s[c], w_ref[c * FC:(c + 1) * FC, :],
                       preferred_element_type=jnp.float32)
    a = a_ref[0, 0]
    for c in range(C):
        v = acc[:, c * FC:(c + 1) * FC] + b_ref[c]
        o_ref[c] = jnp.where(v >= 0, v, a * v)


def _post_body(h_ref, w_ref, b_ref, o_ref):
    acc = jnp.dot(h_ref[0], w_ref[0:FC, :], preferred_element_type=jnp.float32)
    for c in range(1, C):
        acc += jnp.dot(h_ref[c], w_ref[c * FC:(c + 1) * FC, :],
                       preferred_element_type=jnp.float32)
    o_ref[...] = acc + b_ref[...]


_BR = 1024
_GRID = (NPAD // _BR,)


def _pre_gemm(x, w, b):
    return pl.pallas_call(
        _pre_body,
        grid=_GRID,
        in_specs=[
            pl.BlockSpec((_BR, IN_SIZE), lambda i: (i, 0)),
            pl.BlockSpec((IN_SIZE, HID), lambda i: (0, 0)),
            pl.BlockSpec((C, FC), lambda i: (0, 0)),
        ],
        out_specs=pl.BlockSpec((C, _BR, FC), lambda i: (0, i, 0)),
        out_shape=jax.ShapeDtypeStruct((C, NPAD, FC), jnp.float32),
    )(x, w, b)


def _mid_gemm(h, g, w, b, a):
    return pl.pallas_call(
        _mid_body,
        grid=_GRID,
        in_specs=[
            pl.BlockSpec((C, _BR, FC), lambda i: (0, i, 0)),
            pl.BlockSpec((C, _BR, FC), lambda i: (0, i, 0)),
            pl.BlockSpec((HID, HID), lambda i: (0, 0)),
            pl.BlockSpec((C, FC), lambda i: (0, 0)),
            pl.BlockSpec(memory_space=pltpu.SMEM),
        ],
        out_specs=pl.BlockSpec((C, _BR, FC), lambda i: (0, i, 0)),
        out_shape=jax.ShapeDtypeStruct((C, NPAD, FC), jnp.float32),
    )(h, g, w, b, a)


def _post_gemm(h, w, b):
    return pl.pallas_call(
        _post_body,
        grid=_GRID,
        in_specs=[
            pl.BlockSpec((C, _BR, FC), lambda i: (0, i, 0)),
            pl.BlockSpec((HID, OUT_SIZE), lambda i: (0, 0)),
            pl.BlockSpec((1, OUT_SIZE), lambda i: (0, 0)),
        ],
        out_specs=pl.BlockSpec((_BR, OUT_SIZE), lambda i: (i, 0)),
        out_shape=jax.ShapeDtypeStruct((NPAD, OUT_SIZE), jnp.float32),
    )(h, w, b)



def kernel(features, edge_index, W_pre, b_pre, W1, b1, a1, W2, b2, a2, W_post, b_post):
    x = jnp.pad(features, ((0, NPAD - N), (0, 0)))
    src = edge_index[0].astype(jnp.int32)
    dst = edge_index[1].astype(jnp.int32)
    npad_e = EPAD - E
    pad_src = (jnp.arange(npad_e, dtype=jnp.int32) * 97) % N
    pad_dst = N + (jnp.arange(npad_e, dtype=jnp.int32) % (NPAD - N))
    srcr = jnp.concatenate([src, pad_src]).reshape(TILES, 4, NBH, EB)
    dstr = jnp.concatenate([dst, pad_dst]).reshape(TILES, 4, NBH, EB)
    zeros_hbm = jnp.zeros((NPAD, FC), jnp.float32)

    b_pre_c = b_pre.reshape(C, FC)
    b1_c = b1.reshape(C, FC)
    b2_c = b2.reshape(C, FC)
    a1_s = a1.reshape(1, 1)
    a2_s = a2.reshape(1, 1)

    h = _pre_gemm(x, W_pre, b_pre_c)
    g = _segment_sum_sc(h, srcr, dstr, zeros_hbm)
    h = _mid_gemm(h, g, W1, b1_c, a1_s)
    g = _segment_sum_sc(h, srcr, dstr, zeros_hbm)
    h = _mid_gemm(h, g, W2, b2_c, a2_s)
    out = _post_gemm(h, W_post, b_post.reshape(1, OUT_SIZE))
    return out[:N]

# --- scband reference (transcript-rebuilt; emitter-appended) ---
"""Pipeline reference for scband-gin-57861799411725 (READ-ONLY COPY).

The authoritative reference and input builder live on the scoring server;
editing this copy changes nothing except your own understanding.
"""

import jax, jax.numpy as jnp
import numpy as np

N_NODES = 10000
N_EDGES = 160000
IN_SIZE = 256
HID_SIZE = 512
OUT_SIZE = 256


def _prelu(x, a):
    return jnp.where(x >= 0, x, a * x)


def setup_inputs(seed: int = 0) -> dict:
    key = jax.random.key(seed)
    ks = jax.random.split(key, 12)
    features = jax.random.normal(ks[0], (N_NODES, IN_SIZE), dtype=jnp.float32)
    edge_index = jax.random.randint(ks[1], (2, N_EDGES), 0, N_NODES, dtype=jnp.int64)
    W_pre = jax.random.normal(ks[2], (IN_SIZE, HID_SIZE), dtype=jnp.float32) * (1.0 / np.sqrt(IN_SIZE))
    b_pre = jnp.zeros((HID_SIZE,), dtype=jnp.float32)
    W1 = jax.random.normal(ks[3], (HID_SIZE, HID_SIZE), dtype=jnp.float32) * (1.0 / np.sqrt(HID_SIZE))
    b1 = jnp.zeros((HID_SIZE,), dtype=jnp.float32)
    a1 = jnp.asarray(0.25, dtype=jnp.float32)
    W2 = jax.random.normal(ks[4], (HID_SIZE, HID_SIZE), dtype=jnp.float32) * (1.0 / np.sqrt(HID_SIZE))
    b2 = jnp.zeros((HID_SIZE,), dtype=jnp.float32)
    a2 = jnp.asarray(0.25, dtype=jnp.float32)
    W_post = jax.random.normal(ks[5], (HID_SIZE, OUT_SIZE), dtype=jnp.float32) * (1.0 / np.sqrt(HID_SIZE))
    b_post = jnp.zeros((OUT_SIZE,), dtype=jnp.float32)
    return {
        "features": features,
        "edge_index": edge_index,
        "W_pre": W_pre, "b_pre": b_pre,
        "W1": W1, "b1": b1, "a1": a1,
        "W2": W2, "b2": b2, "a2": a2,
        "W_post": W_post, "b_post": b_post,
    }


def reference(features, edge_index, W_pre, b_pre, W1, b1, a1, W2, b2, a2, W_post, b_post):
    src = edge_index[0]
    dst = edge_index[1]
    n = features.shape[0]
    # preprocess + relu
    h = features @ W_pre + b_pre
    h = jax.nn.relu(h)
    # GINConv layer 1: (1+eps)*h + sum_{neighbors}, eps=0 (DGL default, non-learnable)
    agg = jax.ops.segment_sum(h[src], dst, num_segments=n)
    h = (h + agg) @ W1 + b1
    h = _prelu(h, a1)
    # dropout(p=0.2) is identity in eval mode
    # GINConv layer 2
    agg2 = jax.ops.segment_sum(h[src], dst, num_segments=n)
    h = (h + agg2) @ W2 + b2
    h = _prelu(h, a2)
    # postprocess
    out = h @ W_post + b_post
    return out

if __name__ == "__main__":
    import jax
    _d = setup_inputs()
    print(jax.jit(kernel)(*tuple(_d.values())))

</pallas_src>

<mosaic_0001>
#map = affine_map<(d0, d1) -> (0, 0, 0)>
#map1 = affine_map<(d0, d1) -> (0, 0, 0, 0)>
#map2 = affine_map<(d0, d1) -> (0, 0)>
module attributes {stable_mosaic.version = 14 : i64} {
  func.func @_seg_body(%arg0: i32, %arg1: i32, %arg2: memref<4x10240x128xf32, #tpu.memory_space<hbm>>, %arg3: memref<16x4x40x64xi32, #tpu.memory_space<hbm>>, %arg4: memref<16x4x40x64xi32, #tpu.memory_space<hbm>>, %arg5: memref<10240x128xf32, #tpu.memory_space<hbm>>, %arg6: memref<4x10240x128xf32, #tpu.memory_space<hbm>>, %arg7: memref<40x64xi32, #tpu.memory_space<vmem>>, %arg8: memref<40x64xi32, #tpu.memory_space<vmem>>, %arg9: memref<4x64x128xf32, #tpu.memory_space<vmem>>, %arg10: memref<10240x128xf32, #tpu.memory_space<vmem_shared>>, %arg11: memref<4x!tpu.dma_semaphore, #tpu.memory_space<semaphore_mem>>, %arg12: memref<!tpu.dma_semaphore, #tpu.memory_space<semaphore_mem>>) attributes {dimension_semantics = [#tpu.dimension_semantics<core_parallel>, #tpu.dimension_semantics<subcore_parallel>], iteration_bounds = array<i64: 2, 16>, scalar_prefetch = 0 : i64, scratch_operands = 6 : i64, tpu.core_type = #tpu.core_type<sc_vector_subcore>, window_params = [{transform_indices = #map}, {transform_indices = #map1}, {transform_indices = #map1}, {transform_indices = #map2}, {transform_indices = #map}]} {
    %mul3A = arith.constant 640 : i32
    %mul3A_0 = arith.muli %arg1, %mul3A : i32
    %mul3A_1 = arith.constant 2 : i32
    %mul3A_2 = arith.muli %arg0, %mul3A_1 : i32
    %add3A = arith.constant 0 : i32
    %add3A_3 = arith.addi %mul3A_2, %add3A : i32
    "tpu.region"() ({
      %run_scoped3A_625 = tpu.sem_alloc : memref<!tpu.dma_semaphore, #tpu.memory_space<semaphore_mem>>
      %dma_start3A_626 = arith.constant 0 : i32
      %dma_start3A_627 = tpu.memref_slice %arg10[%mul3A_0, %dma_start3A_626] : memref<10240x128xf32, #tpu.memory_space<vmem_shared>> -> memref<640x128xf32, #tpu.memory_space<vmem_shared>>
      %dma_start3A_628 = arith.constant 0 : i32
      %dma_start3A_629 = tpu.memref_slice %arg5[%mul3A_0, %dma_start3A_628] : memref<10240x128xf32, #tpu.memory_space<hbm>> -> memref<640x128xf32, #tpu.memory_space<hbm>>
      tpu.enqueue_dma source(%dma_start3A_629 : memref<640x128xf32, #tpu.memory_space<hbm>>) target(%dma_start3A_627 : memref<640x128xf32, #tpu.memory_space<vmem_shared>>) target_semaphore(%run_scoped3A_625 : memref<!tpu.dma_semaphore, #tpu.memory_space<semaphore_mem>>)
      %dma_wait3A_630 = arith.constant 0 : i32
      %dma_wait3A_631 = tpu.memref_slice %arg10[%mul3A_0, %dma_wait3A_630] : memref<10240x128xf32, #tpu.memory_space<vmem_shared>> -> memref<640x128xf32, #tpu.memory_space<vmem_shared>>
      %dma_wait3A_632 = arith.constant 0 : i32
      %dma_wait3A_633 = tpu.memref_slice %arg5[%mul3A_0, %dma_wait3A_632] : memref<10240x128xf32, #tpu.memory_space<hbm>> -> memref<640x128xf32, #tpu.memory_space<hbm>>
      tpu.wait_dma2 semaphore(%run_scoped3A_625 : memref<!tpu.dma_semaphore, #tpu.memory_space<semaphore_mem>>) src(%dma_wait3A_633 : memref<640x128xf32, #tpu.memory_space<hbm>>) dst(%dma_wait3A_631 : memref<640x128xf32, #tpu.memory_space<vmem_shared>>)
      tpu.yield
    }) : () -> ()
    %barrier3A = arith.constant 0 : index
    tpu.barrier barrier_id(%barrier3A)
    %run_scoped3A = arith.constant 0 : i32
    "tpu.region"() ({
      %run_scoped3A_625 = tpu.sem_alloc : memref<!tpu.dma_semaphore, #tpu.memory_space<semaphore_mem>>
      %dma_start3A_626 = arith.constant 0 : i32
      %dma_start3A_627 = arith.constant 0 : i32
      %dma_start3A_628 = tpu.memref_slice %arg3[%arg1, %run_scoped3A, %dma_start3A_626, %dma_start3A_627] : memref<16x4x40x64xi32, #tpu.memory_space<hbm>> -> memref<1x1x40x64xi32, #tpu.memory_space<hbm>>
      %dma_start3A_629 = tpu.memref_squeeze %dma_start3A_628 : memref<1x1x40x64xi32, #tpu.memory_space<hbm>> -> memref<40x64xi32, #tpu.memory_space<hbm>>
      %dma_start3A_630 = arith.constant 0 : i32
      %dma_start3A_631 = arith.constant 0 : i32
      %dma_start3A_632 = tpu.memref_slice %arg3[%arg1, %run_scoped3A, %dma_start3A_630, %dma_start3A_631] : memref<16x4x40x64xi32, #tpu.memory_space<hbm>> -> memref<1x1x40x64xi32, #tpu.memory_space<hbm>>
      %dma_start3A_633 = tpu.memref_squeeze %dma_start3A_632 : memref<1x1x40x64xi32, #tpu.memory_space<hbm>> -> memref<40x64xi32, #tpu.memory_space<hbm>>
      tpu.enqueue_dma source(%dma_start3A_633 : memref<40x64xi32, #tpu.memory_space<hbm>>) target(%arg7 : memref<40x64xi32, #tpu.memory_space<vmem>>) target_semaphore(%run_scoped3A_625 : memref<!tpu.dma_semaphore, #tpu.memory_space<semaphore_mem>>)
      %dma_wait3A_634 = arith.constant 0 : i32
      %dma_wait3A_635 = arith.constant 0 : i32
      %dma_wait3A_636 = tpu.memref_slice %arg3[%arg1, %run_scoped3A, %dma_wait3A_634, %dma_wait3A_635] : memref<16x4x40x64xi32, #tpu.memory_space<hbm>> -> memref<1x1x40x64xi32, #tpu.memory_space<hbm>>
      %dma_wait3A_637 = tpu.memref_squeeze %dma_wait3A_636 : memref<1x1x40x64xi32, #tpu.memory_space<hbm>> -> memref<40x64xi32, #tpu.memory_space<hbm>>
      %dma_wait3A_638 = arith.constant 0 : i32
      %dma_wait3A_639 = arith.constant 0 : i32
      %dma_wait3A_640 = tpu.memref_slice %arg3[%arg1, %run_scoped3A, %dma_wait3A_638, %dma_wait3A_639] : memref<16x4x40x64xi32, #tpu.memory_space<hbm>> -> memref<1x1x40x64xi32, #tpu.memory_space<hbm>>
      %dma_wait3A_641 = tpu.memref_squeeze %dma_wait3A_640 : memref<1x1x40x64xi32, #tpu.memory_space<hbm>> -> memref<40x64xi32, #tpu.memory_space<hbm>>
      tpu.wait_dma2 semaphore(%run_scoped3A_625 : memref<!tpu.dma_semaphore, #tpu.memory_space<semaphore_mem>>) src(%dma_wait3A_641 : memref<40x64xi32, #tpu.memory_space<hbm>>) dst(%arg7 : memref<40x64xi32, #tpu.memory_space<vmem>>)
      tpu.yield
    }) : () -> ()
    %run_scoped3A_4 = arith.constant 0 : i32
    "tpu.region"() ({
      %run_scoped3A_625 = tpu.sem_alloc : memref<!tpu.dma_semaphore, #tpu.memory_space<semaphore_mem>>
      %dma_start3A_626 = arith.constant 0 : i32
      %dma_start3A_627 = arith.constant 0 : i32
      %dma_start3A_628 = tpu.memref_slice %arg4[%arg1, %run_scoped3A_4, %dma_start3A_626, %dma_start3A_627] : memref<16x4x40x64xi32, #tpu.memory_space<hbm>> -> memref<1x1x40x64xi32, #tpu.memory_space<hbm>>
      %dma_start3A_629 = tpu.memref_squeeze %dma_start3A_628 : memref<1x1x40x64xi32, #tpu.memory_space<hbm>> -> memref<40x64xi32, #tpu.memory_space<hbm>>
      %dma_start3A_630 = arith.constant 0 : i32
      %dma_start3A_631 = arith.constant 0 : i32
      %dma_start3A_632 = tpu.memref_slice %arg4[%arg1, %run_scoped3A_4, %dma_start3A_630, %dma_start3A_631] : memref<16x4x40x64xi32, #tpu.memory_space<hbm>> -> memref<1x1x40x64xi32, #tpu.memory_space<hbm>>
      %dma_start3A_633 = tpu.memref_squeeze %dma_start3A_632 : memref<1x1x40x64xi32, #tpu.memory_space<hbm>> -> memref<40x64xi32, #tpu.memory_space<hbm>>
      tpu.enqueue_dma source(%dma_start3A_633 : memref<40x64xi32, #tpu.memory_space<hbm>>) target(%arg8 : memref<40x64xi32, #tpu.memory_space<vmem>>) target_semaphore(%run_scoped3A_625 : memref<!tpu.dma_semaphore, #tpu.memory_space<semaphore_mem>>)
      %dma_wait3A_634 = arith.constant 0 : i32
      %dma_wait3A_635 = arith.constant 0 : i32
      %dma_wait3A_636 = tpu.memref_slice %arg4[%arg1, %run_scoped3A_4, %dma_wait3A_634, %dma_wait3A_635] : memref<16x4x40x64xi32, #tpu.memory_space<hbm>> -> memref<1x1x40x64xi32, #tpu.memory_space<hbm>>
      %dma_wait3A_637 = tpu.memref_squeeze %dma_wait3A_636 : memref<1x1x40x64xi32, #tpu.memory_space<hbm>> -> memref<40x64xi32, #tpu.memory_space<hbm>>
      %dma_wait3A_638 = arith.constant 0 : i32
      %dma_wait3A_639 = arith.constant 0 : i32
      %dma_wait3A_640 = tpu.memref_slice %arg4[%arg1, %run_scoped3A_4, %dma_wait3A_638, %dma_wait3A_639] : memref<16x4x40x64xi32, #tpu.memory_space<hbm>> -> memref<1x1x40x64xi32, #tpu.memory_space<hbm>>
      %dma_wait3A_641 = tpu.memref_squeeze %dma_wait3A_640 : memref<1x1x40x64xi32, #tpu.memory_space<hbm>> -> memref<40x64xi32, #tpu.memory_space<hbm>>
      tpu.wait_dma2 semaphore(%run_scoped3A_625 : memref<!tpu.dma_semaphore, #tpu.memory_space<semaphore_mem>>) src(%dma_wait3A_641 : memref<40x64xi32, #tpu.memory_space<hbm>>) dst(%arg8 : memref<40x64xi32, #tpu.memory_space<vmem>>)
      tpu.yield
    }) : () -> ()
    %dma_start3A = arith.constant 0 : i32
    %dma_start3A_5 = arith.constant 0 : i32
    %dma_start3A_6 = arith.constant 0 : i32
    %dma_start3A_7 = arith.constant 0 : i32
    %dma_start3A_8 = arith.constant 0 : i32
    %dma_start3A_9 = tpu.memref_slice %arg9[%dma_start3A_5, %dma_start3A_7, %dma_start3A_8] : memref<4x64x128xf32, #tpu.memory_space<vmem>> -> memref<1x64x128xf32, #tpu.memory_space<vmem>>
    %dma_start3A_10 = tpu.memref_squeeze %dma_start3A_9 : memref<1x64x128xf32, #tpu.memory_space<vmem>> -> memref<64x128xf32, #tpu.memory_space<vmem>>
    %dma_start3A_11 = arith.constant 0 : i32
    %dma_start3A_12 = tpu.memref_slice %arg7[%dma_start3A, %dma_start3A_11] : memref<40x64xi32, #tpu.memory_space<vmem>> -> memref<1x64xi32, #tpu.memory_space<vmem>>
    %dma_start3A_13 = tpu.memref_squeeze %dma_start3A_12 : memref<1x64xi32, #tpu.memory_space<vmem>> -> memref<64xi32, #tpu.memory_space<vmem>>
    %dma_start3A_14 = arith.constant 0 : i32
    %dma_start3A_15 = arith.constant 0 : i32
    %dma_start3A_16 = tpu.memref_slice %arg2[%add3A_3, %dma_start3A_14, %dma_start3A_15] : memref<4x10240x128xf32, #tpu.memory_space<hbm>> -> memref<1x10240x128xf32, #tpu.memory_space<hbm>>
    %dma_start3A_17 = tpu.memref_squeeze %dma_start3A_16 : memref<1x10240x128xf32, #tpu.memory_space<hbm>> -> memref<10240x128xf32, #tpu.memory_space<hbm>>
    %dma_start3A_18 = arith.constant 0 : i32
    %dma_start3A_19 = arith.constant 0 : i32
    %dma_start3A_20 = tpu.memref_slice %dma_start3A_17[%dma_start3A_18, %dma_start3A_19] : memref<10240x128xf32, #tpu.memory_space<hbm>> -> memref<10240x128xf32, #tpu.memory_space<hbm>>
    %dma_start3A_21 = tpu.memref_slice %arg11[%dma_start3A_6] : memref<4x!tpu.dma_semaphore, #tpu.memory_space<semaphore_mem>> -> memref<1x!tpu.dma_semaphore, #tpu.memory_space<semaphore_mem>>
    %dma_start3A_22 = tpu.memref_squeeze %dma_start3A_21 : memref<1x!tpu.dma_semaphore, #tpu.memory_space<semaphore_mem>> -> memref<!tpu.dma_semaphore, #tpu.memory_space<semaphore_mem>>
    tpu.enqueue_indirect_dma source(%dma_start3A_20 : memref<10240x128xf32, #tpu.memory_space<hbm>>) target(%dma_start3A_10 : memref<64x128xf32, #tpu.memory_space<vmem>>) offsets(%dma_start3A_13 : memref<64xi32, #tpu.memory_space<vmem>>) semaphore(%dma_start3A_22 : memref<!tpu.dma_semaphore, #tpu.memory_space<semaphore_mem>>)
    %dma_start3A_23 = arith.constant 1 : i32
    %dma_start3A_24 = arith.constant 1 : i32
    %dma_start3A_25 = arith.constant 1 : i32
    %dma_start3A_26 = arith.constant 0 : i32
    %dma_start3A_27 = arith.constant 0 : i32
    %dma_start3A_28 = tpu.memref_slice %arg9[%dma_start3A_24, %dma_start3A_26, %dma_start3A_27] : memref<4x64x128xf32, #tpu.memory_space<vmem>> -> memref<1x64x128xf32, #tpu.memory_space<vmem>>
    %dma_start3A_29 = tpu.memref_squeeze %dma_start3A_28 : memref<1x64x128xf32, #tpu.memory_space<vmem>> -> memref<64x128xf32, #tpu.memory_space<vmem>>
    %dma_start3A_30 = arith.constant 0 : i32
    %dma_start3A_31 = tpu.memref_slice %arg7[%dma_start3A_23, %dma_start3A_30] : memref<40x64xi32, #tpu.memory_space<vmem>> -> memref<1x64xi32, #tpu.memory_space<vmem>>
    %dma_start3A_32 = tpu.memref_squeeze %dma_start3A_31 : memref<1x64xi32, #tpu.memory_space<vmem>> -> memref<64xi32, #tpu.memory_space<vmem>>
    %dma_start3A_33 = arith.constant 0 : i32
    %dma_start3A_34 = arith.constant 0 : i32
    %dma_start3A_35 = tpu.memref_slice %arg2[%add3A_3, %dma_start3A_33, %dma_start3A_34] : memref<4x10240x128xf32, #tpu.memory_space<hbm>> -> memref<1x10240x128xf32, #tpu.memory_space<hbm>>
    %dma_start3A_36 = tpu.memref_squeeze %dma_start3A_35 : memref<1x10240x128xf32, #tpu.memory_space<hbm>> -> memref<10240x128xf32, #tpu.memory_space<hbm>>
    %dma_start3A_37 = arith.constant 0 : i32
    %dma_start3A_38 = arith.constant 0 : i32
    %dma_start3A_39 = tpu.memref_slice %dma_start3A_36[%dma_start3A_37, %dma_start3A_38] : memref<10240x128xf32, #tpu.memory_space<hbm>> -> memref<10240x128xf32, #tpu.memory_space<hbm>>
    %dma_start3A_40 = tpu.memref_slice %arg11[%dma_start3A_25] : memref<4x!tpu.dma_semaphore, #tpu.memory_space<semaphore_mem>> -> memref<1x!tpu.dma_semaphore, #tpu.memory_space<semaphore_mem>>
    %dma_start3A_41 = tpu.memref_squeeze %dma_start3A_40 : memref<1x!tpu.dma_semaphore, #tpu.memory_space<semaphore_mem>> -> memref<!tpu.dma_semaphore, #tpu.memory_space<semaphore_mem>>
    tpu.enqueue_indirect_dma source(%dma_start3A_39 : memref<10240x128xf32, #tpu.memory_space<hbm>>) target(%dma_start3A_29 : memref<64x128xf32, #tpu.memory_space<vmem>>) offsets(%dma_start3A_32 : memref<64xi32, #tpu.memory_space<vmem>>) semaphore(%dma_start3A_41 : memref<!tpu.dma_semaphore, #tpu.memory_space<semaphore_mem>>)
    %dma_start3A_42 = arith.constant 2 : i32
    %dma_start3A_43 = arith.constant 2 : i32
    %dma_start3A_44 = arith.constant 2 : i32
    %dma_start3A_45 = arith.constant 0 : i32
    %dma_start3A_46 = arith.constant 0 : i32
    %dma_start3A_47 = tpu.memref_slice %arg9[%dma_start3A_43, %dma_start3A_45, %dma_start3A_46] : memref<4x64x128xf32, #tpu.memory_space<vmem>> -> memref<1x64x128xf32, #tpu.memory_space<vmem>>
    %dma_start3A_48 = tpu.memref_squeeze %dma_start3A_47 : memref<1x64x128xf32, #tpu.memory_space<vmem>> -> memref<64x128xf32, #tpu.memory_space<vmem>>
    %dma_start3A_49 = arith.constant 0 : i32
    %dma_start3A_50 = tpu.memref_slice %arg7[%dma_start3A_42, %dma_start3A_49] : memref<40x64xi32, #tpu.memory_space<vmem>> -> memref<1x64xi32, #tpu.memory_space<vmem>>
    %dma_start3A_51 = tpu.memref_squeeze %dma_start3A_50 : memref<1x64xi32, #tpu.memory_space<vmem>> -> memref<64xi32, #tpu.memory_space<vmem>>
    %dma_start3A_52 = arith.constant 0 : i32
    %dma_start3A_53 = arith.constant 0 : i32
    %dma_start3A_54 = tpu.memref_slice %arg2[%add3A_3, %dma_start3A_52, %dma_start3A_53] : memref<4x10240x128xf32, #tpu.memory_space<hbm>> -> memref<1x10240x128xf32, #tpu.memory_space<hbm>>
    %dma_start3A_55 = tpu.memref_squeeze %dma_start3A_54 : memref<1x10240x128xf32, #tpu.memory_space<hbm>> -> memref<10240x128xf32, #tpu.memory_space<hbm>>
    %dma_start3A_56 = arith.constant 0 : i32
    %dma_start3A_57 = arith.constant 0 : i32
    %dma_start3A_58 = tpu.memref_slice %dma_start3A_55[%dma_start3A_56, %dma_start3A_57] : memref<10240x128xf32, #tpu.memory_space<hbm>> -> memref<10240x128xf32, #tpu.memory_space<hbm>>
    %dma_start3A_59 = tpu.memref_slice %arg11[%dma_start3A_44] : memref<4x!tpu.dma_semaphore, #tpu.memory_space<semaphore_mem>> -> memref<1x!tpu.dma_semaphore, #tpu.memory_space<semaphore_mem>>
    %dma_start3A_60 = tpu.memref_squeeze %dma_start3A_59 : memref<1x!tpu.dma_semaphore, #tpu.memory_space<semaphore_mem>> -> memref<!tpu.dma_semaphore, #tpu.memory_space<semaphore_mem>>
    tpu.enqueue_indirect_dma source(%dma_start3A_58 : memref<10240x128xf32, #tpu.memory_space<hbm>>) target(%dma_start3A_48 : memref<64x128xf32, #tpu.memory_space<vmem>>) offsets(%dma_start3A_51 : memref<64xi32, #tpu.memory_space<vmem>>) semaphore(%dma_start3A_60 : memref<!tpu.dma_semaphore, #tpu.memory_space<semaphore_mem>>)
    %scan3A = arith.constant 0 : i32
    %scan3A_61 = arith.constant 0 : i32
    %scan3A_62 = arith.constant 10 : i32
    %scan3A_63 = arith.addi %scan3A_61, %scan3A_62 : i32
    %scan3A_64 = arith.constant 1 : i32
    scf.for %scan3A_625 = %scan3A_61 to %scan3A_63 step %scan3A_64  : i32 {
      %mul3A_626 = arith.constant 4 : i32
      %mul3A_627 = arith.muli %scan3A_625, %mul3A_626 : i32
      %add3A_628 = arith.constant 0 : i32
      %add3A_629 = arith.addi %mul3A_627, %add3A_628 : i32
      %gt3A = arith.constant 0 : i32
      %gt3A_630 = arith.cmpi sgt, %add3A_629, %gt3A : i32
      %convert_element_type3A = arith.extui %gt3A_630 : i1 to i32
      %cond3A = arith.constant 0 : i32
      %cond3A_631 = arith.cmpi ne, %convert_element_type3A, %cond3A : i32
      scf.if %cond3A_631 {
        %sub3A = arith.constant 1 : i32
        %sub3A_802 = arith.subi %add3A_629, %sub3A : i32
        %dma_wait3A_803 = arith.constant 3 : i32
        %dma_wait3A_804 = arith.constant 0 : i32
        %dma_wait3A_805 = arith.constant 0 : i32
        %dma_wait3A_806 = tpu.memref_slice %arg9[%dma_wait3A_803, %dma_wait3A_804, %dma_wait3A_805] : memref<4x64x128xf32, #tpu.memory_space<vmem>> -> memref<1x64x128xf32, #tpu.memory_space<vmem>>
        %dma_wait3A_807 = tpu.memref_squeeze %dma_wait3A_806 : memref<1x64x128xf32, #tpu.memory_space<vmem>> -> memref<64x128xf32, #tpu.memory_space<vmem>>
        %dma_wait3A_808 = arith.constant 0 : i32
        %dma_wait3A_809 = tpu.memref_slice %arg8[%sub3A_802, %dma_wait3A_808] : memref<40x64xi32, #tpu.memory_space<vmem>> -> memref<1x64xi32, #tpu.memory_space<vmem>>
        %dma_wait3A_810 = tpu.memref_squeeze %dma_wait3A_809 : memref<1x64xi32, #tpu.memory_space<vmem>> -> memref<64xi32, #tpu.memory_space<vmem>>
        %dma_wait3A_811 = arith.constant 0 : i32
        %dma_wait3A_812 = arith.constant 0 : i32
        %dma_wait3A_813 = tpu.memref_slice %arg10[%dma_wait3A_811, %dma_wait3A_812] : memref<10240x128xf32, #tpu.memory_space<vmem_shared>> -> memref<10240x128xf32, #tpu.memory_space<vmem_shared>>
        tpu.wait_indirect_dma semaphore(%arg12 : memref<!tpu.dma_semaphore, #tpu.memory_space<semaphore_mem>>) src(%dma_wait3A_807 : memref<64x128xf32, #tpu.memory_space<vmem>>) dst(%dma_wait3A_813 : memref<10240x128xf32, #tpu.memory_space<vmem_shared>>)
      } else {
      }
      %add3A_632 = arith.constant 3 : i32
      %add3A_633 = arith.addi %add3A_629, %add3A_632 : i32
      %lt3A = arith.constant 40 : i32
      %lt3A_634 = arith.cmpi slt, %add3A_633, %lt3A : i32
      %convert_element_type3A_635 = arith.extui %lt3A_634 : i1 to i32
      %cond3A_636 = arith.constant 0 : i32
      %cond3A_637 = arith.cmpi ne, %convert_element_type3A_635, %cond3A_636 : i32
      scf.if %cond3A_637 {
        %add3A_802 = arith.constant 3 : i32
        %add3A_803 = arith.addi %add3A_629, %add3A_802 : i32
        %dma_start3A_804 = arith.constant 3 : i32
        %dma_start3A_805 = arith.constant 3 : i32
        %dma_start3A_806 = arith.constant 0 : i32
        %dma_start3A_807 = arith.constant 0 : i32
        %dma_start3A_808 = tpu.memref_slice %arg9[%dma_start3A_804, %dma_start3A_806, %dma_start3A_807] : memref<4x64x128xf32, #tpu.memory_space<vmem>> -> memref<1x64x128xf32, #tpu.memory_space<vmem>>
        %dma_start3A_809 = tpu.memref_squeeze %dma_start3A_808 : memref<1x64x128xf32, #tpu.memory_space<vmem>> -> memref<64x128xf32, #tpu.memory_space<vmem>>
        %dma_start3A_810 = arith.constant 0 : i32
        %dma_start3A_811 = tpu.memref_slice %arg7[%add3A_803, %dma_start3A_810] : memref<40x64xi32, #tpu.memory_space<vmem>> -> memref<1x64xi32, #tpu.memory_space<vmem>>
        %dma_start3A_812 = tpu.memref_squeeze %dma_start3A_811 : memref<1x64xi32, #tpu.memory_space<vmem>> -> memref<64xi32, #tpu.memory_space<vmem>>
        %dma_start3A_813 = arith.constant 0 : i32
        %dma_start3A_814 = arith.constant 0 : i32
        %dma_start3A_815 = tpu.memref_slice %arg2[%add3A_3, %dma_start3A_813, %dma_start3A_814] : memref<4x10240x128xf32, #tpu.memory_space<hbm>> -> memref<1x10240x128xf32, #tpu.memory_space<hbm>>
        %dma_start3A_816 = tpu.memref_squeeze %dma_start3A_815 : memref<1x10240x128xf32, #tpu.memory_space<hbm>> -> memref<10240x128xf32, #tpu.memory_space<hbm>>
        %dma_start3A_817 = arith.constant 0 : i32
        %dma_start3A_818 = arith.constant 0 : i32
        %dma_start3A_819 = tpu.memref_slice %dma_start3A_816[%dma_start3A_817, %dma_start3A_818] : memref<10240x128xf32, #tpu.memory_space<hbm>> -> memref<10240x128xf32, #tpu.memory_space<hbm>>
        %dma_start3A_820 = tpu.memref_slice %arg11[%dma_start3A_805] : memref<4x!tpu.dma_semaphore, #tpu.memory_space<semaphore_mem>> -> memref<1x!tpu.dma_semaphore, #tpu.memory_space<semaphore_mem>>
        %dma_start3A_821 = tpu.memref_squeeze %dma_start3A_820 : memref<1x!tpu.dma_semaphore, #tpu.memory_space<semaphore_mem>> -> memref<!tpu.dma_semaphore, #tpu.memory_space<semaphore_mem>>
        tpu.enqueue_indirect_dma source(%dma_start3A_819 : memref<10240x128xf32, #tpu.memory_space<hbm>>) target(%dma_start3A_809 : memref<64x128xf32, #tpu.memory_space<vmem>>) offsets(%dma_start3A_812 : memref<64xi32, #tpu.memory_space<vmem>>) semaphore(%dma_start3A_821 : memref<!tpu.dma_semaphore, #tpu.memory_space<semaphore_mem>>)
      } else {
      }
      %dma_wait3A_638 = arith.constant 0 : i32
      %dma_wait3A_639 = arith.constant 0 : i32
      %dma_wait3A_640 = arith.constant 0 : i32
      %dma_wait3A_641 = arith.constant 0 : i32
      %dma_wait3A_642 = tpu.memref_slice %arg9[%dma_wait3A_638, %dma_wait3A_640, %dma_wait3A_641] : memref<4x64x128xf32, #tpu.memory_space<vmem>> -> memref<1x64x128xf32, #tpu.memory_space<vmem>>
      %dma_wait3A_643 = tpu.memref_squeeze %dma_wait3A_642 : memref<1x64x128xf32, #tpu.memory_space<vmem>> -> memref<64x128xf32, #tpu.memory_space<vmem>>
      %dma_wait3A_644 = arith.constant 0 : i32
      %dma_wait3A_645 = tpu.memref_slice %arg7[%add3A_629, %dma_wait3A_644] : memref<40x64xi32, #tpu.memory_space<vmem>> -> memref<1x64xi32, #tpu.memory_space<vmem>>
      %dma_wait3A_646 = tpu.memref_squeeze %dma_wait3A_645 : memref<1x64xi32, #tpu.memory_space<vmem>> -> memref<64xi32, #tpu.memory_space<vmem>>
      %dma_wait3A_647 = arith.constant 0 : i32
      %dma_wait3A_648 = arith.constant 0 : i32
      %dma_wait3A_649 = tpu.memref_slice %arg2[%add3A_3, %dma_wait3A_647, %dma_wait3A_648] : memref<4x10240x128xf32, #tpu.memory_space<hbm>> -> memref<1x10240x128xf32, #tpu.memory_space<hbm>>
      %dma_wait3A_650 = tpu.memref_squeeze %dma_wait3A_649 : memref<1x10240x128xf32, #tpu.memory_space<hbm>> -> memref<10240x128xf32, #tpu.memory_space<hbm>>
      %dma_wait3A_651 = arith.constant 0 : i32
      %dma_wait3A_652 = arith.constant 0 : i32
      %dma_wait3A_653 = tpu.memref_slice %dma_wait3A_650[%dma_wait3A_651, %dma_wait3A_652] : memref<10240x128xf32, #tpu.memory_space<hbm>> -> memref<10240x128xf32, #tpu.memory_space<hbm>>
      %dma_wait3A_654 = tpu.memref_slice %arg11[%dma_wait3A_639] : memref<4x!tpu.dma_semaphore, #tpu.memory_space<semaphore_mem>> -> memref<1x!tpu.dma_semaphore, #tpu.memory_space<semaphore_mem>>
      %dma_wait3A_655 = tpu.memref_squeeze %dma_wait3A_654 : memref<1x!tpu.dma_semaphore, #tpu.memory_space<semaphore_mem>> -> memref<!tpu.dma_semaphore, #tpu.memory_space<semaphore_mem>>
      tpu.wait_indirect_dma semaphore(%dma_wait3A_655 : memref<!tpu.dma_semaphore, #tpu.memory_space<semaphore_mem>>) src(%dma_wait3A_653 : memref<10240x128xf32, #tpu.memory_space<hbm>>) dst(%dma_wait3A_643 : memref<64x128xf32, #tpu.memory_space<vmem>>)
      %dma_start3A_656 = arith.constant 0 : i32
      %dma_start3A_657 = arith.constant 0 : i32
      %dma_start3A_658 = arith.constant 0 : i32
      %dma_start3A_659 = tpu.memref_slice %arg9[%dma_start3A_656, %dma_start3A_657, %dma_start3A_658] : memref<4x64x128xf32, #tpu.memory_space<vmem>> -> memref<1x64x128xf32, #tpu.memory_space<vmem>>
      %dma_start3A_660 = tpu.memref_squeeze %dma_start3A_659 : memref<1x64x128xf32, #tpu.memory_space<vmem>> -> memref<64x128xf32, #tpu.memory_space<vmem>>
      %dma_start3A_661 = arith.constant 0 : i32
      %dma_start3A_662 = tpu.memref_slice %arg8[%add3A_629, %dma_start3A_661] : memref<40x64xi32, #tpu.memory_space<vmem>> -> memref<1x64xi32, #tpu.memory_space<vmem>>
      %dma_start3A_663 = tpu.memref_squeeze %dma_start3A_662 : memref<1x64xi32, #tpu.memory_space<vmem>> -> memref<64xi32, #tpu.memory_space<vmem>>
      %dma_start3A_664 = arith.constant 0 : i32
      %dma_start3A_665 = arith.constant 0 : i32
      %dma_start3A_666 = tpu.memref_slice %arg10[%dma_start3A_664, %dma_start3A_665] : memref<10240x128xf32, #tpu.memory_space<vmem_shared>> -> memref<10240x128xf32, #tpu.memory_space<vmem_shared>>
      tpu.enqueue_indirect_dma source(%dma_start3A_660 : memref<64x128xf32, #tpu.memory_space<vmem>>) target(%dma_start3A_666 : memref<10240x128xf32, #tpu.memory_space<vmem_shared>>) offsets(%dma_start3A_663 : memref<64xi32, #tpu.memory_space<vmem>>) semaphore(%arg12 : memref<!tpu.dma_semaphore, #tpu.memory_space<semaphore_mem>>) {add = true}
      %mul3A_667 = arith.constant 4 : i32
      %mul3A_668 = arith.muli %scan3A_625, %mul3A_667 : i32
      %add3A_669 = arith.constant 1 : i32
      %add3A_670 = arith.addi %mul3A_668, %add3A_669 : i32
      %gt3A_671 = arith.constant 0 : i32
      %gt3A_672 = arith.cmpi sgt, %add3A_670, %gt3A_671 : i32
      %convert_element_type3A_673 = arith.extui %gt3A_672 : i1 to i32
      %cond3A_674 = arith.constant 0 : i32
      %cond3A_675 = arith.cmpi ne, %convert_element_type3A_673, %cond3A_674 : i32
      scf.if %cond3A_675 {
        %sub3A = arith.constant 1 : i32
        %sub3A_802 = arith.subi %add3A_670, %sub3A : i32
        %dma_wait3A_803 = arith.constant 0 : i32
        %dma_wait3A_804 = arith.constant 0 : i32
        %dma_wait3A_805 = arith.constant 0 : i32
        %dma_wait3A_806 = tpu.memref_slice %arg9[%dma_wait3A_803, %dma_wait3A_804, %dma_wait3A_805] : memref<4x64x128xf32, #tpu.memory_space<vmem>> -> memref<1x64x128xf32, #tpu.memory_space<vmem>>
        %dma_wait3A_807 = tpu.memref_squeeze %dma_wait3A_806 : memref<1x64x128xf32, #tpu.memory_space<vmem>> -> memref<64x128xf32, #tpu.memory_space<vmem>>
        %dma_wait3A_808 = arith.constant 0 : i32
        %dma_wait3A_809 = tpu.memref_slice %arg8[%sub3A_802, %dma_wait3A_808] : memref<40x64xi32, #tpu.memory_space<vmem>> -> memref<1x64xi32, #tpu.memory_space<vmem>>
        %dma_wait3A_810 = tpu.memref_squeeze %dma_wait3A_809 : memref<1x64xi32, #tpu.memory_space<vmem>> -> memref<64xi32, #tpu.memory_space<vmem>>
        %dma_wait3A_811 = arith.constant 0 : i32
        %dma_wait3A_812 = arith.constant 0 : i32
        %dma_wait3A_813 = tpu.memref_slice %arg10[%dma_wait3A_811, %dma_wait3A_812] : memref<10240x128xf32, #tpu.memory_space<vmem_shared>> -> memref<10240x128xf32, #tpu.memory_space<vmem_shared>>
        tpu.wait_indirect_dma semaphore(%arg12 : memref<!tpu.dma_semaphore, #tpu.memory_space<semaphore_mem>>) src(%dma_wait3A_807 : memref<64x128xf32, #tpu.memory_space<vmem>>) dst(%dma_wait3A_813 : memref<10240x128xf32, #tpu.memory_space<vmem_shared>>)
      } else {
      }
      %add3A_676 = arith.constant 3 : i32
      %add3A_677 = arith.addi %add3A_670, %add3A_676 : i32
      %lt3A_678 = arith.constant 40 : i32
      %lt3A_679 = arith.cmpi slt, %add3A_677, %lt3A_678 : i32
      %convert_element_type3A_680 = arith.extui %lt3A_679 : i1 to i32
      %cond3A_681 = arith.constant 0 : i32
      %cond3A_682 = arith.cmpi ne, %convert_element_type3A_680, %cond3A_681 : i32
      scf.if %cond3A_682 {
        %add3A_802 = arith.constant 3 : i32
        %add3A_803 = arith.addi %add3A_670, %add3A_802 : i32
        %dma_start3A_804 = arith.constant 0 : i32
        %dma_start3A_805 = arith.constant 0 : i32
        %dma_start3A_806 = arith.constant 0 : i32
        %dma_start3A_807 = arith.constant 0 : i32
        %dma_start3A_808 = tpu.memref_slice %arg9[%dma_start3A_804, %dma_start3A_806, %dma_start3A_807] : memref<4x64x128xf32, #tpu.memory_space<vmem>> -> memref<1x64x128xf32, #tpu.memory_space<vmem>>
        %dma_start3A_809 = tpu.memref_squeeze %dma_start3A_808 : memref<1x64x128xf32, #tpu.memory_space<vmem>> -> memref<64x128xf32, #tpu.memory_space<vmem>>
        %dma_start3A_810 = arith.constant 0 : i32
        %dma_start3A_811 = tpu.memref_slice %arg7[%add3A_803, %dma_start3A_810] : memref<40x64xi32, #tpu.memory_space<vmem>> -> memref<1x64xi32, #tpu.memory_space<vmem>>
        %dma_start3A_812 = tpu.memref_squeeze %dma_start3A_811 : memref<1x64xi32, #tpu.memory_space<vmem>> -> memref<64xi32, #tpu.memory_space<vmem>>
        %dma_start3A_813 = arith.constant 0 : i32
        %dma_start3A_814 = arith.constant 0 : i32
        %dma_start3A_815 = tpu.memref_slice %arg2[%add3A_3, %dma_start3A_813, %dma_start3A_814] : memref<4x10240x128xf32, #tpu.memory_space<hbm>> -> memref<1x10240x128xf32, #tpu.memory_space<hbm>>
        %dma_start3A_816 = tpu.memref_squeeze %dma_start3A_815 : memref<1x10240x128xf32, #tpu.memory_space<hbm>> -> memref<10240x128xf32, #tpu.memory_space<hbm>>
        %dma_start3A_817 = arith.constant 0 : i32
        %dma_start3A_818 = arith.constant 0 : i32
        %dma_start3A_819 = tpu.memref_slice %dma_start3A_816[%dma_start3A_817, %dma_start3A_818] : memref<10240x128xf32, #tpu.memory_space<hbm>> -> memref<10240x128xf32, #tpu.memory_space<hbm>>
        %dma_start3A_820 = tpu.memref_slice %arg11[%dma_start3A_805] : memref<4x!tpu.dma_semaphore, #tpu.memory_space<semaphore_mem>> -> memref<1x!tpu.dma_semaphore, #tpu.memory_space<semaphore_mem>>
        %dma_start3A_821 = tpu.memref_squeeze %dma_start3A_820 : memref<1x!tpu.dma_semaphore, #tpu.memory_space<semaphore_mem>> -> memref<!tpu.dma_semaphore, #tpu.memory_space<semaphore_mem>>
        tpu.enqueue_indirect_dma source(%dma_start3A_819 : memref<10240x128xf32, #tpu.memory_space<hbm>>) target(%dma_start3A_809 : memref<64x128xf32, #tpu.memory_space<vmem>>) offsets(%dma_start3A_812 : memref<64xi32, #tpu.memory_space<vmem>>) semaphore(%dma_start3A_821 : memref<!tpu.dma_semaphore, #tpu.memory_space<semaphore_mem>>)
      } else {
      }
      %dma_wait3A_683 = arith.constant 1 : i32
      %dma_wait3A_684 = arith.constant 1 : i32
      %dma_wait3A_685 = arith.constant 0 : i32
      %dma_wait3A_686 = arith.constant 0 : i32
      %dma_wait3A_687 = tpu.memref_slice %arg9[%dma_wait3A_683, %dma_wait3A_685, %dma_wait3A_686] : memref<4x64x128xf32, #tpu.memory_space<vmem>> -> memref<1x64x128xf32, #tpu.memory_space<vmem>>
      %dma_wait3A_688 = tpu.memref_squeeze %dma_wait3A_687 : memref<1x64x128xf32, #tpu.memory_space<vmem>> -> memref<64x128xf32, #tpu.memory_space<vmem>>
      %dma_wait3A_689 = arith.constant 0 : i32
      %dma_wait3A_690 = tpu.memref_slice %arg7[%add3A_670, %dma_wait3A_689] : memref<40x64xi32, #tpu.memory_space<vmem>> -> memref<1x64xi32, #tpu.memory_space<vmem>>
      %dma_wait3A_691 = tpu.memref_squeeze %dma_wait3A_690 : memref<1x64xi32, #tpu.memory_space<vmem>> -> memref<64xi32, #tpu.memory_space<vmem>>
      %dma_wait3A_692 = arith.constant 0 : i32
      %dma_wait3A_693 = arith.constant 0 : i32
      %dma_wait3A_694 = tpu.memref_slice %arg2[%add3A_3, %dma_wait3A_692, %dma_wait3A_693] : memref<4x10240x128xf32, #tpu.memory_space<hbm>> -> memref<1x10240x128xf32, #tpu.memory_space<hbm>>
      %dma_wait3A_695 = tpu.memref_squeeze %dma_wait3A_694 : memref<1x10240x128xf32, #tpu.memory_space<hbm>> -> memref<10240x128xf32, #tpu.memory_space<hbm>>
      %dma_wait3A_696 = arith.constant 0 : i32
      %dma_wait3A_697 = arith.constant 0 : i32
      %dma_wait3A_698 = tpu.memref_slice %dma_wait3A_695[%dma_wait3A_696, %dma_wait3A_697] : memref<10240x128xf32, #tpu.memory_space<hbm>> -> memref<10240x128xf32, #tpu.memory_space<hbm>>
      %dma_wait3A_699 = tpu.memref_slice %arg11[%dma_wait3A_684] : memref<4x!tpu.dma_semaphore, #tpu.memory_space<semaphore_mem>> -> memref<1x!tpu.dma_semaphore, #tpu.memory_space<semaphore_mem>>
      %dma_wait3A_700 = tpu.memref_squeeze %dma_wait3A_699 : memref<1x!tpu.dma_semaphore, #tpu.memory_space<semaphore_mem>> -> memref<!tpu.dma_semaphore, #tpu.memory_space<semaphore_mem>>
      tpu.wait_indirect_dma semaphore(%dma_wait3A_700 : memref<!tpu.dma_semaphore, #tpu.memory_space<semaphore_mem>>) src(%dma_wait3A_698 : memref<10240x128xf32, #tpu.memory_space<hbm>>) dst(%dma_wait3A_688 : memref<64x128xf32, #tpu.memory_space<vmem>>)
      %dma_start3A_701 = arith.constant 1 : i32
      %dma_start3A_702 = arith.constant 0 : i32
      %dma_start3A_703 = arith.constant 0 : i32
      %dma_start3A_704 = tpu.memref_slice %arg9[%dma_start3A_701, %dma_start3A_702, %dma_start3A_703] : memref<4x64x128xf32, #tpu.memory_space<vmem>> -> memref<1x64x128xf32, #tpu.memory_space<vmem>>
      %dma_start3A_705 = tpu.memref_squeeze %dma_start3A_704 : memref<1x64x128xf32, #tpu.memory_space<vmem>> -> memref<64x128xf32, #tpu.memory_space<vmem>>
      %dma_start3A_706 = arith.constant 0 : i32
      %dma_start3A_707 = tpu.memref_slice %arg8[%add3A_670, %dma_start3A_706] : memref<40x64xi32, #tpu.memory_space<vmem>> -> memref<1x64xi32, #tpu.memory_space<vmem>>
      %dma_start3A_708 = tpu.memref_squeeze %dma_start3A_707 : memref<1x64xi32, #tpu.memory_space<vmem>> -> memref<64xi32, #tpu.memory_space<vmem>>
      %dma_start3A_709 = arith.constant 0 : i32
      %dma_start3A_710 = arith.constant 0 : i32
      %dma_start3A_711 = tpu.memref_slice %arg10[%dma_start3A_709, %dma_start3A_710] : memref<10240x128xf32, #tpu.memory_space<vmem_shared>> -> memref<10240x128xf32, #tpu.memory_space<vmem_shared>>
      tpu.enqueue_indirect_dma source(%dma_start3A_705 : memref<64x128xf32, #tpu.memory_space<vmem>>) target(%dma_start3A_711 : memref<10240x128xf32, #tpu.memory_space<vmem_shared>>) offsets(%dma_start3A_708 : memref<64xi32, #tpu.memory_space<vmem>>) semaphore(%arg12 : memref<!tpu.dma_semaphore, #tpu.memory_space<semaphore_mem>>) {add = true}
      %mul3A_712 = arith.constant 4 : i32
      %mul3A_713 = arith.muli %scan3A_625, %mul3A_712 : i32
      %add3A_714 = arith.constant 2 : i32
      %add3A_715 = arith.addi %mul3A_713, %add3A_714 : i32
      %gt3A_716 = arith.constant 0 : i32
      %gt3A_717 = arith.cmpi sgt, %add3A_715, %gt3A_716 : i32
      %convert_element_type3A_718 = arith.extui %gt3A_717 : i1 to i32
      %cond3A_719 = arith.constant 0 : i32
      %cond3A_720 = arith.cmpi ne, %convert_element_type3A_718, %cond3A_719 : i32
      scf.if %cond3A_720 {
        %sub3A = arith.constant 1 : i32
        %sub3A_802 = arith.subi %add3A_715, %sub3A : i32
        %dma_wait3A_803 = arith.constant 1 : i32
        %dma_wait3A_804 = arith.constant 0 : i32
        %dma_wait3A_805 = arith.constant 0 : i32
        %dma_wait3A_806 = tpu.memref_slice %arg9[%dma_wait3A_803, %dma_wait3A_804, %dma_wait3A_805] : memref<4x64x128xf32, #tpu.memory_space<vmem>> -> memref<1x64x128xf32, #tpu.memory_space<vmem>>
        %dma_wait3A_807 = tpu.memref_squeeze %dma_wait3A_806 : memref<1x64x128xf32, #tpu.memory_space<vmem>> -> memref<64x128xf32, #tpu.memory_space<vmem>>
        %dma_wait3A_808 = arith.constant 0 : i32
        %dma_wait3A_809 = tpu.memref_slice %arg8[%sub3A_802, %dma_wait3A_808] : memref<40x64xi32, #tpu.memory_space<vmem>> -> memref<1x64xi32, #tpu.memory_space<vmem>>
        %dma_wait3A_810 = tpu.memref_squeeze %dma_wait3A_809 : memref<1x64xi32, #tpu.memory_space<vmem>> -> memref<64xi32, #tpu.memory_space<vmem>>
        %dma_wait3A_811 = arith.constant 0 : i32
        %dma_wait3A_812 = arith.constant 0 : i32
        %dma_wait3A_813 = tpu.memref_slice %arg10[%dma_wait3A_811, %dma_wait3A_812] : memref<10240x128xf32, #tpu.memory_space<vmem_shared>> -> memref<10240x128xf32, #tpu.memory_space<vmem_shared>>
        tpu.wait_indirect_dma semaphore(%arg12 : memref<!tpu.dma_semaphore, #tpu.memory_space<semaphore_mem>>) src(%dma_wait3A_807 : memref<64x128xf32, #tpu.memory_space<vmem>>) dst(%dma_wait3A_813 : memref<10240x128xf32, #tpu.memory_space<vmem_shared>>)
      } else {
      }
      %add3A_721 = arith.constant 3 : i32
      %add3A_722 = arith.addi %add3A_715, %add3A_721 : i32
      %lt3A_723 = arith.constant 40 : i32
      %lt3A_724 = arith.cmpi slt, %add3A_722, %lt3A_723 : i32
      %convert_element_type3A_725 = arith.extui %lt3A_724 : i1 to i32
      %cond3A_726 = arith.constant 0 : i32
      %cond3A_727 = arith.cmpi ne, %convert_element_type3A_725, %cond3A_726 : i32
      scf.if %cond3A_727 {
        %add3A_802 = arith.constant 3 : i32
        %add3A_803 = arith.addi %add3A_715, %add3A_802 : i32
        %dma_start3A_804 = arith.constant 1 : i32
        %dma_start3A_805 = arith.constant 1 : i32
        %dma_start3A_806 = arith.constant 0 : i32
        %dma_start3A_807 = arith.constant 0 : i32
        %dma_start3A_808 = tpu.memref_slice %arg9[%dma_start3A_804, %dma_start3A_806, %dma_start3A_807] : memref<4x64x128xf32, #tpu.memory_space<vmem>> -> memref<1x64x128xf32, #tpu.memory_space<vmem>>
        %dma_start3A_809 = tpu.memref_squeeze %dma_start3A_808 : memref<1x64x128xf32, #tpu.memory_space<vmem>> -> memref<64x128xf32, #tpu.memory_space<vmem>>
        %dma_start3A_810 = arith.constant 0 : i32
        %dma_start3A_811 = tpu.memref_slice %arg7[%add3A_803, %dma_start3A_810] : memref<40x64xi32, #tpu.memory_space<vmem>> -> memref<1x64xi32, #tpu.memory_space<vmem>>
        %dma_start3A_812 = tpu.memref_squeeze %dma_start3A_811 : memref<1x64xi32, #tpu.memory_space<vmem>> -> memref<64xi32, #tpu.memory_space<vmem>>
        %dma_start3A_813 = arith.constant 0 : i32
        %dma_start3A_814 = arith.constant 0 : i32
        %dma_start3A_815 = tpu.memref_slice %arg2[%add3A_3, %dma_start3A_813, %dma_start3A_814] : memref<4x10240x128xf32, #tpu.memory_space<hbm>> -> memref<1x10240x128xf32, #tpu.memory_space<hbm>>
        %dma_start3A_816 = tpu.memref_squeeze %dma_start3A_815 : memref<1x10240x128xf32, #tpu.memory_space<hbm>> -> memref<10240x128xf32, #tpu.memory_space<hbm>>
        %dma_start3A_817 = arith.constant 0 : i32
        %dma_start3A_818 = arith.constant 0 : i32
        %dma_start3A_819 = tpu.memref_slice %dma_start3A_816[%dma_start3A_817, %dma_start3A_818] : memref<10240x128xf32, #tpu.memory_space<hbm>> -> memref<10240x128xf32, #tpu.memory_space<hbm>>
        %dma_start3A_820 = tpu.memref_slice %arg11[%dma_start3A_805] : memref<4x!tpu.dma_semaphore, #tpu.memory_space<semaphore_mem>> -> memref<1x!tpu.dma_semaphore, #tpu.memory_space<semaphore_mem>>
        %dma_start3A_821 = tpu.memref_squeeze %dma_start3A_820 : memref<1x!tpu.dma_semaphore, #tpu.memory_space<semaphore_mem>> -> memref<!tpu.dma_semaphore, #tpu.memory_space<semaphore_mem>>
        tpu.enqueue_indirect_dma source(%dma_start3A_819 : memref<10240x128xf32, #tpu.memory_space<hbm>>) target(%dma_start3A_809 : memref<64x128xf32, #tpu.memory_space<vmem>>) offsets(%dma_start3A_812 : memref<64xi32, #tpu.memory_space<vmem>>) semaphore(%dma_start3A_821 : memref<!tpu.dma_semaphore, #tpu.memory_space<semaphore_mem>>)
      } else {
      }
      %dma_wait3A_728 = arith.constant 2 : i32
      %dma_wait3A_729 = arith.constant 2 : i32
      %dma_wait3A_730 = arith.constant 0 : i32
      %dma_wait3A_731 = arith.constant 0 : i32
      %dma_wait3A_732 = tpu.memref_slice %arg9[%dma_wait3A_728, %dma_wait3A_730, %dma_wait3A_731] : memref<4x64x128xf32, #tpu.memory_space<vmem>> -> memref<1x64x128xf32, #tpu.memory_space<vmem>>
      %dma_wait3A_733 = tpu.memref_squeeze %dma_wait3A_732 : memref<1x64x128xf32, #tpu.memory_space<vmem>> -> memref<64x128xf32, #tpu.memory_space<vmem>>
      %dma_wait3A_734 = arith.constant 0 : i32
      %dma_wait3A_735 = tpu.memref_slice %arg7[%add3A_715, %dma_wait3A_734] : memref<40x64xi32, #tpu.memory_space<vmem>> -> memref<1x64xi32, #tpu.memory_space<vmem>>
      %dma_wait3A_736 = tpu.memref_squeeze %dma_wait3A_735 : memref<1x64xi32, #tpu.memory_space<vmem>> -> memref<64xi32, #tpu.memory_space<vmem>>
      %dma_wait3A_737 = arith.constant 0 : i32
      %dma_wait3A_738 = arith.constant 0 : i32
      %dma_wait3A_739 = tpu.memref_slice %arg2[%add3A_3, %dma_wait3A_737, %dma_wait3A_738] : memref<4x10240x128xf32, #tpu.memory_space<hbm>> -> memref<1x10240x128xf32, #tpu.memory_space<hbm>>
      %dma_wait3A_740 = tpu.memref_squeeze %dma_wait3A_739 : memref<1x10240x128xf32, #tpu.memory_space<hbm>> -> memref<10240x128xf32, #tpu.memory_space<hbm>>
      %dma_wait3A_741 = arith.constant 0 : i32
      %dma_wait3A_742 = arith.constant 0 : i32
      %dma_wait3A_743 = tpu.memref_slice %dma_wait3A_740[%dma_wait3A_741, %dma_wait3A_742] : memref<10240x128xf32, #tpu.memory_space<hbm>> -> memref<10240x128xf32, #tpu.memory_space<hbm>>
      %dma_wait3A_744 = tpu.memref_slice %arg11[%dma_wait3A_729] : memref<4x!tpu.dma_semaphore, #tpu.memory_space<semaphore_mem>> -> memref<1x!tpu.dma_semaphore, #tpu.memory_space<semaphore_mem>>
      %dma_wait3A_745 = tpu.memref_squeeze %dma_wait3A_744 : memref<1x!tpu.dma_semaphore, #tpu.memory_space<semaphore_mem>> -> memref<!tpu.dma_semaphore, #tpu.memory_space<semaphore_mem>>
      tpu.wait_indirect_dma semaphore(%dma_wait3A_745 : memref<!tpu.dma_semaphore, #tpu.memory_space<semaphore_mem>>) src(%dma_wait3A_743 : memref<10240x128xf32, #tpu.memory_space<hbm>>) dst(%dma_wait3A_733 : memref<64x128xf32, #tpu.memory_space<vmem>>)
      %dma_start3A_746 = arith.constant 2 : i32
      %dma_start3A_747 = arith.constant 0 : i32
      %dma_start3A_748 = arith.constant 0 : i32
      %dma_start3A_749 = tpu.memref_slice %arg9[%dma_start3A_746, %dma_start3A_747, %dma_start3A_748] : memref<4x64x128xf32, #tpu.memory_space<vmem>> -> memref<1x64x128xf32, #tpu.memory_space<vmem>>
      %dma_start3A_750 = tpu.memref_squeeze %dma_start3A_749 : memref<1x64x128xf32, #tpu.memory_space<vmem>> -> memref<64x128xf32, #tpu.memory_space<vmem>>
      %dma_start3A_751 = arith.constant 0 : i32
      %dma_start3A_752 = tpu.memref_slice %arg8[%add3A_715, %dma_start3A_751] : memref<40x64xi32, #tpu.memory_space<vmem>> -> memref<1x64xi32, #tpu.memory_space<vmem>>
      %dma_start3A_753 = tpu.memref_squeeze %dma_start3A_752 : memref<1x64xi32, #tpu.memory_space<vmem>> -> memref<64xi32, #tpu.memory_space<vmem>>
      %dma_start3A_754 = arith.constant 0 : i32
      %dma_start3A_755 = arith.constant 0 : i32
      %dma_start3A_756 = tpu.memref_slice %arg10[%dma_start3A_754, %dma_start3A_755] : memref<10240x128xf32, #tpu.memory_space<vmem_shared>> -> memref<10240x128xf32, #tpu.memory_space<vmem_shared>>
      tpu.enqueue_indirect_dma source(%dma_start3A_750 : memref<64x128xf32, #tpu.memory_space<vmem>>) target(%dma_start3A_756 : memref<10240x128xf32, #tpu.memory_space<vmem_shared>>) offsets(%dma_start3A_753 : memref<64xi32, #tpu.memory_space<vmem>>) semaphore(%arg12 : memref<!tpu.dma_semaphore, #tpu.memory_space<semaphore_mem>>) {add = true}
      %mul3A_757 = arith.constant 4 : i32
      %mul3A_758 = arith.muli %scan3A_625, %mul3A_757 : i32
      %add3A_759 = arith.constant 3 : i32
      %add3A_760 = arith.addi %mul3A_758, %add3A_759 : i32
      %gt3A_761 = arith.constant 0 : i32
      %gt3A_762 = arith.cmpi sgt, %add3A_760, %gt3A_761 : i32
      %convert_element_type3A_763 = arith.extui %gt3A_762 : i1 to i32
      %cond3A_764 = arith.constant 0 : i32
      %cond3A_765 = arith.cmpi ne, %convert_element_type3A_763, %cond3A_764 : i32
      scf.if %cond3A_765 {
        %sub3A = arith.constant 1 : i32
        %sub3A_802 = arith.subi %add3A_760, %sub3A : i32
        %dma_wait3A_803 = arith.constant 2 : i32
        %dma_wait3A_804 = arith.constant 0 : i32
        %dma_wait3A_805 = arith.constant 0 : i32
        %dma_wait3A_806 = tpu.memref_slice %arg9[%dma_wait3A_803, %dma_wait3A_804, %dma_wait3A_805] : memref<4x64x128xf32, #tpu.memory_space<vmem>> -> memref<1x64x128xf32, #tpu.memory_space<vmem>>
        %dma_wait3A_807 = tpu.memref_squeeze %dma_wait3A_806 : memref<1x64x128xf32, #tpu.memory_space<vmem>> -> memref<64x128xf32, #tpu.memory_space<vmem>>
        %dma_wait3A_808 = arith.constant 0 : i32
        %dma_wait3A_809 = tpu.memref_slice %arg8[%sub3A_802, %dma_wait3A_808] : memref<40x64xi32, #tpu.memory_space<vmem>> -> memref<1x64xi32, #tpu.memory_space<vmem>>
        %dma_wait3A_810 = tpu.memref_squeeze %dma_wait3A_809 : memref<1x64xi32, #tpu.memory_space<vmem>> -> memref<64xi32, #tpu.memory_space<vmem>>
        %dma_wait3A_811 = arith.constant 0 : i32
        %dma_wait3A_812 = arith.constant 0 : i32
        %dma_wait3A_813 = tpu.memref_slice %arg10[%dma_wait3A_811, %dma_wait3A_812] : memref<10240x128xf32, #tpu.memory_space<vmem_shared>> -> memref<10240x128xf32, #tpu.memory_space<vmem_shared>>
        tpu.wait_indirect_dma semaphore(%arg12 : memref<!tpu.dma_semaphore, #tpu.memory_space<semaphore_mem>>) src(%dma_wait3A_807 : memref<64x128xf32, #tpu.memory_space<vmem>>) dst(%dma_wait3A_813 : memref<10240x128xf32, #tpu.memory_space<vmem_shared>>)
      } else {
      }
      %add3A_766 = arith.constant 3 : i32
      %add3A_767 = arith.addi %add3A_760, %add3A_766 : i32
      %lt3A_768 = arith.constant 40 : i32
      %lt3A_769 = arith.cmpi slt, %add3A_767, %lt3A_768 : i32
      %convert_element_type3A_770 = arith.extui %lt3A_769 : i1 to i32
      %cond3A_771 = arith.constant 0 : i32
      %cond3A_772 = arith.cmpi ne, %convert_element_type3A_770, %cond3A_771 : i32
      scf.if %cond3A_772 {
        %add3A_802 = arith.constant 3 : i32
        %add3A_803 = arith.addi %add3A_760, %add3A_802 : i32
        %dma_start3A_804 = arith.constant 2 : i32
        %dma_start3A_805 = arith.constant 2 : i32
        %dma_start3A_806 = arith.constant 0 : i32
        %dma_start3A_807 = arith.constant 0 : i32
        %dma_start3A_808 = tpu.memref_slice %arg9[%dma_start3A_804, %dma_start3A_806, %dma_start3A_807] : memref<4x64x128xf32, #tpu.memory_space<vmem>> -> memref<1x64x128xf32, #tpu.memory_space<vmem>>
        %dma_start3A_809 = tpu.memref_squeeze %dma_start3A_808 : memref<1x64x128xf32, #tpu.memory_space<vmem>> -> memref<64x128xf32, #tpu.memory_space<vmem>>
        %dma_start3A_810 = arith.constant 0 : i32
        %dma_start3A_811 = tpu.memref_slice %arg7[%add3A_803, %dma_start3A_810] : memref<40x64xi32, #tpu.memory_space<vmem>> -> memref<1x64xi32, #tpu.memory_space<vmem>>
        %dma_start3A_812 = tpu.memref_squeeze %dma_start3A_811 : memref<1x64xi32, #tpu.memory_space<vmem>> -> memref<64xi32, #tpu.memory_space<vmem>>
        %dma_start3A_813 = arith.constant 0 : i32
        %dma_start3A_814 = arith.constant 0 : i32
        %dma_start3A_815 = tpu.memref_slice %arg2[%add3A_3, %dma_start3A_813, %dma_start3A_814] : memref<4x10240x128xf32, #tpu.memory_space<hbm>> -> memref<1x10240x128xf32, #tpu.memory_space<hbm>>
        %dma_start3A_816 = tpu.memref_squeeze %dma_start3A_815 : memref<1x10240x128xf32, #tpu.memory_space<hbm>> -> memref<10240x128xf32, #tpu.memory_space<hbm>>
        %dma_start3A_817 = arith.constant 0 : i32
        %dma_start3A_818 = arith.constant 0 : i32
        %dma_start3A_819 = tpu.memref_slice %dma_start3A_816[%dma_start3A_817, %dma_start3A_818] : memref<10240x128xf32, #tpu.memory_space<hbm>> -> memref<10240x128xf32, #tpu.memory_space<hbm>>
        %dma_start3A_820 = tpu.memref_slice %arg11[%dma_start3A_805] : memref<4x!tpu.dma_semaphore, #tpu.memory_space<semaphore_mem>> -> memref<1x!tpu.dma_semaphore, #tpu.memory_space<semaphore_mem>>
        %dma_start3A_821 = tpu.memref_squeeze %dma_start3A_820 : memref<1x!tpu.dma_semaphore, #tpu.memory_space<semaphore_mem>> -> memref<!tpu.dma_semaphore, #tpu.memory_space<semaphore_mem>>
        tpu.enqueue_indirect_dma source(%dma_start3A_819 : memref<10240x128xf32, #tpu.memory_space<hbm>>) target(%dma_start3A_809 : memref<64x128xf32, #tpu.memory_space<vmem>>) offsets(%dma_start3A_812 : memref<64xi32, #tpu.memory_space<vmem>>) semaphore(%dma_start3A_821 : memref<!tpu.dma_semaphore, #tpu.memory_space<semaphore_mem>>)
      } else {
      }
      %dma_wait3A_773 = arith.constant 3 : i32
      %dma_wait3A_774 = arith.constant 3 : i32
      %dma_wait3A_775 = arith.constant 0 : i32
      %dma_wait3A_776 = arith.constant 0 : i32
      %dma_wait3A_777 = tpu.memref_slice %arg9[%dma_wait3A_773, %dma_wait3A_775, %dma_wait3A_776] : memref<4x64x128xf32, #tpu.memory_space<vmem>> -> memref<1x64x128xf32, #tpu.memory_space<vmem>>
      %dma_wait3A_778 = tpu.memref_squeeze %dma_wait3A_777 : memref<1x64x128xf32, #tpu.memory_space<vmem>> -> memref<64x128xf32, #tpu.memory_space<vmem>>
      %dma_wait3A_779 = arith.constant 0 : i32
      %dma_wait3A_780 = tpu.memref_slice %arg7[%add3A_760, %dma_wait3A_779] : memref<40x64xi32, #tpu.memory_space<vmem>> -> memref<1x64xi32, #tpu.memory_space<vmem>>
      %dma_wait3A_781 = tpu.memref_squeeze %dma_wait3A_780 : memref<1x64xi32, #tpu.memory_space<vmem>> -> memref<64xi32, #tpu.memory_space<vmem>>
      %dma_wait3A_782 = arith.constant 0 : i32
      %dma_wait3A_783 = arith.constant 0 : i32
      %dma_wait3A_784 = tpu.memref_slice %arg2[%add3A_3, %dma_wait3A_782, %dma_wait3A_783] : memref<4x10240x128xf32, #tpu.memory_space<hbm>> -> memref<1x10240x128xf32, #tpu.memory_space<hbm>>
      %dma_wait3A_785 = tpu.memref_squeeze %dma_wait3A_784 : memref<1x10240x128xf32, #tpu.memory_space<hbm>> -> memref<10240x128xf32, #tpu.memory_space<hbm>>
      %dma_wait3A_786 = arith.constant 0 : i32
      %dma_wait3A_787 = arith.constant 0 : i32
      %dma_wait3A_788 = tpu.memref_slice %dma_wait3A_785[%dma_wait3A_786, %dma_wait3A_787] : memref<10240x128xf32, #tpu.memory_space<hbm>> -> memref<10240x128xf32, #tpu.memory_space<hbm>>
      %dma_wait3A_789 = tpu.memref_slice %arg11[%dma_wait3A_774] : memref<4x!tpu.dma_semaphore, #tpu.memory_space<semaphore_mem>> -> memref<1x!tpu.dma_semaphore, #tpu.memory_space<semaphore_mem>>
      %dma_wait3A_790 = tpu.memref_squeeze %dma_wait3A_789 : memref<1x!tpu.dma_semaphore, #tpu.memory_space<semaphore_mem>> -> memref<!tpu.dma_semaphore, #tpu.memory_space<semaphore_mem>>
      tpu.wait_indirect_dma semaphore(%dma_wait3A_790 : memref<!tpu.dma_semaphore, #tpu.memory_space<semaphore_mem>>) src(%dma_wait3A_788 : memref<10240x128xf32, #tpu.memory_space<hbm>>) dst(%dma_wait3A_778 : memref<64x128xf32, #tpu.memory_space<vmem>>)
      %dma_start3A_791 = arith.constant 3 : i32
      %dma_start3A_792 = arith.constant 0 : i32
      %dma_start3A_793 = arith.constant 0 : i32
      %dma_start3A_794 = tpu.memref_slice %arg9[%dma_start3A_791, %dma_start3A_792, %dma_start3A_793] : memref<4x64x128xf32, #tpu.memory_space<vmem>> -> memref<1x64x128xf32, #tpu.memory_space<vmem>>
      %dma_start3A_795 = tpu.memref_squeeze %dma_start3A_794 : memref<1x64x128xf32, #tpu.memory_space<vmem>> -> memref<64x128xf32, #tpu.memory_space<vmem>>
      %dma_start3A_796 = arith.constant 0 : i32
      %dma_start3A_797 = tpu.memref_slice %arg8[%add3A_760, %dma_start3A_796] : memref<40x64xi32, #tpu.memory_space<vmem>> -> memref<1x64xi32, #tpu.memory_space<vmem>>
      %dma_start3A_798 = tpu.memref_squeeze %dma_start3A_797 : memref<1x64xi32, #tpu.memory_space<vmem>> -> memref<64xi32, #tpu.memory_space<vmem>>
      %dma_start3A_799 = arith.constant 0 : i32
      %dma_start3A_800 = arith.constant 0 : i32
      %dma_start3A_801 = tpu.memref_slice %arg10[%dma_start3A_799, %dma_start3A_800] : memref<10240x128xf32, #tpu.memory_space<vmem_shared>> -> memref<10240x128xf32, #tpu.memory_space<vmem_shared>>
      tpu.enqueue_indirect_dma source(%dma_start3A_795 : memref<64x128xf32, #tpu.memory_space<vmem>>) target(%dma_start3A_801 : memref<10240x128xf32, #tpu.memory_space<vmem_shared>>) offsets(%dma_start3A_798 : memref<64xi32, #tpu.memory_space<vmem>>) semaphore(%arg12 : memref<!tpu.dma_semaphore, #tpu.memory_space<semaphore_mem>>) {add = true}
    }
    %scan3A_65 = arith.constant 10 : i32
    %dma_wait3A = arith.constant 3 : i32
    %dma_wait3A_66 = arith.constant 39 : i32
    %dma_wait3A_67 = arith.constant 0 : i32
    %dma_wait3A_68 = arith.constant 0 : i32
    %dma_wait3A_69 = tpu.memref_slice %arg9[%dma_wait3A, %dma_wait3A_67, %dma_wait3A_68] : memref<4x64x128xf32, #tpu.memory_space<vmem>> -> memref<1x64x128xf32, #tpu.memory_space<vmem>>
    %dma_wait3A_70 = tpu.memref_squeeze %dma_wait3A_69 : memref<1x64x128xf32, #tpu.memory_space<vmem>> -> memref<64x128xf32, #tpu.memory_space<vmem>>
    %dma_wait3A_71 = arith.constant 0 : i32
    %dma_wait3A_72 = tpu.memref_slice %arg8[%dma_wait3A_66, %dma_wait3A_71] : memref<40x64xi32, #tpu.memory_space<vmem>> -> memref<1x64xi32, #tpu.memory_space<vmem>>
    %dma_wait3A_73 = tpu.memref_squeeze %dma_wait3A_72 : memref<1x64xi32, #tpu.memory_space<vmem>> -> memref<64xi32, #tpu.memory_space<vmem>>
    %dma_wait3A_74 = arith.constant 0 : i32
    %dma_wait3A_75 = arith.constant 0 : i32
    %dma_wait3A_76 = tpu.memref_slice %arg10[%dma_wait3A_74, %dma_wait3A_75] : memref<10240x128xf32, #tpu.memory_space<vmem_shared>> -> memref<10240x128xf32, #tpu.memory_space<vmem_shared>>
    tpu.wait_indirect_dma semaphore(%arg12 : memref<!tpu.dma_semaphore, #tpu.memory_space<semaphore_mem>>) src(%dma_wait3A_70 : memref<64x128xf32, #tpu.memory_space<vmem>>) dst(%dma_wait3A_76 : memref<10240x128xf32, #tpu.memory_space<vmem_shared>>)
    %run_scoped3A_77 = arith.constant 1 : i32
    "tpu.region"() ({
      %run_scoped3A_625 = tpu.sem_alloc : memref<!tpu.dma_semaphore, #tpu.memory_space<semaphore_mem>>
      %dma_start3A_626 = arith.constant 0 : i32
      %dma_start3A_627 = arith.constant 0 : i32
      %dma_start3A_628 = tpu.memref_slice %arg3[%arg1, %run_scoped3A_77, %dma_start3A_626, %dma_start3A_627] : memref<16x4x40x64xi32, #tpu.memory_space<hbm>> -> memref<1x1x40x64xi32, #tpu.memory_space<hbm>>
      %dma_start3A_629 = tpu.memref_squeeze %dma_start3A_628 : memref<1x1x40x64xi32, #tpu.memory_space<hbm>> -> memref<40x64xi32, #tpu.memory_space<hbm>>
      %dma_start3A_630 = arith.constant 0 : i32
      %dma_start3A_631 = arith.constant 0 : i32
      %dma_start3A_632 = tpu.memref_slice %arg3[%arg1, %run_scoped3A_77, %dma_start3A_630, %dma_start3A_631] : memref<16x4x40x64xi32, #tpu.memory_space<hbm>> -> memref<1x1x40x64xi32, #tpu.memory_space<hbm>>
      %dma_start3A_633 = tpu.memref_squeeze %dma_start3A_632 : memref<1x1x40x64xi32, #tpu.memory_space<hbm>> -> memref<40x64xi32, #tpu.memory_space<hbm>>
      tpu.enqueue_dma source(%dma_start3A_633 : memref<40x64xi32, #tpu.memory_space<hbm>>) target(%arg7 : memref<40x64xi32, #tpu.memory_space<vmem>>) target_semaphore(%run_scoped3A_625 : memref<!tpu.dma_semaphore, #tpu.memory_space<semaphore_mem>>)
      %dma_wait3A_634 = arith.constant 0 : i32
      %dma_wait3A_635 = arith.constant 0 : i32
      %dma_wait3A_636 = tpu.memref_slice %arg3[%arg1, %run_scoped3A_77, %dma_wait3A_634, %dma_wait3A_635] : memref<16x4x40x64xi32, #tpu.memory_space<hbm>> -> memref<1x1x40x64xi32, #tpu.memory_space<hbm>>
      %dma_wait3A_637 = tpu.memref_squeeze %dma_wait3A_636 : memref<1x1x40x64xi32, #tpu.memory_space<hbm>> -> memref<40x64xi32, #tpu.memory_space<hbm>>
      %dma_wait3A_638 = arith.constant 0 : i32
      %dma_wait3A_639 = arith.constant 0 : i32
      %dma_wait3A_640 = tpu.memref_slice %arg3[%arg1, %run_scoped3A_77, %dma_wait3A_638, %dma_wait3A_639] : memref<16x4x40x64xi32, #tpu.memory_space<hbm>> -> memref<1x1x40x64xi32, #tpu.memory_space<hbm>>
      %dma_wait3A_641 = tpu.memref_squeeze %dma_wait3A_640 : memref<1x1x40x64xi32, #tpu.memory_space<hbm>> -> memref<40x64xi32, #tpu.memory_space<hbm>>
      tpu.wait_dma2 semaphore(%run_scoped3A_625 : memref<!tpu.dma_semaphore, #tpu.memory_space<semaphore_mem>>) src(%dma_wait3A_641 : memref<40x64xi32, #tpu.memory_space<hbm>>) dst(%arg7 : memref<40x64xi32, #tpu.memory_space<vmem>>)
      tpu.yield
    }) : () -> ()
    %run_scoped3A_78 = arith.constant 1 : i32
    "tpu.region"() ({
      %run_scoped3A_625 = tpu.sem_alloc : memref<!tpu.dma_semaphore, #tpu.memory_space<semaphore_mem>>
      %dma_start3A_626 = arith.constant 0 : i32
      %dma_start3A_627 = arith.constant 0 : i32
      %dma_start3A_628 = tpu.memref_slice %arg4[%arg1, %run_scoped3A_78, %dma_start3A_626, %dma_start3A_627] : memref<16x4x40x64xi32, #tpu.memory_space<hbm>> -> memref<1x1x40x64xi32, #tpu.memory_space<hbm>>
      %dma_start3A_629 = tpu.memref_squeeze %dma_start3A_628 : memref<1x1x40x64xi32, #tpu.memory_space<hbm>> -> memref<40x64xi32, #tpu.memory_space<hbm>>
      %dma_start3A_630 = arith.constant 0 : i32
      %dma_start3A_631 = arith.constant 0 : i32
      %dma_start3A_632 = tpu.memref_slice %arg4[%arg1, %run_scoped3A_78, %dma_start3A_630, %dma_start3A_631] : memref<16x4x40x64xi32, #tpu.memory_space<hbm>> -> memref<1x1x40x64xi32, #tpu.memory_space<hbm>>
      %dma_start3A_633 = tpu.memref_squeeze %dma_start3A_632 : memref<1x1x40x64xi32, #tpu.memory_space<hbm>> -> memref<40x64xi32, #tpu.memory_space<hbm>>
      tpu.enqueue_dma source(%dma_start3A_633 : memref<40x64xi32, #tpu.memory_space<hbm>>) target(%arg8 : memref<40x64xi32, #tpu.memory_space<vmem>>) target_semaphore(%run_scoped3A_625 : memref<!tpu.dma_semaphore, #tpu.memory_space<semaphore_mem>>)
      %dma_wait3A_634 = arith.constant 0 : i32
      %dma_wait3A_635 = arith.constant 0 : i32
      %dma_wait3A_636 = tpu.memref_slice %arg4[%arg1, %run_scoped3A_78, %dma_wait3A_634, %dma_wait3A_635] : memref<16x4x40x64xi32, #tpu.memory_space<hbm>> -> memref<1x1x40x64xi32, #tpu.memory_space<hbm>>
      %dma_wait3A_637 = tpu.memref_squeeze %dma_wait3A_636 : memref<1x1x40x64xi32, #tpu.memory_space<hbm>> -> memref<40x64xi32, #tpu.memory_space<hbm>>
      %dma_wait3A_638 = arith.constant 0 : i32
      %dma_wait3A_639 = arith.constant 0 : i32
      %dma_wait3A_640 = tpu.memref_slice %arg4[%arg1, %run_scoped3A_78, %dma_wait3A_638, %dma_wait3A_639] : memref<16x4x40x64xi32, #tpu.memory_space<hbm>> -> memref<1x1x40x64xi32, #tpu.memory_space<hbm>>
      %dma_wait3A_641 = tpu.memref_squeeze %dma_wait3A_640 : memref<1x1x40x64xi32, #tpu.memory_space<hbm>> -> memref<40x64xi32, #tpu.memory_space<hbm>>
      tpu.wait_dma2 semaphore(%run_scoped3A_625 : memref<!tpu.dma_semaphore, #tpu.memory_space<semaphore_mem>>) src(%dma_wait3A_641 : memref<40x64xi32, #tpu.memory_space<hbm>>) dst(%arg8 : memref<40x64xi32, #tpu.memory_space<vmem>>)
      tpu.yield
    }) : () -> ()
    %dma_start3A_79 = arith.constant 0 : i32
    %dma_start3A_80 = arith.constant 0 : i32
    %dma_start3A_81 = arith.constant 0 : i32
    %dma_start3A_82 = arith.constant 0 : i32
    %dma_start3A_83 = arith.constant 0 : i32
    %dma_start3A_84 = tpu.memref_slice %arg9[%dma_start3A_80, %dma_start3A_82, %dma_start3A_83] : memref<4x64x128xf32, #tpu.memory_space<vmem>> -> memref<1x64x128xf32, #tpu.memory_space<vmem>>
    %dma_start3A_85 = tpu.memref_squeeze %dma_start3A_84 : memref<1x64x128xf32, #tpu.memory_space<vmem>> -> memref<64x128xf32, #tpu.memory_space<vmem>>
    %dma_start3A_86 = arith.constant 0 : i32
    %dma_start3A_87 = tpu.memref_slice %arg7[%dma_start3A_79, %dma_start3A_86] : memref<40x64xi32, #tpu.memory_space<vmem>> -> memref<1x64xi32, #tpu.memory_space<vmem>>
    %dma_start3A_88 = tpu.memref_squeeze %dma_start3A_87 : memref<1x64xi32, #tpu.memory_space<vmem>> -> memref<64xi32, #tpu.memory_space<vmem>>
    %dma_start3A_89 = arith.constant 0 : i32
    %dma_start3A_90 = arith.constant 0 : i32
    %dma_start3A_91 = tpu.memref_slice %arg2[%add3A_3, %dma_start3A_89, %dma_start3A_90] : memref<4x10240x128xf32, #tpu.memory_space<hbm>> -> memref<1x10240x128xf32, #tpu.memory_space<hbm>>
    %dma_start3A_92 = tpu.memref_squeeze %dma_start3A_91 : memref<1x10240x128xf32, #tpu.memory_space<hbm>> -> memref<10240x128xf32, #tpu.memory_space<hbm>>
    %dma_start3A_93 = arith.constant 0 : i32
    %dma_start3A_94 = arith.constant 0 : i32
    %dma_start3A_95 = tpu.memref_slice %dma_start3A_92[%dma_start3A_93, %dma_start3A_94] : memref<10240x128xf32, #tpu.memory_space<hbm>> -> memref<10240x128xf32, #tpu.memory_space<hbm>>
    %dma_start3A_96 = tpu.memref_slice %arg11[%dma_start3A_81] : memref<4x!tpu.dma_semaphore, #tpu.memory_space<semaphore_mem>> -> memref<1x!tpu.dma_semaphore, #tpu.memory_space<semaphore_mem>>
    %dma_start3A_97 = tpu.memref_squeeze %dma_start3A_96 : memref<1x!tpu.dma_semaphore, #tpu.memory_space<semaphore_mem>> -> memref<!tpu.dma_semaphore, #tpu.memory_space<semaphore_mem>>
    tpu.enqueue_indirect_dma source(%dma_start3A_95 : memref<10240x128xf32, #tpu.memory_space<hbm>>) target(%dma_start3A_85 : memref<64x128xf32, #tpu.memory_space<vmem>>) offsets(%dma_start3A_88 : memref<64xi32, #tpu.memory_space<vmem>>) semaphore(%dma_start3A_97 : memref<!tpu.dma_semaphore, #tpu.memory_space<semaphore_mem>>)
    %dma_start3A_98 = arith.constant 1 : i32
    %dma_start3A_99 = arith.constant 1 : i32
    %dma_start3A_100 = arith.constant 1 : i32
    %dma_start3A_101 = arith.constant 0 : i32
    %dma_start3A_102 = arith.constant 0 : i32
    %dma_start3A_103 = tpu.memref_slice %arg9[%dma_start3A_99, %dma_start3A_101, %dma_start3A_102] : memref<4x64x128xf32, #tpu.memory_space<vmem>> -> memref<1x64x128xf32, #tpu.memory_space<vmem>>
    %dma_start3A_104 = tpu.memref_squeeze %dma_start3A_103 : memref<1x64x128xf32, #tpu.memory_space<vmem>> -> memref<64x128xf32, #tpu.memory_space<vmem>>
    %dma_start3A_105 = arith.constant 0 : i32
    %dma_start3A_106 = tpu.memref_slice %arg7[%dma_start3A_98, %dma_start3A_105] : memref<40x64xi32, #tpu.memory_space<vmem>> -> memref<1x64xi32, #tpu.memory_space<vmem>>
    %dma_start3A_107 = tpu.memref_squeeze %dma_start3A_106 : memref<1x64xi32, #tpu.memory_space<vmem>> -> memref<64xi32, #tpu.memory_space<vmem>>
    %dma_start3A_108 = arith.constant 0 : i32
    %dma_start3A_109 = arith.constant 0 : i32
    %dma_start3A_110 = tpu.memref_slice %arg2[%add3A_3, %dma_start3A_108, %dma_start3A_109] : memref<4x10240x128xf32, #tpu.memory_space<hbm>> -> memref<1x10240x128xf32, #tpu.memory_space<hbm>>
    %dma_start3A_111 = tpu.memref_squeeze %dma_start3A_110 : memref<1x10240x128xf32, #tpu.memory_space<hbm>> -> memref<10240x128xf32, #tpu.memory_space<hbm>>
    %dma_start3A_112 = arith.constant 0 : i32
    %dma_start3A_113 = arith.constant 0 : i32
    %dma_start3A_114 = tpu.memref_slice %dma_start3A_111[%dma_start3A_112, %dma_start3A_113] : memref<10240x128xf32, #tpu.memory_space<hbm>> -> memref<10240x128xf32, #tpu.memory_space<hbm>>
    %dma_start3A_115 = tpu.memref_slice %arg11[%dma_start3A_100] : memref<4x!tpu.dma_semaphore, #tpu.memory_space<semaphore_mem>> -> memref<1x!tpu.dma_semaphore, #tpu.memory_space<semaphore_mem>>
    %dma_start3A_116 = tpu.memref_squeeze %dma_start3A_115 : memref<1x!tpu.dma_semaphore, #tpu.memory_space<semaphore_mem>> -> memref<!tpu.dma_semaphore, #tpu.memory_space<semaphore_mem>>
    tpu.enqueue_indirect_dma source(%dma_start3A_114 : memref<10240x128xf32, #tpu.memory_space<hbm>>) target(%dma_start3A_104 : memref<64x128xf32, #tpu.memory_space<vmem>>) offsets(%dma_start3A_107 : memref<64xi32, #tpu.memory_space<vmem>>) semaphore(%dma_start3A_116 : memref<!tpu.dma_semaphore, #tpu.memory_space<semaphore_mem>>)
    %dma_start3A_117 = arith.constant 2 : i32
    %dma_start3A_118 = arith.constant 2 : i32
    %dma_start3A_119 = arith.constant 2 : i32
    %dma_start3A_120 = arith.constant 0 : i32
    %dma_start3A_121 = arith.constant 0 : i32
    %dma_start3A_122 = tpu.memref_slice %arg9[%dma_start3A_118, %dma_start3A_120, %dma_start3A_121] : memref<4x64x128xf32, #tpu.memory_space<vmem>> -> memref<1x64x128xf32, #tpu.memory_space<vmem>>
    %dma_start3A_123 = tpu.memref_squeeze %dma_start3A_122 : memref<1x64x128xf32, #tpu.memory_space<vmem>> -> memref<64x128xf32, #tpu.memory_space<vmem>>
    %dma_start3A_124 = arith.constant 0 : i32
    %dma_start3A_125 = tpu.memref_slice %arg7[%dma_start3A_117, %dma_start3A_124] : memref<40x64xi32, #tpu.memory_space<vmem>> -> memref<1x64xi32, #tpu.memory_space<vmem>>
    %dma_start3A_126 = tpu.memref_squeeze %dma_start3A_125 : memref<1x64xi32, #tpu.memory_space<vmem>> -> memref<64xi32, #tpu.memory_space<vmem>>
    %dma_start3A_127 = arith.constant 0 : i32
    %dma_start3A_128 = arith.constant 0 : i32
    %dma_start3A_129 = tpu.memref_slice %arg2[%add3A_3, %dma_start3A_127, %dma_start3A_128] : memref<4x10240x128xf32, #tpu.memory_space<hbm>> -> memref<1x10240x128xf32, #tpu.memory_space<hbm>>
    %dma_start3A_130 = tpu.memref_squeeze %dma_start3A_129 : memref<1x10240x128xf32, #tpu.memory_space<hbm>> -> memref<10240x128xf32, #tpu.memory_space<hbm>>
    %dma_start3A_131 = arith.constant 0 : i32
    %dma_start3A_132 = arith.constant 0 : i32
    %dma_start3A_133 = tpu.memref_slice %dma_start3A_130[%dma_start3A_131, %dma_start3A_132] : memref<10240x128xf32, #tpu.memory_space<hbm>> -> memref<10240x128xf32, #tpu.memory_space<hbm>>
    %dma_start3A_134 = tpu.memref_slice %arg11[%dma_start3A_119] : memref<4x!tpu.dma_semaphore, #tpu.memory_space<semaphore_mem>> -> memref<1x!tpu.dma_semaphore, #tpu.memory_space<semaphore_mem>>
    %dma_start3A_135 = tpu.memref_squeeze %dma_start3A_134 : memref<1x!tpu.dma_semaphore, #tpu.memory_space<semaphore_mem>> -> memref<!tpu.dma_semaphore, #tpu.memory_space<semaphore_mem>>
    tpu.enqueue_indirect_dma source(%dma_start3A_133 : memref<10240x128xf32, #tpu.memory_space<hbm>>) target(%dma_start3A_123 : memref<64x128xf32, #tpu.memory_space<vmem>>) offsets(%dma_start3A_126 : memref<64xi32, #tpu.memory_space<vmem>>) semaphore(%dma_start3A_135 : memref<!tpu.dma_semaphore, #tpu.memory_space<semaphore_mem>>)
    %scan3A_136 = arith.constant 0 : i32
    %scan3A_137 = arith.constant 0 : i32
    %scan3A_138 = arith.constant 10 : i32
    %scan3A_139 = arith.addi %scan3A_137, %scan3A_138 : i32
    %scan3A_140 = arith.constant 1 : i32
    scf.for %scan3A_625 = %scan3A_137 to %scan3A_139 step %scan3A_140  : i32 {
      %mul3A_626 = arith.constant 4 : i32
      %mul3A_627 = arith.muli %scan3A_625, %mul3A_626 : i32
      %add3A_628 = arith.constant 0 : i32
      %add3A_629 = arith.addi %mul3A_627, %add3A_628 : i32
      %gt3A = arith.constant 0 : i32
      %gt3A_630 = arith.cmpi sgt, %add3A_629, %gt3A : i32
      %convert_element_type3A = arith.extui %gt3A_630 : i1 to i32
      %cond3A = arith.constant 0 : i32
      %cond3A_631 = arith.cmpi ne, %convert_element_type3A, %cond3A : i32
      scf.if %cond3A_631 {
        %sub3A = arith.constant 1 : i32
        %sub3A_802 = arith.subi %add3A_629, %sub3A : i32
        %dma_wait3A_803 = arith.constant 3 : i32
        %dma_wait3A_804 = arith.constant 0 : i32
        %dma_wait3A_805 = arith.constant 0 : i32
        %dma_wait3A_806 = tpu.memref_slice %arg9[%dma_wait3A_803, %dma_wait3A_804, %dma_wait3A_805] : memref<4x64x128xf32, #tpu.memory_space<vmem>> -> memref<1x64x128xf32, #tpu.memory_space<vmem>>
        %dma_wait3A_807 = tpu.memref_squeeze %dma_wait3A_806 : memref<1x64x128xf32, #tpu.memory_space<vmem>> -> memref<64x128xf32, #tpu.memory_space<vmem>>
        %dma_wait3A_808 = arith.constant 0 : i32
        %dma_wait3A_809 = tpu.memref_slice %arg8[%sub3A_802, %dma_wait3A_808] : memref<40x64xi32, #tpu.memory_space<vmem>> -> memref<1x64xi32, #tpu.memory_space<vmem>>
        %dma_wait3A_810 = tpu.memref_squeeze %dma_wait3A_809 : memref<1x64xi32, #tpu.memory_space<vmem>> -> memref<64xi32, #tpu.memory_space<vmem>>
        %dma_wait3A_811 = arith.constant 0 : i32
        %dma_wait3A_812 = arith.constant 0 : i32
        %dma_wait3A_813 = tpu.memref_slice %arg10[%dma_wait3A_811, %dma_wait3A_812] : memref<10240x128xf32, #tpu.memory_space<vmem_shared>> -> memref<10240x128xf32, #tpu.memory_space<vmem_shared>>
        tpu.wait_indirect_dma semaphore(%arg12 : memref<!tpu.dma_semaphore, #tpu.memory_space<semaphore_mem>>) src(%dma_wait3A_807 : memref<64x128xf32, #tpu.memory_space<vmem>>) dst(%dma_wait3A_813 : memref<10240x128xf32, #tpu.memory_space<vmem_shared>>)
      } else {
      }
      %add3A_632 = arith.constant 3 : i32
      %add3A_633 = arith.addi %add3A_629, %add3A_632 : i32
      %lt3A = arith.constant 40 : i32
      %lt3A_634 = arith.cmpi slt, %add3A_633, %lt3A : i32
      %convert_element_type3A_635 = arith.extui %lt3A_634 : i1 to i32
      %cond3A_636 = arith.constant 0 : i32
      %cond3A_637 = arith.cmpi ne, %convert_element_type3A_635, %cond3A_636 : i32
      scf.if %cond3A_637 {
        %add3A_802 = arith.constant 3 : i32
        %add3A_803 = arith.addi %add3A_629, %add3A_802 : i32
        %dma_start3A_804 = arith.constant 3 : i32
        %dma_start3A_805 = arith.constant 3 : i32
        %dma_start3A_806 = arith.constant 0 : i32
        %dma_start3A_807 = arith.constant 0 : i32
        %dma_start3A_808 = tpu.memref_slice %arg9[%dma_start3A_804, %dma_start3A_806, %dma_start3A_807] : memref<4x64x128xf32, #tpu.memory_space<vmem>> -> memref<1x64x128xf32, #tpu.memory_space<vmem>>
        %dma_start3A_809 = tpu.memref_squeeze %dma_start3A_808 : memref<1x64x128xf32, #tpu.memory_space<vmem>> -> memref<64x128xf32, #tpu.memory_space<vmem>>
        %dma_start3A_810 = arith.constant 0 : i32
        %dma_start3A_811 = tpu.memref_slice %arg7[%add3A_803, %dma_start3A_810] : memref<40x64xi32, #tpu.memory_space<vmem>> -> memref<1x64xi32, #tpu.memory_space<vmem>>
        %dma_start3A_812 = tpu.memref_squeeze %dma_start3A_811 : memref<1x64xi32, #tpu.memory_space<vmem>> -> memref<64xi32, #tpu.memory_space<vmem>>
        %dma_start3A_813 = arith.constant 0 : i32
        %dma_start3A_814 = arith.constant 0 : i32
        %dma_start3A_815 = tpu.memref_slice %arg2[%add3A_3, %dma_start3A_813, %dma_start3A_814] : memref<4x10240x128xf32, #tpu.memory_space<hbm>> -> memref<1x10240x128xf32, #tpu.memory_space<hbm>>
        %dma_start3A_816 = tpu.memref_squeeze %dma_start3A_815 : memref<1x10240x128xf32, #tpu.memory_space<hbm>> -> memref<10240x128xf32, #tpu.memory_space<hbm>>
        %dma_start3A_817 = arith.constant 0 : i32
        %dma_start3A_818 = arith.constant 0 : i32
        %dma_start3A_819 = tpu.memref_slice %dma_start3A_816[%dma_start3A_817, %dma_start3A_818] : memref<10240x128xf32, #tpu.memory_space<hbm>> -> memref<10240x128xf32, #tpu.memory_space<hbm>>
        %dma_start3A_820 = tpu.memref_slice %arg11[%dma_start3A_805] : memref<4x!tpu.dma_semaphore, #tpu.memory_space<semaphore_mem>> -> memref<1x!tpu.dma_semaphore, #tpu.memory_space<semaphore_mem>>
        %dma_start3A_821 = tpu.memref_squeeze %dma_start3A_820 : memref<1x!tpu.dma_semaphore, #tpu.memory_space<semaphore_mem>> -> memref<!tpu.dma_semaphore, #tpu.memory_space<semaphore_mem>>
        tpu.enqueue_indirect_dma source(%dma_start3A_819 : memref<10240x128xf32, #tpu.memory_space<hbm>>) target(%dma_start3A_809 : memref<64x128xf32, #tpu.memory_space<vmem>>) offsets(%dma_start3A_812 : memref<64xi32, #tpu.memory_space<vmem>>) semaphore(%dma_start3A_821 : memref<!tpu.dma_semaphore, #tpu.memory_space<semaphore_mem>>)
      } else {
      }
      %dma_wait3A_638 = arith.constant 0 : i32
      %dma_wait3A_639 = arith.constant 0 : i32
      %dma_wait3A_640 = arith.constant 0 : i32
      %dma_wait3A_641 = arith.constant 0 : i32
      %dma_wait3A_642 = tpu.memref_slice %arg9[%dma_wait3A_638, %dma_wait3A_640, %dma_wait3A_641] : memref<4x64x128xf32, #tpu.memory_space<vmem>> -> memref<1x64x128xf32, #tpu.memory_space<vmem>>
      %dma_wait3A_643 = tpu.memref_squeeze %dma_wait3A_642 : memref<1x64x128xf32, #tpu.memory_space<vmem>> -> memref<64x128xf32, #tpu.memory_space<vmem>>
      %dma_wait3A_644 = arith.constant 0 : i32
      %dma_wait3A_645 = tpu.memref_slice %arg7[%add3A_629, %dma_wait3A_644] : memref<40x64xi32, #tpu.memory_space<vmem>> -> memref<1x64xi32, #tpu.memory_space<vmem>>
      %dma_wait3A_646 = tpu.memref_squeeze %dma_wait3A_645 : memref<1x64xi32, #tpu.memory_space<vmem>> -> memref<64xi32, #tpu.memory_space<vmem>>
      %dma_wait3A_647 = arith.constant 0 : i32
      %dma_wait3A_648 = arith.constant 0 : i32
      %dma_wait3A_649 = tpu.memref_slice %arg2[%add3A_3, %dma_wait3A_647, %dma_wait3A_648] : memref<4x10240x128xf32, #tpu.memory_space<hbm>> -> memref<1x10240x128xf32, #tpu.memory_space<hbm>>
      %dma_wait3A_650 = tpu.memref_squeeze %dma_wait3A_649 : memref<1x10240x128xf32, #tpu.memory_space<hbm>> -> memref<10240x128xf32, #tpu.memory_space<hbm>>
      %dma_wait3A_651 = arith.constant 0 : i32
      %dma_wait3A_652 = arith.constant 0 : i32
      %dma_wait3A_653 = tpu.memref_slice %dma_wait3A_650[%dma_wait3A_651, %dma_wait3A_652] : memref<10240x128xf32, #tpu.memory_space<hbm>> -> memref<10240x128xf32, #tpu.memory_space<hbm>>
      %dma_wait3A_654 = tpu.memref_slice %arg11[%dma_wait3A_639] : memref<4x!tpu.dma_semaphore, #tpu.memory_space<semaphore_mem>> -> memref<1x!tpu.dma_semaphore, #tpu.memory_space<semaphore_mem>>
      %dma_wait3A_655 = tpu.memref_squeeze %dma_wait3A_654 : memref<1x!tpu.dma_semaphore, #tpu.memory_space<semaphore_mem>> -> memref<!tpu.dma_semaphore, #tpu.memory_space<semaphore_mem>>
      tpu.wait_indirect_dma semaphore(%dma_wait3A_655 : memref<!tpu.dma_semaphore, #tpu.memory_space<semaphore_mem>>) src(%dma_wait3A_653 : memref<10240x128xf32, #tpu.memory_space<hbm>>) dst(%dma_wait3A_643 : memref<64x128xf32, #tpu.memory_space<vmem>>)
      %dma_start3A_656 = arith.constant 0 : i32
      %dma_start3A_657 = arith.constant 0 : i32
      %dma_start3A_658 = arith.constant 0 : i32
      %dma_start3A_659 = tpu.memref_slice %arg9[%dma_start3A_656, %dma_start3A_657, %dma_start3A_658] : memref<4x64x128xf32, #tpu.memory_space<vmem>> -> memref<1x64x128xf32, #tpu.memory_space<vmem>>
      %dma_start3A_660 = tpu.memref_squeeze %dma_start3A_659 : memref<1x64x128xf32, #tpu.memory_space<vmem>> -> memref<64x128xf32, #tpu.memory_space<vmem>>
      %dma_start3A_661 = arith.constant 0 : i32
      %dma_start3A_662 = tpu.memref_slice %arg8[%add3A_629, %dma_start3A_661] : memref<40x64xi32, #tpu.memory_space<vmem>> -> memref<1x64xi32, #tpu.memory_space<vmem>>
      %dma_start3A_663 = tpu.memref_squeeze %dma_start3A_662 : memref<1x64xi32, #tpu.memory_space<vmem>> -> memref<64xi32, #tpu.memory_space<vmem>>
      %dma_start3A_664 = arith.constant 0 : i32
      %dma_start3A_665 = arith.constant 0 : i32
      %dma_start3A_666 = tpu.memref_slice %arg10[%dma_start3A_664, %dma_start3A_665] : memref<10240x128xf32, #tpu.memory_space<vmem_shared>> -> memref<10240x128xf32, #tpu.memory_space<vmem_shared>>
      tpu.enqueue_indirect_dma source(%dma_start3A_660 : memref<64x128xf32, #tpu.memory_space<vmem>>) target(%dma_start3A_666 : memref<10240x128xf32, #tpu.memory_space<vmem_shared>>) offsets(%dma_start3A_663 : memref<64xi32, #tpu.memory_space<vmem>>) semaphore(%arg12 : memref<!tpu.dma_semaphore, #tpu.memory_space<semaphore_mem>>) {add = true}
      %mul3A_667 = arith.constant 4 : i32
      %mul3A_668 = arith.muli %scan3A_625, %mul3A_667 : i32
      %add3A_669 = arith.constant 1 : i32
      %add3A_670 = arith.addi %mul3A_668, %add3A_669 : i32
      %gt3A_671 = arith.constant 0 : i32
      %gt3A_672 = arith.cmpi sgt, %add3A_670, %gt3A_671 : i32
      %convert_element_type3A_673 = arith.extui %gt3A_672 : i1 to i32
      %cond3A_674 = arith.constant 0 : i32
      %cond3A_675 = arith.cmpi ne, %convert_element_type3A_673, %cond3A_674 : i32
      scf.if %cond3A_675 {
        %sub3A = arith.constant 1 : i32
        %sub3A_802 = arith.subi %add3A_670, %sub3A : i32
        %dma_wait3A_803 = arith.constant 0 : i32
        %dma_wait3A_804 = arith.constant 0 : i32
        %dma_wait3A_805 = arith.constant 0 : i32
        %dma_wait3A_806 = tpu.memref_slice %arg9[%dma_wait3A_803, %dma_wait3A_804, %dma_wait3A_805] : memref<4x64x128xf32, #tpu.memory_space<vmem>> -> memref<1x64x128xf32, #tpu.memory_space<vmem>>
        %dma_wait3A_807 = tpu.memref_squeeze %dma_wait3A_806 : memref<1x64x128xf32, #tpu.memory_space<vmem>> -> memref<64x128xf32, #tpu.memory_space<vmem>>
        %dma_wait3A_808 = arith.constant 0 : i32
        %dma_wait3A_809 = tpu.memref_slice %arg8[%sub3A_802, %dma_wait3A_808] : memref<40x64xi32, #tpu.memory_space<vmem>> -> memref<1x64xi32, #tpu.memory_space<vmem>>
        %dma_wait3A_810 = tpu.memref_squeeze %dma_wait3A_809 : memref<1x64xi32, #tpu.memory_space<vmem>> -> memref<64xi32, #tpu.memory_space<vmem>>
        %dma_wait3A_811 = arith.constant 0 : i32
        %dma_wait3A_812 = arith.constant 0 : i32
        %dma_wait3A_813 = tpu.memref_slice %arg10[%dma_wait3A_811, %dma_wait3A_812] : memref<10240x128xf32, #tpu.memory_space<vmem_shared>> -> memref<10240x128xf32, #tpu.memory_space<vmem_shared>>
        tpu.wait_indirect_dma semaphore(%arg12 : memref<!tpu.dma_semaphore, #tpu.memory_space<semaphore_mem>>) src(%dma_wait3A_807 : memref<64x128xf32, #tpu.memory_space<vmem>>) dst(%dma_wait3A_813 : memref<10240x128xf32, #tpu.memory_space<vmem_shared>>)
      } else {
      }
      %add3A_676 = arith.constant 3 : i32
      %add3A_677 = arith.addi %add3A_670, %add3A_676 : i32
      %lt3A_678 = arith.constant 40 : i32
      %lt3A_679 = arith.cmpi slt, %add3A_677, %lt3A_678 : i32
      %convert_element_type3A_680 = arith.extui %lt3A_679 : i1 to i32
      %cond3A_681 = arith.constant 0 : i32
      %cond3A_682 = arith.cmpi ne, %convert_element_type3A_680, %cond3A_681 : i32
      scf.if %cond3A_682 {
        %add3A_802 = arith.constant 3 : i32
        %add3A_803 = arith.addi %add3A_670, %add3A_802 : i32
        %dma_start3A_804 = arith.constant 0 : i32
        %dma_start3A_805 = arith.constant 0 : i32
        %dma_start3A_806 = arith.constant 0 : i32
        %dma_start3A_807 = arith.constant 0 : i32
        %dma_start3A_808 = tpu.memref_slice %arg9[%dma_start3A_804, %dma_start3A_806, %dma_start3A_807] : memref<4x64x128xf32, #tpu.memory_space<vmem>> -> memref<1x64x128xf32, #tpu.memory_space<vmem>>
        %dma_start3A_809 = tpu.memref_squeeze %dma_start3A_808 : memref<1x64x128xf32, #tpu.memory_space<vmem>> -> memref<64x128xf32, #tpu.memory_space<vmem>>
        %dma_start3A_810 = arith.constant 0 : i32
        %dma_start3A_811 = tpu.memref_slice %arg7[%add3A_803, %dma_start3A_810] : memref<40x64xi32, #tpu.memory_space<vmem>> -> memref<1x64xi32, #tpu.memory_space<vmem>>
        %dma_start3A_812 = tpu.memref_squeeze %dma_start3A_811 : memref<1x64xi32, #tpu.memory_space<vmem>> -> memref<64xi32, #tpu.memory_space<vmem>>
        %dma_start3A_813 = arith.constant 0 : i32
        %dma_start3A_814 = arith.constant 0 : i32
        %dma_start3A_815 = tpu.memref_slice %arg2[%add3A_3, %dma_start3A_813, %dma_start3A_814] : memref<4x10240x128xf32, #tpu.memory_space<hbm>> -> memref<1x10240x128xf32, #tpu.memory_space<hbm>>
        %dma_start3A_816 = tpu.memref_squeeze %dma_start3A_815 : memref<1x10240x128xf32, #tpu.memory_space<hbm>> -> memref<10240x128xf32, #tpu.memory_space<hbm>>
        %dma_start3A_817 = arith.constant 0 : i32
        %dma_start3A_818 = arith.constant 0 : i32
        %dma_start3A_819 = tpu.memref_slice %dma_start3A_816[%dma_start3A_817, %dma_start3A_818] : memref<10240x128xf32, #tpu.memory_space<hbm>> -> memref<10240x128xf32, #tpu.memory_space<hbm>>
        %dma_start3A_820 = tpu.memref_slice %arg11[%dma_start3A_805] : memref<4x!tpu.dma_semaphore, #tpu.memory_space<semaphore_mem>> -> memref<1x!tpu.dma_semaphore, #tpu.memory_space<semaphore_mem>>
        %dma_start3A_821 = tpu.memref_squeeze %dma_start3A_820 : memref<1x!tpu.dma_semaphore, #tpu.memory_space<semaphore_mem>> -> memref<!tpu.dma_semaphore, #tpu.memory_space<semaphore_mem>>
        tpu.enqueue_indirect_dma source(%dma_start3A_819 : memref<10240x128xf32, #tpu.memory_space<hbm>>) target(%dma_start3A_809 : memref<64x128xf32, #tpu.memory_space<vmem>>) offsets(%dma_start3A_812 : memref<64xi32, #tpu.memory_space<vmem>>) semaphore(%dma_start3A_821 : memref<!tpu.dma_semaphore, #tpu.memory_space<semaphore_mem>>)
      } else {
      }
      %dma_wait3A_683 = arith.constant 1 : i32
      %dma_wait3A_684 = arith.constant 1 : i32
      %dma_wait3A_685 = arith.constant 0 : i32
      %dma_wait3A_686 = arith.constant 0 : i32
      %dma_wait3A_687 = tpu.memref_slice %arg9[%dma_wait3A_683, %dma_wait3A_685, %dma_wait3A_686] : memref<4x64x128xf32, #tpu.memory_space<vmem>> -> memref<1x64x128xf32, #tpu.memory_space<vmem>>
      %dma_wait3A_688 = tpu.memref_squeeze %dma_wait3A_687 : memref<1x64x128xf32, #tpu.memory_space<vmem>> -> memref<64x128xf32, #tpu.memory_space<vmem>>
      %dma_wait3A_689 = arith.constant 0 : i32
      %dma_wait3A_690 = tpu.memref_slice %arg7[%add3A_670, %dma_wait3A_689] : memref<40x64xi32, #tpu.memory_space<vmem>> -> memref<1x64xi32, #tpu.memory_space<vmem>>
      %dma_wait3A_691 = tpu.memref_squeeze %dma_wait3A_690 : memref<1x64xi32, #tpu.memory_space<vmem>> -> memref<64xi32, #tpu.memory_space<vmem>>
      %dma_wait3A_692 = arith.constant 0 : i32
      %dma_wait3A_693 = arith.constant 0 : i32
      %dma_wait3A_694 = tpu.memref_slice %arg2[%add3A_3, %dma_wait3A_692, %dma_wait3A_693] : memref<4x10240x128xf32, #tpu.memory_space<hbm>> -> memref<1x10240x128xf32, #tpu.memory_space<hbm>>
      %dma_wait3A_695 = tpu.memref_squeeze %dma_wait3A_694 : memref<1x10240x128xf32, #tpu.memory_space<hbm>> -> memref<10240x128xf32, #tpu.memory_space<hbm>>
      %dma_wait3A_696 = arith.constant 0 : i32
      %dma_wait3A_697 = arith.constant 0 : i32
      %dma_wait3A_698 = tpu.memref_slice %dma_wait3A_695[%dma_wait3A_696, %dma_wait3A_697] : memref<10240x128xf32, #tpu.memory_space<hbm>> -> memref<10240x128xf32, #tpu.memory_space<hbm>>
      %dma_wait3A_699 = tpu.memref_slice %arg11[%dma_wait3A_684] : memref<4x!tpu.dma_semaphore, #tpu.memory_space<semaphore_mem>> -> memref<1x!tpu.dma_semaphore, #tpu.memory_space<semaphore_mem>>
      %dma_wait3A_700 = tpu.memref_squeeze %dma_wait3A_699 : memref<1x!tpu.dma_semaphore, #tpu.memory_space<semaphore_mem>> -> memref<!tpu.dma_semaphore, #tpu.memory_space<semaphore_mem>>
      tpu.wait_indirect_dma semaphore(%dma_wait3A_700 : memref<!tpu.dma_semaphore, #tpu.memory_space<semaphore_mem>>) src(%dma_wait3A_698 : memref<10240x128xf32, #tpu.memory_space<hbm>>) dst(%dma_wait3A_688 : memref<64x128xf32, #tpu.memory_space<vmem>>)
      %dma_start3A_701 = arith.constant 1 : i32
      %dma_start3A_702 = arith.constant 0 : i32
      %dma_start3A_703 = arith.constant 0 : i32
      %dma_start3A_704 = tpu.memref_slice %arg9[%dma_start3A_701, %dma_start3A_702, %dma_start3A_703] : memref<4x64x128xf32, #tpu.memory_space<vmem>> -> memref<1x64x128xf32, #tpu.memory_space<vmem>>
      %dma_start3A_705 = tpu.memref_squeeze %dma_start3A_704 : memref<1x64x128xf32, #tpu.memory_space<vmem>> -> memref<64x128xf32, #tpu.memory_space<vmem>>
      %dma_start3A_706 = arith.constant 0 : i32
      %dma_start3A_707 = tpu.memref_slice %arg8[%add3A_670, %dma_start3A_706] : memref<40x64xi32, #tpu.memory_space<vmem>> -> memref<1x64xi32, #tpu.memory_space<vmem>>
      %dma_start3A_708 = tpu.memref_squeeze %dma_start3A_707 : memref<1x64xi32, #tpu.memory_space<vmem>> -> memref<64xi32, #tpu.memory_space<vmem>>
      %dma_start3A_709 = arith.constant 0 : i32
      %dma_start3A_710 = arith.constant 0 : i32
      %dma_start3A_711 = tpu.memref_slice %arg10[%dma_start3A_709, %dma_start3A_710] : memref<10240x128xf32, #tpu.memory_space<vmem_shared>> -> memref<10240x128xf32, #tpu.memory_space<vmem_shared>>
      tpu.enqueue_indirect_dma source(%dma_start3A_705 : memref<64x128xf32, #tpu.memory_space<vmem>>) target(%dma_start3A_711 : memref<10240x128xf32, #tpu.memory_space<vmem_shared>>) offsets(%dma_start3A_708 : memref<64xi32, #tpu.memory_space<vmem>>) semaphore(%arg12 : memref<!tpu.dma_semaphore, #tpu.memory_space<semaphore_mem>>) {add = true}
      %mul3A_712 = arith.constant 4 : i32
      %mul3A_713 = arith.muli %scan3A_625, %mul3A_712 : i32
      %add3A_714 = arith.constant 2 : i32
      %add3A_715 = arith.addi %mul3A_713, %add3A_714 : i32
      %gt3A_716 = arith.constant 0 : i32
      %gt3A_717 = arith.cmpi sgt, %add3A_715, %gt3A_716 : i32
      %convert_element_type3A_718 = arith.extui %gt3A_717 : i1 to i32
      %cond3A_719 = arith.constant 0 : i32
      %cond3A_720 = arith.cmpi ne, %convert_element_type3A_718, %cond3A_719 : i32
      scf.if %cond3A_720 {
        %sub3A = arith.constant 1 : i32
        %sub3A_802 = arith.subi %add3A_715, %sub3A : i32
        %dma_wait3A_803 = arith.constant 1 : i32
        %dma_wait3A_804 = arith.constant 0 : i32
        %dma_wait3A_805 = arith.constant 0 : i32
        %dma_wait3A_806 = tpu.memref_slice %arg9[%dma_wait3A_803, %dma_wait3A_804, %dma_wait3A_805] : memref<4x64x128xf32, #tpu.memory_space<vmem>> -> memref<1x64x128xf32, #tpu.memory_space<vmem>>
        %dma_wait3A_807 = tpu.memref_squeeze %dma_wait3A_806 : memref<1x64x128xf32, #tpu.memory_space<vmem>> -> memref<64x128xf32, #tpu.memory_space<vmem>>
        %dma_wait3A_808 = arith.constant 0 : i32
        %dma_wait3A_809 = tpu.memref_slice %arg8[%sub3A_802, %dma_wait3A_808] : memref<40x64xi32, #tpu.memory_space<vmem>> -> memref<1x64xi32, #tpu.memory_space<vmem>>
        %dma_wait3A_810 = tpu.memref_squeeze %dma_wait3A_809 : memref<1x64xi32, #tpu.memory_space<vmem>> -> memref<64xi32, #tpu.memory_space<vmem>>
        %dma_wait3A_811 = arith.constant 0 : i32
        %dma_wait3A_812 = arith.constant 0 : i32
        %dma_wait3A_813 = tpu.memref_slice %arg10[%dma_wait3A_811, %dma_wait3A_812] : memref<10240x128xf32, #tpu.memory_space<vmem_shared>> -> memref<10240x128xf32, #tpu.memory_space<vmem_shared>>
        tpu.wait_indirect_dma semaphore(%arg12 : memref<!tpu.dma_semaphore, #tpu.memory_space<semaphore_mem>>) src(%dma_wait3A_807 : memref<64x128xf32, #tpu.memory_space<vmem>>) dst(%dma_wait3A_813 : memref<10240x128xf32, #tpu.memory_space<vmem_shared>>)
      } else {
      }
      %add3A_721 = arith.constant 3 : i32
      %add3A_722 = arith.addi %add3A_715, %add3A_721 : i32
      %lt3A_723 = arith.constant 40 : i32
      %lt3A_724 = arith.cmpi slt, %add3A_722, %lt3A_723 : i32
      %convert_element_type3A_725 = arith.extui %lt3A_724 : i1 to i32
      %cond3A_726 = arith.constant 0 : i32
      %cond3A_727 = arith.cmpi ne, %convert_element_type3A_725, %cond3A_726 : i32
      scf.if %cond3A_727 {
        %add3A_802 = arith.constant 3 : i32
        %add3A_803 = arith.addi %add3A_715, %add3A_802 : i32
        %dma_start3A_804 = arith.constant 1 : i32
        %dma_start3A_805 = arith.constant 1 : i32
        %dma_start3A_806 = arith.constant 0 : i32
        %dma_start3A_807 = arith.constant 0 : i32
        %dma_start3A_808 = tpu.memref_slice %arg9[%dma_start3A_804, %dma_start3A_806, %dma_start3A_807] : memref<4x64x128xf32, #tpu.memory_space<vmem>> -> memref<1x64x128xf32, #tpu.memory_space<vmem>>
        %dma_start3A_809 = tpu.memref_squeeze %dma_start3A_808 : memref<1x64x128xf32, #tpu.memory_space<vmem>> -> memref<64x128xf32, #tpu.memory_space<vmem>>
        %dma_start3A_810 = arith.constant 0 : i32
        %dma_start3A_811 = tpu.memref_slice %arg7[%add3A_803, %dma_start3A_810] : memref<40x64xi32, #tpu.memory_space<vmem>> -> memref<1x64xi32, #tpu.memory_space<vmem>>
        %dma_start3A_812 = tpu.memref_squeeze %dma_start3A_811 : memref<1x64xi32, #tpu.memory_space<vmem>> -> memref<64xi32, #tpu.memory_space<vmem>>
        %dma_start3A_813 = arith.constant 0 : i32
        %dma_start3A_814 = arith.constant 0 : i32
        %dma_start3A_815 = tpu.memref_slice %arg2[%add3A_3, %dma_start3A_813, %dma_start3A_814] : memref<4x10240x128xf32, #tpu.memory_space<hbm>> -> memref<1x10240x128xf32, #tpu.memory_space<hbm>>
        %dma_start3A_816 = tpu.memref_squeeze %dma_start3A_815 : memref<1x10240x128xf32, #tpu.memory_space<hbm>> -> memref<10240x128xf32, #tpu.memory_space<hbm>>
        %dma_start3A_817 = arith.constant 0 : i32
        %dma_start3A_818 = arith.constant 0 : i32
        %dma_start3A_819 = tpu.memref_slice %dma_start3A_816[%dma_start3A_817, %dma_start3A_818] : memref<10240x128xf32, #tpu.memory_space<hbm>> -> memref<10240x128xf32, #tpu.memory_space<hbm>>
        %dma_start3A_820 = tpu.memref_slice %arg11[%dma_start3A_805] : memref<4x!tpu.dma_semaphore, #tpu.memory_space<semaphore_mem>> -> memref<1x!tpu.dma_semaphore, #tpu.memory_space<semaphore_mem>>
        %dma_start3A_821 = tpu.memref_squeeze %dma_start3A_820 : memref<1x!tpu.dma_semaphore, #tpu.memory_space<semaphore_mem>> -> memref<!tpu.dma_semaphore, #tpu.memory_space<semaphore_mem>>
        tpu.enqueue_indirect_dma source(%dma_start3A_819 : memref<10240x128xf32, #tpu.memory_space<hbm>>) target(%dma_start3A_809 : memref<64x128xf32, #tpu.memory_space<vmem>>) offsets(%dma_start3A_812 : memref<64xi32, #tpu.memory_space<vmem>>) semaphore(%dma_start3A_821 : memref<!tpu.dma_semaphore, #tpu.memory_space<semaphore_mem>>)
      } else {
      }
      %dma_wait3A_728 = arith.constant 2 : i32
      %dma_wait3A_729 = arith.constant 2 : i32
      %dma_wait3A_730 = arith.constant 0 : i32
      %dma_wait3A_731 = arith.constant 0 : i32
      %dma_wait3A_732 = tpu.memref_slice %arg9[%dma_wait3A_728, %dma_wait3A_730, %dma_wait3A_731] : memref<4x64x128xf32, #tpu.memory_space<vmem>> -> memref<1x64x128xf32, #tpu.memory_space<vmem>>
      %dma_wait3A_733 = tpu.memref_squeeze %dma_wait3A_732 : memref<1x64x128xf32, #tpu.memory_space<vmem>> -> memref<64x128xf32, #tpu.memory_space<vmem>>
      %dma_wait3A_734 = arith.constant 0 : i32
      %dma_wait3A_735 = tpu.memref_slice %arg7[%add3A_715, %dma_wait3A_734] : memref<40x64xi32, #tpu.memory_space<vmem>> -> memref<1x64xi32, #tpu.memory_space<vmem>>
      %dma_wait3A_736 = tpu.memref_squeeze %dma_wait3A_735 : memref<1x64xi32, #tpu.memory_space<vmem>> -> memref<64xi32, #tpu.memory_space<vmem>>
      %dma_wait3A_737 = arith.constant 0 : i32
      %dma_wait3A_738 = arith.constant 0 : i32
      %dma_wait3A_739 = tpu.memref_slice %arg2[%add3A_3, %dma_wait3A_737, %dma_wait3A_738] : memref<4x10240x128xf32, #tpu.memory_space<hbm>> -> memref<1x10240x128xf32, #tpu.memory_space<hbm>>
      %dma_wait3A_740 = tpu.memref_squeeze %dma_wait3A_739 : memref<1x10240x128xf32, #tpu.memory_space<hbm>> -> memref<10240x128xf32, #tpu.memory_space<hbm>>
      %dma_wait3A_741 = arith.constant 0 : i32
      %dma_wait3A_742 = arith.constant 0 : i32
      %dma_wait3A_743 = tpu.memref_slice %dma_wait3A_740[%dma_wait3A_741, %dma_wait3A_742] : memref<10240x128xf32, #tpu.memory_space<hbm>> -> memref<10240x128xf32, #tpu.memory_space<hbm>>
      %dma_wait3A_744 = tpu.memref_slice %arg11[%dma_wait3A_729] : memref<4x!tpu.dma_semaphore, #tpu.memory_space<semaphore_mem>> -> memref<1x!tpu.dma_semaphore, #tpu.memory_space<semaphore_mem>>
      %dma_wait3A_745 = tpu.memref_squeeze %dma_wait3A_744 : memref<1x!tpu.dma_semaphore, #tpu.memory_space<semaphore_mem>> -> memref<!tpu.dma_semaphore, #tpu.memory_space<semaphore_mem>>
      tpu.wait_indirect_dma semaphore(%dma_wait3A_745 : memref<!tpu.dma_semaphore, #tpu.memory_space<semaphore_mem>>) src(%dma_wait3A_743 : memref<10240x128xf32, #tpu.memory_space<hbm>>) dst(%dma_wait3A_733 : memref<64x128xf32, #tpu.memory_space<vmem>>)
      %dma_start3A_746 = arith.constant 2 : i32
      %dma_start3A_747 = arith.constant 0 : i32
      %dma_start3A_748 = arith.constant 0 : i32
      %dma_start3A_749 = tpu.memref_slice %arg9[%dma_start3A_746, %dma_start3A_747, %dma_start3A_748] : memref<4x64x128xf32, #tpu.memory_space<vmem>> -> memref<1x64x128xf32, #tpu.memory_space<vmem>>
      %dma_start3A_750 = tpu.memref_squeeze %dma_start3A_749 : memref<1x64x128xf32, #tpu.memory_space<vmem>> -> memref<64x128xf32, #tpu.memory_space<vmem>>
      %dma_start3A_751 = arith.constant 0 : i32
      %dma_start3A_752 = tpu.memref_slice %arg8[%add3A_715, %dma_start3A_751] : memref<40x64xi32, #tpu.memory_space<vmem>> -> memref<1x64xi32, #tpu.memory_space<vmem>>
      %dma_start3A_753 = tpu.memref_squeeze %dma_start3A_752 : memref<1x64xi32, #tpu.memory_space<vmem>> -> memref<64xi32, #tpu.memory_space<vmem>>
      %dma_start3A_754 = arith.constant 0 : i32
      %dma_start3A_755 = arith.constant 0 : i32
      %dma_start3A_756 = tpu.memref_slice %arg10[%dma_start3A_754, %dma_start3A_755] : memref<10240x128xf32, #tpu.memory_space<vmem_shared>> -> memref<10240x128xf32, #tpu.memory_space<vmem_shared>>
      tpu.enqueue_indirect_dma source(%dma_start3A_750 : memref<64x128xf32, #tpu.memory_space<vmem>>) target(%dma_start3A_756 : memref<10240x128xf32, #tpu.memory_space<vmem_shared>>) offsets(%dma_start3A_753 : memref<64xi32, #tpu.memory_space<vmem>>) semaphore(%arg12 : memref<!tpu.dma_semaphore, #tpu.memory_space<semaphore_mem>>) {add = true}
      %mul3A_757 = arith.constant 4 : i32
      %mul3A_758 = arith.muli %scan3A_625, %mul3A_757 : i32
      %add3A_759 = arith.constant 3 : i32
      %add3A_760 = arith.addi %mul3A_758, %add3A_759 : i32
      %gt3A_761 = arith.constant 0 : i32
      %gt3A_762 = arith.cmpi sgt, %add3A_760, %gt3A_761 : i32
      %convert_element_type3A_763 = arith.extui %gt3A_762 : i1 to i32
      %cond3A_764 = arith.constant 0 : i32
      %cond3A_765 = arith.cmpi ne, %convert_element_type3A_763, %cond3A_764 : i32
      scf.if %cond3A_765 {
        %sub3A = arith.constant 1 : i32
        %sub3A_802 = arith.subi %add3A_760, %sub3A : i32
        %dma_wait3A_803 = arith.constant 2 : i32
        %dma_wait3A_804 = arith.constant 0 : i32
        %dma_wait3A_805 = arith.constant 0 : i32
        %dma_wait3A_806 = tpu.memref_slice %arg9[%dma_wait3A_803, %dma_wait3A_804, %dma_wait3A_805] : memref<4x64x128xf32, #tpu.memory_space<vmem>> -> memref<1x64x128xf32, #tpu.memory_space<vmem>>
        %dma_wait3A_807 = tpu.memref_squeeze %dma_wait3A_806 : memref<1x64x128xf32, #tpu.memory_space<vmem>> -> memref<64x128xf32, #tpu.memory_space<vmem>>
        %dma_wait3A_808 = arith.constant 0 : i32
        %dma_wait3A_809 = tpu.memref_slice %arg8[%sub3A_802, %dma_wait3A_808] : memref<40x64xi32, #tpu.memory_space<vmem>> -> memref<1x64xi32, #tpu.memory_space<vmem>>
        %dma_wait3A_810 = tpu.memref_squeeze %dma_wait3A_809 : memref<1x64xi32, #tpu.memory_space<vmem>> -> memref<64xi32, #tpu.memory_space<vmem>>
        %dma_wait3A_811 = arith.constant 0 : i32
        %dma_wait3A_812 = arith.constant 0 : i32
        %dma_wait3A_813 = tpu.memref_slice %arg10[%dma_wait3A_811, %dma_wait3A_812] : memref<10240x128xf32, #tpu.memory_space<vmem_shared>> -> memref<10240x128xf32, #tpu.memory_space<vmem_shared>>
        tpu.wait_indirect_dma semaphore(%arg12 : memref<!tpu.dma_semaphore, #tpu.memory_space<semaphore_mem>>) src(%dma_wait3A_807 : memref<64x128xf32, #tpu.memory_space<vmem>>) dst(%dma_wait3A_813 : memref<10240x128xf32, #tpu.memory_space<vmem_shared>>)
      } else {
      }
      %add3A_766 = arith.constant 3 : i32
      %add3A_767 = arith.addi %add3A_760, %add3A_766 : i32
      %lt3A_768 = arith.constant 40 : i32
      %lt3A_769 = arith.cmpi slt, %add3A_767, %lt3A_768 : i32
      %convert_element_type3A_770 = arith.extui %lt3A_769 : i1 to i32
      %cond3A_771 = arith.constant 0 : i32
      %cond3A_772 = arith.cmpi ne, %convert_element_type3A_770, %cond3A_771 : i32
      scf.if %cond3A_772 {
        %add3A_802 = arith.constant 3 : i32
        %add3A_803 = arith.addi %add3A_760, %add3A_802 : i32
        %dma_start3A_804 = arith.constant 2 : i32
        %dma_start3A_805 = arith.constant 2 : i32
        %dma_start3A_806 = arith.constant 0 : i32
        %dma_start3A_807 = arith.constant 0 : i32
        %dma_start3A_808 = tpu.memref_slice %arg9[%dma_start3A_804, %dma_start3A_806, %dma_start3A_807] : memref<4x64x128xf32, #tpu.memory_space<vmem>> -> memref<1x64x128xf32, #tpu.memory_space<vmem>>
        %dma_start3A_809 = tpu.memref_squeeze %dma_start3A_808 : memref<1x64x128xf32, #tpu.memory_space<vmem>> -> memref<64x128xf32, #tpu.memory_space<vmem>>
        %dma_start3A_810 = arith.constant 0 : i32
        %dma_start3A_811 = tpu.memref_slice %arg7[%add3A_803, %dma_start3A_810] : memref<40x64xi32, #tpu.memory_space<vmem>> -> memref<1x64xi32, #tpu.memory_space<vmem>>
        %dma_start3A_812 = tpu.memref_squeeze %dma_start3A_811 : memref<1x64xi32, #tpu.memory_space<vmem>> -> memref<64xi32, #tpu.memory_space<vmem>>
        %dma_start3A_813 = arith.constant 0 : i32
        %dma_start3A_814 = arith.constant 0 : i32
        %dma_start3A_815 = tpu.memref_slice %arg2[%add3A_3, %dma_start3A_813, %dma_start3A_814] : memref<4x10240x128xf32, #tpu.memory_space<hbm>> -> memref<1x10240x128xf32, #tpu.memory_space<hbm>>
        %dma_start3A_816 = tpu.memref_squeeze %dma_start3A_815 : memref<1x10240x128xf32, #tpu.memory_space<hbm>> -> memref<10240x128xf32, #tpu.memory_space<hbm>>
        %dma_start3A_817 = arith.constant 0 : i32
        %dma_start3A_818 = arith.constant 0 : i32
        %dma_start3A_819 = tpu.memref_slice %dma_start3A_816[%dma_start3A_817, %dma_start3A_818] : memref<10240x128xf32, #tpu.memory_space<hbm>> -> memref<10240x128xf32, #tpu.memory_space<hbm>>
        %dma_start3A_820 = tpu.memref_slice %arg11[%dma_start3A_805] : memref<4x!tpu.dma_semaphore, #tpu.memory_space<semaphore_mem>> -> memref<1x!tpu.dma_semaphore, #tpu.memory_space<semaphore_mem>>
        %dma_start3A_821 = tpu.memref_squeeze %dma_start3A_820 : memref<1x!tpu.dma_semaphore, #tpu.memory_space<semaphore_mem>> -> memref<!tpu.dma_semaphore, #tpu.memory_space<semaphore_mem>>
        tpu.enqueue_indirect_dma source(%dma_start3A_819 : memref<10240x128xf32, #tpu.memory_space<hbm>>) target(%dma_start3A_809 : memref<64x128xf32, #tpu.memory_space<vmem>>) offsets(%dma_start3A_812 : memref<64xi32, #tpu.memory_space<vmem>>) semaphore(%dma_start3A_821 : memref<!tpu.dma_semaphore, #tpu.memory_space<semaphore_mem>>)
      } else {
      }
      %dma_wait3A_773 = arith.constant 3 : i32
      %dma_wait3A_774 = arith.constant 3 : i32
      %dma_wait3A_775 = arith.constant 0 : i32
      %dma_wait3A_776 = arith.constant 0 : i32
      %dma_wait3A_777 = tpu.memref_slice %arg9[%dma_wait3A_773, %dma_wait3A_775, %dma_wait3A_776] : memref<4x64x128xf32, #tpu.memory_space<vmem>> -> memref<1x64x128xf32, #tpu.memory_space<vmem>>
      %dma_wait3A_778 = tpu.memref_squeeze %dma_wait3A_777 : memref<1x64x128xf32, #tpu.memory_space<vmem>> -> memref<64x128xf32, #tpu.memory_space<vmem>>
      %dma_wait3A_779 = arith.constant 0 : i32
      %dma_wait3A_780 = tpu.memref_slice %arg7[%add3A_760, %dma_wait3A_779] : memref<40x64xi32, #tpu.memory_space<vmem>> -> memref<1x64xi32, #tpu.memory_space<vmem>>
      %dma_wait3A_781 = tpu.memref_squeeze %dma_wait3A_780 : memref<1x64xi32, #tpu.memory_space<vmem>> -> memref<64xi32, #tpu.memory_space<vmem>>
      %dma_wait3A_782 = arith.constant 0 : i32
      %dma_wait3A_783 = arith.constant 0 : i32
      %dma_wait3A_784 = tpu.memref_slice %arg2[%add3A_3, %dma_wait3A_782, %dma_wait3A_783] : memref<4x10240x128xf32, #tpu.memory_space<hbm>> -> memref<1x10240x128xf32, #tpu.memory_space<hbm>>
      %dma_wait3A_785 = tpu.memref_squeeze %dma_wait3A_784 : memref<1x10240x128xf32, #tpu.memory_space<hbm>> -> memref<10240x128xf32, #tpu.memory_space<hbm>>
      %dma_wait3A_786 = arith.constant 0 : i32
      %dma_wait3A_787 = arith.constant 0 : i32
      %dma_wait3A_788 = tpu.memref_slice %dma_wait3A_785[%dma_wait3A_786, %dma_wait3A_787] : memref<10240x128xf32, #tpu.memory_space<hbm>> -> memref<10240x128xf32, #tpu.memory_space<hbm>>
      %dma_wait3A_789 = tpu.memref_slice %arg11[%dma_wait3A_774] : memref<4x!tpu.dma_semaphore, #tpu.memory_space<semaphore_mem>> -> memref<1x!tpu.dma_semaphore, #tpu.memory_space<semaphore_mem>>
      %dma_wait3A_790 = tpu.memref_squeeze %dma_wait3A_789 : memref<1x!tpu.dma_semaphore, #tpu.memory_space<semaphore_mem>> -> memref<!tpu.dma_semaphore, #tpu.memory_space<semaphore_mem>>
      tpu.wait_indirect_dma semaphore(%dma_wait3A_790 : memref<!tpu.dma_semaphore, #tpu.memory_space<semaphore_mem>>) src(%dma_wait3A_788 : memref<10240x128xf32, #tpu.memory_space<hbm>>) dst(%dma_wait3A_778 : memref<64x128xf32, #tpu.memory_space<vmem>>)
      %dma_start3A_791 = arith.constant 3 : i32
      %dma_start3A_792 = arith.constant 0 : i32
      %dma_start3A_793 = arith.constant 0 : i32
      %dma_start3A_794 = tpu.memref_slice %arg9[%dma_start3A_791, %dma_start3A_792, %dma_start3A_793] : memref<4x64x128xf32, #tpu.memory_space<vmem>> -> memref<1x64x128xf32, #tpu.memory_space<vmem>>
      %dma_start3A_795 = tpu.memref_squeeze %dma_start3A_794 : memref<1x64x128xf32, #tpu.memory_space<vmem>> -> memref<64x128xf32, #tpu.memory_space<vmem>>
      %dma_start3A_796 = arith.constant 0 : i32
      %dma_start3A_797 = tpu.memref_slice %arg8[%add3A_760, %dma_start3A_796] : memref<40x64xi32, #tpu.memory_space<vmem>> -> memref<1x64xi32, #tpu.memory_space<vmem>>
      %dma_start3A_798 = tpu.memref_squeeze %dma_start3A_797 : memref<1x64xi32, #tpu.memory_space<vmem>> -> memref<64xi32, #tpu.memory_space<vmem>>
      %dma_start3A_799 = arith.constant 0 : i32
      %dma_start3A_800 = arith.constant 0 : i32
      %dma_start3A_801 = tpu.memref_slice %arg10[%dma_start3A_799, %dma_start3A_800] : memref<10240x128xf32, #tpu.memory_space<vmem_shared>> -> memref<10240x128xf32, #tpu.memory_space<vmem_shared>>
      tpu.enqueue_indirect_dma source(%dma_start3A_795 : memref<64x128xf32, #tpu.memory_space<vmem>>) target(%dma_start3A_801 : memref<10240x128xf32, #tpu.memory_space<vmem_shared>>) offsets(%dma_start3A_798 : memref<64xi32, #tpu.memory_space<vmem>>) semaphore(%arg12 : memref<!tpu.dma_semaphore, #tpu.memory_space<semaphore_mem>>) {add = true}
    }
    %scan3A_141 = arith.constant 10 : i32
    %dma_wait3A_142 = arith.constant 3 : i32
    %dma_wait3A_143 = arith.constant 39 : i32
    %dma_wait3A_144 = arith.constant 0 : i32
    %dma_wait3A_145 = arith.constant 0 : i32
    %dma_wait3A_146 = tpu.memref_slice %arg9[%dma_wait3A_142, %dma_wait3A_144, %dma_wait3A_145] : memref<4x64x128xf32, #tpu.memory_space<vmem>> -> memref<1x64x128xf32, #tpu.memory_space<vmem>>
    %dma_wait3A_147 = tpu.memref_squeeze %dma_wait3A_146 : memref<1x64x128xf32, #tpu.memory_space<vmem>> -> memref<64x128xf32, #tpu.memory_space<vmem>>
    %dma_wait3A_148 = arith.constant 0 : i32
    %dma_wait3A_149 = tpu.memref_slice %arg8[%dma_wait3A_143, %dma_wait3A_148] : memref<40x64xi32, #tpu.memory_space<vmem>> -> memref<1x64xi32, #tpu.memory_space<vmem>>
    %dma_wait3A_150 = tpu.memref_squeeze %dma_wait3A_149 : memref<1x64xi32, #tpu.memory_space<vmem>> -> memref<64xi32, #tpu.memory_space<vmem>>
    %dma_wait3A_151 = arith.constant 0 : i32
    %dma_wait3A_152 = arith.constant 0 : i32
    %dma_wait3A_153 = tpu.memref_slice %arg10[%dma_wait3A_151, %dma_wait3A_152] : memref<10240x128xf32, #tpu.memory_space<vmem_shared>> -> memref<10240x128xf32, #tpu.memory_space<vmem_shared>>
    tpu.wait_indirect_dma semaphore(%arg12 : memref<!tpu.dma_semaphore, #tpu.memory_space<semaphore_mem>>) src(%dma_wait3A_147 : memref<64x128xf32, #tpu.memory_space<vmem>>) dst(%dma_wait3A_153 : memref<10240x128xf32, #tpu.memory_space<vmem_shared>>)
    %run_scoped3A_154 = arith.constant 2 : i32
    "tpu.region"() ({
      %run_scoped3A_625 = tpu.sem_alloc : memref<!tpu.dma_semaphore, #tpu.memory_space<semaphore_mem>>
      %dma_start3A_626 = arith.constant 0 : i32
      %dma_start3A_627 = arith.constant 0 : i32
      %dma_start3A_628 = tpu.memref_slice %arg3[%arg1, %run_scoped3A_154, %dma_start3A_626, %dma_start3A_627] : memref<16x4x40x64xi32, #tpu.memory_space<hbm>> -> memref<1x1x40x64xi32, #tpu.memory_space<hbm>>
      %dma_start3A_629 = tpu.memref_squeeze %dma_start3A_628 : memref<1x1x40x64xi32, #tpu.memory_space<hbm>> -> memref<40x64xi32, #tpu.memory_space<hbm>>
      %dma_start3A_630 = arith.constant 0 : i32
      %dma_start3A_631 = arith.constant 0 : i32
      %dma_start3A_632 = tpu.memref_slice %arg3[%arg1, %run_scoped3A_154, %dma_start3A_630, %dma_start3A_631] : memref<16x4x40x64xi32, #tpu.memory_space<hbm>> -> memref<1x1x40x64xi32, #tpu.memory_space<hbm>>
      %dma_start3A_633 = tpu.memref_squeeze %dma_start3A_632 : memref<1x1x40x64xi32, #tpu.memory_space<hbm>> -> memref<40x64xi32, #tpu.memory_space<hbm>>
      tpu.enqueue_dma source(%dma_start3A_633 : memref<40x64xi32, #tpu.memory_space<hbm>>) target(%arg7 : memref<40x64xi32, #tpu.memory_space<vmem>>) target_semaphore(%run_scoped3A_625 : memref<!tpu.dma_semaphore, #tpu.memory_space<semaphore_mem>>)
      %dma_wait3A_634 = arith.constant 0 : i32
      %dma_wait3A_635 = arith.constant 0 : i32
      %dma_wait3A_636 = tpu.memref_slice %arg3[%arg1, %run_scoped3A_154, %dma_wait3A_634, %dma_wait3A_635] : memref<16x4x40x64xi32, #tpu.memory_space<hbm>> -> memref<1x1x40x64xi32, #tpu.memory_space<hbm>>
      %dma_wait3A_637 = tpu.memref_squeeze %dma_wait3A_636 : memref<1x1x40x64xi32, #tpu.memory_space<hbm>> -> memref<40x64xi32, #tpu.memory_space<hbm>>
      %dma_wait3A_638 = arith.constant 0 : i32
      %dma_wait3A_639 = arith.constant 0 : i32
      %dma_wait3A_640 = tpu.memref_slice %arg3[%arg1, %run_scoped3A_154, %dma_wait3A_638, %dma_wait3A_639] : memref<16x4x40x64xi32, #tpu.memory_space<hbm>> -> memref<1x1x40x64xi32, #tpu.memory_space<hbm>>
      %dma_wait3A_641 = tpu.memref_squeeze %dma_wait3A_640 : memref<1x1x40x64xi32, #tpu.memory_space<hbm>> -> memref<40x64xi32, #tpu.memory_space<hbm>>
      tpu.wait_dma2 semaphore(%run_scoped3A_625 : memref<!tpu.dma_semaphore, #tpu.memory_space<semaphore_mem>>) src(%dma_wait3A_641 : memref<40x64xi32, #tpu.memory_space<hbm>>) dst(%arg7 : memref<40x64xi32, #tpu.memory_space<vmem>>)
      tpu.yield
    }) : () -> ()
    %run_scoped3A_155 = arith.constant 2 : i32
    "tpu.region"() ({
      %run_scoped3A_625 = tpu.sem_alloc : memref<!tpu.dma_semaphore, #tpu.memory_space<semaphore_mem>>
      %dma_start3A_626 = arith.constant 0 : i32
      %dma_start3A_627 = arith.constant 0 : i32
      %dma_start3A_628 = tpu.memref_slice %arg4[%arg1, %run_scoped3A_155, %dma_start3A_626, %dma_start3A_627] : memref<16x4x40x64xi32, #tpu.memory_space<hbm>> -> memref<1x1x40x64xi32, #tpu.memory_space<hbm>>
      %dma_start3A_629 = tpu.memref_squeeze %dma_start3A_628 : memref<1x1x40x64xi32, #tpu.memory_space<hbm>> -> memref<40x64xi32, #tpu.memory_space<hbm>>
      %dma_start3A_630 = arith.constant 0 : i32
      %dma_start3A_631 = arith.constant 0 : i32
      %dma_start3A_632 = tpu.memref_slice %arg4[%arg1, %run_scoped3A_155, %dma_start3A_630, %dma_start3A_631] : memref<16x4x40x64xi32, #tpu.memory_space<hbm>> -> memref<1x1x40x64xi32, #tpu.memory_space<hbm>>
      %dma_start3A_633 = tpu.memref_squeeze %dma_start3A_632 : memref<1x1x40x64xi32, #tpu.memory_space<hbm>> -> memref<40x64xi32, #tpu.memory_space<hbm>>
      tpu.enqueue_dma source(%dma_start3A_633 : memref<40x64xi32, #tpu.memory_space<hbm>>) target(%arg8 : memref<40x64xi32, #tpu.memory_space<vmem>>) target_semaphore(%run_scoped3A_625 : memref<!tpu.dma_semaphore, #tpu.memory_space<semaphore_mem>>)
      %dma_wait3A_634 = arith.constant 0 : i32
      %dma_wait3A_635 = arith.constant 0 : i32
      %dma_wait3A_636 = tpu.memref_slice %arg4[%arg1, %run_scoped3A_155, %dma_wait3A_634, %dma_wait3A_635] : memref<16x4x40x64xi32, #tpu.memory_space<hbm>> -> memref<1x1x40x64xi32, #tpu.memory_space<hbm>>
      %dma_wait3A_637 = tpu.memref_squeeze %dma_wait3A_636 : memref<1x1x40x64xi32, #tpu.memory_space<hbm>> -> memref<40x64xi32, #tpu.memory_space<hbm>>
      %dma_wait3A_638 = arith.constant 0 : i32
      %dma_wait3A_639 = arith.constant 0 : i32
      %dma_wait3A_640 = tpu.memref_slice %arg4[%arg1, %run_scoped3A_155, %dma_wait3A_638, %dma_wait3A_639] : memref<16x4x40x64xi32, #tpu.memory_space<hbm>> -> memref<1x1x40x64xi32, #tpu.memory_space<hbm>>
      %dma_wait3A_641 = tpu.memref_squeeze %dma_wait3A_640 : memref<1x1x40x64xi32, #tpu.memory_space<hbm>> -> memref<40x64xi32, #tpu.memory_space<hbm>>
      tpu.wait_dma2 semaphore(%run_scoped3A_625 : memref<!tpu.dma_semaphore, #tpu.memory_space<semaphore_mem>>) src(%dma_wait3A_641 : memref<40x64xi32, #tpu.memory_space<hbm>>) dst(%arg8 : memref<40x64xi32, #tpu.memory_space<vmem>>)
      tpu.yield
    }) : () -> ()
    %dma_start3A_156 = arith.constant 0 : i32
    %dma_start3A_157 = arith.constant 0 : i32
    %dma_start3A_158 = arith.constant 0 : i32
    %dma_start3A_159 = arith.constant 0 : i32
    %dma_start3A_160 = arith.constant 0 : i32
    %dma_start3A_161 = tpu.memref_slice %arg9[%dma_start3A_157, %dma_start3A_159, %dma_start3A_160] : memref<4x64x128xf32, #tpu.memory_space<vmem>> -> memref<1x64x128xf32, #tpu.memory_space<vmem>>
    %dma_start3A_162 = tpu.memref_squeeze %dma_start3A_161 : memref<1x64x128xf32, #tpu.memory_space<vmem>> -> memref<64x128xf32, #tpu.memory_space<vmem>>
    %dma_start3A_163 = arith.constant 0 : i32
    %dma_start3A_164 = tpu.memref_slice %arg7[%dma_start3A_156, %dma_start3A_163] : memref<40x64xi32, #tpu.memory_space<vmem>> -> memref<1x64xi32, #tpu.memory_space<vmem>>
    %dma_start3A_165 = tpu.memref_squeeze %dma_start3A_164 : memref<1x64xi32, #tpu.memory_space<vmem>> -> memref<64xi32, #tpu.memory_space<vmem>>
    %dma_start3A_166 = arith.constant 0 : i32
    %dma_start3A_167 = arith.constant 0 : i32
    %dma_start3A_168 = tpu.memref_slice %arg2[%add3A_3, %dma_start3A_166, %dma_start3A_167] : memref<4x10240x128xf32, #tpu.memory_space<hbm>> -> memref<1x10240x128xf32, #tpu.memory_space<hbm>>
    %dma_start3A_169 = tpu.memref_squeeze %dma_start3A_168 : memref<1x10240x128xf32, #tpu.memory_space<hbm>> -> memref<10240x128xf32, #tpu.memory_space<hbm>>
    %dma_start3A_170 = arith.constant 0 : i32
    %dma_start3A_171 = arith.constant 0 : i32
    %dma_start3A_172 = tpu.memref_slice %dma_start3A_169[%dma_start3A_170, %dma_start3A_171] : memref<10240x128xf32, #tpu.memory_space<hbm>> -> memref<10240x128xf32, #tpu.memory_space<hbm>>
    %dma_start3A_173 = tpu.memref_slice %arg11[%dma_start3A_158] : memref<4x!tpu.dma_semaphore, #tpu.memory_space<semaphore_mem>> -> memref<1x!tpu.dma_semaphore, #tpu.memory_space<semaphore_mem>>
    %dma_start3A_174 = tpu.memref_squeeze %dma_start3A_173 : memref<1x!tpu.dma_semaphore, #tpu.memory_space<semaphore_mem>> -> memref<!tpu.dma_semaphore, #tpu.memory_space<semaphore_mem>>
    tpu.enqueue_indirect_dma source(%dma_start3A_172 : memref<10240x128xf32, #tpu.memory_space<hbm>>) target(%dma_start3A_162 : memref<64x128xf32, #tpu.memory_space<vmem>>) offsets(%dma_start3A_165 : memref<64xi32, #tpu.memory_space<vmem>>) semaphore(%dma_start3A_174 : memref<!tpu.dma_semaphore, #tpu.memory_space<semaphore_mem>>)
    %dma_start3A_175 = arith.constant 1 : i32
    %dma_start3A_176 = arith.constant 1 : i32
    %dma_start3A_177 = arith.constant 1 : i32
    %dma_start3A_178 = arith.constant 0 : i32
    %dma_start3A_179 = arith.constant 0 : i32
    %dma_start3A_180 = tpu.memref_slice %arg9[%dma_start3A_176, %dma_start3A_178, %dma_start3A_179] : memref<4x64x128xf32, #tpu.memory_space<vmem>> -> memref<1x64x128xf32, #tpu.memory_space<vmem>>
    %dma_start3A_181 = tpu.memref_squeeze %dma_start3A_180 : memref<1x64x128xf32, #tpu.memory_space<vmem>> -> memref<64x128xf32, #tpu.memory_space<vmem>>
    %dma_start3A_182 = arith.constant 0 : i32
    %dma_start3A_183 = tpu.memref_slice %arg7[%dma_start3A_175, %dma_start3A_182] : memref<40x64xi32, #tpu.memory_space<vmem>> -> memref<1x64xi32, #tpu.memory_space<vmem>>
    %dma_start3A_184 = tpu.memref_squeeze %dma_start3A_183 : memref<1x64xi32, #tpu.memory_space<vmem>> -> memref<64xi32, #tpu.memory_space<vmem>>
    %dma_start3A_185 = arith.constant 0 : i32
    %dma_start3A_186 = arith.constant 0 : i32
    %dma_start3A_187 = tpu.memref_slice %arg2[%add3A_3, %dma_start3A_185, %dma_start3A_186] : memref<4x10240x128xf32, #tpu.memory_space<hbm>> -> memref<1x10240x128xf32, #tpu.memory_space<hbm>>
    %dma_start3A_188 = tpu.memref_squeeze %dma_start3A_187 : memref<1x10240x128xf32, #tpu.memory_space<hbm>> -> memref<10240x128xf32, #tpu.memory_space<hbm>>
    %dma_start3A_189 = arith.constant 0 : i32
    %dma_start3A_190 = arith.constant 0 : i32
    %dma_start3A_191 = tpu.memref_slice %dma_start3A_188[%dma_start3A_189, %dma_start3A_190] : memref<10240x128xf32, #tpu.memory_space<hbm>> -> memref<10240x128xf32, #tpu.memory_space<hbm>>
    %dma_start3A_192 = tpu.memref_slice %arg11[%dma_start3A_177] : memref<4x!tpu.dma_semaphore, #tpu.memory_space<semaphore_mem>> -> memref<1x!tpu.dma_semaphore, #tpu.memory_space<semaphore_mem>>
    %dma_start3A_193 = tpu.memref_squeeze %dma_start3A_192 : memref<1x!tpu.dma_semaphore, #tpu.memory_space<semaphore_mem>> -> memref<!tpu.dma_semaphore, #tpu.memory_space<semaphore_mem>>
    tpu.enqueue_indirect_dma source(%dma_start3A_191 : memref<10240x128xf32, #tpu.memory_space<hbm>>) target(%dma_start3A_181 : memref<64x128xf32, #tpu.memory_space<vmem>>) offsets(%dma_start3A_184 : memref<64xi32, #tpu.memory_space<vmem>>) semaphore(%dma_start3A_193 : memref<!tpu.dma_semaphore, #tpu.memory_space<semaphore_mem>>)
    %dma_start3A_194 = arith.constant 2 : i32
    %dma_start3A_195 = arith.constant 2 : i32
    %dma_start3A_196 = arith.constant 2 : i32
    %dma_start3A_197 = arith.constant 0 : i32
    %dma_start3A_198 = arith.constant 0 : i32
    %dma_start3A_199 = tpu.memref_slice %arg9[%dma_start3A_195, %dma_start3A_197, %dma_start3A_198] : memref<4x64x128xf32, #tpu.memory_space<vmem>> -> memref<1x64x128xf32, #tpu.memory_space<vmem>>
    %dma_start3A_200 = tpu.memref_squeeze %dma_start3A_199 : memref<1x64x128xf32, #tpu.memory_space<vmem>> -> memref<64x128xf32, #tpu.memory_space<vmem>>
    %dma_start3A_201 = arith.constant 0 : i32
    %dma_start3A_202 = tpu.memref_slice %arg7[%dma_start3A_194, %dma_start3A_201] : memref<40x64xi32, #tpu.memory_space<vmem>> -> memref<1x64xi32, #tpu.memory_space<vmem>>
    %dma_start3A_203 = tpu.memref_squeeze %dma_start3A_202 : memref<1x64xi32, #tpu.memory_space<vmem>> -> memref<64xi32, #tpu.memory_space<vmem>>
    %dma_start3A_204 = arith.constant 0 : i32
    %dma_start3A_205 = arith.constant 0 : i32
    %dma_start3A_206 = tpu.memref_slice %arg2[%add3A_3, %dma_start3A_204, %dma_start3A_205] : memref<4x10240x128xf32, #tpu.memory_space<hbm>> -> memref<1x10240x128xf32, #tpu.memory_space<hbm>>
    %dma_start3A_207 = tpu.memref_squeeze %dma_start3A_206 : memref<1x10240x128xf32, #tpu.memory_space<hbm>> -> memref<10240x128xf32, #tpu.memory_space<hbm>>
    %dma_start3A_208 = arith.constant 0 : i32
    %dma_start3A_209 = arith.constant 0 : i32
    %dma_start3A_210 = tpu.memref_slice %dma_start3A_207[%dma_start3A_208, %dma_start3A_209] : memref<10240x128xf32, #tpu.memory_space<hbm>> -> memref<10240x128xf32, #tpu.memory_space<hbm>>
    %dma_start3A_211 = tpu.memref_slice %arg11[%dma_start3A_196] : memref<4x!tpu.dma_semaphore, #tpu.memory_space<semaphore_mem>> -> memref<1x!tpu.dma_semaphore, #tpu.memory_space<semaphore_mem>>
    %dma_start3A_212 = tpu.memref_squeeze %dma_start3A_211 : memref<1x!tpu.dma_semaphore, #tpu.memory_space<semaphore_mem>> -> memref<!tpu.dma_semaphore, #tpu.memory_space<semaphore_mem>>
    tpu.enqueue_indirect_dma source(%dma_start3A_210 : memref<10240x128xf32, #tpu.memory_space<hbm>>) target(%dma_start3A_200 : memref<64x128xf32, #tpu.memory_space<vmem>>) offsets(%dma_start3A_203 : memref<64xi32, #tpu.memory_space<vmem>>) semaphore(%dma_start3A_212 : memref<!tpu.dma_semaphore, #tpu.memory_space<semaphore_mem>>)
    %scan3A_213 = arith.constant 0 : i32
    %scan3A_214 = arith.constant 0 : i32
    %scan3A_215 = arith.constant 10 : i32
    %scan3A_216 = arith.addi %scan3A_214, %scan3A_215 : i32
    %scan3A_217 = arith.constant 1 : i32
    scf.for %scan3A_625 = %scan3A_214 to %scan3A_216 step %scan3A_217  : i32 {
      %mul3A_626 = arith.constant 4 : i32
      %mul3A_627 = arith.muli %scan3A_625, %mul3A_626 : i32
      %add3A_628 = arith.constant 0 : i32
      %add3A_629 = arith.addi %mul3A_627, %add3A_628 : i32
      %gt3A = arith.constant 0 : i32
      %gt3A_630 = arith.cmpi sgt, %add3A_629, %gt3A : i32
      %convert_element_type3A = arith.extui %gt3A_630 : i1 to i32
      %cond3A = arith.constant 0 : i32
      %cond3A_631 = arith.cmpi ne, %convert_element_type3A, %cond3A : i32
      scf.if %cond3A_631 {
        %sub3A = arith.constant 1 : i32
        %sub3A_802 = arith.subi %add3A_629, %sub3A : i32
        %dma_wait3A_803 = arith.constant 3 : i32
        %dma_wait3A_804 = arith.constant 0 : i32
        %dma_wait3A_805 = arith.constant 0 : i32
        %dma_wait3A_806 = tpu.memref_slice %arg9[%dma_wait3A_803, %dma_wait3A_804, %dma_wait3A_805] : memref<4x64x128xf32, #tpu.memory_space<vmem>> -> memref<1x64x128xf32, #tpu.memory_space<vmem>>
        %dma_wait3A_807 = tpu.memref_squeeze %dma_wait3A_806 : memref<1x64x128xf32, #tpu.memory_space<vmem>> -> memref<64x128xf32, #tpu.memory_space<vmem>>
        %dma_wait3A_808 = arith.constant 0 : i32
        %dma_wait3A_809 = tpu.memref_slice %arg8[%sub3A_802, %dma_wait3A_808] : memref<40x64xi32, #tpu.memory_space<vmem>> -> memref<1x64xi32, #tpu.memory_space<vmem>>
        %dma_wait3A_810 = tpu.memref_squeeze %dma_wait3A_809 : memref<1x64xi32, #tpu.memory_space<vmem>> -> memref<64xi32, #tpu.memory_space<vmem>>
        %dma_wait3A_811 = arith.constant 0 : i32
        %dma_wait3A_812 = arith.constant 0 : i32
        %dma_wait3A_813 = tpu.memref_slice %arg10[%dma_wait3A_811, %dma_wait3A_812] : memref<10240x128xf32, #tpu.memory_space<vmem_shared>> -> memref<10240x128xf32, #tpu.memory_space<vmem_shared>>
        tpu.wait_indirect_dma semaphore(%arg12 : memref<!tpu.dma_semaphore, #tpu.memory_space<semaphore_mem>>) src(%dma_wait3A_807 : memref<64x128xf32, #tpu.memory_space<vmem>>) dst(%dma_wait3A_813 : memref<10240x128xf32, #tpu.memory_space<vmem_shared>>)
      } else {
      }
      %add3A_632 = arith.constant 3 : i32
      %add3A_633 = arith.addi %add3A_629, %add3A_632 : i32
      %lt3A = arith.constant 40 : i32
      %lt3A_634 = arith.cmpi slt, %add3A_633, %lt3A : i32
      %convert_element_type3A_635 = arith.extui %lt3A_634 : i1 to i32
      %cond3A_636 = arith.constant 0 : i32
      %cond3A_637 = arith.cmpi ne, %convert_element_type3A_635, %cond3A_636 : i32
      scf.if %cond3A_637 {
        %add3A_802 = arith.constant 3 : i32
        %add3A_803 = arith.addi %add3A_629, %add3A_802 : i32
        %dma_start3A_804 = arith.constant 3 : i32
        %dma_start3A_805 = arith.constant 3 : i32
        %dma_start3A_806 = arith.constant 0 : i32
        %dma_start3A_807 = arith.constant 0 : i32
        %dma_start3A_808 = tpu.memref_slice %arg9[%dma_start3A_804, %dma_start3A_806, %dma_start3A_807] : memref<4x64x128xf32, #tpu.memory_space<vmem>> -> memref<1x64x128xf32, #tpu.memory_space<vmem>>
        %dma_start3A_809 = tpu.memref_squeeze %dma_start3A_808 : memref<1x64x128xf32, #tpu.memory_space<vmem>> -> memref<64x128xf32, #tpu.memory_space<vmem>>
        %dma_start3A_810 = arith.constant 0 : i32
        %dma_start3A_811 = tpu.memref_slice %arg7[%add3A_803, %dma_start3A_810] : memref<40x64xi32, #tpu.memory_space<vmem>> -> memref<1x64xi32, #tpu.memory_space<vmem>>
        %dma_start3A_812 = tpu.memref_squeeze %dma_start3A_811 : memref<1x64xi32, #tpu.memory_space<vmem>> -> memref<64xi32, #tpu.memory_space<vmem>>
        %dma_start3A_813 = arith.constant 0 : i32
        %dma_start3A_814 = arith.constant 0 : i32
        %dma_start3A_815 = tpu.memref_slice %arg2[%add3A_3, %dma_start3A_813, %dma_start3A_814] : memref<4x10240x128xf32, #tpu.memory_space<hbm>> -> memref<1x10240x128xf32, #tpu.memory_space<hbm>>
        %dma_start3A_816 = tpu.memref_squeeze %dma_start3A_815 : memref<1x10240x128xf32, #tpu.memory_space<hbm>> -> memref<10240x128xf32, #tpu.memory_space<hbm>>
        %dma_start3A_817 = arith.constant 0 : i32
        %dma_start3A_818 = arith.constant 0 : i32
        %dma_start3A_819 = tpu.memref_slice %dma_start3A_816[%dma_start3A_817, %dma_start3A_818] : memref<10240x128xf32, #tpu.memory_space<hbm>> -> memref<10240x128xf32, #tpu.memory_space<hbm>>
        %dma_start3A_820 = tpu.memref_slice %arg11[%dma_start3A_805] : memref<4x!tpu.dma_semaphore, #tpu.memory_space<semaphore_mem>> -> memref<1x!tpu.dma_semaphore, #tpu.memory_space<semaphore_mem>>
        %dma_start3A_821 = tpu.memref_squeeze %dma_start3A_820 : memref<1x!tpu.dma_semaphore, #tpu.memory_space<semaphore_mem>> -> memref<!tpu.dma_semaphore, #tpu.memory_space<semaphore_mem>>
        tpu.enqueue_indirect_dma source(%dma_start3A_819 : memref<10240x128xf32, #tpu.memory_space<hbm>>) target(%dma_start3A_809 : memref<64x128xf32, #tpu.memory_space<vmem>>) offsets(%dma_start3A_812 : memref<64xi32, #tpu.memory_space<vmem>>) semaphore(%dma_start3A_821 : memref<!tpu.dma_semaphore, #tpu.memory_space<semaphore_mem>>)
      } else {
      }
      %dma_wait3A_638 = arith.constant 0 : i32
      %dma_wait3A_639 = arith.constant 0 : i32
      %dma_wait3A_640 = arith.constant 0 : i32
      %dma_wait3A_641 = arith.constant 0 : i32
      %dma_wait3A_642 = tpu.memref_slice %arg9[%dma_wait3A_638, %dma_wait3A_640, %dma_wait3A_641] : memref<4x64x128xf32, #tpu.memory_space<vmem>> -> memref<1x64x128xf32, #tpu.memory_space<vmem>>
      %dma_wait3A_643 = tpu.memref_squeeze %dma_wait3A_642 : memref<1x64x128xf32, #tpu.memory_space<vmem>> -> memref<64x128xf32, #tpu.memory_space<vmem>>
      %dma_wait3A_644 = arith.constant 0 : i32
      %dma_wait3A_645 = tpu.memref_slice %arg7[%add3A_629, %dma_wait3A_644] : memref<40x64xi32, #tpu.memory_space<vmem>> -> memref<1x64xi32, #tpu.memory_space<vmem>>
      %dma_wait3A_646 = tpu.memref_squeeze %dma_wait3A_645 : memref<1x64xi32, #tpu.memory_space<vmem>> -> memref<64xi32, #tpu.memory_space<vmem>>
      %dma_wait3A_647 = arith.constant 0 : i32
      %dma_wait3A_648 = arith.constant 0 : i32
      %dma_wait3A_649 = tpu.memref_slice %arg2[%add3A_3, %dma_wait3A_647, %dma_wait3A_648] : memref<4x10240x128xf32, #tpu.memory_space<hbm>> -> memref<1x10240x128xf32, #tpu.memory_space<hbm>>
      %dma_wait3A_650 = tpu.memref_squeeze %dma_wait3A_649 : memref<1x10240x128xf32, #tpu.memory_space<hbm>> -> memref<10240x128xf32, #tpu.memory_space<hbm>>
      %dma_wait3A_651 = arith.constant 0 : i32
      %dma_wait3A_652 = arith.constant 0 : i32
      %dma_wait3A_653 = tpu.memref_slice %dma_wait3A_650[%dma_wait3A_651, %dma_wait3A_652] : memref<10240x128xf32, #tpu.memory_space<hbm>> -> memref<10240x128xf32, #tpu.memory_space<hbm>>
      %dma_wait3A_654 = tpu.memref_slice %arg11[%dma_wait3A_639] : memref<4x!tpu.dma_semaphore, #tpu.memory_space<semaphore_mem>> -> memref<1x!tpu.dma_semaphore, #tpu.memory_space<semaphore_mem>>
      %dma_wait3A_655 = tpu.memref_squeeze %dma_wait3A_654 : memref<1x!tpu.dma_semaphore, #tpu.memory_space<semaphore_mem>> -> memref<!tpu.dma_semaphore, #tpu.memory_space<semaphore_mem>>
      tpu.wait_indirect_dma semaphore(%dma_wait3A_655 : memref<!tpu.dma_semaphore, #tpu.memory_space<semaphore_mem>>) src(%dma_wait3A_653 : memref<10240x128xf32, #tpu.memory_space<hbm>>) dst(%dma_wait3A_643 : memref<64x128xf32, #tpu.memory_space<vmem>>)
      %dma_start3A_656 = arith.constant 0 : i32
      %dma_start3A_657 = arith.constant 0 : i32
      %dma_start3A_658 = arith.constant 0 : i32
      %dma_start3A_659 = tpu.memref_slice %arg9[%dma_start3A_656, %dma_start3A_657, %dma_start3A_658] : memref<4x64x128xf32, #tpu.memory_space<vmem>> -> memref<1x64x128xf32, #tpu.memory_space<vmem>>
      %dma_start3A_660 = tpu.memref_squeeze %dma_start3A_659 : memref<1x64x128xf32, #tpu.memory_space<vmem>> -> memref<64x128xf32, #tpu.memory_space<vmem>>
      %dma_start3A_661 = arith.constant 0 : i32
      %dma_start3A_662 = tpu.memref_slice %arg8[%add3A_629, %dma_start3A_661] : memref<40x64xi32, #tpu.memory_space<vmem>> -> memref<1x64xi32, #tpu.memory_space<vmem>>
      %dma_start3A_663 = tpu.memref_squeeze %dma_start3A_662 : memref<1x64xi32, #tpu.memory_space<vmem>> -> memref<64xi32, #tpu.memory_space<vmem>>
      %dma_start3A_664 = arith.constant 0 : i32
      %dma_start3A_665 = arith.constant 0 : i32
      %dma_start3A_666 = tpu.memref_slice %arg10[%dma_start3A_664, %dma_start3A_665] : memref<10240x128xf32, #tpu.memory_space<vmem_shared>> -> memref<10240x128xf32, #tpu.memory_space<vmem_shared>>
      tpu.enqueue_indirect_dma source(%dma_start3A_660 : memref<64x128xf32, #tpu.memory_space<vmem>>) target(%dma_start3A_666 : memref<10240x128xf32, #tpu.memory_space<vmem_shared>>) offsets(%dma_start3A_663 : memref<64xi32, #tpu.memory_space<vmem>>) semaphore(%arg12 : memref<!tpu.dma_semaphore, #tpu.memory_space<semaphore_mem>>) {add = true}
      %mul3A_667 = arith.constant 4 : i32
      %mul3A_668 = arith.muli %scan3A_625, %mul3A_667 : i32
      %add3A_669 = arith.constant 1 : i32
      %add3A_670 = arith.addi %mul3A_668, %add3A_669 : i32
      %gt3A_671 = arith.constant 0 : i32
      %gt3A_672 = arith.cmpi sgt, %add3A_670, %gt3A_671 : i32
      %convert_element_type3A_673 = arith.extui %gt3A_672 : i1 to i32
      %cond3A_674 = arith.constant 0 : i32
      %cond3A_675 = arith.cmpi ne, %convert_element_type3A_673, %cond3A_674 : i32
      scf.if %cond3A_675 {
        %sub3A = arith.constant 1 : i32
        %sub3A_802 = arith.subi %add3A_670, %sub3A : i32
        %dma_wait3A_803 = arith.constant 0 : i32
        %dma_wait3A_804 = arith.constant 0 : i32
        %dma_wait3A_805 = arith.constant 0 : i32
        %dma_wait3A_806 = tpu.memref_slice %arg9[%dma_wait3A_803, %dma_wait3A_804, %dma_wait3A_805] : memref<4x64x128xf32, #tpu.memory_space<vmem>> -> memref<1x64x128xf32, #tpu.memory_space<vmem>>
        %dma_wait3A_807 = tpu.memref_squeeze %dma_wait3A_806 : memref<1x64x128xf32, #tpu.memory_space<vmem>> -> memref<64x128xf32, #tpu.memory_space<vmem>>
        %dma_wait3A_808 = arith.constant 0 : i32
        %dma_wait3A_809 = tpu.memref_slice %arg8[%sub3A_802, %dma_wait3A_808] : memref<40x64xi32, #tpu.memory_space<vmem>> -> memref<1x64xi32, #tpu.memory_space<vmem>>
        %dma_wait3A_810 = tpu.memref_squeeze %dma_wait3A_809 : memref<1x64xi32, #tpu.memory_space<vmem>> -> memref<64xi32, #tpu.memory_space<vmem>>
        %dma_wait3A_811 = arith.constant 0 : i32
        %dma_wait3A_812 = arith.constant 0 : i32
        %dma_wait3A_813 = tpu.memref_slice %arg10[%dma_wait3A_811, %dma_wait3A_812] : memref<10240x128xf32, #tpu.memory_space<vmem_shared>> -> memref<10240x128xf32, #tpu.memory_space<vmem_shared>>
        tpu.wait_indirect_dma semaphore(%arg12 : memref<!tpu.dma_semaphore, #tpu.memory_space<semaphore_mem>>) src(%dma_wait3A_807 : memref<64x128xf32, #tpu.memory_space<vmem>>) dst(%dma_wait3A_813 : memref<10240x128xf32, #tpu.memory_space<vmem_shared>>)
      } else {
      }
      %add3A_676 = arith.constant 3 : i32
      %add3A_677 = arith.addi %add3A_670, %add3A_676 : i32
      %lt3A_678 = arith.constant 40 : i32
      %lt3A_679 = arith.cmpi slt, %add3A_677, %lt3A_678 : i32
      %convert_element_type3A_680 = arith.extui %lt3A_679 : i1 to i32
      %cond3A_681 = arith.constant 0 : i32
      %cond3A_682 = arith.cmpi ne, %convert_element_type3A_680, %cond3A_681 : i32
      scf.if %cond3A_682 {
        %add3A_802 = arith.constant 3 : i32
        %add3A_803 = arith.addi %add3A_670, %add3A_802 : i32
        %dma_start3A_804 = arith.constant 0 : i32
        %dma_start3A_805 = arith.constant 0 : i32
        %dma_start3A_806 = arith.constant 0 : i32
        %dma_start3A_807 = arith.constant 0 : i32
        %dma_start3A_808 = tpu.memref_slice %arg9[%dma_start3A_804, %dma_start3A_806, %dma_start3A_807] : memref<4x64x128xf32, #tpu.memory_space<vmem>> -> memref<1x64x128xf32, #tpu.memory_space<vmem>>
        %dma_start3A_809 = tpu.memref_squeeze %dma_start3A_808 : memref<1x64x128xf32, #tpu.memory_space<vmem>> -> memref<64x128xf32, #tpu.memory_space<vmem>>
        %dma_start3A_810 = arith.constant 0 : i32
        %dma_start3A_811 = tpu.memref_slice %arg7[%add3A_803, %dma_start3A_810] : memref<40x64xi32, #tpu.memory_space<vmem>> -> memref<1x64xi32, #tpu.memory_space<vmem>>
        %dma_start3A_812 = tpu.memref_squeeze %dma_start3A_811 : memref<1x64xi32, #tpu.memory_space<vmem>> -> memref<64xi32, #tpu.memory_space<vmem>>
        %dma_start3A_813 = arith.constant 0 : i32
        %dma_start3A_814 = arith.constant 0 : i32
        %dma_start3A_815 = tpu.memref_slice %arg2[%add3A_3, %dma_start3A_813, %dma_start3A_814] : memref<4x10240x128xf32, #tpu.memory_space<hbm>> -> memref<1x10240x128xf32, #tpu.memory_space<hbm>>
        %dma_start3A_816 = tpu.memref_squeeze %dma_start3A_815 : memref<1x10240x128xf32, #tpu.memory_space<hbm>> -> memref<10240x128xf32, #tpu.memory_space<hbm>>
        %dma_start3A_817 = arith.constant 0 : i32
        %dma_start3A_818 = arith.constant 0 : i32
        %dma_start3A_819 = tpu.memref_slice %dma_start3A_816[%dma_start3A_817, %dma_start3A_818] : memref<10240x128xf32, #tpu.memory_space<hbm>> -> memref<10240x128xf32, #tpu.memory_space<hbm>>
        %dma_start3A_820 = tpu.memref_slice %arg11[%dma_start3A_805] : memref<4x!tpu.dma_semaphore, #tpu.memory_space<semaphore_mem>> -> memref<1x!tpu.dma_semaphore, #tpu.memory_space<semaphore_mem>>
        %dma_start3A_821 = tpu.memref_squeeze %dma_start3A_820 : memref<1x!tpu.dma_semaphore, #tpu.memory_space<semaphore_mem>> -> memref<!tpu.dma_semaphore, #tpu.memory_space<semaphore_mem>>
        tpu.enqueue_indirect_dma source(%dma_start3A_819 : memref<10240x128xf32, #tpu.memory_space<hbm>>) target(%dma_start3A_809 : memref<64x128xf32, #tpu.memory_space<vmem>>) offsets(%dma_start3A_812 : memref<64xi32, #tpu.memory_space<vmem>>) semaphore(%dma_start3A_821 : memref<!tpu.dma_semaphore, #tpu.memory_space<semaphore_mem>>)
      } else {
      }
      %dma_wait3A_683 = arith.constant 1 : i32
      %dma_wait3A_684 = arith.constant 1 : i32
      %dma_wait3A_685 = arith.constant 0 : i32
      %dma_wait3A_686 = arith.constant 0 : i32
      %dma_wait3A_687 = tpu.memref_slice %arg9[%dma_wait3A_683, %dma_wait3A_685, %dma_wait3A_686] : memref<4x64x128xf32, #tpu.memory_space<vmem>> -> memref<1x64x128xf32, #tpu.memory_space<vmem>>
      %dma_wait3A_688 = tpu.memref_squeeze %dma_wait3A_687 : memref<1x64x128xf32, #tpu.memory_space<vmem>> -> memref<64x128xf32, #tpu.memory_space<vmem>>
      %dma_wait3A_689 = arith.constant 0 : i32
      %dma_wait3A_690 = tpu.memref_slice %arg7[%add3A_670, %dma_wait3A_689] : memref<40x64xi32, #tpu.memory_space<vmem>> -> memref<1x64xi32, #tpu.memory_space<vmem>>
      %dma_wait3A_691 = tpu.memref_squeeze %dma_wait3A_690 : memref<1x64xi32, #tpu.memory_space<vmem>> -> memref<64xi32, #tpu.memory_space<vmem>>
      %dma_wait3A_692 = arith.constant 0 : i32
      %dma_wait3A_693 = arith.constant 0 : i32
      %dma_wait3A_694 = tpu.memref_slice %arg2[%add3A_3, %dma_wait3A_692, %dma_wait3A_693] : memref<4x10240x128xf32, #tpu.memory_space<hbm>> -> memref<1x10240x128xf32, #tpu.memory_space<hbm>>
      %dma_wait3A_695 = tpu.memref_squeeze %dma_wait3A_694 : memref<1x10240x128xf32, #tpu.memory_space<hbm>> -> memref<10240x128xf32, #tpu.memory_space<hbm>>
      %dma_wait3A_696 = arith.constant 0 : i32
      %dma_wait3A_697 = arith.constant 0 : i32
      %dma_wait3A_698 = tpu.memref_slice %dma_wait3A_695[%dma_wait3A_696, %dma_wait3A_697] : memref<10240x128xf32, #tpu.memory_space<hbm>> -> memref<10240x128xf32, #tpu.memory_space<hbm>>
      %dma_wait3A_699 = tpu.memref_slice %arg11[%dma_wait3A_684] : memref<4x!tpu.dma_semaphore, #tpu.memory_space<semaphore_mem>> -> memref<1x!tpu.dma_semaphore, #tpu.memory_space<semaphore_mem>>
      %dma_wait3A_700 = tpu.memref_squeeze %dma_wait3A_699 : memref<1x!tpu.dma_semaphore, #tpu.memory_space<semaphore_mem>> -> memref<!tpu.dma_semaphore, #tpu.memory_space<semaphore_mem>>
      tpu.wait_indirect_dma semaphore(%dma_wait3A_700 : memref<!tpu.dma_semaphore, #tpu.memory_space<semaphore_mem>>) src(%dma_wait3A_698 : memref<10240x128xf32, #tpu.memory_space<hbm>>) dst(%dma_wait3A_688 : memref<64x128xf32, #tpu.memory_space<vmem>>)
      %dma_start3A_701 = arith.constant 1 : i32
      %dma_start3A_702 = arith.constant 0 : i32
      %dma_start3A_703 = arith.constant 0 : i32
      %dma_start3A_704 = tpu.memref_slice %arg9[%dma_start3A_701, %dma_start3A_702, %dma_start3A_703] : memref<4x64x128xf32, #tpu.memory_space<vmem>> -> memref<1x64x128xf32, #tpu.memory_space<vmem>>
      %dma_start3A_705 = tpu.memref_squeeze %dma_start3A_704 : memref<1x64x128xf32, #tpu.memory_space<vmem>> -> memref<64x128xf32, #tpu.memory_space<vmem>>
      %dma_start3A_706 = arith.constant 0 : i32
      %dma_start3A_707 = tpu.memref_slice %arg8[%add3A_670, %dma_start3A_706] : memref<40x64xi32, #tpu.memory_space<vmem>> -> memref<1x64xi32, #tpu.memory_space<vmem>>
      %dma_start3A_708 = tpu.memref_squeeze %dma_start3A_707 : memref<1x64xi32, #tpu.memory_space<vmem>> -> memref<64xi32, #tpu.memory_space<vmem>>
      %dma_start3A_709 = arith.constant 0 : i32
      %dma_start3A_710 = arith.constant 0 : i32
      %dma_start3A_711 = tpu.memref_slice %arg10[%dma_start3A_709, %dma_start3A_710] : memref<10240x128xf32, #tpu.memory_space<vmem_shared>> -> memref<10240x128xf32, #tpu.memory_space<vmem_shared>>
      tpu.enqueue_indirect_dma source(%dma_start3A_705 : memref<64x128xf32, #tpu.memory_space<vmem>>) target(%dma_start3A_711 : memref<10240x128xf32, #tpu.memory_space<vmem_shared>>) offsets(%dma_start3A_708 : memref<64xi32, #tpu.memory_space<vmem>>) semaphore(%arg12 : memref<!tpu.dma_semaphore, #tpu.memory_space<semaphore_mem>>) {add = true}
      %mul3A_712 = arith.constant 4 : i32
      %mul3A_713 = arith.muli %scan3A_625, %mul3A_712 : i32
      %add3A_714 = arith.constant 2 : i32
      %add3A_715 = arith.addi %mul3A_713, %add3A_714 : i32
      %gt3A_716 = arith.constant 0 : i32
      %gt3A_717 = arith.cmpi sgt, %add3A_715, %gt3A_716 : i32
      %convert_element_type3A_718 = arith.extui %gt3A_717 : i1 to i32
      %cond3A_719 = arith.constant 0 : i32
      %cond3A_720 = arith.cmpi ne, %convert_element_type3A_718, %cond3A_719 : i32
      scf.if %cond3A_720 {
        %sub3A = arith.constant 1 : i32
        %sub3A_802 = arith.subi %add3A_715, %sub3A : i32
        %dma_wait3A_803 = arith.constant 1 : i32
        %dma_wait3A_804 = arith.constant 0 : i32
        %dma_wait3A_805 = arith.constant 0 : i32
        %dma_wait3A_806 = tpu.memref_slice %arg9[%dma_wait3A_803, %dma_wait3A_804, %dma_wait3A_805] : memref<4x64x128xf32, #tpu.memory_space<vmem>> -> memref<1x64x128xf32, #tpu.memory_space<vmem>>
        %dma_wait3A_807 = tpu.memref_squeeze %dma_wait3A_806 : memref<1x64x128xf32, #tpu.memory_space<vmem>> -> memref<64x128xf32, #tpu.memory_space<vmem>>
        %dma_wait3A_808 = arith.constant 0 : i32
        %dma_wait3A_809 = tpu.memref_slice %arg8[%sub3A_802, %dma_wait3A_808] : memref<40x64xi32, #tpu.memory_space<vmem>> -> memref<1x64xi32, #tpu.memory_space<vmem>>
        %dma_wait3A_810 = tpu.memref_squeeze %dma_wait3A_809 : memref<1x64xi32, #tpu.memory_space<vmem>> -> memref<64xi32, #tpu.memory_space<vmem>>
        %dma_wait3A_811 = arith.constant 0 : i32
        %dma_wait3A_812 = arith.constant 0 : i32
        %dma_wait3A_813 = tpu.memref_slice %arg10[%dma_wait3A_811, %dma_wait3A_812] : memref<10240x128xf32, #tpu.memory_space<vmem_shared>> -> memref<10240x128xf32, #tpu.memory_space<vmem_shared>>
        tpu.wait_indirect_dma semaphore(%arg12 : memref<!tpu.dma_semaphore, #tpu.memory_space<semaphore_mem>>) src(%dma_wait3A_807 : memref<64x128xf32, #tpu.memory_space<vmem>>) dst(%dma_wait3A_813 : memref<10240x128xf32, #tpu.memory_space<vmem_shared>>)
      } else {
      }
      %add3A_721 = arith.constant 3 : i32
      %add3A_722 = arith.addi %add3A_715, %add3A_721 : i32
      %lt3A_723 = arith.constant 40 : i32
      %lt3A_724 = arith.cmpi slt, %add3A_722, %lt3A_723 : i32
      %convert_element_type3A_725 = arith.extui %lt3A_724 : i1 to i32
      %cond3A_726 = arith.constant 0 : i32
      %cond3A_727 = arith.cmpi ne, %convert_element_type3A_725, %cond3A_726 : i32
      scf.if %cond3A_727 {
        %add3A_802 = arith.constant 3 : i32
        %add3A_803 = arith.addi %add3A_715, %add3A_802 : i32
        %dma_start3A_804 = arith.constant 1 : i32
        %dma_start3A_805 = arith.constant 1 : i32
        %dma_start3A_806 = arith.constant 0 : i32
        %dma_start3A_807 = arith.constant 0 : i32
        %dma_start3A_808 = tpu.memref_slice %arg9[%dma_start3A_804, %dma_start3A_806, %dma_start3A_807] : memref<4x64x128xf32, #tpu.memory_space<vmem>> -> memref<1x64x128xf32, #tpu.memory_space<vmem>>
        %dma_start3A_809 = tpu.memref_squeeze %dma_start3A_808 : memref<1x64x128xf32, #tpu.memory_space<vmem>> -> memref<64x128xf32, #tpu.memory_space<vmem>>
        %dma_start3A_810 = arith.constant 0 : i32
        %dma_start3A_811 = tpu.memref_slice %arg7[%add3A_803, %dma_start3A_810] : memref<40x64xi32, #tpu.memory_space<vmem>> -> memref<1x64xi32, #tpu.memory_space<vmem>>
        %dma_start3A_812 = tpu.memref_squeeze %dma_start3A_811 : memref<1x64xi32, #tpu.memory_space<vmem>> -> memref<64xi32, #tpu.memory_space<vmem>>
        %dma_start3A_813 = arith.constant 0 : i32
        %dma_start3A_814 = arith.constant 0 : i32
        %dma_start3A_815 = tpu.memref_slice %arg2[%add3A_3, %dma_start3A_813, %dma_start3A_814] : memref<4x10240x128xf32, #tpu.memory_space<hbm>> -> memref<1x10240x128xf32, #tpu.memory_space<hbm>>
        %dma_start3A_816 = tpu.memref_squeeze %dma_start3A_815 : memref<1x10240x128xf32, #tpu.memory_space<hbm>> -> memref<10240x128xf32, #tpu.memory_space<hbm>>
        %dma_start3A_817 = arith.constant 0 : i32
        %dma_start3A_818 = arith.constant 0 : i32
        %dma_start3A_819 = tpu.memref_slice %dma_start3A_816[%dma_start3A_817, %dma_start3A_818] : memref<10240x128xf32, #tpu.memory_space<hbm>> -> memref<10240x128xf32, #tpu.memory_space<hbm>>
        %dma_start3A_820 = tpu.memref_slice %arg11[%dma_start3A_805] : memref<4x!tpu.dma_semaphore, #tpu.memory_space<semaphore_mem>> -> memref<1x!tpu.dma_semaphore, #tpu.memory_space<semaphore_mem>>
        %dma_start3A_821 = tpu.memref_squeeze %dma_start3A_820 : memref<1x!tpu.dma_semaphore, #tpu.memory_space<semaphore_mem>> -> memref<!tpu.dma_semaphore, #tpu.memory_space<semaphore_mem>>
        tpu.enqueue_indirect_dma source(%dma_start3A_819 : memref<10240x128xf32, #tpu.memory_space<hbm>>) target(%dma_start3A_809 : memref<64x128xf32, #tpu.memory_space<vmem>>) offsets(%dma_start3A_812 : memref<64xi32, #tpu.memory_space<vmem>>) semaphore(%dma_start3A_821 : memref<!tpu.dma_semaphore, #tpu.memory_space<semaphore_mem>>)
      } else {
      }
      %dma_wait3A_728 = arith.constant 2 : i32
      %dma_wait3A_729 = arith.constant 2 : i32
      %dma_wait3A_730 = arith.constant 0 : i32
      %dma_wait3A_731 = arith.constant 0 : i32
      %dma_wait3A_732 = tpu.memref_slice %arg9[%dma_wait3A_728, %dma_wait3A_730, %dma_wait3A_731] : memref<4x64x128xf32, #tpu.memory_space<vmem>> -> memref<1x64x128xf32, #tpu.memory_space<vmem>>
      %dma_wait3A_733 = tpu.memref_squeeze %dma_wait3A_732 : memref<1x64x128xf32, #tpu.memory_space<vmem>> -> memref<64x128xf32, #tpu.memory_space<vmem>>
      %dma_wait3A_734 = arith.constant 0 : i32
      %dma_wait3A_735 = tpu.memref_slice %arg7[%add3A_715, %dma_wait3A_734] : memref<40x64xi32, #tpu.memory_space<vmem>> -> memref<1x64xi32, #tpu.memory_space<vmem>>
      %dma_wait3A_736 = tpu.memref_squeeze %dma_wait3A_735 : memref<1x64xi32, #tpu.memory_space<vmem>> -> memref<64xi32, #tpu.memory_space<vmem>>
      %dma_wait3A_737 = arith.constant 0 : i32
      %dma_wait3A_738 = arith.constant 0 : i32
      %dma_wait3A_739 = tpu.memref_slice %arg2[%add3A_3, %dma_wait3A_737, %dma_wait3A_738] : memref<4x10240x128xf32, #tpu.memory_space<hbm>> -> memref<1x10240x128xf32, #tpu.memory_space<hbm>>
      %dma_wait3A_740 = tpu.memref_squeeze %dma_wait3A_739 : memref<1x10240x128xf32, #tpu.memory_space<hbm>> -> memref<10240x128xf32, #tpu.memory_space<hbm>>
      %dma_wait3A_741 = arith.constant 0 : i32
      %dma_wait3A_742 = arith.constant 0 : i32
      %dma_wait3A_743 = tpu.memref_slice %dma_wait3A_740[%dma_wait3A_741, %dma_wait3A_742] : memref<10240x128xf32, #tpu.memory_space<hbm>> -> memref<10240x128xf32, #tpu.memory_space<hbm>>
      %dma_wait3A_744 = tpu.memref_slice %arg11[%dma_wait3A_729] : memref<4x!tpu.dma_semaphore, #tpu.memory_space<semaphore_mem>> -> memref<1x!tpu.dma_semaphore, #tpu.memory_space<semaphore_mem>>
      %dma_wait3A_745 = tpu.memref_squeeze %dma_wait3A_744 : memref<1x!tpu.dma_semaphore, #tpu.memory_space<semaphore_mem>> -> memref<!tpu.dma_semaphore, #tpu.memory_space<semaphore_mem>>
      tpu.wait_indirect_dma semaphore(%dma_wait3A_745 : memref<!tpu.dma_semaphore, #tpu.memory_space<semaphore_mem>>) src(%dma_wait3A_743 : memref<10240x128xf32, #tpu.memory_space<hbm>>) dst(%dma_wait3A_733 : memref<64x128xf32, #tpu.memory_space<vmem>>)
      %dma_start3A_746 = arith.constant 2 : i32
      %dma_start3A_747 = arith.constant 0 : i32
      %dma_start3A_748 = arith.constant 0 : i32
      %dma_start3A_749 = tpu.memref_slice %arg9[%dma_start3A_746, %dma_start3A_747, %dma_start3A_748] : memref<4x64x128xf32, #tpu.memory_space<vmem>> -> memref<1x64x128xf32, #tpu.memory_space<vmem>>
      %dma_start3A_750 = tpu.memref_squeeze %dma_start3A_749 : memref<1x64x128xf32, #tpu.memory_space<vmem>> -> memref<64x128xf32, #tpu.memory_space<vmem>>
      %dma_start3A_751 = arith.constant 0 : i32
      %dma_start3A_752 = tpu.memref_slice %arg8[%add3A_715, %dma_start3A_751] : memref<40x64xi32, #tpu.memory_space<vmem>> -> memref<1x64xi32, #tpu.memory_space<vmem>>
      %dma_start3A_753 = tpu.memref_squeeze %dma_start3A_752 : memref<1x64xi32, #tpu.memory_space<vmem>> -> memref<64xi32, #tpu.memory_space<vmem>>
      %dma_start3A_754 = arith.constant 0 : i32
      %dma_start3A_755 = arith.constant 0 : i32
      %dma_start3A_756 = tpu.memref_slice %arg10[%dma_start3A_754, %dma_start3A_755] : memref<10240x128xf32, #tpu.memory_space<vmem_shared>> -> memref<10240x128xf32, #tpu.memory_space<vmem_shared>>
      tpu.enqueue_indirect_dma source(%dma_start3A_750 : memref<64x128xf32, #tpu.memory_space<vmem>>) target(%dma_start3A_756 : memref<10240x128xf32, #tpu.memory_space<vmem_shared>>) offsets(%dma_start3A_753 : memref<64xi32, #tpu.memory_space<vmem>>) semaphore(%arg12 : memref<!tpu.dma_semaphore, #tpu.memory_space<semaphore_mem>>) {add = true}
      %mul3A_757 = arith.constant 4 : i32
      %mul3A_758 = arith.muli %scan3A_625, %mul3A_757 : i32
      %add3A_759 = arith.constant 3 : i32
      %add3A_760 = arith.addi %mul3A_758, %add3A_759 : i32
      %gt3A_761 = arith.constant 0 : i32
      %gt3A_762 = arith.cmpi sgt, %add3A_760, %gt3A_761 : i32
      %convert_element_type3A_763 = arith.extui %gt3A_762 : i1 to i32
      %cond3A_764 = arith.constant 0 : i32
      %cond3A_765 = arith.cmpi ne, %convert_element_type3A_763, %cond3A_764 : i32
      scf.if %cond3A_765 {
        %sub3A = arith.constant 1 : i32
        %sub3A_802 = arith.subi %add3A_760, %sub3A : i32
        %dma_wait3A_803 = arith.constant 2 : i32
        %dma_wait3A_804 = arith.constant 0 : i32
        %dma_wait3A_805 = arith.constant 0 : i32
        %dma_wait3A_806 = tpu.memref_slice %arg9[%dma_wait3A_803, %dma_wait3A_804, %dma_wait3A_805] : memref<4x64x128xf32, #tpu.memory_space<vmem>> -> memref<1x64x128xf32, #tpu.memory_space<vmem>>
        %dma_wait3A_807 = tpu.memref_squeeze %dma_wait3A_806 : memref<1x64x128xf32, #tpu.memory_space<vmem>> -> memref<64x128xf32, #tpu.memory_space<vmem>>
        %dma_wait3A_808 = arith.constant 0 : i32
        %dma_wait3A_809 = tpu.memref_slice %arg8[%sub3A_802, %dma_wait3A_808] : memref<40x64xi32, #tpu.memory_space<vmem>> -> memref<1x64xi32, #tpu.memory_space<vmem>>
        %dma_wait3A_810 = tpu.memref_squeeze %dma_wait3A_809 : memref<1x64xi32, #tpu.memory_space<vmem>> -> memref<64xi32, #tpu.memory_space<vmem>>
        %dma_wait3A_811 = arith.constant 0 : i32
        %dma_wait3A_812 = arith.constant 0 : i32
        %dma_wait3A_813 = tpu.memref_slice %arg10[%dma_wait3A_811, %dma_wait3A_812] : memref<10240x128xf32, #tpu.memory_space<vmem_shared>> -> memref<10240x128xf32, #tpu.memory_space<vmem_shared>>
        tpu.wait_indirect_dma semaphore(%arg12 : memref<!tpu.dma_semaphore, #tpu.memory_space<semaphore_mem>>) src(%dma_wait3A_807 : memref<64x128xf32, #tpu.memory_space<vmem>>) dst(%dma_wait3A_813 : memref<10240x128xf32, #tpu.memory_space<vmem_shared>>)
      } else {
      }
      %add3A_766 = arith.constant 3 : i32
      %add3A_767 = arith.addi %add3A_760, %add3A_766 : i32
      %lt3A_768 = arith.constant 40 : i32
      %lt3A_769 = arith.cmpi slt, %add3A_767, %lt3A_768 : i32
      %convert_element_type3A_770 = arith.extui %lt3A_769 : i1 to i32
      %cond3A_771 = arith.constant 0 : i32
      %cond3A_772 = arith.cmpi ne, %convert_element_type3A_770, %cond3A_771 : i32
      scf.if %cond3A_772 {
        %add3A_802 = arith.constant 3 : i32
        %add3A_803 = arith.addi %add3A_760, %add3A_802 : i32
        %dma_start3A_804 = arith.constant 2 : i32
        %dma_start3A_805 = arith.constant 2 : i32
        %dma_start3A_806 = arith.constant 0 : i32
        %dma_start3A_807 = arith.constant 0 : i32
        %dma_start3A_808 = tpu.memref_slice %arg9[%dma_start3A_804, %dma_start3A_806, %dma_start3A_807] : memref<4x64x128xf32, #tpu.memory_space<vmem>> -> memref<1x64x128xf32, #tpu.memory_space<vmem>>
        %dma_start3A_809 = tpu.memref_squeeze %dma_start3A_808 : memref<1x64x128xf32, #tpu.memory_space<vmem>> -> memref<64x128xf32, #tpu.memory_space<vmem>>
        %dma_start3A_810 = arith.constant 0 : i32
        %dma_start3A_811 = tpu.memref_slice %arg7[%add3A_803, %dma_start3A_810] : memref<40x64xi32, #tpu.memory_space<vmem>> -> memref<1x64xi32, #tpu.memory_space<vmem>>
        %dma_start3A_812 = tpu.memref_squeeze %dma_start3A_811 : memref<1x64xi32, #tpu.memory_space<vmem>> -> memref<64xi32, #tpu.memory_space<vmem>>
        %dma_start3A_813 = arith.constant 0 : i32
        %dma_start3A_814 = arith.constant 0 : i32
        %dma_start3A_815 = tpu.memref_slice %arg2[%add3A_3, %dma_start3A_813, %dma_start3A_814] : memref<4x10240x128xf32, #tpu.memory_space<hbm>> -> memref<1x10240x128xf32, #tpu.memory_space<hbm>>
        %dma_start3A_816 = tpu.memref_squeeze %dma_start3A_815 : memref<1x10240x128xf32, #tpu.memory_space<hbm>> -> memref<10240x128xf32, #tpu.memory_space<hbm>>
        %dma_start3A_817 = arith.constant 0 : i32
        %dma_start3A_818 = arith.constant 0 : i32
        %dma_start3A_819 = tpu.memref_slice %dma_start3A_816[%dma_start3A_817, %dma_start3A_818] : memref<10240x128xf32, #tpu.memory_space<hbm>> -> memref<10240x128xf32, #tpu.memory_space<hbm>>
        %dma_start3A_820 = tpu.memref_slice %arg11[%dma_start3A_805] : memref<4x!tpu.dma_semaphore, #tpu.memory_space<semaphore_mem>> -> memref<1x!tpu.dma_semaphore, #tpu.memory_space<semaphore_mem>>
        %dma_start3A_821 = tpu.memref_squeeze %dma_start3A_820 : memref<1x!tpu.dma_semaphore, #tpu.memory_space<semaphore_mem>> -> memref<!tpu.dma_semaphore, #tpu.memory_space<semaphore_mem>>
        tpu.enqueue_indirect_dma source(%dma_start3A_819 : memref<10240x128xf32, #tpu.memory_space<hbm>>) target(%dma_start3A_809 : memref<64x128xf32, #tpu.memory_space<vmem>>) offsets(%dma_start3A_812 : memref<64xi32, #tpu.memory_space<vmem>>) semaphore(%dma_start3A_821 : memref<!tpu.dma_semaphore, #tpu.memory_space<semaphore_mem>>)
      } else {
      }
      %dma_wait3A_773 = arith.constant 3 : i32
      %dma_wait3A_774 = arith.constant 3 : i32
      %dma_wait3A_775 = arith.constant 0 : i32
      %dma_wait3A_776 = arith.constant 0 : i32
      %dma_wait3A_777 = tpu.memref_slice %arg9[%dma_wait3A_773, %dma_wait3A_775, %dma_wait3A_776] : memref<4x64x128xf32, #tpu.memory_space<vmem>> -> memref<1x64x128xf32, #tpu.memory_space<vmem>>
      %dma_wait3A_778 = tpu.memref_squeeze %dma_wait3A_777 : memref<1x64x128xf32, #tpu.memory_space<vmem>> -> memref<64x128xf32, #tpu.memory_space<vmem>>
      %dma_wait3A_779 = arith.constant 0 : i32
      %dma_wait3A_780 = tpu.memref_slice %arg7[%add3A_760, %dma_wait3A_779] : memref<40x64xi32, #tpu.memory_space<vmem>> -> memref<1x64xi32, #tpu.memory_space<vmem>>
      %dma_wait3A_781 = tpu.memref_squeeze %dma_wait3A_780 : memref<1x64xi32, #tpu.memory_space<vmem>> -> memref<64xi32, #tpu.memory_space<vmem>>
      %dma_wait3A_782 = arith.constant 0 : i32
      %dma_wait3A_783 = arith.constant 0 : i32
      %dma_wait3A_784 = tpu.memref_slice %arg2[%add3A_3, %dma_wait3A_782, %dma_wait3A_783] : memref<4x10240x128xf32, #tpu.memory_space<hbm>> -> memref<1x10240x128xf32, #tpu.memory_space<hbm>>
      %dma_wait3A_785 = tpu.memref_squeeze %dma_wait3A_784 : memref<1x10240x128xf32, #tpu.memory_space<hbm>> -> memref<10240x128xf32, #tpu.memory_space<hbm>>
      %dma_wait3A_786 = arith.constant 0 : i32
      %dma_wait3A_787 = arith.constant 0 : i32
      %dma_wait3A_788 = tpu.memref_slice %dma_wait3A_785[%dma_wait3A_786, %dma_wait3A_787] : memref<10240x128xf32, #tpu.memory_space<hbm>> -> memref<10240x128xf32, #tpu.memory_space<hbm>>
      %dma_wait3A_789 = tpu.memref_slice %arg11[%dma_wait3A_774] : memref<4x!tpu.dma_semaphore, #tpu.memory_space<semaphore_mem>> -> memref<1x!tpu.dma_semaphore, #tpu.memory_space<semaphore_mem>>
      %dma_wait3A_790 = tpu.memref_squeeze %dma_wait3A_789 : memref<1x!tpu.dma_semaphore, #tpu.memory_space<semaphore_mem>> -> memref<!tpu.dma_semaphore, #tpu.memory_space<semaphore_mem>>
      tpu.wait_indirect_dma semaphore(%dma_wait3A_790 : memref<!tpu.dma_semaphore, #tpu.memory_space<semaphore_mem>>) src(%dma_wait3A_788 : memref<10240x128xf32, #tpu.memory_space<hbm>>) dst(%dma_wait3A_778 : memref<64x128xf32, #tpu.memory_space<vmem>>)
      %dma_start3A_791 = arith.constant 3 : i32
      %dma_start3A_792 = arith.constant 0 : i32
      %dma_start3A_793 = arith.constant 0 : i32
      %dma_start3A_794 = tpu.memref_slice %arg9[%dma_start3A_791, %dma_start3A_792, %dma_start3A_793] : memref<4x64x128xf32, #tpu.memory_space<vmem>> -> memref<1x64x128xf32, #tpu.memory_space<vmem>>
      %dma_start3A_795 = tpu.memref_squeeze %dma_start3A_794 : memref<1x64x128xf32, #tpu.memory_space<vmem>> -> memref<64x128xf32, #tpu.memory_space<vmem>>
      %dma_start3A_796 = arith.constant 0 : i32
      %dma_start3A_797 = tpu.memref_slice %arg8[%add3A_760, %dma_start3A_796] : memref<40x64xi32, #tpu.memory_space<vmem>> -> memref<1x64xi32, #tpu.memory_space<vmem>>
      %dma_start3A_798 = tpu.memref_squeeze %dma_start3A_797 : memref<1x64xi32, #tpu.memory_space<vmem>> -> memref<64xi32, #tpu.memory_space<vmem>>
      %dma_start3A_799 = arith.constant 0 : i32
      %dma_start3A_800 = arith.constant 0 : i32
      %dma_start3A_801 = tpu.memref_slice %arg10[%dma_start3A_799, %dma_start3A_800] : memref<10240x128xf32, #tpu.memory_space<vmem_shared>> -> memref<10240x128xf32, #tpu.memory_space<vmem_shared>>
      tpu.enqueue_indirect_dma source(%dma_start3A_795 : memref<64x128xf32, #tpu.memory_space<vmem>>) target(%dma_start3A_801 : memref<10240x128xf32, #tpu.memory_space<vmem_shared>>) offsets(%dma_start3A_798 : memref<64xi32, #tpu.memory_space<vmem>>) semaphore(%arg12 : memref<!tpu.dma_semaphore, #tpu.memory_space<semaphore_mem>>) {add = true}
    }
    %scan3A_218 = arith.constant 10 : i32
    %dma_wait3A_219 = arith.constant 3 : i32
    %dma_wait3A_220 = arith.constant 39 : i32
    %dma_wait3A_221 = arith.constant 0 : i32
    %dma_wait3A_222 = arith.constant 0 : i32
    %dma_wait3A_223 = tpu.memref_slice %arg9[%dma_wait3A_219, %dma_wait3A_221, %dma_wait3A_222] : memref<4x64x128xf32, #tpu.memory_space<vmem>> -> memref<1x64x128xf32, #tpu.memory_space<vmem>>
    %dma_wait3A_224 = tpu.memref_squeeze %dma_wait3A_223 : memref<1x64x128xf32, #tpu.memory_space<vmem>> -> memref<64x128xf32, #tpu.memory_space<vmem>>
    %dma_wait3A_225 = arith.constant 0 : i32
    %dma_wait3A_226 = tpu.memref_slice %arg8[%dma_wait3A_220, %dma_wait3A_225] : memref<40x64xi32, #tpu.memory_space<vmem>> -> memref<1x64xi32, #tpu.memory_space<vmem>>
    %dma_wait3A_227 = tpu.memref_squeeze %dma_wait3A_226 : memref<1x64xi32, #tpu.memory_space<vmem>> -> memref<64xi32, #tpu.memory_space<vmem>>
    %dma_wait3A_228 = arith.constant 0 : i32
    %dma_wait3A_229 = arith.constant 0 : i32
    %dma_wait3A_230 = tpu.memref_slice %arg10[%dma_wait3A_228, %dma_wait3A_229] : memref<10240x128xf32, #tpu.memory_space<vmem_shared>> -> memref<10240x128xf32, #tpu.memory_space<vmem_shared>>
    tpu.wait_indirect_dma semaphore(%arg12 : memref<!tpu.dma_semaphore, #tpu.memory_space<semaphore_mem>>) src(%dma_wait3A_224 : memref<64x128xf32, #tpu.memory_space<vmem>>) dst(%dma_wait3A_230 : memref<10240x128xf32, #tpu.memory_space<vmem_shared>>)
    %run_scoped3A_231 = arith.constant 3 : i32
    "tpu.region"() ({
      %run_scoped3A_625 = tpu.sem_alloc : memref<!tpu.dma_semaphore, #tpu.memory_space<semaphore_mem>>
      %dma_start3A_626 = arith.constant 0 : i32
      %dma_start3A_627 = arith.constant 0 : i32
      %dma_start3A_628 = tpu.memref_slice %arg3[%arg1, %run_scoped3A_231, %dma_start3A_626, %dma_start3A_627] : memref<16x4x40x64xi32, #tpu.memory_space<hbm>> -> memref<1x1x40x64xi32, #tpu.memory_space<hbm>>
      %dma_start3A_629 = tpu.memref_squeeze %dma_start3A_628 : memref<1x1x40x64xi32, #tpu.memory_space<hbm>> -> memref<40x64xi32, #tpu.memory_space<hbm>>
      %dma_start3A_630 = arith.constant 0 : i32
      %dma_start3A_631 = arith.constant 0 : i32
      %dma_start3A_632 = tpu.memref_slice %arg3[%arg1, %run_scoped3A_231, %dma_start3A_630, %dma_start3A_631] : memref<16x4x40x64xi32, #tpu.memory_space<hbm>> -> memref<1x1x40x64xi32, #tpu.memory_space<hbm>>
      %dma_start3A_633 = tpu.memref_squeeze %dma_start3A_632 : memref<1x1x40x64xi32, #tpu.memory_space<hbm>> -> memref<40x64xi32, #tpu.memory_space<hbm>>
      tpu.enqueue_dma source(%dma_start3A_633 : memref<40x64xi32, #tpu.memory_space<hbm>>) target(%arg7 : memref<40x64xi32, #tpu.memory_space<vmem>>) target_semaphore(%run_scoped3A_625 : memref<!tpu.dma_semaphore, #tpu.memory_space<semaphore_mem>>)
      %dma_wait3A_634 = arith.constant 0 : i32
      %dma_wait3A_635 = arith.constant 0 : i32
      %dma_wait3A_636 = tpu.memref_slice %arg3[%arg1, %run_scoped3A_231, %dma_wait3A_634, %dma_wait3A_635] : memref<16x4x40x64xi32, #tpu.memory_space<hbm>> -> memref<1x1x40x64xi32, #tpu.memory_space<hbm>>
      %dma_wait3A_637 = tpu.memref_squeeze %dma_wait3A_636 : memref<1x1x40x64xi32, #tpu.memory_space<hbm>> -> memref<40x64xi32, #tpu.memory_space<hbm>>
      %dma_wait3A_638 = arith.constant 0 : i32
      %dma_wait3A_639 = arith.constant 0 : i32
      %dma_wait3A_640 = tpu.memref_slice %arg3[%arg1, %run_scoped3A_231, %dma_wait3A_638, %dma_wait3A_639] : memref<16x4x40x64xi32, #tpu.memory_space<hbm>> -> memref<1x1x40x64xi32, #tpu.memory_space<hbm>>
      %dma_wait3A_641 = tpu.memref_squeeze %dma_wait3A_640 : memref<1x1x40x64xi32, #tpu.memory_space<hbm>> -> memref<40x64xi32, #tpu.memory_space<hbm>>
      tpu.wait_dma2 semaphore(%run_scoped3A_625 : memref<!tpu.dma_semaphore, #tpu.memory_space<semaphore_mem>>) src(%dma_wait3A_641 : memref<40x64xi32, #tpu.memory_space<hbm>>) dst(%arg7 : memref<40x64xi32, #tpu.memory_space<vmem>>)
      tpu.yield
    }) : () -> ()
    %run_scoped3A_232 = arith.constant 3 : i32
    "tpu.region"() ({
      %run_scoped3A_625 = tpu.sem_alloc : memref<!tpu.dma_semaphore, #tpu.memory_space<semaphore_mem>>
      %dma_start3A_626 = arith.constant 0 : i32
      %dma_start3A_627 = arith.constant 0 : i32
      %dma_start3A_628 = tpu.memref_slice %arg4[%arg1, %run_scoped3A_232, %dma_start3A_626, %dma_start3A_627] : memref<16x4x40x64xi32, #tpu.memory_space<hbm>> -> memref<1x1x40x64xi32, #tpu.memory_space<hbm>>
      %dma_start3A_629 = tpu.memref_squeeze %dma_start3A_628 : memref<1x1x40x64xi32, #tpu.memory_space<hbm>> -> memref<40x64xi32, #tpu.memory_space<hbm>>
      %dma_start3A_630 = arith.constant 0 : i32
      %dma_start3A_631 = arith.constant 0 : i32
      %dma_start3A_632 = tpu.memref_slice %arg4[%arg1, %run_scoped3A_232, %dma_start3A_630, %dma_start3A_631] : memref<16x4x40x64xi32, #tpu.memory_space<hbm>> -> memref<1x1x40x64xi32, #tpu.memory_space<hbm>>
      %dma_start3A_633 = tpu.memref_squeeze %dma_start3A_632 : memref<1x1x40x64xi32, #tpu.memory_space<hbm>> -> memref<40x64xi32, #tpu.memory_space<hbm>>
      tpu.enqueue_dma source(%dma_start3A_633 : memref<40x64xi32, #tpu.memory_space<hbm>>) target(%arg8 : memref<40x64xi32, #tpu.memory_space<vmem>>) target_semaphore(%run_scoped3A_625 : memref<!tpu.dma_semaphore, #tpu.memory_space<semaphore_mem>>)
      %dma_wait3A_634 = arith.constant 0 : i32
      %dma_wait3A_635 = arith.constant 0 : i32
      %dma_wait3A_636 = tpu.memref_slice %arg4[%arg1, %run_scoped3A_232, %dma_wait3A_634, %dma_wait3A_635] : memref<16x4x40x64xi32, #tpu.memory_space<hbm>> -> memref<1x1x40x64xi32, #tpu.memory_space<hbm>>
      %dma_wait3A_637 = tpu.memref_squeeze %dma_wait3A_636 : memref<1x1x40x64xi32, #tpu.memory_space<hbm>> -> memref<40x64xi32, #tpu.memory_space<hbm>>
      %dma_wait3A_638 = arith.constant 0 : i32
      %dma_wait3A_639 = arith.constant 0 : i32
      %dma_wait3A_640 = tpu.memref_slice %arg4[%arg1, %run_scoped3A_232, %dma_wait3A_638, %dma_wait3A_639] : memref<16x4x40x64xi32, #tpu.memory_space<hbm>> -> memref<1x1x40x64xi32, #tpu.memory_space<hbm>>
      %dma_wait3A_641 = tpu.memref_squeeze %dma_wait3A_640 : memref<1x1x40x64xi32, #tpu.memory_space<hbm>> -> memref<40x64xi32, #tpu.memory_space<hbm>>
      tpu.wait_dma2 semaphore(%run_scoped3A_625 : memref<!tpu.dma_semaphore, #tpu.memory_space<semaphore_mem>>) src(%dma_wait3A_641 : memref<40x64xi32, #tpu.memory_space<hbm>>) dst(%arg8 : memref<40x64xi32, #tpu.memory_space<vmem>>)
      tpu.yield
    }) : () -> ()
    %dma_start3A_233 = arith.constant 0 : i32
    %dma_start3A_234 = arith.constant 0 : i32
    %dma_start3A_235 = arith.constant 0 : i32
    %dma_start3A_236 = arith.constant 0 : i32
    %dma_start3A_237 = arith.constant 0 : i32
    %dma_start3A_238 = tpu.memref_slice %arg9[%dma_start3A_234, %dma_start3A_236, %dma_start3A_237] : memref<4x64x128xf32, #tpu.memory_space<vmem>> -> memref<1x64x128xf32, #tpu.memory_space<vmem>>
    %dma_start3A_239 = tpu.memref_squeeze %dma_start3A_238 : memref<1x64x128xf32, #tpu.memory_space<vmem>> -> memref<64x128xf32, #tpu.memory_space<vmem>>
    %dma_start3A_240 = arith.constant 0 : i32
    %dma_start3A_241 = tpu.memref_slice %arg7[%dma_start3A_233, %dma_start3A_240] : memref<40x64xi32, #tpu.memory_space<vmem>> -> memref<1x64xi32, #tpu.memory_space<vmem>>
    %dma_start3A_242 = tpu.memref_squeeze %dma_start3A_241 : memref<1x64xi32, #tpu.memory_space<vmem>> -> memref<64xi32, #tpu.memory_space<vmem>>
    %dma_start3A_243 = arith.constant 0 : i32
    %dma_start3A_244 = arith.constant 0 : i32
    %dma_start3A_245 = tpu.memref_slice %arg2[%add3A_3, %dma_start3A_243, %dma_start3A_244] : memref<4x10240x128xf32, #tpu.memory_space<hbm>> -> memref<1x10240x128xf32, #tpu.memory_space<hbm>>
    %dma_start3A_246 = tpu.memref_squeeze %dma_start3A_245 : memref<1x10240x128xf32, #tpu.memory_space<hbm>> -> memref<10240x128xf32, #tpu.memory_space<hbm>>
    %dma_start3A_247 = arith.constant 0 : i32
    %dma_start3A_248 = arith.constant 0 : i32
    %dma_start3A_249 = tpu.memref_slice %dma_start3A_246[%dma_start3A_247, %dma_start3A_248] : memref<10240x128xf32, #tpu.memory_space<hbm>> -> memref<10240x128xf32, #tpu.memory_space<hbm>>
    %dma_start3A_250 = tpu.memref_slice %arg11[%dma_start3A_235] : memref<4x!tpu.dma_semaphore, #tpu.memory_space<semaphore_mem>> -> memref<1x!tpu.dma_semaphore, #tpu.memory_space<semaphore_mem>>
    %dma_start3A_251 = tpu.memref_squeeze %dma_start3A_250 : memref<1x!tpu.dma_semaphore, #tpu.memory_space<semaphore_mem>> -> memref<!tpu.dma_semaphore, #tpu.memory_space<semaphore_mem>>
    tpu.enqueue_indirect_dma source(%dma_start3A_249 : memref<10240x128xf32, #tpu.memory_space<hbm>>) target(%dma_start3A_239 : memref<64x128xf32, #tpu.memory_space<vmem>>) offsets(%dma_start3A_242 : memref<64xi32, #tpu.memory_space<vmem>>) semaphore(%dma_start3A_251 : memref<!tpu.dma_semaphore, #tpu.memory_space<semaphore_mem>>)
    %dma_start3A_252 = arith.constant 1 : i32
    %dma_start3A_253 = arith.constant 1 : i32
    %dma_start3A_254 = arith.constant 1 : i32
    %dma_start3A_255 = arith.constant 0 : i32
    %dma_start3A_256 = arith.constant 0 : i32
    %dma_start3A_257 = tpu.memref_slice %arg9[%dma_start3A_253, %dma_start3A_255, %dma_start3A_256] : memref<4x64x128xf32, #tpu.memory_space<vmem>> -> memref<1x64x128xf32, #tpu.memory_space<vmem>>
    %dma_start3A_258 = tpu.memref_squeeze %dma_start3A_257 : memref<1x64x128xf32, #tpu.memory_space<vmem>> -> memref<64x128xf32, #tpu.memory_space<vmem>>
    %dma_start3A_259 = arith.constant 0 : i32
    %dma_start3A_260 = tpu.memref_slice %arg7[%dma_start3A_252, %dma_start3A_259] : memref<40x64xi32, #tpu.memory_space<vmem>> -> memref<1x64xi32, #tpu.memory_space<vmem>>
    %dma_start3A_261 = tpu.memref_squeeze %dma_start3A_260 : memref<1x64xi32, #tpu.memory_space<vmem>> -> memref<64xi32, #tpu.memory_space<vmem>>
    %dma_start3A_262 = arith.constant 0 : i32
    %dma_start3A_263 = arith.constant 0 : i32
    %dma_start3A_264 = tpu.memref_slice %arg2[%add3A_3, %dma_start3A_262, %dma_start3A_263] : memref<4x10240x128xf32, #tpu.memory_space<hbm>> -> memref<1x10240x128xf32, #tpu.memory_space<hbm>>
    %dma_start3A_265 = tpu.memref_squeeze %dma_start3A_264 : memref<1x10240x128xf32, #tpu.memory_space<hbm>> -> memref<10240x128xf32, #tpu.memory_space<hbm>>
    %dma_start3A_266 = arith.constant 0 : i32
    %dma_start3A_267 = arith.constant 0 : i32
    %dma_start3A_268 = tpu.memref_slice %dma_start3A_265[%dma_start3A_266, %dma_start3A_267] : memref<10240x128xf32, #tpu.memory_space<hbm>> -> memref<10240x128xf32, #tpu.memory_space<hbm>>
    %dma_start3A_269 = tpu.memref_slice %arg11[%dma_start3A_254] : memref<4x!tpu.dma_semaphore, #tpu.memory_space<semaphore_mem>> -> memref<1x!tpu.dma_semaphore, #tpu.memory_space<semaphore_mem>>
    %dma_start3A_270 = tpu.memref_squeeze %dma_start3A_269 : memref<1x!tpu.dma_semaphore, #tpu.memory_space<semaphore_mem>> -> memref<!tpu.dma_semaphore, #tpu.memory_space<semaphore_mem>>
    tpu.enqueue_indirect_dma source(%dma_start3A_268 : memref<10240x128xf32, #tpu.memory_space<hbm>>) target(%dma_start3A_258 : memref<64x128xf32, #tpu.memory_space<vmem>>) offsets(%dma_start3A_261 : memref<64xi32, #tpu.memory_space<vmem>>) semaphore(%dma_start3A_270 : memref<!tpu.dma_semaphore, #tpu.memory_space<semaphore_mem>>)
    %dma_start3A_271 = arith.constant 2 : i32
    %dma_start3A_272 = arith.constant 2 : i32
    %dma_start3A_273 = arith.constant 2 : i32
    %dma_start3A_274 = arith.constant 0 : i32
    %dma_start3A_275 = arith.constant 0 : i32
    %dma_start3A_276 = tpu.memref_slice %arg9[%dma_start3A_272, %dma_start3A_274, %dma_start3A_275] : memref<4x64x128xf32, #tpu.memory_space<vmem>> -> memref<1x64x128xf32, #tpu.memory_space<vmem>>
    %dma_start3A_277 = tpu.memref_squeeze %dma_start3A_276 : memref<1x64x128xf32, #tpu.memory_space<vmem>> -> memref<64x128xf32, #tpu.memory_space<vmem>>
    %dma_start3A_278 = arith.constant 0 : i32
    %dma_start3A_279 = tpu.memref_slice %arg7[%dma_start3A_271, %dma_start3A_278] : memref<40x64xi32, #tpu.memory_space<vmem>> -> memref<1x64xi32, #tpu.memory_space<vmem>>
    %dma_start3A_280 = tpu.memref_squeeze %dma_start3A_279 : memref<1x64xi32, #tpu.memory_space<vmem>> -> memref<64xi32, #tpu.memory_space<vmem>>
    %dma_start3A_281 = arith.constant 0 : i32
    %dma_start3A_282 = arith.constant 0 : i32
    %dma_start3A_283 = tpu.memref_slice %arg2[%add3A_3, %dma_start3A_281, %dma_start3A_282] : memref<4x10240x128xf32, #tpu.memory_space<hbm>> -> memref<1x10240x128xf32, #tpu.memory_space<hbm>>
    %dma_start3A_284 = tpu.memref_squeeze %dma_start3A_283 : memref<1x10240x128xf32, #tpu.memory_space<hbm>> -> memref<10240x128xf32, #tpu.memory_space<hbm>>
    %dma_start3A_285 = arith.constant 0 : i32
    %dma_start3A_286 = arith.constant 0 : i32
    %dma_start3A_287 = tpu.memref_slice %dma_start3A_284[%dma_start3A_285, %dma_start3A_286] : memref<10240x128xf32, #tpu.memory_space<hbm>> -> memref<10240x128xf32, #tpu.memory_space<hbm>>
    %dma_start3A_288 = tpu.memref_slice %arg11[%dma_start3A_273] : memref<4x!tpu.dma_semaphore, #tpu.memory_space<semaphore_mem>> -> memref<1x!tpu.dma_semaphore, #tpu.memory_space<semaphore_mem>>
    %dma_start3A_289 = tpu.memref_squeeze %dma_start3A_288 : memref<1x!tpu.dma_semaphore, #tpu.memory_space<semaphore_mem>> -> memref<!tpu.dma_semaphore, #tpu.memory_space<semaphore_mem>>
    tpu.enqueue_indirect_dma source(%dma_start3A_287 : memref<10240x128xf32, #tpu.memory_space<hbm>>) target(%dma_start3A_277 : memref<64x128xf32, #tpu.memory_space<vmem>>) offsets(%dma_start3A_280 : memref<64xi32, #tpu.memory_space<vmem>>) semaphore(%dma_start3A_289 : memref<!tpu.dma_semaphore, #tpu.memory_space<semaphore_mem>>)
    %scan3A_290 = arith.constant 0 : i32
    %scan3A_291 = arith.constant 0 : i32
    %scan3A_292 = arith.constant 10 : i32
    %scan3A_293 = arith.addi %scan3A_291, %scan3A_292 : i32
    %scan3A_294 = arith.constant 1 : i32
    scf.for %scan3A_625 = %scan3A_291 to %scan3A_293 step %scan3A_294  : i32 {
      %mul3A_626 = arith.constant 4 : i32
      %mul3A_627 = arith.muli %scan3A_625, %mul3A_626 : i32
      %add3A_628 = arith.constant 0 : i32
      %add3A_629 = arith.addi %mul3A_627, %add3A_628 : i32
      %gt3A = arith.constant 0 : i32
      %gt3A_630 = arith.cmpi sgt, %add3A_629, %gt3A : i32
      %convert_element_type3A = arith.extui %gt3A_630 : i1 to i32
      %cond3A = arith.constant 0 : i32
      %cond3A_631 = arith.cmpi ne, %convert_element_type3A, %cond3A : i32
      scf.if %cond3A_631 {
        %sub3A = arith.constant 1 : i32
        %sub3A_802 = arith.subi %add3A_629, %sub3A : i32
        %dma_wait3A_803 = arith.constant 3 : i32
        %dma_wait3A_804 = arith.constant 0 : i32
        %dma_wait3A_805 = arith.constant 0 : i32
        %dma_wait3A_806 = tpu.memref_slice %arg9[%dma_wait3A_803, %dma_wait3A_804, %dma_wait3A_805] : memref<4x64x128xf32, #tpu.memory_space<vmem>> -> memref<1x64x128xf32, #tpu.memory_space<vmem>>
        %dma_wait3A_807 = tpu.memref_squeeze %dma_wait3A_806 : memref<1x64x128xf32, #tpu.memory_space<vmem>> -> memref<64x128xf32, #tpu.memory_space<vmem>>
        %dma_wait3A_808 = arith.constant 0 : i32
        %dma_wait3A_809 = tpu.memref_slice %arg8[%sub3A_802, %dma_wait3A_808] : memref<40x64xi32, #tpu.memory_space<vmem>> -> memref<1x64xi32, #tpu.memory_space<vmem>>
        %dma_wait3A_810 = tpu.memref_squeeze %dma_wait3A_809 : memref<1x64xi32, #tpu.memory_space<vmem>> -> memref<64xi32, #tpu.memory_space<vmem>>
        %dma_wait3A_811 = arith.constant 0 : i32
        %dma_wait3A_812 = arith.constant 0 : i32
        %dma_wait3A_813 = tpu.memref_slice %arg10[%dma_wait3A_811, %dma_wait3A_812] : memref<10240x128xf32, #tpu.memory_space<vmem_shared>> -> memref<10240x128xf32, #tpu.memory_space<vmem_shared>>
        tpu.wait_indirect_dma semaphore(%arg12 : memref<!tpu.dma_semaphore, #tpu.memory_space<semaphore_mem>>) src(%dma_wait3A_807 : memref<64x128xf32, #tpu.memory_space<vmem>>) dst(%dma_wait3A_813 : memref<10240x128xf32, #tpu.memory_space<vmem_shared>>)
      } else {
      }
      %add3A_632 = arith.constant 3 : i32
      %add3A_633 = arith.addi %add3A_629, %add3A_632 : i32
      %lt3A = arith.constant 40 : i32
      %lt3A_634 = arith.cmpi slt, %add3A_633, %lt3A : i32
      %convert_element_type3A_635 = arith.extui %lt3A_634 : i1 to i32
      %cond3A_636 = arith.constant 0 : i32
      %cond3A_637 = arith.cmpi ne, %convert_element_type3A_635, %cond3A_636 : i32
      scf.if %cond3A_637 {
        %add3A_802 = arith.constant 3 : i32
        %add3A_803 = arith.addi %add3A_629, %add3A_802 : i32
        %dma_start3A_804 = arith.constant 3 : i32
        %dma_start3A_805 = arith.constant 3 : i32
        %dma_start3A_806 = arith.constant 0 : i32
        %dma_start3A_807 = arith.constant 0 : i32
        %dma_start3A_808 = tpu.memref_slice %arg9[%dma_start3A_804, %dma_start3A_806, %dma_start3A_807] : memref<4x64x128xf32, #tpu.memory_space<vmem>> -> memref<1x64x128xf32, #tpu.memory_space<vmem>>
        %dma_start3A_809 = tpu.memref_squeeze %dma_start3A_808 : memref<1x64x128xf32, #tpu.memory_space<vmem>> -> memref<64x128xf32, #tpu.memory_space<vmem>>
        %dma_start3A_810 = arith.constant 0 : i32
        %dma_start3A_811 = tpu.memref_slice %arg7[%add3A_803, %dma_start3A_810] : memref<40x64xi32, #tpu.memory_space<vmem>> -> memref<1x64xi32, #tpu.memory_space<vmem>>
        %dma_start3A_812 = tpu.memref_squeeze %dma_start3A_811 : memref<1x64xi32, #tpu.memory_space<vmem>> -> memref<64xi32, #tpu.memory_space<vmem>>
        %dma_start3A_813 = arith.constant 0 : i32
        %dma_start3A_814 = arith.constant 0 : i32
        %dma_start3A_815 = tpu.memref_slice %arg2[%add3A_3, %dma_start3A_813, %dma_start3A_814] : memref<4x10240x128xf32, #tpu.memory_space<hbm>> -> memref<1x10240x128xf32, #tpu.memory_space<hbm>>
        %dma_start3A_816 = tpu.memref_squeeze %dma_start3A_815 : memref<1x10240x128xf32, #tpu.memory_space<hbm>> -> memref<10240x128xf32, #tpu.memory_space<hbm>>
        %dma_start3A_817 = arith.constant 0 : i32
        %dma_start3A_818 = arith.constant 0 : i32
        %dma_start3A_819 = tpu.memref_slice %dma_start3A_816[%dma_start3A_817, %dma_start3A_818] : memref<10240x128xf32, #tpu.memory_space<hbm>> -> memref<10240x128xf32, #tpu.memory_space<hbm>>
        %dma_start3A_820 = tpu.memref_slice %arg11[%dma_start3A_805] : memref<4x!tpu.dma_semaphore, #tpu.memory_space<semaphore_mem>> -> memref<1x!tpu.dma_semaphore, #tpu.memory_space<semaphore_mem>>
        %dma_start3A_821 = tpu.memref_squeeze %dma_start3A_820 : memref<1x!tpu.dma_semaphore, #tpu.memory_space<semaphore_mem>> -> memref<!tpu.dma_semaphore, #tpu.memory_space<semaphore_mem>>
        tpu.enqueue_indirect_dma source(%dma_start3A_819 : memref<10240x128xf32, #tpu.memory_space<hbm>>) target(%dma_start3A_809 : memref<64x128xf32, #tpu.memory_space<vmem>>) offsets(%dma_start3A_812 : memref<64xi32, #tpu.memory_space<vmem>>) semaphore(%dma_start3A_821 : memref<!tpu.dma_semaphore, #tpu.memory_space<semaphore_mem>>)
      } else {
      }
      %dma_wait3A_638 = arith.constant 0 : i32
      %dma_wait3A_639 = arith.constant 0 : i32
      %dma_wait3A_640 = arith.constant 0 : i32
      %dma_wait3A_641 = arith.constant 0 : i32
      %dma_wait3A_642 = tpu.memref_slice %arg9[%dma_wait3A_638, %dma_wait3A_640, %dma_wait3A_641] : memref<4x64x128xf32, #tpu.memory_space<vmem>> -> memref<1x64x128xf32, #tpu.memory_space<vmem>>
      %dma_wait3A_643 = tpu.memref_squeeze %dma_wait3A_642 : memref<1x64x128xf32, #tpu.memory_space<vmem>> -> memref<64x128xf32, #tpu.memory_space<vmem>>
      %dma_wait3A_644 = arith.constant 0 : i32
      %dma_wait3A_645 = tpu.memref_slice %arg7[%add3A_629, %dma_wait3A_644] : memref<40x64xi32, #tpu.memory_space<vmem>> -> memref<1x64xi32, #tpu.memory_space<vmem>>
      %dma_wait3A_646 = tpu.memref_squeeze %dma_wait3A_645 : memref<1x64xi32, #tpu.memory_space<vmem>> -> memref<64xi32, #tpu.memory_space<vmem>>
      %dma_wait3A_647 = arith.constant 0 : i32
      %dma_wait3A_648 = arith.constant 0 : i32
      %dma_wait3A_649 = tpu.memref_slice %arg2[%add3A_3, %dma_wait3A_647, %dma_wait3A_648] : memref<4x10240x128xf32, #tpu.memory_space<hbm>> -> memref<1x10240x128xf32, #tpu.memory_space<hbm>>
      %dma_wait3A_650 = tpu.memref_squeeze %dma_wait3A_649 : memref<1x10240x128xf32, #tpu.memory_space<hbm>> -> memref<10240x128xf32, #tpu.memory_space<hbm>>
      %dma_wait3A_651 = arith.constant 0 : i32
      %dma_wait3A_652 = arith.constant 0 : i32
      %dma_wait3A_653 = tpu.memref_slice %dma_wait3A_650[%dma_wait3A_651, %dma_wait3A_652] : memref<10240x128xf32, #tpu.memory_space<hbm>> -> memref<10240x128xf32, #tpu.memory_space<hbm>>
      %dma_wait3A_654 = tpu.memref_slice %arg11[%dma_wait3A_639] : memref<4x!tpu.dma_semaphore, #tpu.memory_space<semaphore_mem>> -> memref<1x!tpu.dma_semaphore, #tpu.memory_space<semaphore_mem>>
      %dma_wait3A_655 = tpu.memref_squeeze %dma_wait3A_654 : memref<1x!tpu.dma_semaphore, #tpu.memory_space<semaphore_mem>> -> memref<!tpu.dma_semaphore, #tpu.memory_space<semaphore_mem>>
      tpu.wait_indirect_dma semaphore(%dma_wait3A_655 : memref<!tpu.dma_semaphore, #tpu.memory_space<semaphore_mem>>) src(%dma_wait3A_653 : memref<10240x128xf32, #tpu.memory_space<hbm>>) dst(%dma_wait3A_643 : memref<64x128xf32, #tpu.memory_space<vmem>>)
      %dma_start3A_656 = arith.constant 0 : i32
      %dma_start3A_657 = arith.constant 0 : i32
      %dma_start3A_658 = arith.constant 0 : i32
      %dma_start3A_659 = tpu.memref_slice %arg9[%dma_start3A_656, %dma_start3A_657, %dma_start3A_658] : memref<4x64x128xf32, #tpu.memory_space<vmem>> -> memref<1x64x128xf32, #tpu.memory_space<vmem>>
      %dma_start3A_660 = tpu.memref_squeeze %dma_start3A_659 : memref<1x64x128xf32, #tpu.memory_space<vmem>> -> memref<64x128xf32, #tpu.memory_space<vmem>>
      %dma_start3A_661 = arith.constant 0 : i32
      %dma_start3A_662 = tpu.memref_slice %arg8[%add3A_629, %dma_start3A_661] : memref<40x64xi32, #tpu.memory_space<vmem>> -> memref<1x64xi32, #tpu.memory_space<vmem>>
      %dma_start3A_663 = tpu.memref_squeeze %dma_start3A_662 : memref<1x64xi32, #tpu.memory_space<vmem>> -> memref<64xi32, #tpu.memory_space<vmem>>
      %dma_start3A_664 = arith.constant 0 : i32
      %dma_start3A_665 = arith.constant 0 : i32
      %dma_start3A_666 = tpu.memref_slice %arg10[%dma_start3A_664, %dma_start3A_665] : memref<10240x128xf32, #tpu.memory_space<vmem_shared>> -> memref<10240x128xf32, #tpu.memory_space<vmem_shared>>
      tpu.enqueue_indirect_dma source(%dma_start3A_660 : memref<64x128xf32, #tpu.memory_space<vmem>>) target(%dma_start3A_666 : memref<10240x128xf32, #tpu.memory_space<vmem_shared>>) offsets(%dma_start3A_663 : memref<64xi32, #tpu.memory_space<vmem>>) semaphore(%arg12 : memref<!tpu.dma_semaphore, #tpu.memory_space<semaphore_mem>>) {add = true}
      %mul3A_667 = arith.constant 4 : i32
      %mul3A_668 = arith.muli %scan3A_625, %mul3A_667 : i32
      %add3A_669 = arith.constant 1 : i32
      %add3A_670 = arith.addi %mul3A_668, %add3A_669 : i32
      %gt3A_671 = arith.constant 0 : i32
      %gt3A_672 = arith.cmpi sgt, %add3A_670, %gt3A_671 : i32
      %convert_element_type3A_673 = arith.extui %gt3A_672 : i1 to i32
      %cond3A_674 = arith.constant 0 : i32
      %cond3A_675 = arith.cmpi ne, %convert_element_type3A_673, %cond3A_674 : i32
      scf.if %cond3A_675 {
        %sub3A = arith.constant 1 : i32
        %sub3A_802 = arith.subi %add3A_670, %sub3A : i32
        %dma_wait3A_803 = arith.constant 0 : i32
        %dma_wait3A_804 = arith.constant 0 : i32
        %dma_wait3A_805 = arith.constant 0 : i32
        %dma_wait3A_806 = tpu.memref_slice %arg9[%dma_wait3A_803, %dma_wait3A_804, %dma_wait3A_805] : memref<4x64x128xf32, #tpu.memory_space<vmem>> -> memref<1x64x128xf32, #tpu.memory_space<vmem>>
        %dma_wait3A_807 = tpu.memref_squeeze %dma_wait3A_806 : memref<1x64x128xf32, #tpu.memory_space<vmem>> -> memref<64x128xf32, #tpu.memory_space<vmem>>
        %dma_wait3A_808 = arith.constant 0 : i32
        %dma_wait3A_809 = tpu.memref_slice %arg8[%sub3A_802, %dma_wait3A_808] : memref<40x64xi32, #tpu.memory_space<vmem>> -> memref<1x64xi32, #tpu.memory_space<vmem>>
        %dma_wait3A_810 = tpu.memref_squeeze %dma_wait3A_809 : memref<1x64xi32, #tpu.memory_space<vmem>> -> memref<64xi32, #tpu.memory_space<vmem>>
        %dma_wait3A_811 = arith.constant 0 : i32
        %dma_wait3A_812 = arith.constant 0 : i32
        %dma_wait3A_813 = tpu.memref_slice %arg10[%dma_wait3A_811, %dma_wait3A_812] : memref<10240x128xf32, #tpu.memory_space<vmem_shared>> -> memref<10240x128xf32, #tpu.memory_space<vmem_shared>>
        tpu.wait_indirect_dma semaphore(%arg12 : memref<!tpu.dma_semaphore, #tpu.memory_space<semaphore_mem>>) src(%dma_wait3A_807 : memref<64x128xf32, #tpu.memory_space<vmem>>) dst(%dma_wait3A_813 : memref<10240x128xf32, #tpu.memory_space<vmem_shared>>)
      } else {
      }
      %add3A_676 = arith.constant 3 : i32
      %add3A_677 = arith.addi %add3A_670, %add3A_676 : i32
      %lt3A_678 = arith.constant 40 : i32
      %lt3A_679 = arith.cmpi slt, %add3A_677, %lt3A_678 : i32
      %convert_element_type3A_680 = arith.extui %lt3A_679 : i1 to i32
      %cond3A_681 = arith.constant 0 : i32
      %cond3A_682 = arith.cmpi ne, %convert_element_type3A_680, %cond3A_681 : i32
      scf.if %cond3A_682 {
        %add3A_802 = arith.constant 3 : i32
        %add3A_803 = arith.addi %add3A_670, %add3A_802 : i32
        %dma_start3A_804 = arith.constant 0 : i32
        %dma_start3A_805 = arith.constant 0 : i32
        %dma_start3A_806 = arith.constant 0 : i32
        %dma_start3A_807 = arith.constant 0 : i32
        %dma_start3A_808 = tpu.memref_slice %arg9[%dma_start3A_804, %dma_start3A_806, %dma_start3A_807] : memref<4x64x128xf32, #tpu.memory_space<vmem>> -> memref<1x64x128xf32, #tpu.memory_space<vmem>>
        %dma_start3A_809 = tpu.memref_squeeze %dma_start3A_808 : memref<1x64x128xf32, #tpu.memory_space<vmem>> -> memref<64x128xf32, #tpu.memory_space<vmem>>
        %dma_start3A_810 = arith.constant 0 : i32
        %dma_start3A_811 = tpu.memref_slice %arg7[%add3A_803, %dma_start3A_810] : memref<40x64xi32, #tpu.memory_space<vmem>> -> memref<1x64xi32, #tpu.memory_space<vmem>>
        %dma_start3A_812 = tpu.memref_squeeze %dma_start3A_811 : memref<1x64xi32, #tpu.memory_space<vmem>> -> memref<64xi32, #tpu.memory_space<vmem>>
        %dma_start3A_813 = arith.constant 0 : i32
        %dma_start3A_814 = arith.constant 0 : i32
        %dma_start3A_815 = tpu.memref_slice %arg2[%add3A_3, %dma_start3A_813, %dma_start3A_814] : memref<4x10240x128xf32, #tpu.memory_space<hbm>> -> memref<1x10240x128xf32, #tpu.memory_space<hbm>>
        %dma_start3A_816 = tpu.memref_squeeze %dma_start3A_815 : memref<1x10240x128xf32, #tpu.memory_space<hbm>> -> memref<10240x128xf32, #tpu.memory_space<hbm>>
        %dma_start3A_817 = arith.constant 0 : i32
        %dma_start3A_818 = arith.constant 0 : i32
        %dma_start3A_819 = tpu.memref_slice %dma_start3A_816[%dma_start3A_817, %dma_start3A_818] : memref<10240x128xf32, #tpu.memory_space<hbm>> -> memref<10240x128xf32, #tpu.memory_space<hbm>>
        %dma_start3A_820 = tpu.memref_slice %arg11[%dma_start3A_805] : memref<4x!tpu.dma_semaphore, #tpu.memory_space<semaphore_mem>> -> memref<1x!tpu.dma_semaphore, #tpu.memory_space<semaphore_mem>>
        %dma_start3A_821 = tpu.memref_squeeze %dma_start3A_820 : memref<1x!tpu.dma_semaphore, #tpu.memory_space<semaphore_mem>> -> memref<!tpu.dma_semaphore, #tpu.memory_space<semaphore_mem>>
        tpu.enqueue_indirect_dma source(%dma_start3A_819 : memref<10240x128xf32, #tpu.memory_space<hbm>>) target(%dma_start3A_809 : memref<64x128xf32, #tpu.memory_space<vmem>>) offsets(%dma_start3A_812 : memref<64xi32, #tpu.memory_space<vmem>>) semaphore(%dma_start3A_821 : memref<!tpu.dma_semaphore, #tpu.memory_space<semaphore_mem>>)
      } else {
      }
      %dma_wait3A_683 = arith.constant 1 : i32
      %dma_wait3A_684 = arith.constant 1 : i32
      %dma_wait3A_685 = arith.constant 0 : i32
      %dma_wait3A_686 = arith.constant 0 : i32
      %dma_wait3A_687 = tpu.memref_slice %arg9[%dma_wait3A_683, %dma_wait3A_685, %dma_wait3A_686] : memref<4x64x128xf32, #tpu.memory_space<vmem>> -> memref<1x64x128xf32, #tpu.memory_space<vmem>>
      %dma_wait3A_688 = tpu.memref_squeeze %dma_wait3A_687 : memref<1x64x128xf32, #tpu.memory_space<vmem>> -> memref<64x128xf32, #tpu.memory_space<vmem>>
      %dma_wait3A_689 = arith.constant 0 : i32
      %dma_wait3A_690 = tpu.memref_slice %arg7[%add3A_670, %dma_wait3A_689] : memref<40x64xi32, #tpu.memory_space<vmem>> -> memref<1x64xi32, #tpu.memory_space<vmem>>
      %dma_wait3A_691 = tpu.memref_squeeze %dma_wait3A_690 : memref<1x64xi32, #tpu.memory_space<vmem>> -> memref<64xi32, #tpu.memory_space<vmem>>
      %dma_wait3A_692 = arith.constant 0 : i32
      %dma_wait3A_693 = arith.constant 0 : i32
      %dma_wait3A_694 = tpu.memref_slice %arg2[%add3A_3, %dma_wait3A_692, %dma_wait3A_693] : memref<4x10240x128xf32, #tpu.memory_space<hbm>> -> memref<1x10240x128xf32, #tpu.memory_space<hbm>>
      %dma_wait3A_695 = tpu.memref_squeeze %dma_wait3A_694 : memref<1x10240x128xf32, #tpu.memory_space<hbm>> -> memref<10240x128xf32, #tpu.memory_space<hbm>>
      %dma_wait3A_696 = arith.constant 0 : i32
      %dma_wait3A_697 = arith.constant 0 : i32
      %dma_wait3A_698 = tpu.memref_slice %dma_wait3A_695[%dma_wait3A_696, %dma_wait3A_697] : memref<10240x128xf32, #tpu.memory_space<hbm>> -> memref<10240x128xf32, #tpu.memory_space<hbm>>
      %dma_wait3A_699 = tpu.memref_slice %arg11[%dma_wait3A_684] : memref<4x!tpu.dma_semaphore, #tpu.memory_space<semaphore_mem>> -> memref<1x!tpu.dma_semaphore, #tpu.memory_space<semaphore_mem>>
      %dma_wait3A_700 = tpu.memref_squeeze %dma_wait3A_699 : memref<1x!tpu.dma_semaphore, #tpu.memory_space<semaphore_mem>> -> memref<!tpu.dma_semaphore, #tpu.memory_space<semaphore_mem>>
      tpu.wait_indirect_dma semaphore(%dma_wait3A_700 : memref<!tpu.dma_semaphore, #tpu.memory_space<semaphore_mem>>) src(%dma_wait3A_698 : memref<10240x128xf32, #tpu.memory_space<hbm>>) dst(%dma_wait3A_688 : memref<64x128xf32, #tpu.memory_space<vmem>>)
      %dma_start3A_701 = arith.constant 1 : i32
      %dma_start3A_702 = arith.constant 0 : i32
      %dma_start3A_703 = arith.constant 0 : i32
      %dma_start3A_704 = tpu.memref_slice %arg9[%dma_start3A_701, %dma_start3A_702, %dma_start3A_703] : memref<4x64x128xf32, #tpu.memory_space<vmem>> -> memref<1x64x128xf32, #tpu.memory_space<vmem>>
      %dma_start3A_705 = tpu.memref_squeeze %dma_start3A_704 : memref<1x64x128xf32, #tpu.memory_space<vmem>> -> memref<64x128xf32, #tpu.memory_space<vmem>>
      %dma_start3A_706 = arith.constant 0 : i32
      %dma_start3A_707 = tpu.memref_slice %arg8[%add3A_670, %dma_start3A_706] : memref<40x64xi32, #tpu.memory_space<vmem>> -> memref<1x64xi32, #tpu.memory_space<vmem>>
      %dma_start3A_708 = tpu.memref_squeeze %dma_start3A_707 : memref<1x64xi32, #tpu.memory_space<vmem>> -> memref<64xi32, #tpu.memory_space<vmem>>
      %dma_start3A_709 = arith.constant 0 : i32
      %dma_start3A_710 = arith.constant 0 : i32
      %dma_start3A_711 = tpu.memref_slice %arg10[%dma_start3A_709, %dma_start3A_710] : memref<10240x128xf32, #tpu.memory_space<vmem_shared>> -> memref<10240x128xf32, #tpu.memory_space<vmem_shared>>
      tpu.enqueue_indirect_dma source(%dma_start3A_705 : memref<64x128xf32, #tpu.memory_space<vmem>>) target(%dma_start3A_711 : memref<10240x128xf32, #tpu.memory_space<vmem_shared>>) offsets(%dma_start3A_708 : memref<64xi32, #tpu.memory_space<vmem>>) semaphore(%arg12 : memref<!tpu.dma_semaphore, #tpu.memory_space<semaphore_mem>>) {add = true}
      %mul3A_712 = arith.constant 4 : i32
      %mul3A_713 = arith.muli %scan3A_625, %mul3A_712 : i32
      %add3A_714 = arith.constant 2 : i32
      %add3A_715 = arith.addi %mul3A_713, %add3A_714 : i32
      %gt3A_716 = arith.constant 0 : i32
      %gt3A_717 = arith.cmpi sgt, %add3A_715, %gt3A_716 : i32
      %convert_element_type3A_718 = arith.extui %gt3A_717 : i1 to i32
      %cond3A_719 = arith.constant 0 : i32
      %cond3A_720 = arith.cmpi ne, %convert_element_type3A_718, %cond3A_719 : i32
      scf.if %cond3A_720 {
        %sub3A = arith.constant 1 : i32
        %sub3A_802 = arith.subi %add3A_715, %sub3A : i32
        %dma_wait3A_803 = arith.constant 1 : i32
        %dma_wait3A_804 = arith.constant 0 : i32
        %dma_wait3A_805 = arith.constant 0 : i32
        %dma_wait3A_806 = tpu.memref_slice %arg9[%dma_wait3A_803, %dma_wait3A_804, %dma_wait3A_805] : memref<4x64x128xf32, #tpu.memory_space<vmem>> -> memref<1x64x128xf32, #tpu.memory_space<vmem>>
        %dma_wait3A_807 = tpu.memref_squeeze %dma_wait3A_806 : memref<1x64x128xf32, #tpu.memory_space<vmem>> -> memref<64x128xf32, #tpu.memory_space<vmem>>
        %dma_wait3A_808 = arith.constant 0 : i32
        %dma_wait3A_809 = tpu.memref_slice %arg8[%sub3A_802, %dma_wait3A_808] : memref<40x64xi32, #tpu.memory_space<vmem>> -> memref<1x64xi32, #tpu.memory_space<vmem>>
        %dma_wait3A_810 = tpu.memref_squeeze %dma_wait3A_809 : memref<1x64xi32, #tpu.memory_space<vmem>> -> memref<64xi32, #tpu.memory_space<vmem>>
        %dma_wait3A_811 = arith.constant 0 : i32
        %dma_wait3A_812 = arith.constant 0 : i32
        %dma_wait3A_813 = tpu.memref_slice %arg10[%dma_wait3A_811, %dma_wait3A_812] : memref<10240x128xf32, #tpu.memory_space<vmem_shared>> -> memref<10240x128xf32, #tpu.memory_space<vmem_shared>>
        tpu.wait_indirect_dma semaphore(%arg12 : memref<!tpu.dma_semaphore, #tpu.memory_space<semaphore_mem>>) src(%dma_wait3A_807 : memref<64x128xf32, #tpu.memory_space<vmem>>) dst(%dma_wait3A_813 : memref<10240x128xf32, #tpu.memory_space<vmem_shared>>)
      } else {
      }
      %add3A_721 = arith.constant 3 : i32
      %add3A_722 = arith.addi %add3A_715, %add3A_721 : i32
      %lt3A_723 = arith.constant 40 : i32
      %lt3A_724 = arith.cmpi slt, %add3A_722, %lt3A_723 : i32
      %convert_element_type3A_725 = arith.extui %lt3A_724 : i1 to i32
      %cond3A_726 = arith.constant 0 : i32
      %cond3A_727 = arith.cmpi ne, %convert_element_type3A_725, %cond3A_726 : i32
      scf.if %cond3A_727 {
        %add3A_802 = arith.constant 3 : i32
        %add3A_803 = arith.addi %add3A_715, %add3A_802 : i32
        %dma_start3A_804 = arith.constant 1 : i32
        %dma_start3A_805 = arith.constant 1 : i32
        %dma_start3A_806 = arith.constant 0 : i32
        %dma_start3A_807 = arith.constant 0 : i32
        %dma_start3A_808 = tpu.memref_slice %arg9[%dma_start3A_804, %dma_start3A_806, %dma_start3A_807] : memref<4x64x128xf32, #tpu.memory_space<vmem>> -> memref<1x64x128xf32, #tpu.memory_space<vmem>>
        %dma_start3A_809 = tpu.memref_squeeze %dma_start3A_808 : memref<1x64x128xf32, #tpu.memory_space<vmem>> -> memref<64x128xf32, #tpu.memory_space<vmem>>
        %dma_start3A_810 = arith.constant 0 : i32
        %dma_start3A_811 = tpu.memref_slice %arg7[%add3A_803, %dma_start3A_810] : memref<40x64xi32, #tpu.memory_space<vmem>> -> memref<1x64xi32, #tpu.memory_space<vmem>>
        %dma_start3A_812 = tpu.memref_squeeze %dma_start3A_811 : memref<1x64xi32, #tpu.memory_space<vmem>> -> memref<64xi32, #tpu.memory_space<vmem>>
        %dma_start3A_813 = arith.constant 0 : i32
        %dma_start3A_814 = arith.constant 0 : i32
        %dma_start3A_815 = tpu.memref_slice %arg2[%add3A_3, %dma_start3A_813, %dma_start3A_814] : memref<4x10240x128xf32, #tpu.memory_space<hbm>> -> memref<1x10240x128xf32, #tpu.memory_space<hbm>>
        %dma_start3A_816 = tpu.memref_squeeze %dma_start3A_815 : memref<1x10240x128xf32, #tpu.memory_space<hbm>> -> memref<10240x128xf32, #tpu.memory_space<hbm>>
        %dma_start3A_817 = arith.constant 0 : i32
        %dma_start3A_818 = arith.constant 0 : i32
        %dma_start3A_819 = tpu.memref_slice %dma_start3A_816[%dma_start3A_817, %dma_start3A_818] : memref<10240x128xf32, #tpu.memory_space<hbm>> -> memref<10240x128xf32, #tpu.memory_space<hbm>>
        %dma_start3A_820 = tpu.memref_slice %arg11[%dma_start3A_805] : memref<4x!tpu.dma_semaphore, #tpu.memory_space<semaphore_mem>> -> memref<1x!tpu.dma_semaphore, #tpu.memory_space<semaphore_mem>>
        %dma_start3A_821 = tpu.memref_squeeze %dma_start3A_820 : memref<1x!tpu.dma_semaphore, #tpu.memory_space<semaphore_mem>> -> memref<!tpu.dma_semaphore, #tpu.memory_space<semaphore_mem>>
        tpu.enqueue_indirect_dma source(%dma_start3A_819 : memref<10240x128xf32, #tpu.memory_space<hbm>>) target(%dma_start3A_809 : memref<64x128xf32, #tpu.memory_space<vmem>>) offsets(%dma_start3A_812 : memref<64xi32, #tpu.memory_space<vmem>>) semaphore(%dma_start3A_821 : memref<!tpu.dma_semaphore, #tpu.memory_space<semaphore_mem>>)
      } else {
      }
      %dma_wait3A_728 = arith.constant 2 : i32
      %dma_wait3A_729 = arith.constant 2 : i32
      %dma_wait3A_730 = arith.constant 0 : i32
      %dma_wait3A_731 = arith.constant 0 : i32
      %dma_wait3A_732 = tpu.memref_slice %arg9[%dma_wait3A_728, %dma_wait3A_730, %dma_wait3A_731] : memref<4x64x128xf32, #tpu.memory_space<vmem>> -> memref<1x64x128xf32, #tpu.memory_space<vmem>>
      %dma_wait3A_733 = tpu.memref_squeeze %dma_wait3A_732 : memref<1x64x128xf32, #tpu.memory_space<vmem>> -> memref<64x128xf32, #tpu.memory_space<vmem>>
      %dma_wait3A_734 = arith.constant 0 : i32
      %dma_wait3A_735 = tpu.memref_slice %arg7[%add3A_715, %dma_wait3A_734] : memref<40x64xi32, #tpu.memory_space<vmem>> -> memref<1x64xi32, #tpu.memory_space<vmem>>
      %dma_wait3A_736 = tpu.memref_squeeze %dma_wait3A_735 : memref<1x64xi32, #tpu.memory_space<vmem>> -> memref<64xi32, #tpu.memory_space<vmem>>
      %dma_wait3A_737 = arith.constant 0 : i32
      %dma_wait3A_738 = arith.constant 0 : i32
      %dma_wait3A_739 = tpu.memref_slice %arg2[%add3A_3, %dma_wait3A_737, %dma_wait3A_738] : memref<4x10240x128xf32, #tpu.memory_space<hbm>> -> memref<1x10240x128xf32, #tpu.memory_space<hbm>>
      %dma_wait3A_740 = tpu.memref_squeeze %dma_wait3A_739 : memref<1x10240x128xf32, #tpu.memory_space<hbm>> -> memref<10240x128xf32, #tpu.memory_space<hbm>>
      %dma_wait3A_741 = arith.constant 0 : i32
      %dma_wait3A_742 = arith.constant 0 : i32
      %dma_wait3A_743 = tpu.memref_slice %dma_wait3A_740[%dma_wait3A_741, %dma_wait3A_742] : memref<10240x128xf32, #tpu.memory_space<hbm>> -> memref<10240x128xf32, #tpu.memory_space<hbm>>
      %dma_wait3A_744 = tpu.memref_slice %arg11[%dma_wait3A_729] : memref<4x!tpu.dma_semaphore, #tpu.memory_space<semaphore_mem>> -> memref<1x!tpu.dma_semaphore, #tpu.memory_space<semaphore_mem>>
      %dma_wait3A_745 = tpu.memref_squeeze %dma_wait3A_744 : memref<1x!tpu.dma_semaphore, #tpu.memory_space<semaphore_mem>> -> memref<!tpu.dma_semaphore, #tpu.memory_space<semaphore_mem>>
      tpu.wait_indirect_dma semaphore(%dma_wait3A_745 : memref<!tpu.dma_semaphore, #tpu.memory_space<semaphore_mem>>) src(%dma_wait3A_743 : memref<10240x128xf32, #tpu.memory_space<hbm>>) dst(%dma_wait3A_733 : memref<64x128xf32, #tpu.memory_space<vmem>>)
      %dma_start3A_746 = arith.constant 2 : i32
      %dma_start3A_747 = arith.constant 0 : i32
      %dma_start3A_748 = arith.constant 0 : i32
      %dma_start3A_749 = tpu.memref_slice %arg9[%dma_start3A_746, %dma_start3A_747, %dma_start3A_748] : memref<4x64x128xf32, #tpu.memory_space<vmem>> -> memref<1x64x128xf32, #tpu.memory_space<vmem>>
      %dma_start3A_750 = tpu.memref_squeeze %dma_start3A_749 : memref<1x64x128xf32, #tpu.memory_space<vmem>> -> memref<64x128xf32, #tpu.memory_space<vmem>>
      %dma_start3A_751 = arith.constant 0 : i32
      %dma_start3A_752 = tpu.memref_slice %arg8[%add3A_715, %dma_start3A_751] : memref<40x64xi32, #tpu.memory_space<vmem>> -> memref<1x64xi32, #tpu.memory_space<vmem>>
      %dma_start3A_753 = tpu.memref_squeeze %dma_start3A_752 : memref<1x64xi32, #tpu.memory_space<vmem>> -> memref<64xi32, #tpu.memory_space<vmem>>
      %dma_start3A_754 = arith.constant 0 : i32
      %dma_start3A_755 = arith.constant 0 : i32
      %dma_start3A_756 = tpu.memref_slice %arg10[%dma_start3A_754, %dma_start3A_755] : memref<10240x128xf32, #tpu.memory_space<vmem_shared>> -> memref<10240x128xf32, #tpu.memory_space<vmem_shared>>
      tpu.enqueue_indirect_dma source(%dma_start3A_750 : memref<64x128xf32, #tpu.memory_space<vmem>>) target(%dma_start3A_756 : memref<10240x128xf32, #tpu.memory_space<vmem_shared>>) offsets(%dma_start3A_753 : memref<64xi32, #tpu.memory_space<vmem>>) semaphore(%arg12 : memref<!tpu.dma_semaphore, #tpu.memory_space<semaphore_mem>>) {add = true}
      %mul3A_757 = arith.constant 4 : i32
      %mul3A_758 = arith.muli %scan3A_625, %mul3A_757 : i32
      %add3A_759 = arith.constant 3 : i32
      %add3A_760 = arith.addi %mul3A_758, %add3A_759 : i32
      %gt3A_761 = arith.constant 0 : i32
      %gt3A_762 = arith.cmpi sgt, %add3A_760, %gt3A_761 : i32
      %convert_element_type3A_763 = arith.extui %gt3A_762 : i1 to i32
      %cond3A_764 = arith.constant 0 : i32
      %cond3A_765 = arith.cmpi ne, %convert_element_type3A_763, %cond3A_764 : i32
      scf.if %cond3A_765 {
        %sub3A = arith.constant 1 : i32
        %sub3A_802 = arith.subi %add3A_760, %sub3A : i32
        %dma_wait3A_803 = arith.constant 2 : i32
        %dma_wait3A_804 = arith.constant 0 : i32
        %dma_wait3A_805 = arith.constant 0 : i32
        %dma_wait3A_806 = tpu.memref_slice %arg9[%dma_wait3A_803, %dma_wait3A_804, %dma_wait3A_805] : memref<4x64x128xf32, #tpu.memory_space<vmem>> -> memref<1x64x128xf32, #tpu.memory_space<vmem>>
        %dma_wait3A_807 = tpu.memref_squeeze %dma_wait3A_806 : memref<1x64x128xf32, #tpu.memory_space<vmem>> -> memref<64x128xf32, #tpu.memory_space<vmem>>
        %dma_wait3A_808 = arith.constant 0 : i32
        %dma_wait3A_809 = tpu.memref_slice %arg8[%sub3A_802, %dma_wait3A_808] : memref<40x64xi32, #tpu.memory_space<vmem>> -> memref<1x64xi32, #tpu.memory_space<vmem>>
        %dma_wait3A_810 = tpu.memref_squeeze %dma_wait3A_809 : memref<1x64xi32, #tpu.memory_space<vmem>> -> memref<64xi32, #tpu.memory_space<vmem>>
        %dma_wait3A_811 = arith.constant 0 : i32
        %dma_wait3A_812 = arith.constant 0 : i32
        %dma_wait3A_813 = tpu.memref_slice %arg10[%dma_wait3A_811, %dma_wait3A_812] : memref<10240x128xf32, #tpu.memory_space<vmem_shared>> -> memref<10240x128xf32, #tpu.memory_space<vmem_shared>>
        tpu.wait_indirect_dma semaphore(%arg12 : memref<!tpu.dma_semaphore, #tpu.memory_space<semaphore_mem>>) src(%dma_wait3A_807 : memref<64x128xf32, #tpu.memory_space<vmem>>) dst(%dma_wait3A_813 : memref<10240x128xf32, #tpu.memory_space<vmem_shared>>)
      } else {
      }
      %add3A_766 = arith.constant 3 : i32
      %add3A_767 = arith.addi %add3A_760, %add3A_766 : i32
      %lt3A_768 = arith.constant 40 : i32
      %lt3A_769 = arith.cmpi slt, %add3A_767, %lt3A_768 : i32
      %convert_element_type3A_770 = arith.extui %lt3A_769 : i1 to i32
      %cond3A_771 = arith.constant 0 : i32
      %cond3A_772 = arith.cmpi ne, %convert_element_type3A_770, %cond3A_771 : i32
      scf.if %cond3A_772 {
        %add3A_802 = arith.constant 3 : i32
        %add3A_803 = arith.addi %add3A_760, %add3A_802 : i32
        %dma_start3A_804 = arith.constant 2 : i32
        %dma_start3A_805 = arith.constant 2 : i32
        %dma_start3A_806 = arith.constant 0 : i32
        %dma_start3A_807 = arith.constant 0 : i32
        %dma_start3A_808 = tpu.memref_slice %arg9[%dma_start3A_804, %dma_start3A_806, %dma_start3A_807] : memref<4x64x128xf32, #tpu.memory_space<vmem>> -> memref<1x64x128xf32, #tpu.memory_space<vmem>>
        %dma_start3A_809 = tpu.memref_squeeze %dma_start3A_808 : memref<1x64x128xf32, #tpu.memory_space<vmem>> -> memref<64x128xf32, #tpu.memory_space<vmem>>
        %dma_start3A_810 = arith.constant 0 : i32
        %dma_start3A_811 = tpu.memref_slice %arg7[%add3A_803, %dma_start3A_810] : memref<40x64xi32, #tpu.memory_space<vmem>> -> memref<1x64xi32, #tpu.memory_space<vmem>>
        %dma_start3A_812 = tpu.memref_squeeze %dma_start3A_811 : memref<1x64xi32, #tpu.memory_space<vmem>> -> memref<64xi32, #tpu.memory_space<vmem>>
        %dma_start3A_813 = arith.constant 0 : i32
        %dma_start3A_814 = arith.constant 0 : i32
        %dma_start3A_815 = tpu.memref_slice %arg2[%add3A_3, %dma_start3A_813, %dma_start3A_814] : memref<4x10240x128xf32, #tpu.memory_space<hbm>> -> memref<1x10240x128xf32, #tpu.memory_space<hbm>>
        %dma_start3A_816 = tpu.memref_squeeze %dma_start3A_815 : memref<1x10240x128xf32, #tpu.memory_space<hbm>> -> memref<10240x128xf32, #tpu.memory_space<hbm>>
        %dma_start3A_817 = arith.constant 0 : i32
        %dma_start3A_818 = arith.constant 0 : i32
        %dma_start3A_819 = tpu.memref_slice %dma_start3A_816[%dma_start3A_817, %dma_start3A_818] : memref<10240x128xf32, #tpu.memory_space<hbm>> -> memref<10240x128xf32, #tpu.memory_space<hbm>>
        %dma_start3A_820 = tpu.memref_slice %arg11[%dma_start3A_805] : memref<4x!tpu.dma_semaphore, #tpu.memory_space<semaphore_mem>> -> memref<1x!tpu.dma_semaphore, #tpu.memory_space<semaphore_mem>>
        %dma_start3A_821 = tpu.memref_squeeze %dma_start3A_820 : memref<1x!tpu.dma_semaphore, #tpu.memory_space<semaphore_mem>> -> memref<!tpu.dma_semaphore, #tpu.memory_space<semaphore_mem>>
        tpu.enqueue_indirect_dma source(%dma_start3A_819 : memref<10240x128xf32, #tpu.memory_space<hbm>>) target(%dma_start3A_809 : memref<64x128xf32, #tpu.memory_space<vmem>>) offsets(%dma_start3A_812 : memref<64xi32, #tpu.memory_space<vmem>>) semaphore(%dma_start3A_821 : memref<!tpu.dma_semaphore, #tpu.memory_space<semaphore_mem>>)
      } else {
      }
      %dma_wait3A_773 = arith.constant 3 : i32
      %dma_wait3A_774 = arith.constant 3 : i32
      %dma_wait3A_775 = arith.constant 0 : i32
      %dma_wait3A_776 = arith.constant 0 : i32
      %dma_wait3A_777 = tpu.memref_slice %arg9[%dma_wait3A_773, %dma_wait3A_775, %dma_wait3A_776] : memref<4x64x128xf32, #tpu.memory_space<vmem>> -> memref<1x64x128xf32, #tpu.memory_space<vmem>>
      %dma_wait3A_778 = tpu.memref_squeeze %dma_wait3A_777 : memref<1x64x128xf32, #tpu.memory_space<vmem>> -> memref<64x128xf32, #tpu.memory_space<vmem>>
      %dma_wait3A_779 = arith.constant 0 : i32
      %dma_wait3A_780 = tpu.memref_slice %arg7[%add3A_760, %dma_wait3A_779] : memref<40x64xi32, #tpu.memory_space<vmem>> -> memref<1x64xi32, #tpu.memory_space<vmem>>
      %dma_wait3A_781 = tpu.memref_squeeze %dma_wait3A_780 : memref<1x64xi32, #tpu.memory_space<vmem>> -> memref<64xi32, #tpu.memory_space<vmem>>
      %dma_wait3A_782 = arith.constant 0 : i32
      %dma_wait3A_783 = arith.constant 0 : i32
      %dma_wait3A_784 = tpu.memref_slice %arg2[%add3A_3, %dma_wait3A_782, %dma_wait3A_783] : memref<4x10240x128xf32, #tpu.memory_space<hbm>> -> memref<1x10240x128xf32, #tpu.memory_space<hbm>>
      %dma_wait3A_785 = tpu.memref_squeeze %dma_wait3A_784 : memref<1x10240x128xf32, #tpu.memory_space<hbm>> -> memref<10240x128xf32, #tpu.memory_space<hbm>>
      %dma_wait3A_786 = arith.constant 0 : i32
      %dma_wait3A_787 = arith.constant 0 : i32
      %dma_wait3A_788 = tpu.memref_slice %dma_wait3A_785[%dma_wait3A_786, %dma_wait3A_787] : memref<10240x128xf32, #tpu.memory_space<hbm>> -> memref<10240x128xf32, #tpu.memory_space<hbm>>
      %dma_wait3A_789 = tpu.memref_slice %arg11[%dma_wait3A_774] : memref<4x!tpu.dma_semaphore, #tpu.memory_space<semaphore_mem>> -> memref<1x!tpu.dma_semaphore, #tpu.memory_space<semaphore_mem>>
      %dma_wait3A_790 = tpu.memref_squeeze %dma_wait3A_789 : memref<1x!tpu.dma_semaphore, #tpu.memory_space<semaphore_mem>> -> memref<!tpu.dma_semaphore, #tpu.memory_space<semaphore_mem>>
      tpu.wait_indirect_dma semaphore(%dma_wait3A_790 : memref<!tpu.dma_semaphore, #tpu.memory_space<semaphore_mem>>) src(%dma_wait3A_788 : memref<10240x128xf32, #tpu.memory_space<hbm>>) dst(%dma_wait3A_778 : memref<64x128xf32, #tpu.memory_space<vmem>>)
      %dma_start3A_791 = arith.constant 3 : i32
      %dma_start3A_792 = arith.constant 0 : i32
      %dma_start3A_793 = arith.constant 0 : i32
      %dma_start3A_794 = tpu.memref_slice %arg9[%dma_start3A_791, %dma_start3A_792, %dma_start3A_793] : memref<4x64x128xf32, #tpu.memory_space<vmem>> -> memref<1x64x128xf32, #tpu.memory_space<vmem>>
      %dma_start3A_795 = tpu.memref_squeeze %dma_start3A_794 : memref<1x64x128xf32, #tpu.memory_space<vmem>> -> memref<64x128xf32, #tpu.memory_space<vmem>>
      %dma_start3A_796 = arith.constant 0 : i32
      %dma_start3A_797 = tpu.memref_slice %arg8[%add3A_760, %dma_start3A_796] : memref<40x64xi32, #tpu.memory_space<vmem>> -> memref<1x64xi32, #tpu.memory_space<vmem>>
      %dma_start3A_798 = tpu.memref_squeeze %dma_start3A_797 : memref<1x64xi32, #tpu.memory_space<vmem>> -> memref<64xi32, #tpu.memory_space<vmem>>
      %dma_start3A_799 = arith.constant 0 : i32
      %dma_start3A_800 = arith.constant 0 : i32
      %dma_start3A_801 = tpu.memref_slice %arg10[%dma_start3A_799, %dma_start3A_800] : memref<10240x128xf32, #tpu.memory_space<vmem_shared>> -> memref<10240x128xf32, #tpu.memory_space<vmem_shared>>
      tpu.enqueue_indirect_dma source(%dma_start3A_795 : memref<64x128xf32, #tpu.memory_space<vmem>>) target(%dma_start3A_801 : memref<10240x128xf32, #tpu.memory_space<vmem_shared>>) offsets(%dma_start3A_798 : memref<64xi32, #tpu.memory_space<vmem>>) semaphore(%arg12 : memref<!tpu.dma_semaphore, #tpu.memory_space<semaphore_mem>>) {add = true}
    }
    %scan3A_295 = arith.constant 10 : i32
    %dma_wait3A_296 = arith.constant 3 : i32
    %dma_wait3A_297 = arith.constant 39 : i32
    %dma_wait3A_298 = arith.constant 0 : i32
    %dma_wait3A_299 = arith.constant 0 : i32
    %dma_wait3A_300 = tpu.memref_slice %arg9[%dma_wait3A_296, %dma_wait3A_298, %dma_wait3A_299] : memref<4x64x128xf32, #tpu.memory_space<vmem>> -> memref<1x64x128xf32, #tpu.memory_space<vmem>>
    %dma_wait3A_301 = tpu.memref_squeeze %dma_wait3A_300 : memref<1x64x128xf32, #tpu.memory_space<vmem>> -> memref<64x128xf32, #tpu.memory_space<vmem>>
    %dma_wait3A_302 = arith.constant 0 : i32
    %dma_wait3A_303 = tpu.memref_slice %arg8[%dma_wait3A_297, %dma_wait3A_302] : memref<40x64xi32, #tpu.memory_space<vmem>> -> memref<1x64xi32, #tpu.memory_space<vmem>>
    %dma_wait3A_304 = tpu.memref_squeeze %dma_wait3A_303 : memref<1x64xi32, #tpu.memory_space<vmem>> -> memref<64xi32, #tpu.memory_space<vmem>>
    %dma_wait3A_305 = arith.constant 0 : i32
    %dma_wait3A_306 = arith.constant 0 : i32
    %dma_wait3A_307 = tpu.memref_slice %arg10[%dma_wait3A_305, %dma_wait3A_306] : memref<10240x128xf32, #tpu.memory_space<vmem_shared>> -> memref<10240x128xf32, #tpu.memory_space<vmem_shared>>
    tpu.wait_indirect_dma semaphore(%arg12 : memref<!tpu.dma_semaphore, #tpu.memory_space<semaphore_mem>>) src(%dma_wait3A_301 : memref<64x128xf32, #tpu.memory_space<vmem>>) dst(%dma_wait3A_307 : memref<10240x128xf32, #tpu.memory_space<vmem_shared>>)
    %barrier3A_308 = arith.constant 0 : index
    tpu.barrier barrier_id(%barrier3A_308)
    "tpu.region"() ({
      %run_scoped3A_625 = tpu.sem_alloc : memref<!tpu.dma_semaphore, #tpu.memory_space<semaphore_mem>>
      %dma_start3A_626 = arith.constant 0 : i32
      %dma_start3A_627 = arith.constant 0 : i32
      %dma_start3A_628 = tpu.memref_slice %arg6[%add3A_3, %dma_start3A_626, %dma_start3A_627] : memref<4x10240x128xf32, #tpu.memory_space<hbm>> -> memref<1x10240x128xf32, #tpu.memory_space<hbm>>
      %dma_start3A_629 = tpu.memref_squeeze %dma_start3A_628 : memref<1x10240x128xf32, #tpu.memory_space<hbm>> -> memref<10240x128xf32, #tpu.memory_space<hbm>>
      %dma_start3A_630 = arith.constant 0 : i32
      %dma_start3A_631 = tpu.memref_slice %dma_start3A_629[%mul3A_0, %dma_start3A_630] : memref<10240x128xf32, #tpu.memory_space<hbm>> -> memref<640x128xf32, #tpu.memory_space<hbm>>
      %dma_start3A_632 = arith.constant 0 : i32
      %dma_start3A_633 = tpu.memref_slice %arg10[%mul3A_0, %dma_start3A_632] : memref<10240x128xf32, #tpu.memory_space<vmem_shared>> -> memref<640x128xf32, #tpu.memory_space<vmem_shared>>
      tpu.enqueue_dma source(%dma_start3A_633 : memref<640x128xf32, #tpu.memory_space<vmem_shared>>) target(%dma_start3A_631 : memref<640x128xf32, #tpu.memory_space<hbm>>) target_semaphore(%run_scoped3A_625 : memref<!tpu.dma_semaphore, #tpu.memory_space<semaphore_mem>>)
      %dma_wait3A_634 = arith.constant 0 : i32
      %dma_wait3A_635 = arith.constant 0 : i32
      %dma_wait3A_636 = tpu.memref_slice %arg6[%add3A_3, %dma_wait3A_634, %dma_wait3A_635] : memref<4x10240x128xf32, #tpu.memory_space<hbm>> -> memref<1x10240x128xf32, #tpu.memory_space<hbm>>
      %dma_wait3A_637 = tpu.memref_squeeze %dma_wait3A_636 : memref<1x10240x128xf32, #tpu.memory_space<hbm>> -> memref<10240x128xf32, #tpu.memory_space<hbm>>
      %dma_wait3A_638 = arith.constant 0 : i32
      %dma_wait3A_639 = tpu.memref_slice %dma_wait3A_637[%mul3A_0, %dma_wait3A_638] : memref<10240x128xf32, #tpu.memory_space<hbm>> -> memref<640x128xf32, #tpu.memory_space<hbm>>
      %dma_wait3A_640 = arith.constant 0 : i32
      %dma_wait3A_641 = tpu.memref_slice %arg10[%mul3A_0, %dma_wait3A_640] : memref<10240x128xf32, #tpu.memory_space<vmem_shared>> -> memref<640x128xf32, #tpu.memory_space<vmem_shared>>
      tpu.wait_dma2 semaphore(%run_scoped3A_625 : memref<!tpu.dma_semaphore, #tpu.memory_space<semaphore_mem>>) src(%dma_wait3A_641 : memref<640x128xf32, #tpu.memory_space<vmem_shared>>) dst(%dma_wait3A_639 : memref<640x128xf32, #tpu.memory_space<hbm>>)
      tpu.yield
    }) : () -> ()
    %barrier3A_309 = arith.constant 0 : index
    tpu.barrier barrier_id(%barrier3A_309)
    %mul3A_310 = arith.constant 2 : i32
    %mul3A_311 = arith.muli %arg0, %mul3A_310 : i32
    %add3A_312 = arith.constant 1 : i32
    %add3A_313 = arith.addi %mul3A_311, %add3A_312 : i32
    "tpu.region"() ({
      %run_scoped3A_625 = tpu.sem_alloc : memref<!tpu.dma_semaphore, #tpu.memory_space<semaphore_mem>>
      %dma_start3A_626 = arith.constant 0 : i32
      %dma_start3A_627 = tpu.memref_slice %arg10[%mul3A_0, %dma_start3A_626] : memref<10240x128xf32, #tpu.memory_space<vmem_shared>> -> memref<640x128xf32, #tpu.memory_space<vmem_shared>>
      %dma_start3A_628 = arith.constant 0 : i32
      %dma_start3A_629 = tpu.memref_slice %arg5[%mul3A_0, %dma_start3A_628] : memref<10240x128xf32, #tpu.memory_space<hbm>> -> memref<640x128xf32, #tpu.memory_space<hbm>>
      tpu.enqueue_dma source(%dma_start3A_629 : memref<640x128xf32, #tpu.memory_space<hbm>>) target(%dma_start3A_627 : memref<640x128xf32, #tpu.memory_space<vmem_shared>>) target_semaphore(%run_scoped3A_625 : memref<!tpu.dma_semaphore, #tpu.memory_space<semaphore_mem>>)
      %dma_wait3A_630 = arith.constant 0 : i32
      %dma_wait3A_631 = tpu.memref_slice %arg10[%mul3A_0, %dma_wait3A_630] : memref<10240x128xf32, #tpu.memory_space<vmem_shared>> -> memref<640x128xf32, #tpu.memory_space<vmem_shared>>
      %dma_wait3A_632 = arith.constant 0 : i32
      %dma_wait3A_633 = tpu.memref_slice %arg5[%mul3A_0, %dma_wait3A_632] : memref<10240x128xf32, #tpu.memory_space<hbm>> -> memref<640x128xf32, #tpu.memory_space<hbm>>
      tpu.wait_dma2 semaphore(%run_scoped3A_625 : memref<!tpu.dma_semaphore, #tpu.memory_space<semaphore_mem>>) src(%dma_wait3A_633 : memref<640x128xf32, #tpu.memory_space<hbm>>) dst(%dma_wait3A_631 : memref<640x128xf32, #tpu.memory_space<vmem_shared>>)
      tpu.yield
    }) : () -> ()
    %barrier3A_314 = arith.constant 0 : index
    tpu.barrier barrier_id(%barrier3A_314)
    %run_scoped3A_315 = arith.constant 0 : i32
    "tpu.region"() ({
      %run_scoped3A_625 = tpu.sem_alloc : memref<!tpu.dma_semaphore, #tpu.memory_space<semaphore_mem>>
      %dma_start3A_626 = arith.constant 0 : i32
      %dma_start3A_627 = arith.constant 0 : i32
      %dma_start3A_628 = tpu.memref_slice %arg3[%arg1, %run_scoped3A_315, %dma_start3A_626, %dma_start3A_627] : memref<16x4x40x64xi32, #tpu.memory_space<hbm>> -> memref<1x1x40x64xi32, #tpu.memory_space<hbm>>
      %dma_start3A_629 = tpu.memref_squeeze %dma_start3A_628 : memref<1x1x40x64xi32, #tpu.memory_space<hbm>> -> memref<40x64xi32, #tpu.memory_space<hbm>>
      %dma_start3A_630 = arith.constant 0 : i32
      %dma_start3A_631 = arith.constant 0 : i32
      %dma_start3A_632 = tpu.memref_slice %arg3[%arg1, %run_scoped3A_315, %dma_start3A_630, %dma_start3A_631] : memref<16x4x40x64xi32, #tpu.memory_space<hbm>> -> memref<1x1x40x64xi32, #tpu.memory_space<hbm>>
      %dma_start3A_633 = tpu.memref_squeeze %dma_start3A_632 : memref<1x1x40x64xi32, #tpu.memory_space<hbm>> -> memref<40x64xi32, #tpu.memory_space<hbm>>
      tpu.enqueue_dma source(%dma_start3A_633 : memref<40x64xi32, #tpu.memory_space<hbm>>) target(%arg7 : memref<40x64xi32, #tpu.memory_space<vmem>>) target_semaphore(%run_scoped3A_625 : memref<!tpu.dma_semaphore, #tpu.memory_space<semaphore_mem>>)
      %dma_wait3A_634 = arith.constant 0 : i32
      %dma_wait3A_635 = arith.constant 0 : i32
      %dma_wait3A_636 = tpu.memref_slice %arg3[%arg1, %run_scoped3A_315, %dma_wait3A_634, %dma_wait3A_635] : memref<16x4x40x64xi32, #tpu.memory_space<hbm>> -> memref<1x1x40x64xi32, #tpu.memory_space<hbm>>
      %dma_wait3A_637 = tpu.memref_squeeze %dma_wait3A_636 : memref<1x1x40x64xi32, #tpu.memory_space<hbm>> -> memref<40x64xi32, #tpu.memory_space<hbm>>
      %dma_wait3A_638 = arith.constant 0 : i32
      %dma_wait3A_639 = arith.constant 0 : i32
      %dma_wait3A_640 = tpu.memref_slice %arg3[%arg1, %run_scoped3A_315, %dma_wait3A_638, %dma_wait3A_639] : memref<16x4x40x64xi32, #tpu.memory_space<hbm>> -> memref<1x1x40x64xi32, #tpu.memory_space<hbm>>
      %dma_wait3A_641 = tpu.memref_squeeze %dma_wait3A_640 : memref<1x1x40x64xi32, #tpu.memory_space<hbm>> -> memref<40x64xi32, #tpu.memory_space<hbm>>
      tpu.wait_dma2 semaphore(%run_scoped3A_625 : memref<!tpu.dma_semaphore, #tpu.memory_space<semaphore_mem>>) src(%dma_wait3A_641 : memref<40x64xi32, #tpu.memory_space<hbm>>) dst(%arg7 : memref<40x64xi32, #tpu.memory_space<vmem>>)
      tpu.yield
    }) : () -> ()
    %run_scoped3A_316 = arith.constant 0 : i32
    "tpu.region"() ({
      %run_scoped3A_625 = tpu.sem_alloc : memref<!tpu.dma_semaphore, #tpu.memory_space<semaphore_mem>>
      %dma_start3A_626 = arith.constant 0 : i32
      %dma_start3A_627 = arith.constant 0 : i32
      %dma_start3A_628 = tpu.memref_slice %arg4[%arg1, %run_scoped3A_316, %dma_start3A_626, %dma_start3A_627] : memref<16x4x40x64xi32, #tpu.memory_space<hbm>> -> memref<1x1x40x64xi32, #tpu.memory_space<hbm>>
      %dma_start3A_629 = tpu.memref_squeeze %dma_start3A_628 : memref<1x1x40x64xi32, #tpu.memory_space<hbm>> -> memref<40x64xi32, #tpu.memory_space<hbm>>
      %dma_start3A_630 = arith.constant 0 : i32
      %dma_start3A_631 = arith.constant 0 : i32
      %dma_start3A_632 = tpu.memref_slice %arg4[%arg1, %run_scoped3A_316, %dma_start3A_630, %dma_start3A_631] : memref<16x4x40x64xi32, #tpu.memory_space<hbm>> -> memref<1x1x40x64xi32, #tpu.memory_space<hbm>>
      %dma_start3A_633 = tpu.memref_squeeze %dma_start3A_632 : memref<1x1x40x64xi32, #tpu.memory_space<hbm>> -> memref<40x64xi32, #tpu.memory_space<hbm>>
      tpu.enqueue_dma source(%dma_start3A_633 : memref<40x64xi32, #tpu.memory_space<hbm>>) target(%arg8 : memref<40x64xi32, #tpu.memory_space<vmem>>) target_semaphore(%run_scoped3A_625 : memref<!tpu.dma_semaphore, #tpu.memory_space<semaphore_mem>>)
      %dma_wait3A_634 = arith.constant 0 : i32
      %dma_wait3A_635 = arith.constant 0 : i32
      %dma_wait3A_636 = tpu.memref_slice %arg4[%arg1, %run_scoped3A_316, %dma_wait3A_634, %dma_wait3A_635] : memref<16x4x40x64xi32, #tpu.memory_space<hbm>> -> memref<1x1x40x64xi32, #tpu.memory_space<hbm>>
      %dma_wait3A_637 = tpu.memref_squeeze %dma_wait3A_636 : memref<1x1x40x64xi32, #tpu.memory_space<hbm>> -> memref<40x64xi32, #tpu.memory_space<hbm>>
      %dma_wait3A_638 = arith.constant 0 : i32
      %dma_wait3A_639 = arith.constant 0 : i32
      %dma_wait3A_640 = tpu.memref_slice %arg4[%arg1, %run_scoped3A_316, %dma_wait3A_638, %dma_wait3A_639] : memref<16x4x40x64xi32, #tpu.memory_space<hbm>> -> memref<1x1x40x64xi32, #tpu.memory_space<hbm>>
      %dma_wait3A_641 = tpu.memref_squeeze %dma_wait3A_640 : memref<1x1x40x64xi32, #tpu.memory_space<hbm>> -> memref<40x64xi32, #tpu.memory_space<hbm>>
      tpu.wait_dma2 semaphore(%run_scoped3A_625 : memref<!tpu.dma_semaphore, #tpu.memory_space<semaphore_mem>>) src(%dma_wait3A_641 : memref<40x64xi32, #tpu.memory_space<hbm>>) dst(%arg8 : memref<40x64xi32, #tpu.memory_space<vmem>>)
      tpu.yield
    }) : () -> ()
    %dma_start3A_317 = arith.constant 0 : i32
    %dma_start3A_318 = arith.constant 0 : i32
    %dma_start3A_319 = arith.constant 0 : i32
    %dma_start3A_320 = arith.constant 0 : i32
    %dma_start3A_321 = arith.constant 0 : i32
    %dma_start3A_322 = tpu.memref_slice %arg9[%dma_start3A_318, %dma_start3A_320, %dma_start3A_321] : memref<4x64x128xf32, #tpu.memory_space<vmem>> -> memref<1x64x128xf32, #tpu.memory_space<vmem>>
    %dma_start3A_323 = tpu.memref_squeeze %dma_start3A_322 : memref<1x64x128xf32, #tpu.memory_space<vmem>> -> memref<64x128xf32, #tpu.memory_space<vmem>>
    %dma_start3A_324 = arith.constant 0 : i32
    %dma_start3A_325 = tpu.memref_slice %arg7[%dma_start3A_317, %dma_start3A_324] : memref<40x64xi32, #tpu.memory_space<vmem>> -> memref<1x64xi32, #tpu.memory_space<vmem>>
    %dma_start3A_326 = tpu.memref_squeeze %dma_start3A_325 : memref<1x64xi32, #tpu.memory_space<vmem>> -> memref<64xi32, #tpu.memory_space<vmem>>
    %dma_start3A_327 = arith.constant 0 : i32
    %dma_start3A_328 = arith.constant 0 : i32
    %dma_start3A_329 = tpu.memref_slice %arg2[%add3A_313, %dma_start3A_327, %dma_start3A_328] : memref<4x10240x128xf32, #tpu.memory_space<hbm>> -> memref<1x10240x128xf32, #tpu.memory_space<hbm>>
    %dma_start3A_330 = tpu.memref_squeeze %dma_start3A_329 : memref<1x10240x128xf32, #tpu.memory_space<hbm>> -> memref<10240x128xf32, #tpu.memory_space<hbm>>
    %dma_start3A_331 = arith.constant 0 : i32
    %dma_start3A_332 = arith.constant 0 : i32
    %dma_start3A_333 = tpu.memref_slice %dma_start3A_330[%dma_start3A_331, %dma_start3A_332] : memref<10240x128xf32, #tpu.memory_space<hbm>> -> memref<10240x128xf32, #tpu.memory_space<hbm>>
    %dma_start3A_334 = tpu.memref_slice %arg11[%dma_start3A_319] : memref<4x!tpu.dma_semaphore, #tpu.memory_space<semaphore_mem>> -> memref<1x!tpu.dma_semaphore, #tpu.memory_space<semaphore_mem>>
    %dma_start3A_335 = tpu.memref_squeeze %dma_start3A_334 : memref<1x!tpu.dma_semaphore, #tpu.memory_space<semaphore_mem>> -> memref<!tpu.dma_semaphore, #tpu.memory_space<semaphore_mem>>
    tpu.enqueue_indirect_dma source(%dma_start3A_333 : memref<10240x128xf32, #tpu.memory_space<hbm>>) target(%dma_start3A_323 : memref<64x128xf32, #tpu.memory_space<vmem>>) offsets(%dma_start3A_326 : memref<64xi32, #tpu.memory_space<vmem>>) semaphore(%dma_start3A_335 : memref<!tpu.dma_semaphore, #tpu.memory_space<semaphore_mem>>)
    %dma_start3A_336 = arith.constant 1 : i32
    %dma_start3A_337 = arith.constant 1 : i32
    %dma_start3A_338 = arith.constant 1 : i32
    %dma_start3A_339 = arith.constant 0 : i32
    %dma_start3A_340 = arith.constant 0 : i32
    %dma_start3A_341 = tpu.memref_slice %arg9[%dma_start3A_337, %dma_start3A_339, %dma_start3A_340] : memref<4x64x128xf32, #tpu.memory_space<vmem>> -> memref<1x64x128xf32, #tpu.memory_space<vmem>>
    %dma_start3A_342 = tpu.memref_squeeze %dma_start3A_341 : memref<1x64x128xf32, #tpu.memory_space<vmem>> -> memref<64x128xf32, #tpu.memory_space<vmem>>
    %dma_start3A_343 = arith.constant 0 : i32
    %dma_start3A_344 = tpu.memref_slice %arg7[%dma_start3A_336, %dma_start3A_343] : memref<40x64xi32, #tpu.memory_space<vmem>> -> memref<1x64xi32, #tpu.memory_space<vmem>>
    %dma_start3A_345 = tpu.memref_squeeze %dma_start3A_344 : memref<1x64xi32, #tpu.memory_space<vmem>> -> memref<64xi32, #tpu.memory_space<vmem>>
    %dma_start3A_346 = arith.constant 0 : i32
    %dma_start3A_347 = arith.constant 0 : i32
    %dma_start3A_348 = tpu.memref_slice %arg2[%add3A_313, %dma_start3A_346, %dma_start3A_347] : memref<4x10240x128xf32, #tpu.memory_space<hbm>> -> memref<1x10240x128xf32, #tpu.memory_space<hbm>>
    %dma_start3A_349 = tpu.memref_squeeze %dma_start3A_348 : memref<1x10240x128xf32, #tpu.memory_space<hbm>> -> memref<10240x128xf32, #tpu.memory_space<hbm>>
    %dma_start3A_350 = arith.constant 0 : i32
    %dma_start3A_351 = arith.constant 0 : i32
    %dma_start3A_352 = tpu.memref_slice %dma_start3A_349[%dma_start3A_350, %dma_start3A_351] : memref<10240x128xf32, #tpu.memory_space<hbm>> -> memref<10240x128xf32, #tpu.memory_space<hbm>>
    %dma_start3A_353 = tpu.memref_slice %arg11[%dma_start3A_338] : memref<4x!tpu.dma_semaphore, #tpu.memory_space<semaphore_mem>> -> memref<1x!tpu.dma_semaphore, #tpu.memory_space<semaphore_mem>>
    %dma_start3A_354 = tpu.memref_squeeze %dma_start3A_353 : memref<1x!tpu.dma_semaphore, #tpu.memory_space<semaphore_mem>> -> memref<!tpu.dma_semaphore, #tpu.memory_space<semaphore_mem>>
    tpu.enqueue_indirect_dma source(%dma_start3A_352 : memref<10240x128xf32, #tpu.memory_space<hbm>>) target(%dma_start3A_342 : memref<64x128xf32, #tpu.memory_space<vmem>>) offsets(%dma_start3A_345 : memref<64xi32, #tpu.memory_space<vmem>>) semaphore(%dma_start3A_354 : memref<!tpu.dma_semaphore, #tpu.memory_space<semaphore_mem>>)
    %dma_start3A_355 = arith.constant 2 : i32
    %dma_start3A_356 = arith.constant 2 : i32
    %dma_start3A_357 = arith.constant 2 : i32
    %dma_start3A_358 = arith.constant 0 : i32
    %dma_start3A_359 = arith.constant 0 : i32
    %dma_start3A_360 = tpu.memref_slice %arg9[%dma_start3A_356, %dma_start3A_358, %dma_start3A_359] : memref<4x64x128xf32, #tpu.memory_space<vmem>> -> memref<1x64x128xf32, #tpu.memory_space<vmem>>
    %dma_start3A_361 = tpu.memref_squeeze %dma_start3A_360 : memref<1x64x128xf32, #tpu.memory_space<vmem>> -> memref<64x128xf32, #tpu.memory_space<vmem>>
    %dma_start3A_362 = arith.constant 0 : i32
    %dma_start3A_363 = tpu.memref_slice %arg7[%dma_start3A_355, %dma_start3A_362] : memref<40x64xi32, #tpu.memory_space<vmem>> -> memref<1x64xi32, #tpu.memory_space<vmem>>
    %dma_start3A_364 = tpu.memref_squeeze %dma_start3A_363 : memref<1x64xi32, #tpu.memory_space<vmem>> -> memref<64xi32, #tpu.memory_space<vmem>>
    %dma_start3A_365 = arith.constant 0 : i32
    %dma_start3A_366 = arith.constant 0 : i32
    %dma_start3A_367 = tpu.memref_slice %arg2[%add3A_313, %dma_start3A_365, %dma_start3A_366] : memref<4x10240x128xf32, #tpu.memory_space<hbm>> -> memref<1x10240x128xf32, #tpu.memory_space<hbm>>
    %dma_start3A_368 = tpu.memref_squeeze %dma_start3A_367 : memref<1x10240x128xf32, #tpu.memory_space<hbm>> -> memref<10240x128xf32, #tpu.memory_space<hbm>>
    %dma_start3A_369 = arith.constant 0 : i32
    %dma_start3A_370 = arith.constant 0 : i32
    %dma_start3A_371 = tpu.memref_slice %dma_start3A_368[%dma_start3A_369, %dma_start3A_370] : memref<10240x128xf32, #tpu.memory_space<hbm>> -> memref<10240x128xf32, #tpu.memory_space<hbm>>
    %dma_start3A_372 = tpu.memref_slice %arg11[%dma_start3A_357] : memref<4x!tpu.dma_semaphore, #tpu.memory_space<semaphore_mem>> -> memref<1x!tpu.dma_semaphore, #tpu.memory_space<semaphore_mem>>
    %dma_start3A_373 = tpu.memref_squeeze %dma_start3A_372 : memref<1x!tpu.dma_semaphore, #tpu.memory_space<semaphore_mem>> -> memref<!tpu.dma_semaphore, #tpu.memory_space<semaphore_mem>>
    tpu.enqueue_indirect_dma source(%dma_start3A_371 : memref<10240x128xf32, #tpu.memory_space<hbm>>) target(%dma_start3A_361 : memref<64x128xf32, #tpu.memory_space<vmem>>) offsets(%dma_start3A_364 : memref<64xi32, #tpu.memory_space<vmem>>) semaphore(%dma_start3A_373 : memref<!tpu.dma_semaphore, #tpu.memory_space<semaphore_mem>>)
    %scan3A_374 = arith.constant 0 : i32
    %scan3A_375 = arith.constant 0 : i32
    %scan3A_376 = arith.constant 10 : i32
    %scan3A_377 = arith.addi %scan3A_375, %scan3A_376 : i32
    %scan3A_378 = arith.constant 1 : i32
    scf.for %scan3A_625 = %scan3A_375 to %scan3A_377 step %scan3A_378  : i32 {
      %mul3A_626 = arith.constant 4 : i32
      %mul3A_627 = arith.muli %scan3A_625, %mul3A_626 : i32
      %add3A_628 = arith.constant 0 : i32
      %add3A_629 = arith.addi %mul3A_627, %add3A_628 : i32
      %gt3A = arith.constant 0 : i32
      %gt3A_630 = arith.cmpi sgt, %add3A_629, %gt3A : i32
      %convert_element_type3A = arith.extui %gt3A_630 : i1 to i32
      %cond3A = arith.constant 0 : i32
      %cond3A_631 = arith.cmpi ne, %convert_element_type3A, %cond3A : i32
      scf.if %cond3A_631 {
        %sub3A = arith.constant 1 : i32
        %sub3A_802 = arith.subi %add3A_629, %sub3A : i32
        %dma_wait3A_803 = arith.constant 3 : i32
        %dma_wait3A_804 = arith.constant 0 : i32
        %dma_wait3A_805 = arith.constant 0 : i32
        %dma_wait3A_806 = tpu.memref_slice %arg9[%dma_wait3A_803, %dma_wait3A_804, %dma_wait3A_805] : memref<4x64x128xf32, #tpu.memory_space<vmem>> -> memref<1x64x128xf32, #tpu.memory_space<vmem>>
        %dma_wait3A_807 = tpu.memref_squeeze %dma_wait3A_806 : memref<1x64x128xf32, #tpu.memory_space<vmem>> -> memref<64x128xf32, #tpu.memory_space<vmem>>
        %dma_wait3A_808 = arith.constant 0 : i32
        %dma_wait3A_809 = tpu.memref_slice %arg8[%sub3A_802, %dma_wait3A_808] : memref<40x64xi32, #tpu.memory_space<vmem>> -> memref<1x64xi32, #tpu.memory_space<vmem>>
        %dma_wait3A_810 = tpu.memref_squeeze %dma_wait3A_809 : memref<1x64xi32, #tpu.memory_space<vmem>> -> memref<64xi32, #tpu.memory_space<vmem>>
        %dma_wait3A_811 = arith.constant 0 : i32
        %dma_wait3A_812 = arith.constant 0 : i32
        %dma_wait3A_813 = tpu.memref_slice %arg10[%dma_wait3A_811, %dma_wait3A_812] : memref<10240x128xf32, #tpu.memory_space<vmem_shared>> -> memref<10240x128xf32, #tpu.memory_space<vmem_shared>>
        tpu.wait_indirect_dma semaphore(%arg12 : memref<!tpu.dma_semaphore, #tpu.memory_space<semaphore_mem>>) src(%dma_wait3A_807 : memref<64x128xf32, #tpu.memory_space<vmem>>) dst(%dma_wait3A_813 : memref<10240x128xf32, #tpu.memory_space<vmem_shared>>)
      } else {
      }
      %add3A_632 = arith.constant 3 : i32
      %add3A_633 = arith.addi %add3A_629, %add3A_632 : i32
      %lt3A = arith.constant 40 : i32
      %lt3A_634 = arith.cmpi slt, %add3A_633, %lt3A : i32
      %convert_element_type3A_635 = arith.extui %lt3A_634 : i1 to i32
      %cond3A_636 = arith.constant 0 : i32
      %cond3A_637 = arith.cmpi ne, %convert_element_type3A_635, %cond3A_636 : i32
      scf.if %cond3A_637 {
        %add3A_802 = arith.constant 3 : i32
        %add3A_803 = arith.addi %add3A_629, %add3A_802 : i32
        %dma_start3A_804 = arith.constant 3 : i32
        %dma_start3A_805 = arith.constant 3 : i32
        %dma_start3A_806 = arith.constant 0 : i32
        %dma_start3A_807 = arith.constant 0 : i32
        %dma_start3A_808 = tpu.memref_slice %arg9[%dma_start3A_804, %dma_start3A_806, %dma_start3A_807] : memref<4x64x128xf32, #tpu.memory_space<vmem>> -> memref<1x64x128xf32, #tpu.memory_space<vmem>>
        %dma_start3A_809 = tpu.memref_squeeze %dma_start3A_808 : memref<1x64x128xf32, #tpu.memory_space<vmem>> -> memref<64x128xf32, #tpu.memory_space<vmem>>
        %dma_start3A_810 = arith.constant 0 : i32
        %dma_start3A_811 = tpu.memref_slice %arg7[%add3A_803, %dma_start3A_810] : memref<40x64xi32, #tpu.memory_space<vmem>> -> memref<1x64xi32, #tpu.memory_space<vmem>>
        %dma_start3A_812 = tpu.memref_squeeze %dma_start3A_811 : memref<1x64xi32, #tpu.memory_space<vmem>> -> memref<64xi32, #tpu.memory_space<vmem>>
        %dma_start3A_813 = arith.constant 0 : i32
        %dma_start3A_814 = arith.constant 0 : i32
        %dma_start3A_815 = tpu.memref_slice %arg2[%add3A_313, %dma_start3A_813, %dma_start3A_814] : memref<4x10240x128xf32, #tpu.memory_space<hbm>> -> memref<1x10240x128xf32, #tpu.memory_space<hbm>>
        %dma_start3A_816 = tpu.memref_squeeze %dma_start3A_815 : memref<1x10240x128xf32, #tpu.memory_space<hbm>> -> memref<10240x128xf32, #tpu.memory_space<hbm>>
        %dma_start3A_817 = arith.constant 0 : i32
        %dma_start3A_818 = arith.constant 0 : i32
        %dma_start3A_819 = tpu.memref_slice %dma_start3A_816[%dma_start3A_817, %dma_start3A_818] : memref<10240x128xf32, #tpu.memory_space<hbm>> -> memref<10240x128xf32, #tpu.memory_space<hbm>>
        %dma_start3A_820 = tpu.memref_slice %arg11[%dma_start3A_805] : memref<4x!tpu.dma_semaphore, #tpu.memory_space<semaphore_mem>> -> memref<1x!tpu.dma_semaphore, #tpu.memory_space<semaphore_mem>>
        %dma_start3A_821 = tpu.memref_squeeze %dma_start3A_820 : memref<1x!tpu.dma_semaphore, #tpu.memory_space<semaphore_mem>> -> memref<!tpu.dma_semaphore, #tpu.memory_space<semaphore_mem>>
        tpu.enqueue_indirect_dma source(%dma_start3A_819 : memref<10240x128xf32, #tpu.memory_space<hbm>>) target(%dma_start3A_809 : memref<64x128xf32, #tpu.memory_space<vmem>>) offsets(%dma_start3A_812 : memref<64xi32, #tpu.memory_space<vmem>>) semaphore(%dma_start3A_821 : memref<!tpu.dma_semaphore, #tpu.memory_space<semaphore_mem>>)
      } else {
      }
      %dma_wait3A_638 = arith.constant 0 : i32
      %dma_wait3A_639 = arith.constant 0 : i32
      %dma_wait3A_640 = arith.constant 0 : i32
      %dma_wait3A_641 = arith.constant 0 : i32
      %dma_wait3A_642 = tpu.memref_slice %arg9[%dma_wait3A_638, %dma_wait3A_640, %dma_wait3A_641] : memref<4x64x128xf32, #tpu.memory_space<vmem>> -> memref<1x64x128xf32, #tpu.memory_space<vmem>>
      %dma_wait3A_643 = tpu.memref_squeeze %dma_wait3A_642 : memref<1x64x128xf32, #tpu.memory_space<vmem>> -> memref<64x128xf32, #tpu.memory_space<vmem>>
      %dma_wait3A_644 = arith.constant 0 : i32
      %dma_wait3A_645 = tpu.memref_slice %arg7[%add3A_629, %dma_wait3A_644] : memref<40x64xi32, #tpu.memory_space<vmem>> -> memref<1x64xi32, #tpu.memory_space<vmem>>
      %dma_wait3A_646 = tpu.memref_squeeze %dma_wait3A_645 : memref<1x64xi32, #tpu.memory_space<vmem>> -> memref<64xi32, #tpu.memory_space<vmem>>
      %dma_wait3A_647 = arith.constant 0 : i32
      %dma_wait3A_648 = arith.constant 0 : i32
      %dma_wait3A_649 = tpu.memref_slice %arg2[%add3A_313, %dma_wait3A_647, %dma_wait3A_648] : memref<4x10240x128xf32, #tpu.memory_space<hbm>> -> memref<1x10240x128xf32, #tpu.memory_space<hbm>>
      %dma_wait3A_650 = tpu.memref_squeeze %dma_wait3A_649 : memref<1x10240x128xf32, #tpu.memory_space<hbm>> -> memref<10240x128xf32, #tpu.memory_space<hbm>>
      %dma_wait3A_651 = arith.constant 0 : i32
      %dma_wait3A_652 = arith.constant 0 : i32
      %dma_wait3A_653 = tpu.memref_slice %dma_wait3A_650[%dma_wait3A_651, %dma_wait3A_652] : memref<10240x128xf32, #tpu.memory_space<hbm>> -> memref<10240x128xf32, #tpu.memory_space<hbm>>
      %dma_wait3A_654 = tpu.memref_slice %arg11[%dma_wait3A_639] : memref<4x!tpu.dma_semaphore, #tpu.memory_space<semaphore_mem>> -> memref<1x!tpu.dma_semaphore, #tpu.memory_space<semaphore_mem>>
      %dma_wait3A_655 = tpu.memref_squeeze %dma_wait3A_654 : memref<1x!tpu.dma_semaphore, #tpu.memory_space<semaphore_mem>> -> memref<!tpu.dma_semaphore, #tpu.memory_space<semaphore_mem>>
      tpu.wait_indirect_dma semaphore(%dma_wait3A_655 : memref<!tpu.dma_semaphore, #tpu.memory_space<semaphore_mem>>) src(%dma_wait3A_653 : memref<10240x128xf32, #tpu.memory_space<hbm>>) dst(%dma_wait3A_643 : memref<64x128xf32, #tpu.memory_space<vmem>>)
      %dma_start3A_656 = arith.constant 0 : i32
      %dma_start3A_657 = arith.constant 0 : i32
      %dma_start3A_658 = arith.constant 0 : i32
      %dma_start3A_659 = tpu.memref_slice %arg9[%dma_start3A_656, %dma_start3A_657, %dma_start3A_658] : memref<4x64x128xf32, #tpu.memory_space<vmem>> -> memref<1x64x128xf32, #tpu.memory_space<vmem>>
      %dma_start3A_660 = tpu.memref_squeeze %dma_start3A_659 : memref<1x64x128xf32, #tpu.memory_space<vmem>> -> memref<64x128xf32, #tpu.memory_space<vmem>>
      %dma_start3A_661 = arith.constant 0 : i32
      %dma_start3A_662 = tpu.memref_slice %arg8[%add3A_629, %dma_start3A_661] : memref<40x64xi32, #tpu.memory_space<vmem>> -> memref<1x64xi32, #tpu.memory_space<vmem>>
      %dma_start3A_663 = tpu.memref_squeeze %dma_start3A_662 : memref<1x64xi32, #tpu.memory_space<vmem>> -> memref<64xi32, #tpu.memory_space<vmem>>
      %dma_start3A_664 = arith.constant 0 : i32
      %dma_start3A_665 = arith.constant 0 : i32
      %dma_start3A_666 = tpu.memref_slice %arg10[%dma_start3A_664, %dma_start3A_665] : memref<10240x128xf32, #tpu.memory_space<vmem_shared>> -> memref<10240x128xf32, #tpu.memory_space<vmem_shared>>
      tpu.enqueue_indirect_dma source(%dma_start3A_660 : memref<64x128xf32, #tpu.memory_space<vmem>>) target(%dma_start3A_666 : memref<10240x128xf32, #tpu.memory_space<vmem_shared>>) offsets(%dma_start3A_663 : memref<64xi32, #tpu.memory_space<vmem>>) semaphore(%arg12 : memref<!tpu.dma_semaphore, #tpu.memory_space<semaphore_mem>>) {add = true}
      %mul3A_667 = arith.constant 4 : i32
      %mul3A_668 = arith.muli %scan3A_625, %mul3A_667 : i32
      %add3A_669 = arith.constant 1 : i32
      %add3A_670 = arith.addi %mul3A_668, %add3A_669 : i32
      %gt3A_671 = arith.constant 0 : i32
      %gt3A_672 = arith.cmpi sgt, %add3A_670, %gt3A_671 : i32
      %convert_element_type3A_673 = arith.extui %gt3A_672 : i1 to i32
      %cond3A_674 = arith.constant 0 : i32
      %cond3A_675 = arith.cmpi ne, %convert_element_type3A_673, %cond3A_674 : i32
      scf.if %cond3A_675 {
        %sub3A = arith.constant 1 : i32
        %sub3A_802 = arith.subi %add3A_670, %sub3A : i32
        %dma_wait3A_803 = arith.constant 0 : i32
        %dma_wait3A_804 = arith.constant 0 : i32
        %dma_wait3A_805 = arith.constant 0 : i32
        %dma_wait3A_806 = tpu.memref_slice %arg9[%dma_wait3A_803, %dma_wait3A_804, %dma_wait3A_805] : memref<4x64x128xf32, #tpu.memory_space<vmem>> -> memref<1x64x128xf32, #tpu.memory_space<vmem>>
        %dma_wait3A_807 = tpu.memref_squeeze %dma_wait3A_806 : memref<1x64x128xf32, #tpu.memory_space<vmem>> -> memref<64x128xf32, #tpu.memory_space<vmem>>
        %dma_wait3A_808 = arith.constant 0 : i32
        %dma_wait3A_809 = tpu.memref_slice %arg8[%sub3A_802, %dma_wait3A_808] : memref<40x64xi32, #tpu.memory_space<vmem>> -> memref<1x64xi32, #tpu.memory_space<vmem>>
        %dma_wait3A_810 = tpu.memref_squeeze %dma_wait3A_809 : memref<1x64xi32, #tpu.memory_space<vmem>> -> memref<64xi32, #tpu.memory_space<vmem>>
        %dma_wait3A_811 = arith.constant 0 : i32
        %dma_wait3A_812 = arith.constant 0 : i32
        %dma_wait3A_813 = tpu.memref_slice %arg10[%dma_wait3A_811, %dma_wait3A_812] : memref<10240x128xf32, #tpu.memory_space<vmem_shared>> -> memref<10240x128xf32, #tpu.memory_space<vmem_shared>>
        tpu.wait_indirect_dma semaphore(%arg12 : memref<!tpu.dma_semaphore, #tpu.memory_space<semaphore_mem>>) src(%dma_wait3A_807 : memref<64x128xf32, #tpu.memory_space<vmem>>) dst(%dma_wait3A_813 : memref<10240x128xf32, #tpu.memory_space<vmem_shared>>)
      } else {
      }
      %add3A_676 = arith.constant 3 : i32
      %add3A_677 = arith.addi %add3A_670, %add3A_676 : i32
      %lt3A_678 = arith.constant 40 : i32
      %lt3A_679 = arith.cmpi slt, %add3A_677, %lt3A_678 : i32
      %convert_element_type3A_680 = arith.extui %lt3A_679 : i1 to i32
      %cond3A_681 = arith.constant 0 : i32
      %cond3A_682 = arith.cmpi ne, %convert_element_type3A_680, %cond3A_681 : i32
      scf.if %cond3A_682 {
        %add3A_802 = arith.constant 3 : i32
        %add3A_803 = arith.addi %add3A_670, %add3A_802 : i32
        %dma_start3A_804 = arith.constant 0 : i32
        %dma_start3A_805 = arith.constant 0 : i32
        %dma_start3A_806 = arith.constant 0 : i32
        %dma_start3A_807 = arith.constant 0 : i32
        %dma_start3A_808 = tpu.memref_slice %arg9[%dma_start3A_804, %dma_start3A_806, %dma_start3A_807] : memref<4x64x128xf32, #tpu.memory_space<vmem>> -> memref<1x64x128xf32, #tpu.memory_space<vmem>>
        %dma_start3A_809 = tpu.memref_squeeze %dma_start3A_808 : memref<1x64x128xf32, #tpu.memory_space<vmem>> -> memref<64x128xf32, #tpu.memory_space<vmem>>
        %dma_start3A_810 = arith.constant 0 : i32
        %dma_start3A_811 = tpu.memref_slice %arg7[%add3A_803, %dma_start3A_810] : memref<40x64xi32, #tpu.memory_space<vmem>> -> memref<1x64xi32, #tpu.memory_space<vmem>>
        %dma_start3A_812 = tpu.memref_squeeze %dma_start3A_811 : memref<1x64xi32, #tpu.memory_space<vmem>> -> memref<64xi32, #tpu.memory_space<vmem>>
        %dma_start3A_813 = arith.constant 0 : i32
        %dma_start3A_814 = arith.constant 0 : i32
        %dma_start3A_815 = tpu.memref_slice %arg2[%add3A_313, %dma_start3A_813, %dma_start3A_814] : memref<4x10240x128xf32, #tpu.memory_space<hbm>> -> memref<1x10240x128xf32, #tpu.memory_space<hbm>>
        %dma_start3A_816 = tpu.memref_squeeze %dma_start3A_815 : memref<1x10240x128xf32, #tpu.memory_space<hbm>> -> memref<10240x128xf32, #tpu.memory_space<hbm>>
        %dma_start3A_817 = arith.constant 0 : i32
        %dma_start3A_818 = arith.constant 0 : i32
        %dma_start3A_819 = tpu.memref_slice %dma_start3A_816[%dma_start3A_817, %dma_start3A_818] : memref<10240x128xf32, #tpu.memory_space<hbm>> -> memref<10240x128xf32, #tpu.memory_space<hbm>>
        %dma_start3A_820 = tpu.memref_slice %arg11[%dma_start3A_805] : memref<4x!tpu.dma_semaphore, #tpu.memory_space<semaphore_mem>> -> memref<1x!tpu.dma_semaphore, #tpu.memory_space<semaphore_mem>>
        %dma_start3A_821 = tpu.memref_squeeze %dma_start3A_820 : memref<1x!tpu.dma_semaphore, #tpu.memory_space<semaphore_mem>> -> memref<!tpu.dma_semaphore, #tpu.memory_space<semaphore_mem>>
        tpu.enqueue_indirect_dma source(%dma_start3A_819 : memref<10240x128xf32, #tpu.memory_space<hbm>>) target(%dma_start3A_809 : memref<64x128xf32, #tpu.memory_space<vmem>>) offsets(%dma_start3A_812 : memref<64xi32, #tpu.memory_space<vmem>>) semaphore(%dma_start3A_821 : memref<!tpu.dma_semaphore, #tpu.memory_space<semaphore_mem>>)
      } else {
      }
      %dma_wait3A_683 = arith.constant 1 : i32
      %dma_wait3A_684 = arith.constant 1 : i32
      %dma_wait3A_685 = arith.constant 0 : i32
      %dma_wait3A_686 = arith.constant 0 : i32
      %dma_wait3A_687 = tpu.memref_slice %arg9[%dma_wait3A_683, %dma_wait3A_685, %dma_wait3A_686] : memref<4x64x128xf32, #tpu.memory_space<vmem>> -> memref<1x64x128xf32, #tpu.memory_space<vmem>>
      %dma_wait3A_688 = tpu.memref_squeeze %dma_wait3A_687 : memref<1x64x128xf32, #tpu.memory_space<vmem>> -> memref<64x128xf32, #tpu.memory_space<vmem>>
      %dma_wait3A_689 = arith.constant 0 : i32
      %dma_wait3A_690 = tpu.memref_slice %arg7[%add3A_670, %dma_wait3A_689] : memref<40x64xi32, #tpu.memory_space<vmem>> -> memref<1x64xi32, #tpu.memory_space<vmem>>
      %dma_wait3A_691 = tpu.memref_squeeze %dma_wait3A_690 : memref<1x64xi32, #tpu.memory_space<vmem>> -> memref<64xi32, #tpu.memory_space<vmem>>
      %dma_wait3A_692 = arith.constant 0 : i32
      %dma_wait3A_693 = arith.constant 0 : i32
      %dma_wait3A_694 = tpu.memref_slice %arg2[%add3A_313, %dma_wait3A_692, %dma_wait3A_693] : memref<4x10240x128xf32, #tpu.memory_space<hbm>> -> memref<1x10240x128xf32, #tpu.memory_space<hbm>>
      %dma_wait3A_695 = tpu.memref_squeeze %dma_wait3A_694 : memref<1x10240x128xf32, #tpu.memory_space<hbm>> -> memref<10240x128xf32, #tpu.memory_space<hbm>>
      %dma_wait3A_696 = arith.constant 0 : i32
      %dma_wait3A_697 = arith.constant 0 : i32
      %dma_wait3A_698 = tpu.memref_slice %dma_wait3A_695[%dma_wait3A_696, %dma_wait3A_697] : memref<10240x128xf32, #tpu.memory_space<hbm>> -> memref<10240x128xf32, #tpu.memory_space<hbm>>
      %dma_wait3A_699 = tpu.memref_slice %arg11[%dma_wait3A_684] : memref<4x!tpu.dma_semaphore, #tpu.memory_space<semaphore_mem>> -> memref<1x!tpu.dma_semaphore, #tpu.memory_space<semaphore_mem>>
      %dma_wait3A_700 = tpu.memref_squeeze %dma_wait3A_699 : memref<1x!tpu.dma_semaphore, #tpu.memory_space<semaphore_mem>> -> memref<!tpu.dma_semaphore, #tpu.memory_space<semaphore_mem>>
      tpu.wait_indirect_dma semaphore(%dma_wait3A_700 : memref<!tpu.dma_semaphore, #tpu.memory_space<semaphore_mem>>) src(%dma_wait3A_698 : memref<10240x128xf32, #tpu.memory_space<hbm>>) dst(%dma_wait3A_688 : memref<64x128xf32, #tpu.memory_space<vmem>>)
      %dma_start3A_701 = arith.constant 1 : i32
      %dma_start3A_702 = arith.constant 0 : i32
      %dma_start3A_703 = arith.constant 0 : i32
      %dma_start3A_704 = tpu.memref_slice %arg9[%dma_start3A_701, %dma_start3A_702, %dma_start3A_703] : memref<4x64x128xf32, #tpu.memory_space<vmem>> -> memref<1x64x128xf32, #tpu.memory_space<vmem>>
      %dma_start3A_705 = tpu.memref_squeeze %dma_start3A_704 : memref<1x64x128xf32, #tpu.memory_space<vmem>> -> memref<64x128xf32, #tpu.memory_space<vmem>>
      %dma_start3A_706 = arith.constant 0 : i32
      %dma_start3A_707 = tpu.memref_slice %arg8[%add3A_670, %dma_start3A_706] : memref<40x64xi32, #tpu.memory_space<vmem>> -> memref<1x64xi32, #tpu.memory_space<vmem>>
      %dma_start3A_708 = tpu.memref_squeeze %dma_start3A_707 : memref<1x64xi32, #tpu.memory_space<vmem>> -> memref<64xi32, #tpu.memory_space<vmem>>
      %dma_start3A_709 = arith.constant 0 : i32
      %dma_start3A_710 = arith.constant 0 : i32
      %dma_start3A_711 = tpu.memref_slice %arg10[%dma_start3A_709, %dma_start3A_710] : memref<10240x128xf32, #tpu.memory_space<vmem_shared>> -> memref<10240x128xf32, #tpu.memory_space<vmem_shared>>
      tpu.enqueue_indirect_dma source(%dma_start3A_705 : memref<64x128xf32, #tpu.memory_space<vmem>>) target(%dma_start3A_711 : memref<10240x128xf32, #tpu.memory_space<vmem_shared>>) offsets(%dma_start3A_708 : memref<64xi32, #tpu.memory_space<vmem>>) semaphore(%arg12 : memref<!tpu.dma_semaphore, #tpu.memory_space<semaphore_mem>>) {add = true}
      %mul3A_712 = arith.constant 4 : i32
      %mul3A_713 = arith.muli %scan3A_625, %mul3A_712 : i32
      %add3A_714 = arith.constant 2 : i32
      %add3A_715 = arith.addi %mul3A_713, %add3A_714 : i32
      %gt3A_716 = arith.constant 0 : i32
      %gt3A_717 = arith.cmpi sgt, %add3A_715, %gt3A_716 : i32
      %convert_element_type3A_718 = arith.extui %gt3A_717 : i1 to i32
      %cond3A_719 = arith.constant 0 : i32
      %cond3A_720 = arith.cmpi ne, %convert_element_type3A_718, %cond3A_719 : i32
      scf.if %cond3A_720 {
        %sub3A = arith.constant 1 : i32
        %sub3A_802 = arith.subi %add3A_715, %sub3A : i32
        %dma_wait3A_803 = arith.constant 1 : i32
        %dma_wait3A_804 = arith.constant 0 : i32
        %dma_wait3A_805 = arith.constant 0 : i32
        %dma_wait3A_806 = tpu.memref_slice %arg9[%dma_wait3A_803, %dma_wait3A_804, %dma_wait3A_805] : memref<4x64x128xf32, #tpu.memory_space<vmem>> -> memref<1x64x128xf32, #tpu.memory_space<vmem>>
        %dma_wait3A_807 = tpu.memref_squeeze %dma_wait3A_806 : memref<1x64x128xf32, #tpu.memory_space<vmem>> -> memref<64x128xf32, #tpu.memory_space<vmem>>
        %dma_wait3A_808 = arith.constant 0 : i32
        %dma_wait3A_809 = tpu.memref_slice %arg8[%sub3A_802, %dma_wait3A_808] : memref<40x64xi32, #tpu.memory_space<vmem>> -> memref<1x64xi32, #tpu.memory_space<vmem>>
        %dma_wait3A_810 = tpu.memref_squeeze %dma_wait3A_809 : memref<1x64xi32, #tpu.memory_space<vmem>> -> memref<64xi32, #tpu.memory_space<vmem>>
        %dma_wait3A_811 = arith.constant 0 : i32
        %dma_wait3A_812 = arith.constant 0 : i32
        %dma_wait3A_813 = tpu.memref_slice %arg10[%dma_wait3A_811, %dma_wait3A_812] : memref<10240x128xf32, #tpu.memory_space<vmem_shared>> -> memref<10240x128xf32, #tpu.memory_space<vmem_shared>>
        tpu.wait_indirect_dma semaphore(%arg12 : memref<!tpu.dma_semaphore, #tpu.memory_space<semaphore_mem>>) src(%dma_wait3A_807 : memref<64x128xf32, #tpu.memory_space<vmem>>) dst(%dma_wait3A_813 : memref<10240x128xf32, #tpu.memory_space<vmem_shared>>)
      } else {
      }
      %add3A_721 = arith.constant 3 : i32
      %add3A_722 = arith.addi %add3A_715, %add3A_721 : i32
      %lt3A_723 = arith.constant 40 : i32
      %lt3A_724 = arith.cmpi slt, %add3A_722, %lt3A_723 : i32
      %convert_element_type3A_725 = arith.extui %lt3A_724 : i1 to i32
      %cond3A_726 = arith.constant 0 : i32
      %cond3A_727 = arith.cmpi ne, %convert_element_type3A_725, %cond3A_726 : i32
      scf.if %cond3A_727 {
        %add3A_802 = arith.constant 3 : i32
        %add3A_803 = arith.addi %add3A_715, %add3A_802 : i32
        %dma_start3A_804 = arith.constant 1 : i32
        %dma_start3A_805 = arith.constant 1 : i32
        %dma_start3A_806 = arith.constant 0 : i32
        %dma_start3A_807 = arith.constant 0 : i32
        %dma_start3A_808 = tpu.memref_slice %arg9[%dma_start3A_804, %dma_start3A_806, %dma_start3A_807] : memref<4x64x128xf32, #tpu.memory_space<vmem>> -> memref<1x64x128xf32, #tpu.memory_space<vmem>>
        %dma_start3A_809 = tpu.memref_squeeze %dma_start3A_808 : memref<1x64x128xf32, #tpu.memory_space<vmem>> -> memref<64x128xf32, #tpu.memory_space<vmem>>
        %dma_start3A_810 = arith.constant 0 : i32
        %dma_start3A_811 = tpu.memref_slice %arg7[%add3A_803, %dma_start3A_810] : memref<40x64xi32, #tpu.memory_space<vmem>> -> memref<1x64xi32, #tpu.memory_space<vmem>>
        %dma_start3A_812 = tpu.memref_squeeze %dma_start3A_811 : memref<1x64xi32, #tpu.memory_space<vmem>> -> memref<64xi32, #tpu.memory_space<vmem>>
        %dma_start3A_813 = arith.constant 0 : i32
        %dma_start3A_814 = arith.constant 0 : i32
        %dma_start3A_815 = tpu.memref_slice %arg2[%add3A_313, %dma_start3A_813, %dma_start3A_814] : memref<4x10240x128xf32, #tpu.memory_space<hbm>> -> memref<1x10240x128xf32, #tpu.memory_space<hbm>>
        %dma_start3A_816 = tpu.memref_squeeze %dma_start3A_815 : memref<1x10240x128xf32, #tpu.memory_space<hbm>> -> memref<10240x128xf32, #tpu.memory_space<hbm>>
        %dma_start3A_817 = arith.constant 0 : i32
        %dma_start3A_818 = arith.constant 0 : i32
        %dma_start3A_819 = tpu.memref_slice %dma_start3A_816[%dma_start3A_817, %dma_start3A_818] : memref<10240x128xf32, #tpu.memory_space<hbm>> -> memref<10240x128xf32, #tpu.memory_space<hbm>>
        %dma_start3A_820 = tpu.memref_slice %arg11[%dma_start3A_805] : memref<4x!tpu.dma_semaphore, #tpu.memory_space<semaphore_mem>> -> memref<1x!tpu.dma_semaphore, #tpu.memory_space<semaphore_mem>>
        %dma_start3A_821 = tpu.memref_squeeze %dma_start3A_820 : memref<1x!tpu.dma_semaphore, #tpu.memory_space<semaphore_mem>> -> memref<!tpu.dma_semaphore, #tpu.memory_space<semaphore_mem>>
        tpu.enqueue_indirect_dma source(%dma_start3A_819 : memref<10240x128xf32, #tpu.memory_space<hbm>>) target(%dma_start3A_809 : memref<64x128xf32, #tpu.memory_space<vmem>>) offsets(%dma_start3A_812 : memref<64xi32, #tpu.memory_space<vmem>>) semaphore(%dma_start3A_821 : memref<!tpu.dma_semaphore, #tpu.memory_space<semaphore_mem>>)
      } else {
      }
      %dma_wait3A_728 = arith.constant 2 : i32
      %dma_wait3A_729 = arith.constant 2 : i32
      %dma_wait3A_730 = arith.constant 0 : i32
      %dma_wait3A_731 = arith.constant 0 : i32
      %dma_wait3A_732 = tpu.memref_slice %arg9[%dma_wait3A_728, %dma_wait3A_730, %dma_wait3A_731] : memref<4x64x128xf32, #tpu.memory_space<vmem>> -> memref<1x64x128xf32, #tpu.memory_space<vmem>>
      %dma_wait3A_733 = tpu.memref_squeeze %dma_wait3A_732 : memref<1x64x128xf32, #tpu.memory_space<vmem>> -> memref<64x128xf32, #tpu.memory_space<vmem>>
      %dma_wait3A_734 = arith.constant 0 : i32
      %dma_wait3A_735 = tpu.memref_slice %arg7[%add3A_715, %dma_wait3A_734] : memref<40x64xi32, #tpu.memory_space<vmem>> -> memref<1x64xi32, #tpu.memory_space<vmem>>
      %dma_wait3A_736 = tpu.memref_squeeze %dma_wait3A_735 : memref<1x64xi32, #tpu.memory_space<vmem>> -> memref<64xi32, #tpu.memory_space<vmem>>
      %dma_wait3A_737 = arith.constant 0 : i32
      %dma_wait3A_738 = arith.constant 0 : i32
      %dma_wait3A_739 = tpu.memref_slice %arg2[%add3A_313, %dma_wait3A_737, %dma_wait3A_738] : memref<4x10240x128xf32, #tpu.memory_space<hbm>> -> memref<1x10240x128xf32, #tpu.memory_space<hbm>>
      %dma_wait3A_740 = tpu.memref_squeeze %dma_wait3A_739 : memref<1x10240x128xf32, #tpu.memory_space<hbm>> -> memref<10240x128xf32, #tpu.memory_space<hbm>>
      %dma_wait3A_741 = arith.constant 0 : i32
      %dma_wait3A_742 = arith.constant 0 : i32
      %dma_wait3A_743 = tpu.memref_slice %dma_wait3A_740[%dma_wait3A_741, %dma_wait3A_742] : memref<10240x128xf32, #tpu.memory_space<hbm>> -> memref<10240x128xf32, #tpu.memory_space<hbm>>
      %dma_wait3A_744 = tpu.memref_slice %arg11[%dma_wait3A_729] : memref<4x!tpu.dma_semaphore, #tpu.memory_space<semaphore_mem>> -> memref<1x!tpu.dma_semaphore, #tpu.memory_space<semaphore_mem>>
      %dma_wait3A_745 = tpu.memref_squeeze %dma_wait3A_744 : memref<1x!tpu.dma_semaphore, #tpu.memory_space<semaphore_mem>> -> memref<!tpu.dma_semaphore, #tpu.memory_space<semaphore_mem>>
      tpu.wait_indirect_dma semaphore(%dma_wait3A_745 : memref<!tpu.dma_semaphore, #tpu.memory_space<semaphore_mem>>) src(%dma_wait3A_743 : memref<10240x128xf32, #tpu.memory_space<hbm>>) dst(%dma_wait3A_733 : memref<64x128xf32, #tpu.memory_space<vmem>>)
      %dma_start3A_746 = arith.constant 2 : i32
      %dma_start3A_747 = arith.constant 0 : i32
      %dma_start3A_748 = arith.constant 0 : i32
      %dma_start3A_749 = tpu.memref_slice %arg9[%dma_start3A_746, %dma_start3A_747, %dma_start3A_748] : memref<4x64x128xf32, #tpu.memory_space<vmem>> -> memref<1x64x128xf32, #tpu.memory_space<vmem>>
      %dma_start3A_750 = tpu.memref_squeeze %dma_start3A_749 : memref<1x64x128xf32, #tpu.memory_space<vmem>> -> memref<64x128xf32, #tpu.memory_space<vmem>>
      %dma_start3A_751 = arith.constant 0 : i32
      %dma_start3A_752 = tpu.memref_slice %arg8[%add3A_715, %dma_start3A_751] : memref<40x64xi32, #tpu.memory_space<vmem>> -> memref<1x64xi32, #tpu.memory_space<vmem>>
      %dma_start3A_753 = tpu.memref_squeeze %dma_start3A_752 : memref<1x64xi32, #tpu.memory_space<vmem>> -> memref<64xi32, #tpu.memory_space<vmem>>
      %dma_start3A_754 = arith.constant 0 : i32
      %dma_start3A_755 = arith.constant 0 : i32
      %dma_start3A_756 = tpu.memref_slice %arg10[%dma_start3A_754, %dma_start3A_755] : memref<10240x128xf32, #tpu.memory_space<vmem_shared>> -> memref<10240x128xf32, #tpu.memory_space<vmem_shared>>
      tpu.enqueue_indirect_dma source(%dma_start3A_750 : memref<64x128xf32, #tpu.memory_space<vmem>>) target(%dma_start3A_756 : memref<10240x128xf32, #tpu.memory_space<vmem_shared>>) offsets(%dma_start3A_753 : memref<64xi32, #tpu.memory_space<vmem>>) semaphore(%arg12 : memref<!tpu.dma_semaphore, #tpu.memory_space<semaphore_mem>>) {add = true}
      %mul3A_757 = arith.constant 4 : i32
      %mul3A_758 = arith.muli %scan3A_625, %mul3A_757 : i32
      %add3A_759 = arith.constant 3 : i32
      %add3A_760 = arith.addi %mul3A_758, %add3A_759 : i32
      %gt3A_761 = arith.constant 0 : i32
      %gt3A_762 = arith.cmpi sgt, %add3A_760, %gt3A_761 : i32
      %convert_element_type3A_763 = arith.extui %gt3A_762 : i1 to i32
      %cond3A_764 = arith.constant 0 : i32
      %cond3A_765 = arith.cmpi ne, %convert_element_type3A_763, %cond3A_764 : i32
      scf.if %cond3A_765 {
        %sub3A = arith.constant 1 : i32
        %sub3A_802 = arith.subi %add3A_760, %sub3A : i32
        %dma_wait3A_803 = arith.constant 2 : i32
        %dma_wait3A_804 = arith.constant 0 : i32
        %dma_wait3A_805 = arith.constant 0 : i32
        %dma_wait3A_806 = tpu.memref_slice %arg9[%dma_wait3A_803, %dma_wait3A_804, %dma_wait3A_805] : memref<4x64x128xf32, #tpu.memory_space<vmem>> -> memref<1x64x128xf32, #tpu.memory_space<vmem>>
        %dma_wait3A_807 = tpu.memref_squeeze %dma_wait3A_806 : memref<1x64x128xf32, #tpu.memory_space<vmem>> -> memref<64x128xf32, #tpu.memory_space<vmem>>
        %dma_wait3A_808 = arith.constant 0 : i32
        %dma_wait3A_809 = tpu.memref_slice %arg8[%sub3A_802, %dma_wait3A_808] : memref<40x64xi32, #tpu.memory_space<vmem>> -> memref<1x64xi32, #tpu.memory_space<vmem>>
        %dma_wait3A_810 = tpu.memref_squeeze %dma_wait3A_809 : memref<1x64xi32, #tpu.memory_space<vmem>> -> memref<64xi32, #tpu.memory_space<vmem>>
        %dma_wait3A_811 = arith.constant 0 : i32
        %dma_wait3A_812 = arith.constant 0 : i32
        %dma_wait3A_813 = tpu.memref_slice %arg10[%dma_wait3A_811, %dma_wait3A_812] : memref<10240x128xf32, #tpu.memory_space<vmem_shared>> -> memref<10240x128xf32, #tpu.memory_space<vmem_shared>>
        tpu.wait_indirect_dma semaphore(%arg12 : memref<!tpu.dma_semaphore, #tpu.memory_space<semaphore_mem>>) src(%dma_wait3A_807 : memref<64x128xf32, #tpu.memory_space<vmem>>) dst(%dma_wait3A_813 : memref<10240x128xf32, #tpu.memory_space<vmem_shared>>)
      } else {
      }
      %add3A_766 = arith.constant 3 : i32
      %add3A_767 = arith.addi %add3A_760, %add3A_766 : i32
      %lt3A_768 = arith.constant 40 : i32
      %lt3A_769 = arith.cmpi slt, %add3A_767, %lt3A_768 : i32
      %convert_element_type3A_770 = arith.extui %lt3A_769 : i1 to i32
      %cond3A_771 = arith.constant 0 : i32
      %cond3A_772 = arith.cmpi ne, %convert_element_type3A_770, %cond3A_771 : i32
      scf.if %cond3A_772 {
        %add3A_802 = arith.constant 3 : i32
        %add3A_803 = arith.addi %add3A_760, %add3A_802 : i32
        %dma_start3A_804 = arith.constant 2 : i32
        %dma_start3A_805 = arith.constant 2 : i32
        %dma_start3A_806 = arith.constant 0 : i32
        %dma_start3A_807 = arith.constant 0 : i32
        %dma_start3A_808 = tpu.memref_slice %arg9[%dma_start3A_804, %dma_start3A_806, %dma_start3A_807] : memref<4x64x128xf32, #tpu.memory_space<vmem>> -> memref<1x64x128xf32, #tpu.memory_space<vmem>>
        %dma_start3A_809 = tpu.memref_squeeze %dma_start3A_808 : memref<1x64x128xf32, #tpu.memory_space<vmem>> -> memref<64x128xf32, #tpu.memory_space<vmem>>
        %dma_start3A_810 = arith.constant 0 : i32
        %dma_start3A_811 = tpu.memref_slice %arg7[%add3A_803, %dma_start3A_810] : memref<40x64xi32, #tpu.memory_space<vmem>> -> memref<1x64xi32, #tpu.memory_space<vmem>>
        %dma_start3A_812 = tpu.memref_squeeze %dma_start3A_811 : memref<1x64xi32, #tpu.memory_space<vmem>> -> memref<64xi32, #tpu.memory_space<vmem>>
        %dma_start3A_813 = arith.constant 0 : i32
        %dma_start3A_814 = arith.constant 0 : i32
        %dma_start3A_815 = tpu.memref_slice %arg2[%add3A_313, %dma_start3A_813, %dma_start3A_814] : memref<4x10240x128xf32, #tpu.memory_space<hbm>> -> memref<1x10240x128xf32, #tpu.memory_space<hbm>>
        %dma_start3A_816 = tpu.memref_squeeze %dma_start3A_815 : memref<1x10240x128xf32, #tpu.memory_space<hbm>> -> memref<10240x128xf32, #tpu.memory_space<hbm>>
        %dma_start3A_817 = arith.constant 0 : i32
        %dma_start3A_818 = arith.constant 0 : i32
        %dma_start3A_819 = tpu.memref_slice %dma_start3A_816[%dma_start3A_817, %dma_start3A_818] : memref<10240x128xf32, #tpu.memory_space<hbm>> -> memref<10240x128xf32, #tpu.memory_space<hbm>>
        %dma_start3A_820 = tpu.memref_slice %arg11[%dma_start3A_805] : memref<4x!tpu.dma_semaphore, #tpu.memory_space<semaphore_mem>> -> memref<1x!tpu.dma_semaphore, #tpu.memory_space<semaphore_mem>>
        %dma_start3A_821 = tpu.memref_squeeze %dma_start3A_820 : memref<1x!tpu.dma_semaphore, #tpu.memory_space<semaphore_mem>> -> memref<!tpu.dma_semaphore, #tpu.memory_space<semaphore_mem>>
        tpu.enqueue_indirect_dma source(%dma_start3A_819 : memref<10240x128xf32, #tpu.memory_space<hbm>>) target(%dma_start3A_809 : memref<64x128xf32, #tpu.memory_space<vmem>>) offsets(%dma_start3A_812 : memref<64xi32, #tpu.memory_space<vmem>>) semaphore(%dma_start3A_821 : memref<!tpu.dma_semaphore, #tpu.memory_space<semaphore_mem>>)
      } else {
      }
      %dma_wait3A_773 = arith.constant 3 : i32
      %dma_wait3A_774 = arith.constant 3 : i32
      %dma_wait3A_775 = arith.constant 0 : i32
      %dma_wait3A_776 = arith.constant 0 : i32
      %dma_wait3A_777 = tpu.memref_slice %arg9[%dma_wait3A_773, %dma_wait3A_775, %dma_wait3A_776] : memref<4x64x128xf32, #tpu.memory_space<vmem>> -> memref<1x64x128xf32, #tpu.memory_space<vmem>>
      %dma_wait3A_778 = tpu.memref_squeeze %dma_wait3A_777 : memref<1x64x128xf32, #tpu.memory_space<vmem>> -> memref<64x128xf32, #tpu.memory_space<vmem>>
      %dma_wait3A_779 = arith.constant 0 : i32
      %dma_wait3A_780 = tpu.memref_slice %arg7[%add3A_760, %dma_wait3A_779] : memref<40x64xi32, #tpu.memory_space<vmem>> -> memref<1x64xi32, #tpu.memory_space<vmem>>
      %dma_wait3A_781 = tpu.memref_squeeze %dma_wait3A_780 : memref<1x64xi32, #tpu.memory_space<vmem>> -> memref<64xi32, #tpu.memory_space<vmem>>
      %dma_wait3A_782 = arith.constant 0 : i32
      %dma_wait3A_783 = arith.constant 0 : i32
      %dma_wait3A_784 = tpu.memref_slice %arg2[%add3A_313, %dma_wait3A_782, %dma_wait3A_783] : memref<4x10240x128xf32, #tpu.memory_space<hbm>> -> memref<1x10240x128xf32, #tpu.memory_space<hbm>>
      %dma_wait3A_785 = tpu.memref_squeeze %dma_wait3A_784 : memref<1x10240x128xf32, #tpu.memory_space<hbm>> -> memref<10240x128xf32, #tpu.memory_space<hbm>>
      %dma_wait3A_786 = arith.constant 0 : i32
      %dma_wait3A_787 = arith.constant 0 : i32
      %dma_wait3A_788 = tpu.memref_slice %dma_wait3A_785[%dma_wait3A_786, %dma_wait3A_787] : memref<10240x128xf32, #tpu.memory_space<hbm>> -> memref<10240x128xf32, #tpu.memory_space<hbm>>
      %dma_wait3A_789 = tpu.memref_slice %arg11[%dma_wait3A_774] : memref<4x!tpu.dma_semaphore, #tpu.memory_space<semaphore_mem>> -> memref<1x!tpu.dma_semaphore, #tpu.memory_space<semaphore_mem>>
      %dma_wait3A_790 = tpu.memref_squeeze %dma_wait3A_789 : memref<1x!tpu.dma_semaphore, #tpu.memory_space<semaphore_mem>> -> memref<!tpu.dma_semaphore, #tpu.memory_space<semaphore_mem>>
      tpu.wait_indirect_dma semaphore(%dma_wait3A_790 : memref<!tpu.dma_semaphore, #tpu.memory_space<semaphore_mem>>) src(%dma_wait3A_788 : memref<10240x128xf32, #tpu.memory_space<hbm>>) dst(%dma_wait3A_778 : memref<64x128xf32, #tpu.memory_space<vmem>>)
      %dma_start3A_791 = arith.constant 3 : i32
      %dma_start3A_792 = arith.constant 0 : i32
      %dma_start3A_793 = arith.constant 0 : i32
      %dma_start3A_794 = tpu.memref_slice %arg9[%dma_start3A_791, %dma_start3A_792, %dma_start3A_793] : memref<4x64x128xf32, #tpu.memory_space<vmem>> -> memref<1x64x128xf32, #tpu.memory_space<vmem>>
      %dma_start3A_795 = tpu.memref_squeeze %dma_start3A_794 : memref<1x64x128xf32, #tpu.memory_space<vmem>> -> memref<64x128xf32, #tpu.memory_space<vmem>>
      %dma_start3A_796 = arith.constant 0 : i32
      %dma_start3A_797 = tpu.memref_slice %arg8[%add3A_760, %dma_start3A_796] : memref<40x64xi32, #tpu.memory_space<vmem>> -> memref<1x64xi32, #tpu.memory_space<vmem>>
      %dma_start3A_798 = tpu.memref_squeeze %dma_start3A_797 : memref<1x64xi32, #tpu.memory_space<vmem>> -> memref<64xi32, #tpu.memory_space<vmem>>
      %dma_start3A_799 = arith.constant 0 : i32
      %dma_start3A_800 = arith.constant 0 : i32
      %dma_start3A_801 = tpu.memref_slice %arg10[%dma_start3A_799, %dma_start3A_800] : memref<10240x128xf32, #tpu.memory_space<vmem_shared>> -> memref<10240x128xf32, #tpu.memory_space<vmem_shared>>
      tpu.enqueue_indirect_dma source(%dma_start3A_795 : memref<64x128xf32, #tpu.memory_space<vmem>>) target(%dma_start3A_801 : memref<10240x128xf32, #tpu.memory_space<vmem_shared>>) offsets(%dma_start3A_798 : memref<64xi32, #tpu.memory_space<vmem>>) semaphore(%arg12 : memref<!tpu.dma_semaphore, #tpu.memory_space<semaphore_mem>>) {add = true}
    }
    %scan3A_379 = arith.constant 10 : i32
    %dma_wait3A_380 = arith.constant 3 : i32
    %dma_wait3A_381 = arith.constant 39 : i32
    %dma_wait3A_382 = arith.constant 0 : i32
    %dma_wait3A_383 = arith.constant 0 : i32
    %dma_wait3A_384 = tpu.memref_slice %arg9[%dma_wait3A_380, %dma_wait3A_382, %dma_wait3A_383] : memref<4x64x128xf32, #tpu.memory_space<vmem>> -> memref<1x64x128xf32, #tpu.memory_space<vmem>>
    %dma_wait3A_385 = tpu.memref_squeeze %dma_wait3A_384 : memref<1x64x128xf32, #tpu.memory_space<vmem>> -> memref<64x128xf32, #tpu.memory_space<vmem>>
    %dma_wait3A_386 = arith.constant 0 : i32
    %dma_wait3A_387 = tpu.memref_slice %arg8[%dma_wait3A_381, %dma_wait3A_386] : memref<40x64xi32, #tpu.memory_space<vmem>> -> memref<1x64xi32, #tpu.memory_space<vmem>>
    %dma_wait3A_388 = tpu.memref_squeeze %dma_wait3A_387 : memref<1x64xi32, #tpu.memory_space<vmem>> -> memref<64xi32, #tpu.memory_space<vmem>>
    %dma_wait3A_389 = arith.constant 0 : i32
    %dma_wait3A_390 = arith.constant 0 : i32
    %dma_wait3A_391 = tpu.memref_slice %arg10[%dma_wait3A_389, %dma_wait3A_390] : memref<10240x128xf32, #tpu.memory_space<vmem_shared>> -> memref<10240x128xf32, #tpu.memory_space<vmem_shared>>
    tpu.wait_indirect_dma semaphore(%arg12 : memref<!tpu.dma_semaphore, #tpu.memory_space<semaphore_mem>>) src(%dma_wait3A_385 : memref<64x128xf32, #tpu.memory_space<vmem>>) dst(%dma_wait3A_391 : memref<10240x128xf32, #tpu.memory_space<vmem_shared>>)
    %run_scoped3A_392 = arith.constant 1 : i32
    "tpu.region"() ({
      %run_scoped3A_625 = tpu.sem_alloc : memref<!tpu.dma_semaphore, #tpu.memory_space<semaphore_mem>>
      %dma_start3A_626 = arith.constant 0 : i32
      %dma_start3A_627 = arith.constant 0 : i32
      %dma_start3A_628 = tpu.memref_slice %arg3[%arg1, %run_scoped3A_392, %dma_start3A_626, %dma_start3A_627] : memref<16x4x40x64xi32, #tpu.memory_space<hbm>> -> memref<1x1x40x64xi32, #tpu.memory_space<hbm>>
      %dma_start3A_629 = tpu.memref_squeeze %dma_start3A_628 : memref<1x1x40x64xi32, #tpu.memory_space<hbm>> -> memref<40x64xi32, #tpu.memory_space<hbm>>
      %dma_start3A_630 = arith.constant 0 : i32
      %dma_start3A_631 = arith.constant 0 : i32
      %dma_start3A_632 = tpu.memref_slice %arg3[%arg1, %run_scoped3A_392, %dma_start3A_630, %dma_start3A_631] : memref<16x4x40x64xi32, #tpu.memory_space<hbm>> -> memref<1x1x40x64xi32, #tpu.memory_space<hbm>>
      %dma_start3A_633 = tpu.memref_squeeze %dma_start3A_632 : memref<1x1x40x64xi32, #tpu.memory_space<hbm>> -> memref<40x64xi32, #tpu.memory_space<hbm>>
      tpu.enqueue_dma source(%dma_start3A_633 : memref<40x64xi32, #tpu.memory_space<hbm>>) target(%arg7 : memref<40x64xi32, #tpu.memory_space<vmem>>) target_semaphore(%run_scoped3A_625 : memref<!tpu.dma_semaphore, #tpu.memory_space<semaphore_mem>>)
      %dma_wait3A_634 = arith.constant 0 : i32
      %dma_wait3A_635 = arith.constant 0 : i32
      %dma_wait3A_636 = tpu.memref_slice %arg3[%arg1, %run_scoped3A_392, %dma_wait3A_634, %dma_wait3A_635] : memref<16x4x40x64xi32, #tpu.memory_space<hbm>> -> memref<1x1x40x64xi32, #tpu.memory_space<hbm>>
      %dma_wait3A_637 = tpu.memref_squeeze %dma_wait3A_636 : memref<1x1x40x64xi32, #tpu.memory_space<hbm>> -> memref<40x64xi32, #tpu.memory_space<hbm>>
      %dma_wait3A_638 = arith.constant 0 : i32
      %dma_wait3A_639 = arith.constant 0 : i32
      %dma_wait3A_640 = tpu.memref_slice %arg3[%arg1, %run_scoped3A_392, %dma_wait3A_638, %dma_wait3A_639] : memref<16x4x40x64xi32, #tpu.memory_space<hbm>> -> memref<1x1x40x64xi32, #tpu.memory_space<hbm>>
      %dma_wait3A_641 = tpu.memref_squeeze %dma_wait3A_640 : memref<1x1x40x64xi32, #tpu.memory_space<hbm>> -> memref<40x64xi32, #tpu.memory_space<hbm>>
      tpu.wait_dma2 semaphore(%run_scoped3A_625 : memref<!tpu.dma_semaphore, #tpu.memory_space<semaphore_mem>>) src(%dma_wait3A_641 : memref<40x64xi32, #tpu.memory_space<hbm>>) dst(%arg7 : memref<40x64xi32, #tpu.memory_space<vmem>>)
      tpu.yield
    }) : () -> ()
    %run_scoped3A_393 = arith.constant 1 : i32
    "tpu.region"() ({
      %run_scoped3A_625 = tpu.sem_alloc : memref<!tpu.dma_semaphore, #tpu.memory_space<semaphore_mem>>
      %dma_start3A_626 = arith.constant 0 : i32
      %dma_start3A_627 = arith.constant 0 : i32
      %dma_start3A_628 = tpu.memref_slice %arg4[%arg1, %run_scoped3A_393, %dma_start3A_626, %dma_start3A_627] : memref<16x4x40x64xi32, #tpu.memory_space<hbm>> -> memref<1x1x40x64xi32, #tpu.memory_space<hbm>>
      %dma_start3A_629 = tpu.memref_squeeze %dma_start3A_628 : memref<1x1x40x64xi32, #tpu.memory_space<hbm>> -> memref<40x64xi32, #tpu.memory_space<hbm>>
      %dma_start3A_630 = arith.constant 0 : i32
      %dma_start3A_631 = arith.constant 0 : i32
      %dma_start3A_632 = tpu.memref_slice %arg4[%arg1, %run_scoped3A_393, %dma_start3A_630, %dma_start3A_631] : memref<16x4x40x64xi32, #tpu.memory_space<hbm>> -> memref<1x1x40x64xi32, #tpu.memory_space<hbm>>
      %dma_start3A_633 = tpu.memref_squeeze %dma_start3A_632 : memref<1x1x40x64xi32, #tpu.memory_space<hbm>> -> memref<40x64xi32, #tpu.memory_space<hbm>>
      tpu.enqueue_dma source(%dma_start3A_633 : memref<40x64xi32, #tpu.memory_space<hbm>>) target(%arg8 : memref<40x64xi32, #tpu.memory_space<vmem>>) target_semaphore(%run_scoped3A_625 : memref<!tpu.dma_semaphore, #tpu.memory_space<semaphore_mem>>)
      %dma_wait3A_634 = arith.constant 0 : i32
      %dma_wait3A_635 = arith.constant 0 : i32
      %dma_wait3A_636 = tpu.memref_slice %arg4[%arg1, %run_scoped3A_393, %dma_wait3A_634, %dma_wait3A_635] : memref<16x4x40x64xi32, #tpu.memory_space<hbm>> -> memref<1x1x40x64xi32, #tpu.memory_space<hbm>>
      %dma_wait3A_637 = tpu.memref_squeeze %dma_wait3A_636 : memref<1x1x40x64xi32, #tpu.memory_space<hbm>> -> memref<40x64xi32, #tpu.memory_space<hbm>>
      %dma_wait3A_638 = arith.constant 0 : i32
      %dma_wait3A_639 = arith.constant 0 : i32
      %dma_wait3A_640 = tpu.memref_slice %arg4[%arg1, %run_scoped3A_393, %dma_wait3A_638, %dma_wait3A_639] : memref<16x4x40x64xi32, #tpu.memory_space<hbm>> -> memref<1x1x40x64xi32, #tpu.memory_space<hbm>>
      %dma_wait3A_641 = tpu.memref_squeeze %dma_wait3A_640 : memref<1x1x40x64xi32, #tpu.memory_space<hbm>> -> memref<40x64xi32, #tpu.memory_space<hbm>>
      tpu.wait_dma2 semaphore(%run_scoped3A_625 : memref<!tpu.dma_semaphore, #tpu.memory_space<semaphore_mem>>) src(%dma_wait3A_641 : memref<40x64xi32, #tpu.memory_space<hbm>>) dst(%arg8 : memref<40x64xi32, #tpu.memory_space<vmem>>)
      tpu.yield
    }) : () -> ()
    %dma_start3A_394 = arith.constant 0 : i32
    %dma_start3A_395 = arith.constant 0 : i32
    %dma_start3A_396 = arith.constant 0 : i32
    %dma_start3A_397 = arith.constant 0 : i32
    %dma_start3A_398 = arith.constant 0 : i32
    %dma_start3A_399 = tpu.memref_slice %arg9[%dma_start3A_395, %dma_start3A_397, %dma_start3A_398] : memref<4x64x128xf32, #tpu.memory_space<vmem>> -> memref<1x64x128xf32, #tpu.memory_space<vmem>>
    %dma_start3A_400 = tpu.memref_squeeze %dma_start3A_399 : memref<1x64x128xf32, #tpu.memory_space<vmem>> -> memref<64x128xf32, #tpu.memory_space<vmem>>
    %dma_start3A_401 = arith.constant 0 : i32
    %dma_start3A_402 = tpu.memref_slice %arg7[%dma_start3A_394, %dma_start3A_401] : memref<40x64xi32, #tpu.memory_space<vmem>> -> memref<1x64xi32, #tpu.memory_space<vmem>>
    %dma_start3A_403 = tpu.memref_squeeze %dma_start3A_402 : memref<1x64xi32, #tpu.memory_space<vmem>> -> memref<64xi32, #tpu.memory_space<vmem>>
    %dma_start3A_404 = arith.constant 0 : i32
    %dma_start3A_405 = arith.constant 0 : i32
    %dma_start3A_406 = tpu.memref_slice %arg2[%add3A_313, %dma_start3A_404, %dma_start3A_405] : memref<4x10240x128xf32, #tpu.memory_space<hbm>> -> memref<1x10240x128xf32, #tpu.memory_space<hbm>>
    %dma_start3A_407 = tpu.memref_squeeze %dma_start3A_406 : memref<1x10240x128xf32, #tpu.memory_space<hbm>> -> memref<10240x128xf32, #tpu.memory_space<hbm>>
    %dma_start3A_408 = arith.constant 0 : i32
    %dma_start3A_409 = arith.constant 0 : i32
    %dma_start3A_410 = tpu.memref_slice %dma_start3A_407[%dma_start3A_408, %dma_start3A_409] : memref<10240x128xf32, #tpu.memory_space<hbm>> -> memref<10240x128xf32, #tpu.memory_space<hbm>>
    %dma_start3A_411 = tpu.memref_slice %arg11[%dma_start3A_396] : memref<4x!tpu.dma_semaphore, #tpu.memory_space<semaphore_mem>> -> memref<1x!tpu.dma_semaphore, #tpu.memory_space<semaphore_mem>>
    %dma_start3A_412 = tpu.memref_squeeze %dma_start3A_411 : memref<1x!tpu.dma_semaphore, #tpu.memory_space<semaphore_mem>> -> memref<!tpu.dma_semaphore, #tpu.memory_space<semaphore_mem>>
    tpu.enqueue_indirect_dma source(%dma_start3A_410 : memref<10240x128xf32, #tpu.memory_space<hbm>>) target(%dma_start3A_400 : memref<64x128xf32, #tpu.memory_space<vmem>>) offsets(%dma_start3A_403 : memref<64xi32, #tpu.memory_space<vmem>>) semaphore(%dma_start3A_412 : memref<!tpu.dma_semaphore, #tpu.memory_space<semaphore_mem>>)
    %dma_start3A_413 = arith.constant 1 : i32
    %dma_start3A_414 = arith.constant 1 : i32
    %dma_start3A_415 = arith.constant 1 : i32
    %dma_start3A_416 = arith.constant 0 : i32
    %dma_start3A_417 = arith.constant 0 : i32
    %dma_start3A_418 = tpu.memref_slice %arg9[%dma_start3A_414, %dma_start3A_416, %dma_start3A_417] : memref<4x64x128xf32, #tpu.memory_space<vmem>> -> memref<1x64x128xf32, #tpu.memory_space<vmem>>
    %dma_start3A_419 = tpu.memref_squeeze %dma_start3A_418 : memref<1x64x128xf32, #tpu.memory_space<vmem>> -> memref<64x128xf32, #tpu.memory_space<vmem>>
    %dma_start3A_420 = arith.constant 0 : i32
    %dma_start3A_421 = tpu.memref_slice %arg7[%dma_start3A_413, %dma_start3A_420] : memref<40x64xi32, #tpu.memory_space<vmem>> -> memref<1x64xi32, #tpu.memory_space<vmem>>
    %dma_start3A_422 = tpu.memref_squeeze %dma_start3A_421 : memref<1x64xi32, #tpu.memory_space<vmem>> -> memref<64xi32, #tpu.memory_space<vmem>>
    %dma_start3A_423 = arith.constant 0 : i32
    %dma_start3A_424 = arith.constant 0 : i32
    %dma_start3A_425 = tpu.memref_slice %arg2[%add3A_313, %dma_start3A_423, %dma_start3A_424] : memref<4x10240x128xf32, #tpu.memory_space<hbm>> -> memref<1x10240x128xf32, #tpu.memory_space<hbm>>
    %dma_start3A_426 = tpu.memref_squeeze %dma_start3A_425 : memref<1x10240x128xf32, #tpu.memory_space<hbm>> -> memref<10240x128xf32, #tpu.memory_space<hbm>>
    %dma_start3A_427 = arith.constant 0 : i32
    %dma_start3A_428 = arith.constant 0 : i32
    %dma_start3A_429 = tpu.memref_slice %dma_start3A_426[%dma_start3A_427, %dma_start3A_428] : memref<10240x128xf32, #tpu.memory_space<hbm>> -> memref<10240x128xf32, #tpu.memory_space<hbm>>
    %dma_start3A_430 = tpu.memref_slice %arg11[%dma_start3A_415] : memref<4x!tpu.dma_semaphore, #tpu.memory_space<semaphore_mem>> -> memref<1x!tpu.dma_semaphore, #tpu.memory_space<semaphore_mem>>
    %dma_start3A_431 = tpu.memref_squeeze %dma_start3A_430 : memref<1x!tpu.dma_semaphore, #tpu.memory_space<semaphore_mem>> -> memref<!tpu.dma_semaphore, #tpu.memory_space<semaphore_mem>>
    tpu.enqueue_indirect_dma source(%dma_start3A_429 : memref<10240x128xf32, #tpu.memory_space<hbm>>) target(%dma_start3A_419 : memref<64x128xf32, #tpu.memory_space<vmem>>) offsets(%dma_start3A_422 : memref<64xi32, #tpu.memory_space<vmem>>) semaphore(%dma_start3A_431 : memref<!tpu.dma_semaphore, #tpu.memory_space<semaphore_mem>>)
    %dma_start3A_432 = arith.constant 2 : i32
    %dma_start3A_433 = arith.constant 2 : i32
    %dma_start3A_434 = arith.constant 2 : i32
    %dma_start3A_435 = arith.constant 0 : i32
    %dma_start3A_436 = arith.constant 0 : i32
    %dma_start3A_437 = tpu.memref_slice %arg9[%dma_start3A_433, %dma_start3A_435, %dma_start3A_436] : memref<4x64x128xf32, #tpu.memory_space<vmem>> -> memref<1x64x128xf32, #tpu.memory_space<vmem>>
    %dma_start3A_438 = tpu.memref_squeeze %dma_start3A_437 : memref<1x64x128xf32, #tpu.memory_space<vmem>> -> memref<64x128xf32, #tpu.memory_space<vmem>>
    %dma_start3A_439 = arith.constant 0 : i32
    %dma_start3A_440 = tpu.memref_slice %arg7[%dma_start3A_432, %dma_start3A_439] : memref<40x64xi32, #tpu.memory_space<vmem>> -> memref<1x64xi32, #tpu.memory_space<vmem>>
    %dma_start3A_441 = tpu.memref_squeeze %dma_start3A_440 : memref<1x64xi32, #tpu.memory_space<vmem>> -> memref<64xi32, #tpu.memory_space<vmem>>
    %dma_start3A_442 = arith.constant 0 : i32
    %dma_start3A_443 = arith.constant 0 : i32
    %dma_start3A_444 = tpu.memref_slice %arg2[%add3A_313, %dma_start3A_442, %dma_start3A_443] : memref<4x10240x128xf32, #tpu.memory_space<hbm>> -> memref<1x10240x128xf32, #tpu.memory_space<hbm>>
    %dma_start3A_445 = tpu.memref_squeeze %dma_start3A_444 : memref<1x10240x128xf32, #tpu.memory_space<hbm>> -> memref<10240x128xf32, #tpu.memory_space<hbm>>
    %dma_start3A_446 = arith.constant 0 : i32
    %dma_start3A_447 = arith.constant 0 : i32
    %dma_start3A_448 = tpu.memref_slice %dma_start3A_445[%dma_start3A_446, %dma_start3A_447] : memref<10240x128xf32, #tpu.memory_space<hbm>> -> memref<10240x128xf32, #tpu.memory_space<hbm>>
    %dma_start3A_449 = tpu.memref_slice %arg11[%dma_start3A_434] : memref<4x!tpu.dma_semaphore, #tpu.memory_space<semaphore_mem>> -> memref<1x!tpu.dma_semaphore, #tpu.memory_space<semaphore_mem>>
    %dma_start3A_450 = tpu.memref_squeeze %dma_start3A_449 : memref<1x!tpu.dma_semaphore, #tpu.memory_space<semaphore_mem>> -> memref<!tpu.dma_semaphore, #tpu.memory_space<semaphore_mem>>
    tpu.enqueue_indirect_dma source(%dma_start3A_448 : memref<10240x128xf32, #tpu.memory_space<hbm>>) target(%dma_start3A_438 : memref<64x128xf32, #tpu.memory_space<vmem>>) offsets(%dma_start3A_441 : memref<64xi32, #tpu.memory_space<vmem>>) semaphore(%dma_start3A_450 : memref<!tpu.dma_semaphore, #tpu.memory_space<semaphore_mem>>)
    %scan3A_451 = arith.constant 0 : i32
    %scan3A_452 = arith.constant 0 : i32
    %scan3A_453 = arith.constant 10 : i32
    %scan3A_454 = arith.addi %scan3A_452, %scan3A_453 : i32
    %scan3A_455 = arith.constant 1 : i32
    scf.for %scan3A_625 = %scan3A_452 to %scan3A_454 step %scan3A_455  : i32 {
      %mul3A_626 = arith.constant 4 : i32
      %mul3A_627 = arith.muli %scan3A_625, %mul3A_626 : i32
      %add3A_628 = arith.constant 0 : i32
      %add3A_629 = arith.addi %mul3A_627, %add3A_628 : i32
      %gt3A = arith.constant 0 : i32
      %gt3A_630 = arith.cmpi sgt, %add3A_629, %gt3A : i32
      %convert_element_type3A = arith.extui %gt3A_630 : i1 to i32
      %cond3A = arith.constant 0 : i32
      %cond3A_631 = arith.cmpi ne, %convert_element_type3A, %cond3A : i32
      scf.if %cond3A_631 {
        %sub3A = arith.constant 1 : i32
        %sub3A_802 = arith.subi %add3A_629, %sub3A : i32
        %dma_wait3A_803 = arith.constant 3 : i32
        %dma_wait3A_804 = arith.constant 0 : i32
        %dma_wait3A_805 = arith.constant 0 : i32
        %dma_wait3A_806 = tpu.memref_slice %arg9[%dma_wait3A_803, %dma_wait3A_804, %dma_wait3A_805] : memref<4x64x128xf32, #tpu.memory_space<vmem>> -> memref<1x64x128xf32, #tpu.memory_space<vmem>>
        %dma_wait3A_807 = tpu.memref_squeeze %dma_wait3A_806 : memref<1x64x128xf32, #tpu.memory_space<vmem>> -> memref<64x128xf32, #tpu.memory_space<vmem>>
        %dma_wait3A_808 = arith.constant 0 : i32
        %dma_wait3A_809 = tpu.memref_slice %arg8[%sub3A_802, %dma_wait3A_808] : memref<40x64xi32, #tpu.memory_space<vmem>> -> memref<1x64xi32, #tpu.memory_space<vmem>>
        %dma_wait3A_810 = tpu.memref_squeeze %dma_wait3A_809 : memref<1x64xi32, #tpu.memory_space<vmem>> -> memref<64xi32, #tpu.memory_space<vmem>>
        %dma_wait3A_811 = arith.constant 0 : i32
        %dma_wait3A_812 = arith.constant 0 : i32
        %dma_wait3A_813 = tpu.memref_slice %arg10[%dma_wait3A_811, %dma_wait3A_812] : memref<10240x128xf32, #tpu.memory_space<vmem_shared>> -> memref<10240x128xf32, #tpu.memory_space<vmem_shared>>
        tpu.wait_indirect_dma semaphore(%arg12 : memref<!tpu.dma_semaphore, #tpu.memory_space<semaphore_mem>>) src(%dma_wait3A_807 : memref<64x128xf32, #tpu.memory_space<vmem>>) dst(%dma_wait3A_813 : memref<10240x128xf32, #tpu.memory_space<vmem_shared>>)
      } else {
      }
      %add3A_632 = arith.constant 3 : i32
      %add3A_633 = arith.addi %add3A_629, %add3A_632 : i32
      %lt3A = arith.constant 40 : i32
      %lt3A_634 = arith.cmpi slt, %add3A_633, %lt3A : i32
      %convert_element_type3A_635 = arith.extui %lt3A_634 : i1 to i32
      %cond3A_636 = arith.constant 0 : i32
      %cond3A_637 = arith.cmpi ne, %convert_element_type3A_635, %cond3A_636 : i32
      scf.if %cond3A_637 {
        %add3A_802 = arith.constant 3 : i32
        %add3A_803 = arith.addi %add3A_629, %add3A_802 : i32
        %dma_start3A_804 = arith.constant 3 : i32
        %dma_start3A_805 = arith.constant 3 : i32
        %dma_start3A_806 = arith.constant 0 : i32
        %dma_start3A_807 = arith.constant 0 : i32
        %dma_start3A_808 = tpu.memref_slice %arg9[%dma_start3A_804, %dma_start3A_806, %dma_start3A_807] : memref<4x64x128xf32, #tpu.memory_space<vmem>> -> memref<1x64x128xf32, #tpu.memory_space<vmem>>
        %dma_start3A_809 = tpu.memref_squeeze %dma_start3A_808 : memref<1x64x128xf32, #tpu.memory_space<vmem>> -> memref<64x128xf32, #tpu.memory_space<vmem>>
        %dma_start3A_810 = arith.constant 0 : i32
        %dma_start3A_811 = tpu.memref_slice %arg7[%add3A_803, %dma_start3A_810] : memref<40x64xi32, #tpu.memory_space<vmem>> -> memref<1x64xi32, #tpu.memory_space<vmem>>
        %dma_start3A_812 = tpu.memref_squeeze %dma_start3A_811 : memref<1x64xi32, #tpu.memory_space<vmem>> -> memref<64xi32, #tpu.memory_space<vmem>>
        %dma_start3A_813 = arith.constant 0 : i32
        %dma_start3A_814 = arith.constant 0 : i32
        %dma_start3A_815 = tpu.memref_slice %arg2[%add3A_313, %dma_start3A_813, %dma_start3A_814] : memref<4x10240x128xf32, #tpu.memory_space<hbm>> -> memref<1x10240x128xf32, #tpu.memory_space<hbm>>
        %dma_start3A_816 = tpu.memref_squeeze %dma_start3A_815 : memref<1x10240x128xf32, #tpu.memory_space<hbm>> -> memref<10240x128xf32, #tpu.memory_space<hbm>>
        %dma_start3A_817 = arith.constant 0 : i32
        %dma_start3A_818 = arith.constant 0 : i32
        %dma_start3A_819 = tpu.memref_slice %dma_start3A_816[%dma_start3A_817, %dma_start3A_818] : memref<10240x128xf32, #tpu.memory_space<hbm>> -> memref<10240x128xf32, #tpu.memory_space<hbm>>
        %dma_start3A_820 = tpu.memref_slice %arg11[%dma_start3A_805] : memref<4x!tpu.dma_semaphore, #tpu.memory_space<semaphore_mem>> -> memref<1x!tpu.dma_semaphore, #tpu.memory_space<semaphore_mem>>
        %dma_start3A_821 = tpu.memref_squeeze %dma_start3A_820 : memref<1x!tpu.dma_semaphore, #tpu.memory_space<semaphore_mem>> -> memref<!tpu.dma_semaphore, #tpu.memory_space<semaphore_mem>>
        tpu.enqueue_indirect_dma source(%dma_start3A_819 : memref<10240x128xf32, #tpu.memory_space<hbm>>) target(%dma_start3A_809 : memref<64x128xf32, #tpu.memory_space<vmem>>) offsets(%dma_start3A_812 : memref<64xi32, #tpu.memory_space<vmem>>) semaphore(%dma_start3A_821 : memref<!tpu.dma_semaphore, #tpu.memory_space<semaphore_mem>>)
      } else {
      }
      %dma_wait3A_638 = arith.constant 0 : i32
      %dma_wait3A_639 = arith.constant 0 : i32
      %dma_wait3A_640 = arith.constant 0 : i32
      %dma_wait3A_641 = arith.constant 0 : i32
      %dma_wait3A_642 = tpu.memref_slice %arg9[%dma_wait3A_638, %dma_wait3A_640, %dma_wait3A_641] : memref<4x64x128xf32, #tpu.memory_space<vmem>> -> memref<1x64x128xf32, #tpu.memory_space<vmem>>
      %dma_wait3A_643 = tpu.memref_squeeze %dma_wait3A_642 : memref<1x64x128xf32, #tpu.memory_space<vmem>> -> memref<64x128xf32, #tpu.memory_space<vmem>>
      %dma_wait3A_644 = arith.constant 0 : i32
      %dma_wait3A_645 = tpu.memref_slice %arg7[%add3A_629, %dma_wait3A_644] : memref<40x64xi32, #tpu.memory_space<vmem>> -> memref<1x64xi32, #tpu.memory_space<vmem>>
      %dma_wait3A_646 = tpu.memref_squeeze %dma_wait3A_645 : memref<1x64xi32, #tpu.memory_space<vmem>> -> memref<64xi32, #tpu.memory_space<vmem>>
      %dma_wait3A_647 = arith.constant 0 : i32
      %dma_wait3A_648 = arith.constant 0 : i32
      %dma_wait3A_649 = tpu.memref_slice %arg2[%add3A_313, %dma_wait3A_647, %dma_wait3A_648] : memref<4x10240x128xf32, #tpu.memory_space<hbm>> -> memref<1x10240x128xf32, #tpu.memory_space<hbm>>
      %dma_wait3A_650 = tpu.memref_squeeze %dma_wait3A_649 : memref<1x10240x128xf32, #tpu.memory_space<hbm>> -> memref<10240x128xf32, #tpu.memory_space<hbm>>
      %dma_wait3A_651 = arith.constant 0 : i32
      %dma_wait3A_652 = arith.constant 0 : i32
      %dma_wait3A_653 = tpu.memref_slice %dma_wait3A_650[%dma_wait3A_651, %dma_wait3A_652] : memref<10240x128xf32, #tpu.memory_space<hbm>> -> memref<10240x128xf32, #tpu.memory_space<hbm>>
      %dma_wait3A_654 = tpu.memref_slice %arg11[%dma_wait3A_639] : memref<4x!tpu.dma_semaphore, #tpu.memory_space<semaphore_mem>> -> memref<1x!tpu.dma_semaphore, #tpu.memory_space<semaphore_mem>>
      %dma_wait3A_655 = tpu.memref_squeeze %dma_wait3A_654 : memref<1x!tpu.dma_semaphore, #tpu.memory_space<semaphore_mem>> -> memref<!tpu.dma_semaphore, #tpu.memory_space<semaphore_mem>>
      tpu.wait_indirect_dma semaphore(%dma_wait3A_655 : memref<!tpu.dma_semaphore, #tpu.memory_space<semaphore_mem>>) src(%dma_wait3A_653 : memref<10240x128xf32, #tpu.memory_space<hbm>>) dst(%dma_wait3A_643 : memref<64x128xf32, #tpu.memory_space<vmem>>)
      %dma_start3A_656 = arith.constant 0 : i32
      %dma_start3A_657 = arith.constant 0 : i32
      %dma_start3A_658 = arith.constant 0 : i32
      %dma_start3A_659 = tpu.memref_slice %arg9[%dma_start3A_656, %dma_start3A_657, %dma_start3A_658] : memref<4x64x128xf32, #tpu.memory_space<vmem>> -> memref<1x64x128xf32, #tpu.memory_space<vmem>>
      %dma_start3A_660 = tpu.memref_squeeze %dma_start3A_659 : memref<1x64x128xf32, #tpu.memory_space<vmem>> -> memref<64x128xf32, #tpu.memory_space<vmem>>
      %dma_start3A_661 = arith.constant 0 : i32
      %dma_start3A_662 = tpu.memref_slice %arg8[%add3A_629, %dma_start3A_661] : memref<40x64xi32, #tpu.memory_space<vmem>> -> memref<1x64xi32, #tpu.memory_space<vmem>>
      %dma_start3A_663 = tpu.memref_squeeze %dma_start3A_662 : memref<1x64xi32, #tpu.memory_space<vmem>> -> memref<64xi32, #tpu.memory_space<vmem>>
      %dma_start3A_664 = arith.constant 0 : i32
      %dma_start3A_665 = arith.constant 0 : i32
      %dma_start3A_666 = tpu.memref_slice %arg10[%dma_start3A_664, %dma_start3A_665] : memref<10240x128xf32, #tpu.memory_space<vmem_shared>> -> memref<10240x128xf32, #tpu.memory_space<vmem_shared>>
      tpu.enqueue_indirect_dma source(%dma_start3A_660 : memref<64x128xf32, #tpu.memory_space<vmem>>) target(%dma_start3A_666 : memref<10240x128xf32, #tpu.memory_space<vmem_shared>>) offsets(%dma_start3A_663 : memref<64xi32, #tpu.memory_space<vmem>>) semaphore(%arg12 : memref<!tpu.dma_semaphore, #tpu.memory_space<semaphore_mem>>) {add = true}
      %mul3A_667 = arith.constant 4 : i32
      %mul3A_668 = arith.muli %scan3A_625, %mul3A_667 : i32
      %add3A_669 = arith.constant 1 : i32
      %add3A_670 = arith.addi %mul3A_668, %add3A_669 : i32
      %gt3A_671 = arith.constant 0 : i32
      %gt3A_672 = arith.cmpi sgt, %add3A_670, %gt3A_671 : i32
      %convert_element_type3A_673 = arith.extui %gt3A_672 : i1 to i32
      %cond3A_674 = arith.constant 0 : i32
      %cond3A_675 = arith.cmpi ne, %convert_element_type3A_673, %cond3A_674 : i32
      scf.if %cond3A_675 {
        %sub3A = arith.constant 1 : i32
        %sub3A_802 = arith.subi %add3A_670, %sub3A : i32
        %dma_wait3A_803 = arith.constant 0 : i32
        %dma_wait3A_804 = arith.constant 0 : i32
        %dma_wait3A_805 = arith.constant 0 : i32
        %dma_wait3A_806 = tpu.memref_slice %arg9[%dma_wait3A_803, %dma_wait3A_804, %dma_wait3A_805] : memref<4x64x128xf32, #tpu.memory_space<vmem>> -> memref<1x64x128xf32, #tpu.memory_space<vmem>>
        %dma_wait3A_807 = tpu.memref_squeeze %dma_wait3A_806 : memref<1x64x128xf32, #tpu.memory_space<vmem>> -> memref<64x128xf32, #tpu.memory_space<vmem>>
        %dma_wait3A_808 = arith.constant 0 : i32
        %dma_wait3A_809 = tpu.memref_slice %arg8[%sub3A_802, %dma_wait3A_808] : memref<40x64xi32, #tpu.memory_space<vmem>> -> memref<1x64xi32, #tpu.memory_space<vmem>>
        %dma_wait3A_810 = tpu.memref_squeeze %dma_wait3A_809 : memref<1x64xi32, #tpu.memory_space<vmem>> -> memref<64xi32, #tpu.memory_space<vmem>>
        %dma_wait3A_811 = arith.constant 0 : i32
        %dma_wait3A_812 = arith.constant 0 : i32
        %dma_wait3A_813 = tpu.memref_slice %arg10[%dma_wait3A_811, %dma_wait3A_812] : memref<10240x128xf32, #tpu.memory_space<vmem_shared>> -> memref<10240x128xf32, #tpu.memory_space<vmem_shared>>
        tpu.wait_indirect_dma semaphore(%arg12 : memref<!tpu.dma_semaphore, #tpu.memory_space<semaphore_mem>>) src(%dma_wait3A_807 : memref<64x128xf32, #tpu.memory_space<vmem>>) dst(%dma_wait3A_813 : memref<10240x128xf32, #tpu.memory_space<vmem_shared>>)
      } else {
      }
      %add3A_676 = arith.constant 3 : i32
      %add3A_677 = arith.addi %add3A_670, %add3A_676 : i32
      %lt3A_678 = arith.constant 40 : i32
      %lt3A_679 = arith.cmpi slt, %add3A_677, %lt3A_678 : i32
      %convert_element_type3A_680 = arith.extui %lt3A_679 : i1 to i32
      %cond3A_681 = arith.constant 0 : i32
      %cond3A_682 = arith.cmpi ne, %convert_element_type3A_680, %cond3A_681 : i32
      scf.if %cond3A_682 {
        %add3A_802 = arith.constant 3 : i32
        %add3A_803 = arith.addi %add3A_670, %add3A_802 : i32
        %dma_start3A_804 = arith.constant 0 : i32
        %dma_start3A_805 = arith.constant 0 : i32
        %dma_start3A_806 = arith.constant 0 : i32
        %dma_start3A_807 = arith.constant 0 : i32
        %dma_start3A_808 = tpu.memref_slice %arg9[%dma_start3A_804, %dma_start3A_806, %dma_start3A_807] : memref<4x64x128xf32, #tpu.memory_space<vmem>> -> memref<1x64x128xf32, #tpu.memory_space<vmem>>
        %dma_start3A_809 = tpu.memref_squeeze %dma_start3A_808 : memref<1x64x128xf32, #tpu.memory_space<vmem>> -> memref<64x128xf32, #tpu.memory_space<vmem>>
        %dma_start3A_810 = arith.constant 0 : i32
        %dma_start3A_811 = tpu.memref_slice %arg7[%add3A_803, %dma_start3A_810] : memref<40x64xi32, #tpu.memory_space<vmem>> -> memref<1x64xi32, #tpu.memory_space<vmem>>
        %dma_start3A_812 = tpu.memref_squeeze %dma_start3A_811 : memref<1x64xi32, #tpu.memory_space<vmem>> -> memref<64xi32, #tpu.memory_space<vmem>>
        %dma_start3A_813 = arith.constant 0 : i32
        %dma_start3A_814 = arith.constant 0 : i32
        %dma_start3A_815 = tpu.memref_slice %arg2[%add3A_313, %dma_start3A_813, %dma_start3A_814] : memref<4x10240x128xf32, #tpu.memory_space<hbm>> -> memref<1x10240x128xf32, #tpu.memory_space<hbm>>
        %dma_start3A_816 = tpu.memref_squeeze %dma_start3A_815 : memref<1x10240x128xf32, #tpu.memory_space<hbm>> -> memref<10240x128xf32, #tpu.memory_space<hbm>>
        %dma_start3A_817 = arith.constant 0 : i32
        %dma_start3A_818 = arith.constant 0 : i32
        %dma_start3A_819 = tpu.memref_slice %dma_start3A_816[%dma_start3A_817, %dma_start3A_818] : memref<10240x128xf32, #tpu.memory_space<hbm>> -> memref<10240x128xf32, #tpu.memory_space<hbm>>
        %dma_start3A_820 = tpu.memref_slice %arg11[%dma_start3A_805] : memref<4x!tpu.dma_semaphore, #tpu.memory_space<semaphore_mem>> -> memref<1x!tpu.dma_semaphore, #tpu.memory_space<semaphore_mem>>
        %dma_start3A_821 = tpu.memref_squeeze %dma_start3A_820 : memref<1x!tpu.dma_semaphore, #tpu.memory_space<semaphore_mem>> -> memref<!tpu.dma_semaphore, #tpu.memory_space<semaphore_mem>>
        tpu.enqueue_indirect_dma source(%dma_start3A_819 : memref<10240x128xf32, #tpu.memory_space<hbm>>) target(%dma_start3A_809 : memref<64x128xf32, #tpu.memory_space<vmem>>) offsets(%dma_start3A_812 : memref<64xi32, #tpu.memory_space<vmem>>) semaphore(%dma_start3A_821 : memref<!tpu.dma_semaphore, #tpu.memory_space<semaphore_mem>>)
      } else {
      }
      %dma_wait3A_683 = arith.constant 1 : i32
      %dma_wait3A_684 = arith.constant 1 : i32
      %dma_wait3A_685 = arith.constant 0 : i32
      %dma_wait3A_686 = arith.constant 0 : i32
      %dma_wait3A_687 = tpu.memref_slice %arg9[%dma_wait3A_683, %dma_wait3A_685, %dma_wait3A_686] : memref<4x64x128xf32, #tpu.memory_space<vmem>> -> memref<1x64x128xf32, #tpu.memory_space<vmem>>
      %dma_wait3A_688 = tpu.memref_squeeze %dma_wait3A_687 : memref<1x64x128xf32, #tpu.memory_space<vmem>> -> memref<64x128xf32, #tpu.memory_space<vmem>>
      %dma_wait3A_689 = arith.constant 0 : i32
      %dma_wait3A_690 = tpu.memref_slice %arg7[%add3A_670, %dma_wait3A_689] : memref<40x64xi32, #tpu.memory_space<vmem>> -> memref<1x64xi32, #tpu.memory_space<vmem>>
      %dma_wait3A_691 = tpu.memref_squeeze %dma_wait3A_690 : memref<1x64xi32, #tpu.memory_space<vmem>> -> memref<64xi32, #tpu.memory_space<vmem>>
      %dma_wait3A_692 = arith.constant 0 : i32
      %dma_wait3A_693 = arith.constant 0 : i32
      %dma_wait3A_694 = tpu.memref_slice %arg2[%add3A_313, %dma_wait3A_692, %dma_wait3A_693] : memref<4x10240x128xf32, #tpu.memory_space<hbm>> -> memref<1x10240x128xf32, #tpu.memory_space<hbm>>
      %dma_wait3A_695 = tpu.memref_squeeze %dma_wait3A_694 : memref<1x10240x128xf32, #tpu.memory_space<hbm>> -> memref<10240x128xf32, #tpu.memory_space<hbm>>
      %dma_wait3A_696 = arith.constant 0 : i32
      %dma_wait3A_697 = arith.constant 0 : i32
      %dma_wait3A_698 = tpu.memref_slice %dma_wait3A_695[%dma_wait3A_696, %dma_wait3A_697] : memref<10240x128xf32, #tpu.memory_space<hbm>> -> memref<10240x128xf32, #tpu.memory_space<hbm>>
      %dma_wait3A_699 = tpu.memref_slice %arg11[%dma_wait3A_684] : memref<4x!tpu.dma_semaphore, #tpu.memory_space<semaphore_mem>> -> memref<1x!tpu.dma_semaphore, #tpu.memory_space<semaphore_mem>>
      %dma_wait3A_700 = tpu.memref_squeeze %dma_wait3A_699 : memref<1x!tpu.dma_semaphore, #tpu.memory_space<semaphore_mem>> -> memref<!tpu.dma_semaphore, #tpu.memory_space<semaphore_mem>>
      tpu.wait_indirect_dma semaphore(%dma_wait3A_700 : memref<!tpu.dma_semaphore, #tpu.memory_space<semaphore_mem>>) src(%dma_wait3A_698 : memref<10240x128xf32, #tpu.memory_space<hbm>>) dst(%dma_wait3A_688 : memref<64x128xf32, #tpu.memory_space<vmem>>)
      %dma_start3A_701 = arith.constant 1 : i32
      %dma_start3A_702 = arith.constant 0 : i32
      %dma_start3A_703 = arith.constant 0 : i32
      %dma_start3A_704 = tpu.memref_slice %arg9[%dma_start3A_701, %dma_start3A_702, %dma_start3A_703] : memref<4x64x128xf32, #tpu.memory_space<vmem>> -> memref<1x64x128xf32, #tpu.memory_space<vmem>>
      %dma_start3A_705 = tpu.memref_squeeze %dma_start3A_704 : memref<1x64x128xf32, #tpu.memory_space<vmem>> -> memref<64x128xf32, #tpu.memory_space<vmem>>
      %dma_start3A_706 = arith.constant 0 : i32
      %dma_start3A_707 = tpu.memref_slice %arg8[%add3A_670, %dma_start3A_706] : memref<40x64xi32, #tpu.memory_space<vmem>> -> memref<1x64xi32, #tpu.memory_space<vmem>>
      %dma_start3A_708 = tpu.memref_squeeze %dma_start3A_707 : memref<1x64xi32, #tpu.memory_space<vmem>> -> memref<64xi32, #tpu.memory_space<vmem>>
      %dma_start3A_709 = arith.constant 0 : i32
      %dma_start3A_710 = arith.constant 0 : i32
      %dma_start3A_711 = tpu.memref_slice %arg10[%dma_start3A_709, %dma_start3A_710] : memref<10240x128xf32, #tpu.memory_space<vmem_shared>> -> memref<10240x128xf32, #tpu.memory_space<vmem_shared>>
      tpu.enqueue_indirect_dma source(%dma_start3A_705 : memref<64x128xf32, #tpu.memory_space<vmem>>) target(%dma_start3A_711 : memref<10240x128xf32, #tpu.memory_space<vmem_shared>>) offsets(%dma_start3A_708 : memref<64xi32, #tpu.memory_space<vmem>>) semaphore(%arg12 : memref<!tpu.dma_semaphore, #tpu.memory_space<semaphore_mem>>) {add = true}
      %mul3A_712 = arith.constant 4 : i32
      %mul3A_713 = arith.muli %scan3A_625, %mul3A_712 : i32
      %add3A_714 = arith.constant 2 : i32
      %add3A_715 = arith.addi %mul3A_713, %add3A_714 : i32
      %gt3A_716 = arith.constant 0 : i32
      %gt3A_717 = arith.cmpi sgt, %add3A_715, %gt3A_716 : i32
      %convert_element_type3A_718 = arith.extui %gt3A_717 : i1 to i32
      %cond3A_719 = arith.constant 0 : i32
      %cond3A_720 = arith.cmpi ne, %convert_element_type3A_718, %cond3A_719 : i32
      scf.if %cond3A_720 {
        %sub3A = arith.constant 1 : i32
        %sub3A_802 = arith.subi %add3A_715, %sub3A : i32
        %dma_wait3A_803 = arith.constant 1 : i32
        %dma_wait3A_804 = arith.constant 0 : i32
        %dma_wait3A_805 = arith.constant 0 : i32
        %dma_wait3A_806 = tpu.memref_slice %arg9[%dma_wait3A_803, %dma_wait3A_804, %dma_wait3A_805] : memref<4x64x128xf32, #tpu.memory_space<vmem>> -> memref<1x64x128xf32, #tpu.memory_space<vmem>>
        %dma_wait3A_807 = tpu.memref_squeeze %dma_wait3A_806 : memref<1x64x128xf32, #tpu.memory_space<vmem>> -> memref<64x128xf32, #tpu.memory_space<vmem>>
        %dma_wait3A_808 = arith.constant 0 : i32
        %dma_wait3A_809 = tpu.memref_slice %arg8[%sub3A_802, %dma_wait3A_808] : memref<40x64xi32, #tpu.memory_space<vmem>> -> memref<1x64xi32, #tpu.memory_space<vmem>>
        %dma_wait3A_810 = tpu.memref_squeeze %dma_wait3A_809 : memref<1x64xi32, #tpu.memory_space<vmem>> -> memref<64xi32, #tpu.memory_space<vmem>>
        %dma_wait3A_811 = arith.constant 0 : i32
        %dma_wait3A_812 = arith.constant 0 : i32
        %dma_wait3A_813 = tpu.memref_slice %arg10[%dma_wait3A_811, %dma_wait3A_812] : memref<10240x128xf32, #tpu.memory_space<vmem_shared>> -> memref<10240x128xf32, #tpu.memory_space<vmem_shared>>
        tpu.wait_indirect_dma semaphore(%arg12 : memref<!tpu.dma_semaphore, #tpu.memory_space<semaphore_mem>>) src(%dma_wait3A_807 : memref<64x128xf32, #tpu.memory_space<vmem>>) dst(%dma_wait3A_813 : memref<10240x128xf32, #tpu.memory_space<vmem_shared>>)
      } else {
      }
      %add3A_721 = arith.constant 3 : i32
      %add3A_722 = arith.addi %add3A_715, %add3A_721 : i32
      %lt3A_723 = arith.constant 40 : i32
      %lt3A_724 = arith.cmpi slt, %add3A_722, %lt3A_723 : i32
      %convert_element_type3A_725 = arith.extui %lt3A_724 : i1 to i32
      %cond3A_726 = arith.constant 0 : i32
      %cond3A_727 = arith.cmpi ne, %convert_element_type3A_725, %cond3A_726 : i32
      scf.if %cond3A_727 {
        %add3A_802 = arith.constant 3 : i32
        %add3A_803 = arith.addi %add3A_715, %add3A_802 : i32
        %dma_start3A_804 = arith.constant 1 : i32
        %dma_start3A_805 = arith.constant 1 : i32
        %dma_start3A_806 = arith.constant 0 : i32
        %dma_start3A_807 = arith.constant 0 : i32
        %dma_start3A_808 = tpu.memref_slice %arg9[%dma_start3A_804, %dma_start3A_806, %dma_start3A_807] : memref<4x64x128xf32, #tpu.memory_space<vmem>> -> memref<1x64x128xf32, #tpu.memory_space<vmem>>
        %dma_start3A_809 = tpu.memref_squeeze %dma_start3A_808 : memref<1x64x128xf32, #tpu.memory_space<vmem>> -> memref<64x128xf32, #tpu.memory_space<vmem>>
        %dma_start3A_810 = arith.constant 0 : i32
        %dma_start3A_811 = tpu.memref_slice %arg7[%add3A_803, %dma_start3A_810] : memref<40x64xi32, #tpu.memory_space<vmem>> -> memref<1x64xi32, #tpu.memory_space<vmem>>
        %dma_start3A_812 = tpu.memref_squeeze %dma_start3A_811 : memref<1x64xi32, #tpu.memory_space<vmem>> -> memref<64xi32, #tpu.memory_space<vmem>>
        %dma_start3A_813 = arith.constant 0 : i32
        %dma_start3A_814 = arith.constant 0 : i32
        %dma_start3A_815 = tpu.memref_slice %arg2[%add3A_313, %dma_start3A_813, %dma_start3A_814] : memref<4x10240x128xf32, #tpu.memory_space<hbm>> -> memref<1x10240x128xf32, #tpu.memory_space<hbm>>
        %dma_start3A_816 = tpu.memref_squeeze %dma_start3A_815 : memref<1x10240x128xf32, #tpu.memory_space<hbm>> -> memref<10240x128xf32, #tpu.memory_space<hbm>>
        %dma_start3A_817 = arith.constant 0 : i32
        %dma_start3A_818 = arith.constant 0 : i32
        %dma_start3A_819 = tpu.memref_slice %dma_start3A_816[%dma_start3A_817, %dma_start3A_818] : memref<10240x128xf32, #tpu.memory_space<hbm>> -> memref<10240x128xf32, #tpu.memory_space<hbm>>
        %dma_start3A_820 = tpu.memref_slice %arg11[%dma_start3A_805] : memref<4x!tpu.dma_semaphore, #tpu.memory_space<semaphore_mem>> -> memref<1x!tpu.dma_semaphore, #tpu.memory_space<semaphore_mem>>
        %dma_start3A_821 = tpu.memref_squeeze %dma_start3A_820 : memref<1x!tpu.dma_semaphore, #tpu.memory_space<semaphore_mem>> -> memref<!tpu.dma_semaphore, #tpu.memory_space<semaphore_mem>>
        tpu.enqueue_indirect_dma source(%dma_start3A_819 : memref<10240x128xf32, #tpu.memory_space<hbm>>) target(%dma_start3A_809 : memref<64x128xf32, #tpu.memory_space<vmem>>) offsets(%dma_start3A_812 : memref<64xi32, #tpu.memory_space<vmem>>) semaphore(%dma_start3A_821 : memref<!tpu.dma_semaphore, #tpu.memory_space<semaphore_mem>>)
      } else {
      }
      %dma_wait3A_728 = arith.constant 2 : i32
      %dma_wait3A_729 = arith.constant 2 : i32
      %dma_wait3A_730 = arith.constant 0 : i32
      %dma_wait3A_731 = arith.constant 0 : i32
      %dma_wait3A_732 = tpu.memref_slice %arg9[%dma_wait3A_728, %dma_wait3A_730, %dma_wait3A_731] : memref<4x64x128xf32, #tpu.memory_space<vmem>> -> memref<1x64x128xf32, #tpu.memory_space<vmem>>
      %dma_wait3A_733 = tpu.memref_squeeze %dma_wait3A_732 : memref<1x64x128xf32, #tpu.memory_space<vmem>> -> memref<64x128xf32, #tpu.memory_space<vmem>>
      %dma_wait3A_734 = arith.constant 0 : i32
      %dma_wait3A_735 = tpu.memref_slice %arg7[%add3A_715, %dma_wait3A_734] : memref<40x64xi32, #tpu.memory_space<vmem>> -> memref<1x64xi32, #tpu.memory_space<vmem>>
      %dma_wait3A_736 = tpu.memref_squeeze %dma_wait3A_735 : memref<1x64xi32, #tpu.memory_space<vmem>> -> memref<64xi32, #tpu.memory_space<vmem>>
      %dma_wait3A_737 = arith.constant 0 : i32
      %dma_wait3A_738 = arith.constant 0 : i32
      %dma_wait3A_739 = tpu.memref_slice %arg2[%add3A_313, %dma_wait3A_737, %dma_wait3A_738] : memref<4x10240x128xf32, #tpu.memory_space<hbm>> -> memref<1x10240x128xf32, #tpu.memory_space<hbm>>
      %dma_wait3A_740 = tpu.memref_squeeze %dma_wait3A_739 : memref<1x10240x128xf32, #tpu.memory_space<hbm>> -> memref<10240x128xf32, #tpu.memory_space<hbm>>
      %dma_wait3A_741 = arith.constant 0 : i32
      %dma_wait3A_742 = arith.constant 0 : i32
      %dma_wait3A_743 = tpu.memref_slice %dma_wait3A_740[%dma_wait3A_741, %dma_wait3A_742] : memref<10240x128xf32, #tpu.memory_space<hbm>> -> memref<10240x128xf32, #tpu.memory_space<hbm>>
      %dma_wait3A_744 = tpu.memref_slice %arg11[%dma_wait3A_729] : memref<4x!tpu.dma_semaphore, #tpu.memory_space<semaphore_mem>> -> memref<1x!tpu.dma_semaphore, #tpu.memory_space<semaphore_mem>>
      %dma_wait3A_745 = tpu.memref_squeeze %dma_wait3A_744 : memref<1x!tpu.dma_semaphore, #tpu.memory_space<semaphore_mem>> -> memref<!tpu.dma_semaphore, #tpu.memory_space<semaphore_mem>>
      tpu.wait_indirect_dma semaphore(%dma_wait3A_745 : memref<!tpu.dma_semaphore, #tpu.memory_space<semaphore_mem>>) src(%dma_wait3A_743 : memref<10240x128xf32, #tpu.memory_space<hbm>>) dst(%dma_wait3A_733 : memref<64x128xf32, #tpu.memory_space<vmem>>)
      %dma_start3A_746 = arith.constant 2 : i32
      %dma_start3A_747 = arith.constant 0 : i32
      %dma_start3A_748 = arith.constant 0 : i32
      %dma_start3A_749 = tpu.memref_slice %arg9[%dma_start3A_746, %dma_start3A_747, %dma_start3A_748] : memref<4x64x128xf32, #tpu.memory_space<vmem>> -> memref<1x64x128xf32, #tpu.memory_space<vmem>>
      %dma_start3A_750 = tpu.memref_squeeze %dma_start3A_749 : memref<1x64x128xf32, #tpu.memory_space<vmem>> -> memref<64x128xf32, #tpu.memory_space<vmem>>
      %dma_start3A_751 = arith.constant 0 : i32
      %dma_start3A_752 = tpu.memref_slice %arg8[%add3A_715, %dma_start3A_751] : memref<40x64xi32, #tpu.memory_space<vmem>> -> memref<1x64xi32, #tpu.memory_space<vmem>>
      %dma_start3A_753 = tpu.memref_squeeze %dma_start3A_752 : memref<1x64xi32, #tpu.memory_space<vmem>> -> memref<64xi32, #tpu.memory_space<vmem>>
      %dma_start3A_754 = arith.constant 0 : i32
      %dma_start3A_755 = arith.constant 0 : i32
      %dma_start3A_756 = tpu.memref_slice %arg10[%dma_start3A_754, %dma_start3A_755] : memref<10240x128xf32, #tpu.memory_space<vmem_shared>> -> memref<10240x128xf32, #tpu.memory_space<vmem_shared>>
      tpu.enqueue_indirect_dma source(%dma_start3A_750 : memref<64x128xf32, #tpu.memory_space<vmem>>) target(%dma_start3A_756 : memref<10240x128xf32, #tpu.memory_space<vmem_shared>>) offsets(%dma_start3A_753 : memref<64xi32, #tpu.memory_space<vmem>>) semaphore(%arg12 : memref<!tpu.dma_semaphore, #tpu.memory_space<semaphore_mem>>) {add = true}
      %mul3A_757 = arith.constant 4 : i32
      %mul3A_758 = arith.muli %scan3A_625, %mul3A_757 : i32
      %add3A_759 = arith.constant 3 : i32
      %add3A_760 = arith.addi %mul3A_758, %add3A_759 : i32
      %gt3A_761 = arith.constant 0 : i32
      %gt3A_762 = arith.cmpi sgt, %add3A_760, %gt3A_761 : i32
      %convert_element_type3A_763 = arith.extui %gt3A_762 : i1 to i32
      %cond3A_764 = arith.constant 0 : i32
      %cond3A_765 = arith.cmpi ne, %convert_element_type3A_763, %cond3A_764 : i32
      scf.if %cond3A_765 {
        %sub3A = arith.constant 1 : i32
        %sub3A_802 = arith.subi %add3A_760, %sub3A : i32
        %dma_wait3A_803 = arith.constant 2 : i32
        %dma_wait3A_804 = arith.constant 0 : i32
        %dma_wait3A_805 = arith.constant 0 : i32
        %dma_wait3A_806 = tpu.memref_slice %arg9[%dma_wait3A_803, %dma_wait3A_804, %dma_wait3A_805] : memref<4x64x128xf32, #tpu.memory_space<vmem>> -> memref<1x64x128xf32, #tpu.memory_space<vmem>>
        %dma_wait3A_807 = tpu.memref_squeeze %dma_wait3A_806 : memref<1x64x128xf32, #tpu.memory_space<vmem>> -> memref<64x128xf32, #tpu.memory_space<vmem>>
        %dma_wait3A_808 = arith.constant 0 : i32
        %dma_wait3A_809 = tpu.memref_slice %arg8[%sub3A_802, %dma_wait3A_808] : memref<40x64xi32, #tpu.memory_space<vmem>> -> memref<1x64xi32, #tpu.memory_space<vmem>>
        %dma_wait3A_810 = tpu.memref_squeeze %dma_wait3A_809 : memref<1x64xi32, #tpu.memory_space<vmem>> -> memref<64xi32, #tpu.memory_space<vmem>>
        %dma_wait3A_811 = arith.constant 0 : i32
        %dma_wait3A_812 = arith.constant 0 : i32
        %dma_wait3A_813 = tpu.memref_slice %arg10[%dma_wait3A_811, %dma_wait3A_812] : memref<10240x128xf32, #tpu.memory_space<vmem_shared>> -> memref<10240x128xf32, #tpu.memory_space<vmem_shared>>
        tpu.wait_indirect_dma semaphore(%arg12 : memref<!tpu.dma_semaphore, #tpu.memory_space<semaphore_mem>>) src(%dma_wait3A_807 : memref<64x128xf32, #tpu.memory_space<vmem>>) dst(%dma_wait3A_813 : memref<10240x128xf32, #tpu.memory_space<vmem_shared>>)
      } else {
      }
      %add3A_766 = arith.constant 3 : i32
      %add3A_767 = arith.addi %add3A_760, %add3A_766 : i32
      %lt3A_768 = arith.constant 40 : i32
      %lt3A_769 = arith.cmpi slt, %add3A_767, %lt3A_768 : i32
      %convert_element_type3A_770 = arith.extui %lt3A_769 : i1 to i32
      %cond3A_771 = arith.constant 0 : i32
      %cond3A_772 = arith.cmpi ne, %convert_element_type3A_770, %cond3A_771 : i32
      scf.if %cond3A_772 {
        %add3A_802 = arith.constant 3 : i32
        %add3A_803 = arith.addi %add3A_760, %add3A_802 : i32
        %dma_start3A_804 = arith.constant 2 : i32
        %dma_start3A_805 = arith.constant 2 : i32
        %dma_start3A_806 = arith.constant 0 : i32
        %dma_start3A_807 = arith.constant 0 : i32
        %dma_start3A_808 = tpu.memref_slice %arg9[%dma_start3A_804, %dma_start3A_806, %dma_start3A_807] : memref<4x64x128xf32, #tpu.memory_space<vmem>> -> memref<1x64x128xf32, #tpu.memory_space<vmem>>
        %dma_start3A_809 = tpu.memref_squeeze %dma_start3A_808 : memref<1x64x128xf32, #tpu.memory_space<vmem>> -> memref<64x128xf32, #tpu.memory_space<vmem>>
        %dma_start3A_810 = arith.constant 0 : i32
        %dma_start3A_811 = tpu.memref_slice %arg7[%add3A_803, %dma_start3A_810] : memref<40x64xi32, #tpu.memory_space<vmem>> -> memref<1x64xi32, #tpu.memory_space<vmem>>
        %dma_start3A_812 = tpu.memref_squeeze %dma_start3A_811 : memref<1x64xi32, #tpu.memory_space<vmem>> -> memref<64xi32, #tpu.memory_space<vmem>>
        %dma_start3A_813 = arith.constant 0 : i32
        %dma_start3A_814 = arith.constant 0 : i32
        %dma_start3A_815 = tpu.memref_slice %arg2[%add3A_313, %dma_start3A_813, %dma_start3A_814] : memref<4x10240x128xf32, #tpu.memory_space<hbm>> -> memref<1x10240x128xf32, #tpu.memory_space<hbm>>
        %dma_start3A_816 = tpu.memref_squeeze %dma_start3A_815 : memref<1x10240x128xf32, #tpu.memory_space<hbm>> -> memref<10240x128xf32, #tpu.memory_space<hbm>>
        %dma_start3A_817 = arith.constant 0 : i32
        %dma_start3A_818 = arith.constant 0 : i32
        %dma_start3A_819 = tpu.memref_slice %dma_start3A_816[%dma_start3A_817, %dma_start3A_818] : memref<10240x128xf32, #tpu.memory_space<hbm>> -> memref<10240x128xf32, #tpu.memory_space<hbm>>
        %dma_start3A_820 = tpu.memref_slice %arg11[%dma_start3A_805] : memref<4x!tpu.dma_semaphore, #tpu.memory_space<semaphore_mem>> -> memref<1x!tpu.dma_semaphore, #tpu.memory_space<semaphore_mem>>
        %dma_start3A_821 = tpu.memref_squeeze %dma_start3A_820 : memref<1x!tpu.dma_semaphore, #tpu.memory_space<semaphore_mem>> -> memref<!tpu.dma_semaphore, #tpu.memory_space<semaphore_mem>>
        tpu.enqueue_indirect_dma source(%dma_start3A_819 : memref<10240x128xf32, #tpu.memory_space<hbm>>) target(%dma_start3A_809 : memref<64x128xf32, #tpu.memory_space<vmem>>) offsets(%dma_start3A_812 : memref<64xi32, #tpu.memory_space<vmem>>) semaphore(%dma_start3A_821 : memref<!tpu.dma_semaphore, #tpu.memory_space<semaphore_mem>>)
      } else {
      }
      %dma_wait3A_773 = arith.constant 3 : i32
      %dma_wait3A_774 = arith.constant 3 : i32
      %dma_wait3A_775 = arith.constant 0 : i32
      %dma_wait3A_776 = arith.constant 0 : i32
      %dma_wait3A_777 = tpu.memref_slice %arg9[%dma_wait3A_773, %dma_wait3A_775, %dma_wait3A_776] : memref<4x64x128xf32, #tpu.memory_space<vmem>> -> memref<1x64x128xf32, #tpu.memory_space<vmem>>
      %dma_wait3A_778 = tpu.memref_squeeze %dma_wait3A_777 : memref<1x64x128xf32, #tpu.memory_space<vmem>> -> memref<64x128xf32, #tpu.memory_space<vmem>>
      %dma_wait3A_779 = arith.constant 0 : i32
      %dma_wait3A_780 = tpu.memref_slice %arg7[%add3A_760, %dma_wait3A_779] : memref<40x64xi32, #tpu.memory_space<vmem>> -> memref<1x64xi32, #tpu.memory_space<vmem>>
      %dma_wait3A_781 = tpu.memref_squeeze %dma_wait3A_780 : memref<1x64xi32, #tpu.memory_space<vmem>> -> memref<64xi32, #tpu.memory_space<vmem>>
      %dma_wait3A_782 = arith.constant 0 : i32
      %dma_wait3A_783 = arith.constant 0 : i32
      %dma_wait3A_784 = tpu.memref_slice %arg2[%add3A_313, %dma_wait3A_782, %dma_wait3A_783] : memref<4x10240x128xf32, #tpu.memory_space<hbm>> -> memref<1x10240x128xf32, #tpu.memory_space<hbm>>
      %dma_wait3A_785 = tpu.memref_squeeze %dma_wait3A_784 : memref<1x10240x128xf32, #tpu.memory_space<hbm>> -> memref<10240x128xf32, #tpu.memory_space<hbm>>
      %dma_wait3A_786 = arith.constant 0 : i32
      %dma_wait3A_787 = arith.constant 0 : i32
      %dma_wait3A_788 = tpu.memref_slice %dma_wait3A_785[%dma_wait3A_786, %dma_wait3A_787] : memref<10240x128xf32, #tpu.memory_space<hbm>> -> memref<10240x128xf32, #tpu.memory_space<hbm>>
      %dma_wait3A_789 = tpu.memref_slice %arg11[%dma_wait3A_774] : memref<4x!tpu.dma_semaphore, #tpu.memory_space<semaphore_mem>> -> memref<1x!tpu.dma_semaphore, #tpu.memory_space<semaphore_mem>>
      %dma_wait3A_790 = tpu.memref_squeeze %dma_wait3A_789 : memref<1x!tpu.dma_semaphore, #tpu.memory_space<semaphore_mem>> -> memref<!tpu.dma_semaphore, #tpu.memory_space<semaphore_mem>>
      tpu.wait_indirect_dma semaphore(%dma_wait3A_790 : memref<!tpu.dma_semaphore, #tpu.memory_space<semaphore_mem>>) src(%dma_wait3A_788 : memref<10240x128xf32, #tpu.memory_space<hbm>>) dst(%dma_wait3A_778 : memref<64x128xf32, #tpu.memory_space<vmem>>)
      %dma_start3A_791 = arith.constant 3 : i32
      %dma_start3A_792 = arith.constant 0 : i32
      %dma_start3A_793 = arith.constant 0 : i32
      %dma_start3A_794 = tpu.memref_slice %arg9[%dma_start3A_791, %dma_start3A_792, %dma_start3A_793] : memref<4x64x128xf32, #tpu.memory_space<vmem>> -> memref<1x64x128xf32, #tpu.memory_space<vmem>>
      %dma_start3A_795 = tpu.memref_squeeze %dma_start3A_794 : memref<1x64x128xf32, #tpu.memory_space<vmem>> -> memref<64x128xf32, #tpu.memory_space<vmem>>
      %dma_start3A_796 = arith.constant 0 : i32
      %dma_start3A_797 = tpu.memref_slice %arg8[%add3A_760, %dma_start3A_796] : memref<40x64xi32, #tpu.memory_space<vmem>> -> memref<1x64xi32, #tpu.memory_space<vmem>>
      %dma_start3A_798 = tpu.memref_squeeze %dma_start3A_797 : memref<1x64xi32, #tpu.memory_space<vmem>> -> memref<64xi32, #tpu.memory_space<vmem>>
      %dma_start3A_799 = arith.constant 0 : i32
      %dma_start3A_800 = arith.constant 0 : i32
      %dma_start3A_801 = tpu.memref_slice %arg10[%dma_start3A_799, %dma_start3A_800] : memref<10240x128xf32, #tpu.memory_space<vmem_shared>> -> memref<10240x128xf32, #tpu.memory_space<vmem_shared>>
      tpu.enqueue_indirect_dma source(%dma_start3A_795 : memref<64x128xf32, #tpu.memory_space<vmem>>) target(%dma_start3A_801 : memref<10240x128xf32, #tpu.memory_space<vmem_shared>>) offsets(%dma_start3A_798 : memref<64xi32, #tpu.memory_space<vmem>>) semaphore(%arg12 : memref<!tpu.dma_semaphore, #tpu.memory_space<semaphore_mem>>) {add = true}
    }
    %scan3A_456 = arith.constant 10 : i32
    %dma_wait3A_457 = arith.constant 3 : i32
    %dma_wait3A_458 = arith.constant 39 : i32
    %dma_wait3A_459 = arith.constant 0 : i32
    %dma_wait3A_460 = arith.constant 0 : i32
    %dma_wait3A_461 = tpu.memref_slice %arg9[%dma_wait3A_457, %dma_wait3A_459, %dma_wait3A_460] : memref<4x64x128xf32, #tpu.memory_space<vmem>> -> memref<1x64x128xf32, #tpu.memory_space<vmem>>
    %dma_wait3A_462 = tpu.memref_squeeze %dma_wait3A_461 : memref<1x64x128xf32, #tpu.memory_space<vmem>> -> memref<64x128xf32, #tpu.memory_space<vmem>>
    %dma_wait3A_463 = arith.constant 0 : i32
    %dma_wait3A_464 = tpu.memref_slice %arg8[%dma_wait3A_458, %dma_wait3A_463] : memref<40x64xi32, #tpu.memory_space<vmem>> -> memref<1x64xi32, #tpu.memory_space<vmem>>
    %dma_wait3A_465 = tpu.memref_squeeze %dma_wait3A_464 : memref<1x64xi32, #tpu.memory_space<vmem>> -> memref<64xi32, #tpu.memory_space<vmem>>
    %dma_wait3A_466 = arith.constant 0 : i32
    %dma_wait3A_467 = arith.constant 0 : i32
    %dma_wait3A_468 = tpu.memref_slice %arg10[%dma_wait3A_466, %dma_wait3A_467] : memref<10240x128xf32, #tpu.memory_space<vmem_shared>> -> memref<10240x128xf32, #tpu.memory_space<vmem_shared>>
    tpu.wait_indirect_dma semaphore(%arg12 : memref<!tpu.dma_semaphore, #tpu.memory_space<semaphore_mem>>) src(%dma_wait3A_462 : memref<64x128xf32, #tpu.memory_space<vmem>>) dst(%dma_wait3A_468 : memref<10240x128xf32, #tpu.memory_space<vmem_shared>>)
    %run_scoped3A_469 = arith.constant 2 : i32
    "tpu.region"() ({
      %run_scoped3A_625 = tpu.sem_alloc : memref<!tpu.dma_semaphore, #tpu.memory_space<semaphore_mem>>
      %dma_start3A_626 = arith.constant 0 : i32
      %dma_start3A_627 = arith.constant 0 : i32
      %dma_start3A_628 = tpu.memref_slice %arg3[%arg1, %run_scoped3A_469, %dma_start3A_626, %dma_start3A_627] : memref<16x4x40x64xi32, #tpu.memory_space<hbm>> -> memref<1x1x40x64xi32, #tpu.memory_space<hbm>>
      %dma_start3A_629 = tpu.memref_squeeze %dma_start3A_628 : memref<1x1x40x64xi32, #tpu.memory_space<hbm>> -> memref<40x64xi32, #tpu.memory_space<hbm>>
      %dma_start3A_630 = arith.constant 0 : i32
      %dma_start3A_631 = arith.constant 0 : i32
      %dma_start3A_632 = tpu.memref_slice %arg3[%arg1, %run_scoped3A_469, %dma_start3A_630, %dma_start3A_631] : memref<16x4x40x64xi32, #tpu.memory_space<hbm>> -> memref<1x1x40x64xi32, #tpu.memory_space<hbm>>
      %dma_start3A_633 = tpu.memref_squeeze %dma_start3A_632 : memref<1x1x40x64xi32, #tpu.memory_space<hbm>> -> memref<40x64xi32, #tpu.memory_space<hbm>>
      tpu.enqueue_dma source(%dma_start3A_633 : memref<40x64xi32, #tpu.memory_space<hbm>>) target(%arg7 : memref<40x64xi32, #tpu.memory_space<vmem>>) target_semaphore(%run_scoped3A_625 : memref<!tpu.dma_semaphore, #tpu.memory_space<semaphore_mem>>)
      %dma_wait3A_634 = arith.constant 0 : i32
      %dma_wait3A_635 = arith.constant 0 : i32
      %dma_wait3A_636 = tpu.memref_slice %arg3[%arg1, %run_scoped3A_469, %dma_wait3A_634, %dma_wait3A_635] : memref<16x4x40x64xi32, #tpu.memory_space<hbm>> -> memref<1x1x40x64xi32, #tpu.memory_space<hbm>>
      %dma_wait3A_637 = tpu.memref_squeeze %dma_wait3A_636 : memref<1x1x40x64xi32, #tpu.memory_space<hbm>> -> memref<40x64xi32, #tpu.memory_space<hbm>>
      %dma_wait3A_638 = arith.constant 0 : i32
      %dma_wait3A_639 = arith.constant 0 : i32
      %dma_wait3A_640 = tpu.memref_slice %arg3[%arg1, %run_scoped3A_469, %dma_wait3A_638, %dma_wait3A_639] : memref<16x4x40x64xi32, #tpu.memory_space<hbm>> -> memref<1x1x40x64xi32, #tpu.memory_space<hbm>>
      %dma_wait3A_641 = tpu.memref_squeeze %dma_wait3A_640 : memref<1x1x40x64xi32, #tpu.memory_space<hbm>> -> memref<40x64xi32, #tpu.memory_space<hbm>>
      tpu.wait_dma2 semaphore(%run_scoped3A_625 : memref<!tpu.dma_semaphore, #tpu.memory_space<semaphore_mem>>) src(%dma_wait3A_641 : memref<40x64xi32, #tpu.memory_space<hbm>>) dst(%arg7 : memref<40x64xi32, #tpu.memory_space<vmem>>)
      tpu.yield
    }) : () -> ()
    %run_scoped3A_470 = arith.constant 2 : i32
    "tpu.region"() ({
      %run_scoped3A_625 = tpu.sem_alloc : memref<!tpu.dma_semaphore, #tpu.memory_space<semaphore_mem>>
      %dma_start3A_626 = arith.constant 0 : i32
      %dma_start3A_627 = arith.constant 0 : i32
      %dma_start3A_628 = tpu.memref_slice %arg4[%arg1, %run_scoped3A_470, %dma_start3A_626, %dma_start3A_627] : memref<16x4x40x64xi32, #tpu.memory_space<hbm>> -> memref<1x1x40x64xi32, #tpu.memory_space<hbm>>
      %dma_start3A_629 = tpu.memref_squeeze %dma_start3A_628 : memref<1x1x40x64xi32, #tpu.memory_space<hbm>> -> memref<40x64xi32, #tpu.memory_space<hbm>>
      %dma_start3A_630 = arith.constant 0 : i32
      %dma_start3A_631 = arith.constant 0 : i32
      %dma_start3A_632 = tpu.memref_slice %arg4[%arg1, %run_scoped3A_470, %dma_start3A_630, %dma_start3A_631] : memref<16x4x40x64xi32, #tpu.memory_space<hbm>> -> memref<1x1x40x64xi32, #tpu.memory_space<hbm>>
      %dma_start3A_633 = tpu.memref_squeeze %dma_start3A_632 : memref<1x1x40x64xi32, #tpu.memory_space<hbm>> -> memref<40x64xi32, #tpu.memory_space<hbm>>
      tpu.enqueue_dma source(%dma_start3A_633 : memref<40x64xi32, #tpu.memory_space<hbm>>) target(%arg8 : memref<40x64xi32, #tpu.memory_space<vmem>>) target_semaphore(%run_scoped3A_625 : memref<!tpu.dma_semaphore, #tpu.memory_space<semaphore_mem>>)
      %dma_wait3A_634 = arith.constant 0 : i32
      %dma_wait3A_635 = arith.constant 0 : i32
      %dma_wait3A_636 = tpu.memref_slice %arg4[%arg1, %run_scoped3A_470, %dma_wait3A_634, %dma_wait3A_635] : memref<16x4x40x64xi32, #tpu.memory_space<hbm>> -> memref<1x1x40x64xi32, #tpu.memory_space<hbm>>
      %dma_wait3A_637 = tpu.memref_squeeze %dma_wait3A_636 : memref<1x1x40x64xi32, #tpu.memory_space<hbm>> -> memref<40x64xi32, #tpu.memory_space<hbm>>
      %dma_wait3A_638 = arith.constant 0 : i32
      %dma_wait3A_639 = arith.constant 0 : i32
      %dma_wait3A_640 = tpu.memref_slice %arg4[%arg1, %run_scoped3A_470, %dma_wait3A_638, %dma_wait3A_639] : memref<16x4x40x64xi32, #tpu.memory_space<hbm>> -> memref<1x1x40x64xi32, #tpu.memory_space<hbm>>
      %dma_wait3A_641 = tpu.memref_squeeze %dma_wait3A_640 : memref<1x1x40x64xi32, #tpu.memory_space<hbm>> -> memref<40x64xi32, #tpu.memory_space<hbm>>
      tpu.wait_dma2 semaphore(%run_scoped3A_625 : memref<!tpu.dma_semaphore, #tpu.memory_space<semaphore_mem>>) src(%dma_wait3A_641 : memref<40x64xi32, #tpu.memory_space<hbm>>) dst(%arg8 : memref<40x64xi32, #tpu.memory_space<vmem>>)
      tpu.yield
    }) : () -> ()
    %dma_start3A_471 = arith.constant 0 : i32
    %dma_start3A_472 = arith.constant 0 : i32
    %dma_start3A_473 = arith.constant 0 : i32
    %dma_start3A_474 = arith.constant 0 : i32
    %dma_start3A_475 = arith.constant 0 : i32
    %dma_start3A_476 = tpu.memref_slice %arg9[%dma_start3A_472, %dma_start3A_474, %dma_start3A_475] : memref<4x64x128xf32, #tpu.memory_space<vmem>> -> memref<1x64x128xf32, #tpu.memory_space<vmem>>
    %dma_start3A_477 = tpu.memref_squeeze %dma_start3A_476 : memref<1x64x128xf32, #tpu.memory_space<vmem>> -> memref<64x128xf32, #tpu.memory_space<vmem>>
    %dma_start3A_478 = arith.constant 0 : i32
    %dma_start3A_479 = tpu.memref_slice %arg7[%dma_start3A_471, %dma_start3A_478] : memref<40x64xi32, #tpu.memory_space<vmem>> -> memref<1x64xi32, #tpu.memory_space<vmem>>
    %dma_start3A_480 = tpu.memref_squeeze %dma_start3A_479 : memref<1x64xi32, #tpu.memory_space<vmem>> -> memref<64xi32, #tpu.memory_space<vmem>>
    %dma_start3A_481 = arith.constant 0 : i32
    %dma_start3A_482 = arith.constant 0 : i32
    %dma_start3A_483 = tpu.memref_slice %arg2[%add3A_313, %dma_start3A_481, %dma_start3A_482] : memref<4x10240x128xf32, #tpu.memory_space<hbm>> -> memref<1x10240x128xf32, #tpu.memory_space<hbm>>
    %dma_start3A_484 = tpu.memref_squeeze %dma_start3A_483 : memref<1x10240x128xf32, #tpu.memory_space<hbm>> -> memref<10240x128xf32, #tpu.memory_space<hbm>>
    %dma_start3A_485 = arith.constant 0 : i32
    %dma_start3A_486 = arith.constant 0 : i32
    %dma_start3A_487 = tpu.memref_slice %dma_start3A_484[%dma_start3A_485, %dma_start3A_486] : memref<10240x128xf32, #tpu.memory_space<hbm>> -> memref<10240x128xf32, #tpu.memory_space<hbm>>
    %dma_start3A_488 = tpu.memref_slice %arg11[%dma_start3A_473] : memref<4x!tpu.dma_semaphore, #tpu.memory_space<semaphore_mem>> -> memref<1x!tpu.dma_semaphore, #tpu.memory_space<semaphore_mem>>
    %dma_start3A_489 = tpu.memref_squeeze %dma_start3A_488 : memref<1x!tpu.dma_semaphore, #tpu.memory_space<semaphore_mem>> -> memref<!tpu.dma_semaphore, #tpu.memory_space<semaphore_mem>>
    tpu.enqueue_indirect_dma source(%dma_start3A_487 : memref<10240x128xf32, #tpu.memory_space<hbm>>) target(%dma_start3A_477 : memref<64x128xf32, #tpu.memory_space<vmem>>) offsets(%dma_start3A_480 : memref<64xi32, #tpu.memory_space<vmem>>) semaphore(%dma_start3A_489 : memref<!tpu.dma_semaphore, #tpu.memory_space<semaphore_mem>>)
    %dma_start3A_490 = arith.constant 1 : i32
    %dma_start3A_491 = arith.constant 1 : i32
    %dma_start3A_492 = arith.constant 1 : i32
    %dma_start3A_493 = arith.constant 0 : i32
    %dma_start3A_494 = arith.constant 0 : i32
    %dma_start3A_495 = tpu.memref_slice %arg9[%dma_start3A_491, %dma_start3A_493, %dma_start3A_494] : memref<4x64x128xf32, #tpu.memory_space<vmem>> -> memref<1x64x128xf32, #tpu.memory_space<vmem>>
    %dma_start3A_496 = tpu.memref_squeeze %dma_start3A_495 : memref<1x64x128xf32, #tpu.memory_space<vmem>> -> memref<64x128xf32, #tpu.memory_space<vmem>>
    %dma_start3A_497 = arith.constant 0 : i32
    %dma_start3A_498 = tpu.memref_slice %arg7[%dma_start3A_490, %dma_start3A_497] : memref<40x64xi32, #tpu.memory_space<vmem>> -> memref<1x64xi32, #tpu.memory_space<vmem>>
    %dma_start3A_499 = tpu.memref_squeeze %dma_start3A_498 : memref<1x64xi32, #tpu.memory_space<vmem>> -> memref<64xi32, #tpu.memory_space<vmem>>
    %dma_start3A_500 = arith.constant 0 : i32
    %dma_start3A_501 = arith.constant 0 : i32
    %dma_start3A_502 = tpu.memref_slice %arg2[%add3A_313, %dma_start3A_500, %dma_start3A_501] : memref<4x10240x128xf32, #tpu.memory_space<hbm>> -> memref<1x10240x128xf32, #tpu.memory_space<hbm>>
    %dma_start3A_503 = tpu.memref_squeeze %dma_start3A_502 : memref<1x10240x128xf32, #tpu.memory_space<hbm>> -> memref<10240x128xf32, #tpu.memory_space<hbm>>
    %dma_start3A_504 = arith.constant 0 : i32
    %dma_start3A_505 = arith.constant 0 : i32
    %dma_start3A_506 = tpu.memref_slice %dma_start3A_503[%dma_start3A_504, %dma_start3A_505] : memref<10240x128xf32, #tpu.memory_space<hbm>> -> memref<10240x128xf32, #tpu.memory_space<hbm>>
    %dma_start3A_507 = tpu.memref_slice %arg11[%dma_start3A_492] : memref<4x!tpu.dma_semaphore, #tpu.memory_space<semaphore_mem>> -> memref<1x!tpu.dma_semaphore, #tpu.memory_space<semaphore_mem>>
    %dma_start3A_508 = tpu.memref_squeeze %dma_start3A_507 : memref<1x!tpu.dma_semaphore, #tpu.memory_space<semaphore_mem>> -> memref<!tpu.dma_semaphore, #tpu.memory_space<semaphore_mem>>
    tpu.enqueue_indirect_dma source(%dma_start3A_506 : memref<10240x128xf32, #tpu.memory_space<hbm>>) target(%dma_start3A_496 : memref<64x128xf32, #tpu.memory_space<vmem>>) offsets(%dma_start3A_499 : memref<64xi32, #tpu.memory_space<vmem>>) semaphore(%dma_start3A_508 : memref<!tpu.dma_semaphore, #tpu.memory_space<semaphore_mem>>)
    %dma_start3A_509 = arith.constant 2 : i32
    %dma_start3A_510 = arith.constant 2 : i32
    %dma_start3A_511 = arith.constant 2 : i32
    %dma_start3A_512 = arith.constant 0 : i32
    %dma_start3A_513 = arith.constant 0 : i32
    %dma_start3A_514 = tpu.memref_slice %arg9[%dma_start3A_510, %dma_start3A_512, %dma_start3A_513] : memref<4x64x128xf32, #tpu.memory_space<vmem>> -> memref<1x64x128xf32, #tpu.memory_space<vmem>>
    %dma_start3A_515 = tpu.memref_squeeze %dma_start3A_514 : memref<1x64x128xf32, #tpu.memory_space<vmem>> -> memref<64x128xf32, #tpu.memory_space<vmem>>
    %dma_start3A_516 = arith.constant 0 : i32
    %dma_start3A_517 = tpu.memref_slice %arg7[%dma_start3A_509, %dma_start3A_516] : memref<40x64xi32, #tpu.memory_space<vmem>> -> memref<1x64xi32, #tpu.memory_space<vmem>>
    %dma_start3A_518 = tpu.memref_squeeze %dma_start3A_517 : memref<1x64xi32, #tpu.memory_space<vmem>> -> memref<64xi32, #tpu.memory_space<vmem>>
    %dma_start3A_519 = arith.constant 0 : i32
    %dma_start3A_520 = arith.constant 0 : i32
    %dma_start3A_521 = tpu.memref_slice %arg2[%add3A_313, %dma_start3A_519, %dma_start3A_520] : memref<4x10240x128xf32, #tpu.memory_space<hbm>> -> memref<1x10240x128xf32, #tpu.memory_space<hbm>>
    %dma_start3A_522 = tpu.memref_squeeze %dma_start3A_521 : memref<1x10240x128xf32, #tpu.memory_space<hbm>> -> memref<10240x128xf32, #tpu.memory_space<hbm>>
    %dma_start3A_523 = arith.constant 0 : i32
    %dma_start3A_524 = arith.constant 0 : i32
    %dma_start3A_525 = tpu.memref_slice %dma_start3A_522[%dma_start3A_523, %dma_start3A_524] : memref<10240x128xf32, #tpu.memory_space<hbm>> -> memref<10240x128xf32, #tpu.memory_space<hbm>>
    %dma_start3A_526 = tpu.memref_slice %arg11[%dma_start3A_511] : memref<4x!tpu.dma_semaphore, #tpu.memory_space<semaphore_mem>> -> memref<1x!tpu.dma_semaphore, #tpu.memory_space<semaphore_mem>>
    %dma_start3A_527 = tpu.memref_squeeze %dma_start3A_526 : memref<1x!tpu.dma_semaphore, #tpu.memory_space<semaphore_mem>> -> memref<!tpu.dma_semaphore, #tpu.memory_space<semaphore_mem>>
    tpu.enqueue_indirect_dma source(%dma_start3A_525 : memref<10240x128xf32, #tpu.memory_space<hbm>>) target(%dma_start3A_515 : memref<64x128xf32, #tpu.memory_space<vmem>>) offsets(%dma_start3A_518 : memref<64xi32, #tpu.memory_space<vmem>>) semaphore(%dma_start3A_527 : memref<!tpu.dma_semaphore, #tpu.memory_space<semaphore_mem>>)
    %scan3A_528 = arith.constant 0 : i32
    %scan3A_529 = arith.constant 0 : i32
    %scan3A_530 = arith.constant 10 : i32
    %scan3A_531 = arith.addi %scan3A_529, %scan3A_530 : i32
    %scan3A_532 = arith.constant 1 : i32
    scf.for %scan3A_625 = %scan3A_529 to %scan3A_531 step %scan3A_532  : i32 {
      %mul3A_626 = arith.constant 4 : i32
      %mul3A_627 = arith.muli %scan3A_625, %mul3A_626 : i32
      %add3A_628 = arith.constant 0 : i32
      %add3A_629 = arith.addi %mul3A_627, %add3A_628 : i32
      %gt3A = arith.constant 0 : i32
      %gt3A_630 = arith.cmpi sgt, %add3A_629, %gt3A : i32
      %convert_element_type3A = arith.extui %gt3A_630 : i1 to i32
      %cond3A = arith.constant 0 : i32
      %cond3A_631 = arith.cmpi ne, %convert_element_type3A, %cond3A : i32
      scf.if %cond3A_631 {
        %sub3A = arith.constant 1 : i32
        %sub3A_802 = arith.subi %add3A_629, %sub3A : i32
        %dma_wait3A_803 = arith.constant 3 : i32
        %dma_wait3A_804 = arith.constant 0 : i32
        %dma_wait3A_805 = arith.constant 0 : i32
        %dma_wait3A_806 = tpu.memref_slice %arg9[%dma_wait3A_803, %dma_wait3A_804, %dma_wait3A_805] : memref<4x64x128xf32, #tpu.memory_space<vmem>> -> memref<1x64x128xf32, #tpu.memory_space<vmem>>
        %dma_wait3A_807 = tpu.memref_squeeze %dma_wait3A_806 : memref<1x64x128xf32, #tpu.memory_space<vmem>> -> memref<64x128xf32, #tpu.memory_space<vmem>>
        %dma_wait3A_808 = arith.constant 0 : i32
        %dma_wait3A_809 = tpu.memref_slice %arg8[%sub3A_802, %dma_wait3A_808] : memref<40x64xi32, #tpu.memory_space<vmem>> -> memref<1x64xi32, #tpu.memory_space<vmem>>
        %dma_wait3A_810 = tpu.memref_squeeze %dma_wait3A_809 : memref<1x64xi32, #tpu.memory_space<vmem>> -> memref<64xi32, #tpu.memory_space<vmem>>
        %dma_wait3A_811 = arith.constant 0 : i32
        %dma_wait3A_812 = arith.constant 0 : i32
        %dma_wait3A_813 = tpu.memref_slice %arg10[%dma_wait3A_811, %dma_wait3A_812] : memref<10240x128xf32, #tpu.memory_space<vmem_shared>> -> memref<10240x128xf32, #tpu.memory_space<vmem_shared>>
        tpu.wait_indirect_dma semaphore(%arg12 : memref<!tpu.dma_semaphore, #tpu.memory_space<semaphore_mem>>) src(%dma_wait3A_807 : memref<64x128xf32, #tpu.memory_space<vmem>>) dst(%dma_wait3A_813 : memref<10240x128xf32, #tpu.memory_space<vmem_shared>>)
      } else {
      }
      %add3A_632 = arith.constant 3 : i32
      %add3A_633 = arith.addi %add3A_629, %add3A_632 : i32
      %lt3A = arith.constant 40 : i32
      %lt3A_634 = arith.cmpi slt, %add3A_633, %lt3A : i32
      %convert_element_type3A_635 = arith.extui %lt3A_634 : i1 to i32
      %cond3A_636 = arith.constant 0 : i32
      %cond3A_637 = arith.cmpi ne, %convert_element_type3A_635, %cond3A_636 : i32
      scf.if %cond3A_637 {
        %add3A_802 = arith.constant 3 : i32
        %add3A_803 = arith.addi %add3A_629, %add3A_802 : i32
        %dma_start3A_804 = arith.constant 3 : i32
        %dma_start3A_805 = arith.constant 3 : i32
        %dma_start3A_806 = arith.constant 0 : i32
        %dma_start3A_807 = arith.constant 0 : i32
        %dma_start3A_808 = tpu.memref_slice %arg9[%dma_start3A_804, %dma_start3A_806, %dma_start3A_807] : memref<4x64x128xf32, #tpu.memory_space<vmem>> -> memref<1x64x128xf32, #tpu.memory_space<vmem>>
        %dma_start3A_809 = tpu.memref_squeeze %dma_start3A_808 : memref<1x64x128xf32, #tpu.memory_space<vmem>> -> memref<64x128xf32, #tpu.memory_space<vmem>>
        %dma_start3A_810 = arith.constant 0 : i32
        %dma_start3A_811 = tpu.memref_slice %arg7[%add3A_803, %dma_start3A_810] : memref<40x64xi32, #tpu.memory_space<vmem>> -> memref<1x64xi32, #tpu.memory_space<vmem>>
        %dma_start3A_812 = tpu.memref_squeeze %dma_start3A_811 : memref<1x64xi32, #tpu.memory_space<vmem>> -> memref<64xi32, #tpu.memory_space<vmem>>
        %dma_start3A_813 = arith.constant 0 : i32
        %dma_start3A_814 = arith.constant 0 : i32
        %dma_start3A_815 = tpu.memref_slice %arg2[%add3A_313, %dma_start3A_813, %dma_start3A_814] : memref<4x10240x128xf32, #tpu.memory_space<hbm>> -> memref<1x10240x128xf32, #tpu.memory_space<hbm>>
        %dma_start3A_816 = tpu.memref_squeeze %dma_start3A_815 : memref<1x10240x128xf32, #tpu.memory_space<hbm>> -> memref<10240x128xf32, #tpu.memory_space<hbm>>
        %dma_start3A_817 = arith.constant 0 : i32
        %dma_start3A_818 = arith.constant 0 : i32
        %dma_start3A_819 = tpu.memref_slice %dma_start3A_816[%dma_start3A_817, %dma_start3A_818] : memref<10240x128xf32, #tpu.memory_space<hbm>> -> memref<10240x128xf32, #tpu.memory_space<hbm>>
        %dma_start3A_820 = tpu.memref_slice %arg11[%dma_start3A_805] : memref<4x!tpu.dma_semaphore, #tpu.memory_space<semaphore_mem>> -> memref<1x!tpu.dma_semaphore, #tpu.memory_space<semaphore_mem>>
        %dma_start3A_821 = tpu.memref_squeeze %dma_start3A_820 : memref<1x!tpu.dma_semaphore, #tpu.memory_space<semaphore_mem>> -> memref<!tpu.dma_semaphore, #tpu.memory_space<semaphore_mem>>
        tpu.enqueue_indirect_dma source(%dma_start3A_819 : memref<10240x128xf32, #tpu.memory_space<hbm>>) target(%dma_start3A_809 : memref<64x128xf32, #tpu.memory_space<vmem>>) offsets(%dma_start3A_812 : memref<64xi32, #tpu.memory_space<vmem>>) semaphore(%dma_start3A_821 : memref<!tpu.dma_semaphore, #tpu.memory_space<semaphore_mem>>)
      } else {
      }
      %dma_wait3A_638 = arith.constant 0 : i32
      %dma_wait3A_639 = arith.constant 0 : i32
      %dma_wait3A_640 = arith.constant 0 : i32
      %dma_wait3A_641 = arith.constant 0 : i32
      %dma_wait3A_642 = tpu.memref_slice %arg9[%dma_wait3A_638, %dma_wait3A_640, %dma_wait3A_641] : memref<4x64x128xf32, #tpu.memory_space<vmem>> -> memref<1x64x128xf32, #tpu.memory_space<vmem>>
      %dma_wait3A_643 = tpu.memref_squeeze %dma_wait3A_642 : memref<1x64x128xf32, #tpu.memory_space<vmem>> -> memref<64x128xf32, #tpu.memory_space<vmem>>
      %dma_wait3A_644 = arith.constant 0 : i32
      %dma_wait3A_645 = tpu.memref_slice %arg7[%add3A_629, %dma_wait3A_644] : memref<40x64xi32, #tpu.memory_space<vmem>> -> memref<1x64xi32, #tpu.memory_space<vmem>>
      %dma_wait3A_646 = tpu.memref_squeeze %dma_wait3A_645 : memref<1x64xi32, #tpu.memory_space<vmem>> -> memref<64xi32, #tpu.memory_space<vmem>>
      %dma_wait3A_647 = arith.constant 0 : i32
      %dma_wait3A_648 = arith.constant 0 : i32
      %dma_wait3A_649 = tpu.memref_slice %arg2[%add3A_313, %dma_wait3A_647, %dma_wait3A_648] : memref<4x10240x128xf32, #tpu.memory_space<hbm>> -> memref<1x10240x128xf32, #tpu.memory_space<hbm>>
      %dma_wait3A_650 = tpu.memref_squeeze %dma_wait3A_649 : memref<1x10240x128xf32, #tpu.memory_space<hbm>> -> memref<10240x128xf32, #tpu.memory_space<hbm>>
      %dma_wait3A_651 = arith.constant 0 : i32
      %dma_wait3A_652 = arith.constant 0 : i32
      %dma_wait3A_653 = tpu.memref_slice %dma_wait3A_650[%dma_wait3A_651, %dma_wait3A_652] : memref<10240x128xf32, #tpu.memory_space<hbm>> -> memref<10240x128xf32, #tpu.memory_space<hbm>>
      %dma_wait3A_654 = tpu.memref_slice %arg11[%dma_wait3A_639] : memref<4x!tpu.dma_semaphore, #tpu.memory_space<semaphore_mem>> -> memref<1x!tpu.dma_semaphore, #tpu.memory_space<semaphore_mem>>
      %dma_wait3A_655 = tpu.memref_squeeze %dma_wait3A_654 : memref<1x!tpu.dma_semaphore, #tpu.memory_space<semaphore_mem>> -> memref<!tpu.dma_semaphore, #tpu.memory_space<semaphore_mem>>
      tpu.wait_indirect_dma semaphore(%dma_wait3A_655 : memref<!tpu.dma_semaphore, #tpu.memory_space<semaphore_mem>>) src(%dma_wait3A_653 : memref<10240x128xf32, #tpu.memory_space<hbm>>) dst(%dma_wait3A_643 : memref<64x128xf32, #tpu.memory_space<vmem>>)
      %dma_start3A_656 = arith.constant 0 : i32
      %dma_start3A_657 = arith.constant 0 : i32
      %dma_start3A_658 = arith.constant 0 : i32
      %dma_start3A_659 = tpu.memref_slice %arg9[%dma_start3A_656, %dma_start3A_657, %dma_start3A_658] : memref<4x64x128xf32, #tpu.memory_space<vmem>> -> memref<1x64x128xf32, #tpu.memory_space<vmem>>
      %dma_start3A_660 = tpu.memref_squeeze %dma_start3A_659 : memref<1x64x128xf32, #tpu.memory_space<vmem>> -> memref<64x128xf32, #tpu.memory_space<vmem>>
      %dma_start3A_661 = arith.constant 0 : i32
      %dma_start3A_662 = tpu.memref_slice %arg8[%add3A_629, %dma_start3A_661] : memref<40x64xi32, #tpu.memory_space<vmem>> -> memref<1x64xi32, #tpu.memory_space<vmem>>
      %dma_start3A_663 = tpu.memref_squeeze %dma_start3A_662 : memref<1x64xi32, #tpu.memory_space<vmem>> -> memref<64xi32, #tpu.memory_space<vmem>>
      %dma_start3A_664 = arith.constant 0 : i32
      %dma_start3A_665 = arith.constant 0 : i32
      %dma_start3A_666 = tpu.memref_slice %arg10[%dma_start3A_664, %dma_start3A_665] : memref<10240x128xf32, #tpu.memory_space<vmem_shared>> -> memref<10240x128xf32, #tpu.memory_space<vmem_shared>>
      tpu.enqueue_indirect_dma source(%dma_start3A_660 : memref<64x128xf32, #tpu.memory_space<vmem>>) target(%dma_start3A_666 : memref<10240x128xf32, #tpu.memory_space<vmem_shared>>) offsets(%dma_start3A_663 : memref<64xi32, #tpu.memory_space<vmem>>) semaphore(%arg12 : memref<!tpu.dma_semaphore, #tpu.memory_space<semaphore_mem>>) {add = true}
      %mul3A_667 = arith.constant 4 : i32
      %mul3A_668 = arith.muli %scan3A_625, %mul3A_667 : i32
      %add3A_669 = arith.constant 1 : i32
      %add3A_670 = arith.addi %mul3A_668, %add3A_669 : i32
      %gt3A_671 = arith.constant 0 : i32
      %gt3A_672 = arith.cmpi sgt, %add3A_670, %gt3A_671 : i32
      %convert_element_type3A_673 = arith.extui %gt3A_672 : i1 to i32
      %cond3A_674 = arith.constant 0 : i32
      %cond3A_675 = arith.cmpi ne, %convert_element_type3A_673, %cond3A_674 : i32
      scf.if %cond3A_675 {
        %sub3A = arith.constant 1 : i32
        %sub3A_802 = arith.subi %add3A_670, %sub3A : i32
        %dma_wait3A_803 = arith.constant 0 : i32
        %dma_wait3A_804 = arith.constant 0 : i32
        %dma_wait3A_805 = arith.constant 0 : i32
        %dma_wait3A_806 = tpu.memref_slice %arg9[%dma_wait3A_803, %dma_wait3A_804, %dma_wait3A_805] : memref<4x64x128xf32, #tpu.memory_space<vmem>> -> memref<1x64x128xf32, #tpu.memory_space<vmem>>
        %dma_wait3A_807 = tpu.memref_squeeze %dma_wait3A_806 : memref<1x64x128xf32, #tpu.memory_space<vmem>> -> memref<64x128xf32, #tpu.memory_space<vmem>>
        %dma_wait3A_808 = arith.constant 0 : i32
        %dma_wait3A_809 = tpu.memref_slice %arg8[%sub3A_802, %dma_wait3A_808] : memref<40x64xi32, #tpu.memory_space<vmem>> -> memref<1x64xi32, #tpu.memory_space<vmem>>
        %dma_wait3A_810 = tpu.memref_squeeze %dma_wait3A_809 : memref<1x64xi32, #tpu.memory_space<vmem>> -> memref<64xi32, #tpu.memory_space<vmem>>
        %dma_wait3A_811 = arith.constant 0 : i32
        %dma_wait3A_812 = arith.constant 0 : i32
        %dma_wait3A_813 = tpu.memref_slice %arg10[%dma_wait3A_811, %dma_wait3A_812] : memref<10240x128xf32, #tpu.memory_space<vmem_shared>> -> memref<10240x128xf32, #tpu.memory_space<vmem_shared>>
        tpu.wait_indirect_dma semaphore(%arg12 : memref<!tpu.dma_semaphore, #tpu.memory_space<semaphore_mem>>) src(%dma_wait3A_807 : memref<64x128xf32, #tpu.memory_space<vmem>>) dst(%dma_wait3A_813 : memref<10240x128xf32, #tpu.memory_space<vmem_shared>>)
      } else {
      }
      %add3A_676 = arith.constant 3 : i32
      %add3A_677 = arith.addi %add3A_670, %add3A_676 : i32
      %lt3A_678 = arith.constant 40 : i32
      %lt3A_679 = arith.cmpi slt, %add3A_677, %lt3A_678 : i32
      %convert_element_type3A_680 = arith.extui %lt3A_679 : i1 to i32
      %cond3A_681 = arith.constant 0 : i32
      %cond3A_682 = arith.cmpi ne, %convert_element_type3A_680, %cond3A_681 : i32
      scf.if %cond3A_682 {
        %add3A_802 = arith.constant 3 : i32
        %add3A_803 = arith.addi %add3A_670, %add3A_802 : i32
        %dma_start3A_804 = arith.constant 0 : i32
        %dma_start3A_805 = arith.constant 0 : i32
        %dma_start3A_806 = arith.constant 0 : i32
        %dma_start3A_807 = arith.constant 0 : i32
        %dma_start3A_808 = tpu.memref_slice %arg9[%dma_start3A_804, %dma_start3A_806, %dma_start3A_807] : memref<4x64x128xf32, #tpu.memory_space<vmem>> -> memref<1x64x128xf32, #tpu.memory_space<vmem>>
        %dma_start3A_809 = tpu.memref_squeeze %dma_start3A_808 : memref<1x64x128xf32, #tpu.memory_space<vmem>> -> memref<64x128xf32, #tpu.memory_space<vmem>>
        %dma_start3A_810 = arith.constant 0 : i32
        %dma_start3A_811 = tpu.memref_slice %arg7[%add3A_803, %dma_start3A_810] : memref<40x64xi32, #tpu.memory_space<vmem>> -> memref<1x64xi32, #tpu.memory_space<vmem>>
        %dma_start3A_812 = tpu.memref_squeeze %dma_start3A_811 : memref<1x64xi32, #tpu.memory_space<vmem>> -> memref<64xi32, #tpu.memory_space<vmem>>
        %dma_start3A_813 = arith.constant 0 : i32
        %dma_start3A_814 = arith.constant 0 : i32
        %dma_start3A_815 = tpu.memref_slice %arg2[%add3A_313, %dma_start3A_813, %dma_start3A_814] : memref<4x10240x128xf32, #tpu.memory_space<hbm>> -> memref<1x10240x128xf32, #tpu.memory_space<hbm>>
        %dma_start3A_816 = tpu.memref_squeeze %dma_start3A_815 : memref<1x10240x128xf32, #tpu.memory_space<hbm>> -> memref<10240x128xf32, #tpu.memory_space<hbm>>
        %dma_start3A_817 = arith.constant 0 : i32
        %dma_start3A_818 = arith.constant 0 : i32
        %dma_start3A_819 = tpu.memref_slice %dma_start3A_816[%dma_start3A_817, %dma_start3A_818] : memref<10240x128xf32, #tpu.memory_space<hbm>> -> memref<10240x128xf32, #tpu.memory_space<hbm>>
        %dma_start3A_820 = tpu.memref_slice %arg11[%dma_start3A_805] : memref<4x!tpu.dma_semaphore, #tpu.memory_space<semaphore_mem>> -> memref<1x!tpu.dma_semaphore, #tpu.memory_space<semaphore_mem>>
        %dma_start3A_821 = tpu.memref_squeeze %dma_start3A_820 : memref<1x!tpu.dma_semaphore, #tpu.memory_space<semaphore_mem>> -> memref<!tpu.dma_semaphore, #tpu.memory_space<semaphore_mem>>
        tpu.enqueue_indirect_dma source(%dma_start3A_819 : memref<10240x128xf32, #tpu.memory_space<hbm>>) target(%dma_start3A_809 : memref<64x128xf32, #tpu.memory_space<vmem>>) offsets(%dma_start3A_812 : memref<64xi32, #tpu.memory_space<vmem>>) semaphore(%dma_start3A_821 : memref<!tpu.dma_semaphore, #tpu.memory_space<semaphore_mem>>)
      } else {
      }
      %dma_wait3A_683 = arith.constant 1 : i32
      %dma_wait3A_684 = arith.constant 1 : i32
      %dma_wait3A_685 = arith.constant 0 : i32
      %dma_wait3A_686 = arith.constant 0 : i32
      %dma_wait3A_687 = tpu.memref_slice %arg9[%dma_wait3A_683, %dma_wait3A_685, %dma_wait3A_686] : memref<4x64x128xf32, #tpu.memory_space<vmem>> -> memref<1x64x128xf32, #tpu.memory_space<vmem>>
      %dma_wait3A_688 = tpu.memref_squeeze %dma_wait3A_687 : memref<1x64x128xf32, #tpu.memory_space<vmem>> -> memref<64x128xf32, #tpu.memory_space<vmem>>
      %dma_wait3A_689 = arith.constant 0 : i32
      %dma_wait3A_690 = tpu.memref_slice %arg7[%add3A_670, %dma_wait3A_689] : memref<40x64xi32, #tpu.memory_space<vmem>> -> memref<1x64xi32, #tpu.memory_space<vmem>>
      %dma_wait3A_691 = tpu.memref_squeeze %dma_wait3A_690 : memref<1x64xi32, #tpu.memory_space<vmem>> -> memref<64xi32, #tpu.memory_space<vmem>>
      %dma_wait3A_692 = arith.constant 0 : i32
      %dma_wait3A_693 = arith.constant 0 : i32
      %dma_wait3A_694 = tpu.memref_slice %arg2[%add3A_313, %dma_wait3A_692, %dma_wait3A_693] : memref<4x10240x128xf32, #tpu.memory_space<hbm>> -> memref<1x10240x128xf32, #tpu.memory_space<hbm>>
      %dma_wait3A_695 = tpu.memref_squeeze %dma_wait3A_694 : memref<1x10240x128xf32, #tpu.memory_space<hbm>> -> memref<10240x128xf32, #tpu.memory_space<hbm>>
      %dma_wait3A_696 = arith.constant 0 : i32
      %dma_wait3A_697 = arith.constant 0 : i32
      %dma_wait3A_698 = tpu.memref_slice %dma_wait3A_695[%dma_wait3A_696, %dma_wait3A_697] : memref<10240x128xf32, #tpu.memory_space<hbm>> -> memref<10240x128xf32, #tpu.memory_space<hbm>>
      %dma_wait3A_699 = tpu.memref_slice %arg11[%dma_wait3A_684] : memref<4x!tpu.dma_semaphore, #tpu.memory_space<semaphore_mem>> -> memref<1x!tpu.dma_semaphore, #tpu.memory_space<semaphore_mem>>
      %dma_wait3A_700 = tpu.memref_squeeze %dma_wait3A_699 : memref<1x!tpu.dma_semaphore, #tpu.memory_space<semaphore_mem>> -> memref<!tpu.dma_semaphore, #tpu.memory_space<semaphore_mem>>
      tpu.wait_indirect_dma semaphore(%dma_wait3A_700 : memref<!tpu.dma_semaphore, #tpu.memory_space<semaphore_mem>>) src(%dma_wait3A_698 : memref<10240x128xf32, #tpu.memory_space<hbm>>) dst(%dma_wait3A_688 : memref<64x128xf32, #tpu.memory_space<vmem>>)
      %dma_start3A_701 = arith.constant 1 : i32
      %dma_start3A_702 = arith.constant 0 : i32
      %dma_start3A_703 = arith.constant 0 : i32
      %dma_start3A_704 = tpu.memref_slice %arg9[%dma_start3A_701, %dma_start3A_702, %dma_start3A_703] : memref<4x64x128xf32, #tpu.memory_space<vmem>> -> memref<1x64x128xf32, #tpu.memory_space<vmem>>
      %dma_start3A_705 = tpu.memref_squeeze %dma_start3A_704 : memref<1x64x128xf32, #tpu.memory_space<vmem>> -> memref<64x128xf32, #tpu.memory_space<vmem>>
      %dma_start3A_706 = arith.constant 0 : i32
      %dma_start3A_707 = tpu.memref_slice %arg8[%add3A_670, %dma_start3A_706] : memref<40x64xi32, #tpu.memory_space<vmem>> -> memref<1x64xi32, #tpu.memory_space<vmem>>
      %dma_start3A_708 = tpu.memref_squeeze %dma_start3A_707 : memref<1x64xi32, #tpu.memory_space<vmem>> -> memref<64xi32, #tpu.memory_space<vmem>>
      %dma_start3A_709 = arith.constant 0 : i32
      %dma_start3A_710 = arith.constant 0 : i32
      %dma_start3A_711 = tpu.memref_slice %arg10[%dma_start3A_709, %dma_start3A_710] : memref<10240x128xf32, #tpu.memory_space<vmem_shared>> -> memref<10240x128xf32, #tpu.memory_space<vmem_shared>>
      tpu.enqueue_indirect_dma source(%dma_start3A_705 : memref<64x128xf32, #tpu.memory_space<vmem>>) target(%dma_start3A_711 : memref<10240x128xf32, #tpu.memory_space<vmem_shared>>) offsets(%dma_start3A_708 : memref<64xi32, #tpu.memory_space<vmem>>) semaphore(%arg12 : memref<!tpu.dma_semaphore, #tpu.memory_space<semaphore_mem>>) {add = true}
      %mul3A_712 = arith.constant 4 : i32
      %mul3A_713 = arith.muli %scan3A_625, %mul3A_712 : i32
      %add3A_714 = arith.constant 2 : i32
      %add3A_715 = arith.addi %mul3A_713, %add3A_714 : i32
      %gt3A_716 = arith.constant 0 : i32
      %gt3A_717 = arith.cmpi sgt, %add3A_715, %gt3A_716 : i32
      %convert_element_type3A_718 = arith.extui %gt3A_717 : i1 to i32
      %cond3A_719 = arith.constant 0 : i32
      %cond3A_720 = arith.cmpi ne, %convert_element_type3A_718, %cond3A_719 : i32
      scf.if %cond3A_720 {
        %sub3A = arith.constant 1 : i32
        %sub3A_802 = arith.subi %add3A_715, %sub3A : i32
        %dma_wait3A_803 = arith.constant 1 : i32
        %dma_wait3A_804 = arith.constant 0 : i32
        %dma_wait3A_805 = arith.constant 0 : i32
        %dma_wait3A_806 = tpu.memref_slice %arg9[%dma_wait3A_803, %dma_wait3A_804, %dma_wait3A_805] : memref<4x64x128xf32, #tpu.memory_space<vmem>> -> memref<1x64x128xf32, #tpu.memory_space<vmem>>
        %dma_wait3A_807 = tpu.memref_squeeze %dma_wait3A_806 : memref<1x64x128xf32, #tpu.memory_space<vmem>> -> memref<64x128xf32, #tpu.memory_space<vmem>>
        %dma_wait3A_808 = arith.constant 0 : i32
        %dma_wait3A_809 = tpu.memref_slice %arg8[%sub3A_802, %dma_wait3A_808] : memref<40x64xi32, #tpu.memory_space<vmem>> -> memref<1x64xi32, #tpu.memory_space<vmem>>
        %dma_wait3A_810 = tpu.memref_squeeze %dma_wait3A_809 : memref<1x64xi32, #tpu.memory_space<vmem>> -> memref<64xi32, #tpu.memory_space<vmem>>
        %dma_wait3A_811 = arith.constant 0 : i32
        %dma_wait3A_812 = arith.constant 0 : i32
        %dma_wait3A_813 = tpu.memref_slice %arg10[%dma_wait3A_811, %dma_wait3A_812] : memref<10240x128xf32, #tpu.memory_space<vmem_shared>> -> memref<10240x128xf32, #tpu.memory_space<vmem_shared>>
        tpu.wait_indirect_dma semaphore(%arg12 : memref<!tpu.dma_semaphore, #tpu.memory_space<semaphore_mem>>) src(%dma_wait3A_807 : memref<64x128xf32, #tpu.memory_space<vmem>>) dst(%dma_wait3A_813 : memref<10240x128xf32, #tpu.memory_space<vmem_shared>>)
      } else {
      }
      %add3A_721 = arith.constant 3 : i32
      %add3A_722 = arith.addi %add3A_715, %add3A_721 : i32
      %lt3A_723 = arith.constant 40 : i32
      %lt3A_724 = arith.cmpi slt, %add3A_722, %lt3A_723 : i32
      %convert_element_type3A_725 = arith.extui %lt3A_724 : i1 to i32
      %cond3A_726 = arith.constant 0 : i32
      %cond3A_727 = arith.cmpi ne, %convert_element_type3A_725, %cond3A_726 : i32
      scf.if %cond3A_727 {
        %add3A_802 = arith.constant 3 : i32
        %add3A_803 = arith.addi %add3A_715, %add3A_802 : i32
        %dma_start3A_804 = arith.constant 1 : i32
        %dma_start3A_805 = arith.constant 1 : i32
        %dma_start3A_806 = arith.constant 0 : i32
        %dma_start3A_807 = arith.constant 0 : i32
        %dma_start3A_808 = tpu.memref_slice %arg9[%dma_start3A_804, %dma_start3A_806, %dma_start3A_807] : memref<4x64x128xf32, #tpu.memory_space<vmem>> -> memref<1x64x128xf32, #tpu.memory_space<vmem>>
        %dma_start3A_809 = tpu.memref_squeeze %dma_start3A_808 : memref<1x64x128xf32, #tpu.memory_space<vmem>> -> memref<64x128xf32, #tpu.memory_space<vmem>>
        %dma_start3A_810 = arith.constant 0 : i32
        %dma_start3A_811 = tpu.memref_slice %arg7[%add3A_803, %dma_start3A_810] : memref<40x64xi32, #tpu.memory_space<vmem>> -> memref<1x64xi32, #tpu.memory_space<vmem>>
        %dma_start3A_812 = tpu.memref_squeeze %dma_start3A_811 : memref<1x64xi32, #tpu.memory_space<vmem>> -> memref<64xi32, #tpu.memory_space<vmem>>
        %dma_start3A_813 = arith.constant 0 : i32
        %dma_start3A_814 = arith.constant 0 : i32
        %dma_start3A_815 = tpu.memref_slice %arg2[%add3A_313, %dma_start3A_813, %dma_start3A_814] : memref<4x10240x128xf32, #tpu.memory_space<hbm>> -> memref<1x10240x128xf32, #tpu.memory_space<hbm>>
        %dma_start3A_816 = tpu.memref_squeeze %dma_start3A_815 : memref<1x10240x128xf32, #tpu.memory_space<hbm>> -> memref<10240x128xf32, #tpu.memory_space<hbm>>
        %dma_start3A_817 = arith.constant 0 : i32
        %dma_start3A_818 = arith.constant 0 : i32
        %dma_start3A_819 = tpu.memref_slice %dma_start3A_816[%dma_start3A_817, %dma_start3A_818] : memref<10240x128xf32, #tpu.memory_space<hbm>> -> memref<10240x128xf32, #tpu.memory_space<hbm>>
        %dma_start3A_820 = tpu.memref_slice %arg11[%dma_start3A_805] : memref<4x!tpu.dma_semaphore, #tpu.memory_space<semaphore_mem>> -> memref<1x!tpu.dma_semaphore, #tpu.memory_space<semaphore_mem>>
        %dma_start3A_821 = tpu.memref_squeeze %dma_start3A_820 : memref<1x!tpu.dma_semaphore, #tpu.memory_space<semaphore_mem>> -> memref<!tpu.dma_semaphore, #tpu.memory_space<semaphore_mem>>
        tpu.enqueue_indirect_dma source(%dma_start3A_819 : memref<10240x128xf32, #tpu.memory_space<hbm>>) target(%dma_start3A_809 : memref<64x128xf32, #tpu.memory_space<vmem>>) offsets(%dma_start3A_812 : memref<64xi32, #tpu.memory_space<vmem>>) semaphore(%dma_start3A_821 : memref<!tpu.dma_semaphore, #tpu.memory_space<semaphore_mem>>)
      } else {
      }
      %dma_wait3A_728 = arith.constant 2 : i32
      %dma_wait3A_729 = arith.constant 2 : i32
      %dma_wait3A_730 = arith.constant 0 : i32
      %dma_wait3A_731 = arith.constant 0 : i32
      %dma_wait3A_732 = tpu.memref_slice %arg9[%dma_wait3A_728, %dma_wait3A_730, %dma_wait3A_731] : memref<4x64x128xf32, #tpu.memory_space<vmem>> -> memref<1x64x128xf32, #tpu.memory_space<vmem>>
      %dma_wait3A_733 = tpu.memref_squeeze %dma_wait3A_732 : memref<1x64x128xf32, #tpu.memory_space<vmem>> -> memref<64x128xf32, #tpu.memory_space<vmem>>
      %dma_wait3A_734 = arith.constant 0 : i32
      %dma_wait3A_735 = tpu.memref_slice %arg7[%add3A_715, %dma_wait3A_734] : memref<40x64xi32, #tpu.memory_space<vmem>> -> memref<1x64xi32, #tpu.memory_space<vmem>>
      %dma_wait3A_736 = tpu.memref_squeeze %dma_wait3A_735 : memref<1x64xi32, #tpu.memory_space<vmem>> -> memref<64xi32, #tpu.memory_space<vmem>>
      %dma_wait3A_737 = arith.constant 0 : i32
      %dma_wait3A_738 = arith.constant 0 : i32
      %dma_wait3A_739 = tpu.memref_slice %arg2[%add3A_313, %dma_wait3A_737, %dma_wait3A_738] : memref<4x10240x128xf32, #tpu.memory_space<hbm>> -> memref<1x10240x128xf32, #tpu.memory_space<hbm>>
      %dma_wait3A_740 = tpu.memref_squeeze %dma_wait3A_739 : memref<1x10240x128xf32, #tpu.memory_space<hbm>> -> memref<10240x128xf32, #tpu.memory_space<hbm>>
      %dma_wait3A_741 = arith.constant 0 : i32
      %dma_wait3A_742 = arith.constant 0 : i32
      %dma_wait3A_743 = tpu.memref_slice %dma_wait3A_740[%dma_wait3A_741, %dma_wait3A_742] : memref<10240x128xf32, #tpu.memory_space<hbm>> -> memref<10240x128xf32, #tpu.memory_space<hbm>>
      %dma_wait3A_744 = tpu.memref_slice %arg11[%dma_wait3A_729] : memref<4x!tpu.dma_semaphore, #tpu.memory_space<semaphore_mem>> -> memref<1x!tpu.dma_semaphore, #tpu.memory_space<semaphore_mem>>
      %dma_wait3A_745 = tpu.memref_squeeze %dma_wait3A_744 : memref<1x!tpu.dma_semaphore, #tpu.memory_space<semaphore_mem>> -> memref<!tpu.dma_semaphore, #tpu.memory_space<semaphore_mem>>
      tpu.wait_indirect_dma semaphore(%dma_wait3A_745 : memref<!tpu.dma_semaphore, #tpu.memory_space<semaphore_mem>>) src(%dma_wait3A_743 : memref<10240x128xf32, #tpu.memory_space<hbm>>) dst(%dma_wait3A_733 : memref<64x128xf32, #tpu.memory_space<vmem>>)
      %dma_start3A_746 = arith.constant 2 : i32
      %dma_start3A_747 = arith.constant 0 : i32
      %dma_start3A_748 = arith.constant 0 : i32
      %dma_start3A_749 = tpu.memref_slice %arg9[%dma_start3A_746, %dma_start3A_747, %dma_start3A_748] : memref<4x64x128xf32, #tpu.memory_space<vmem>> -> memref<1x64x128xf32, #tpu.memory_space<vmem>>
      %dma_start3A_750 = tpu.memref_squeeze %dma_start3A_749 : memref<1x64x128xf32, #tpu.memory_space<vmem>> -> memref<64x128xf32, #tpu.memory_space<vmem>>
      %dma_start3A_751 = arith.constant 0 : i32
      %dma_start3A_752 = tpu.memref_slice %arg8[%add3A_715, %dma_start3A_751] : memref<40x64xi32, #tpu.memory_space<vmem>> -> memref<1x64xi32, #tpu.memory_space<vmem>>
      %dma_start3A_753 = tpu.memref_squeeze %dma_start3A_752 : memref<1x64xi32, #tpu.memory_space<vmem>> -> memref<64xi32, #tpu.memory_space<vmem>>
      %dma_start3A_754 = arith.constant 0 : i32
      %dma_start3A_755 = arith.constant 0 : i32
      %dma_start3A_756 = tpu.memref_slice %arg10[%dma_start3A_754, %dma_start3A_755] : memref<10240x128xf32, #tpu.memory_space<vmem_shared>> -> memref<10240x128xf32, #tpu.memory_space<vmem_shared>>
      tpu.enqueue_indirect_dma source(%dma_start3A_750 : memref<64x128xf32, #tpu.memory_space<vmem>>) target(%dma_start3A_756 : memref<10240x128xf32, #tpu.memory_space<vmem_shared>>) offsets(%dma_start3A_753 : memref<64xi32, #tpu.memory_space<vmem>>) semaphore(%arg12 : memref<!tpu.dma_semaphore, #tpu.memory_space<semaphore_mem>>) {add = true}
      %mul3A_757 = arith.constant 4 : i32
      %mul3A_758 = arith.muli %scan3A_625, %mul3A_757 : i32
      %add3A_759 = arith.constant 3 : i32
      %add3A_760 = arith.addi %mul3A_758, %add3A_759 : i32
      %gt3A_761 = arith.constant 0 : i32
      %gt3A_762 = arith.cmpi sgt, %add3A_760, %gt3A_761 : i32
      %convert_element_type3A_763 = arith.extui %gt3A_762 : i1 to i32
      %cond3A_764 = arith.constant 0 : i32
      %cond3A_765 = arith.cmpi ne, %convert_element_type3A_763, %cond3A_764 : i32
      scf.if %cond3A_765 {
        %sub3A = arith.constant 1 : i32
        %sub3A_802 = arith.subi %add3A_760, %sub3A : i32
        %dma_wait3A_803 = arith.constant 2 : i32
        %dma_wait3A_804 = arith.constant 0 : i32
        %dma_wait3A_805 = arith.constant 0 : i32
        %dma_wait3A_806 = tpu.memref_slice %arg9[%dma_wait3A_803, %dma_wait3A_804, %dma_wait3A_805] : memref<4x64x128xf32, #tpu.memory_space<vmem>> -> memref<1x64x128xf32, #tpu.memory_space<vmem>>
        %dma_wait3A_807 = tpu.memref_squeeze %dma_wait3A_806 : memref<1x64x128xf32, #tpu.memory_space<vmem>> -> memref<64x128xf32, #tpu.memory_space<vmem>>
        %dma_wait3A_808 = arith.constant 0 : i32
        %dma_wait3A_809 = tpu.memref_slice %arg8[%sub3A_802, %dma_wait3A_808] : memref<40x64xi32, #tpu.memory_space<vmem>> -> memref<1x64xi32, #tpu.memory_space<vmem>>
        %dma_wait3A_810 = tpu.memref_squeeze %dma_wait3A_809 : memref<1x64xi32, #tpu.memory_space<vmem>> -> memref<64xi32, #tpu.memory_space<vmem>>
        %dma_wait3A_811 = arith.constant 0 : i32
        %dma_wait3A_812 = arith.constant 0 : i32
        %dma_wait3A_813 = tpu.memref_slice %arg10[%dma_wait3A_811, %dma_wait3A_812] : memref<10240x128xf32, #tpu.memory_space<vmem_shared>> -> memref<10240x128xf32, #tpu.memory_space<vmem_shared>>
        tpu.wait_indirect_dma semaphore(%arg12 : memref<!tpu.dma_semaphore, #tpu.memory_space<semaphore_mem>>) src(%dma_wait3A_807 : memref<64x128xf32, #tpu.memory_space<vmem>>) dst(%dma_wait3A_813 : memref<10240x128xf32, #tpu.memory_space<vmem_shared>>)
      } else {
      }
      %add3A_766 = arith.constant 3 : i32
      %add3A_767 = arith.addi %add3A_760, %add3A_766 : i32
      %lt3A_768 = arith.constant 40 : i32
      %lt3A_769 = arith.cmpi slt, %add3A_767, %lt3A_768 : i32
      %convert_element_type3A_770 = arith.extui %lt3A_769 : i1 to i32
      %cond3A_771 = arith.constant 0 : i32
      %cond3A_772 = arith.cmpi ne, %convert_element_type3A_770, %cond3A_771 : i32
      scf.if %cond3A_772 {
        %add3A_802 = arith.constant 3 : i32
        %add3A_803 = arith.addi %add3A_760, %add3A_802 : i32
        %dma_start3A_804 = arith.constant 2 : i32
        %dma_start3A_805 = arith.constant 2 : i32
        %dma_start3A_806 = arith.constant 0 : i32
        %dma_start3A_807 = arith.constant 0 : i32
        %dma_start3A_808 = tpu.memref_slice %arg9[%dma_start3A_804, %dma_start3A_806, %dma_start3A_807] : memref<4x64x128xf32, #tpu.memory_space<vmem>> -> memref<1x64x128xf32, #tpu.memory_space<vmem>>
        %dma_start3A_809 = tpu.memref_squeeze %dma_start3A_808 : memref<1x64x128xf32, #tpu.memory_space<vmem>> -> memref<64x128xf32, #tpu.memory_space<vmem>>
        %dma_start3A_810 = arith.constant 0 : i32
        %dma_start3A_811 = tpu.memref_slice %arg7[%add3A_803, %dma_start3A_810] : memref<40x64xi32, #tpu.memory_space<vmem>> -> memref<1x64xi32, #tpu.memory_space<vmem>>
        %dma_start3A_812 = tpu.memref_squeeze %dma_start3A_811 : memref<1x64xi32, #tpu.memory_space<vmem>> -> memref<64xi32, #tpu.memory_space<vmem>>
        %dma_start3A_813 = arith.constant 0 : i32
        %dma_start3A_814 = arith.constant 0 : i32
        %dma_start3A_815 = tpu.memref_slice %arg2[%add3A_313, %dma_start3A_813, %dma_start3A_814] : memref<4x10240x128xf32, #tpu.memory_space<hbm>> -> memref<1x10240x128xf32, #tpu.memory_space<hbm>>
        %dma_start3A_816 = tpu.memref_squeeze %dma_start3A_815 : memref<1x10240x128xf32, #tpu.memory_space<hbm>> -> memref<10240x128xf32, #tpu.memory_space<hbm>>
        %dma_start3A_817 = arith.constant 0 : i32
        %dma_start3A_818 = arith.constant 0 : i32
        %dma_start3A_819 = tpu.memref_slice %dma_start3A_816[%dma_start3A_817, %dma_start3A_818] : memref<10240x128xf32, #tpu.memory_space<hbm>> -> memref<10240x128xf32, #tpu.memory_space<hbm>>
        %dma_start3A_820 = tpu.memref_slice %arg11[%dma_start3A_805] : memref<4x!tpu.dma_semaphore, #tpu.memory_space<semaphore_mem>> -> memref<1x!tpu.dma_semaphore, #tpu.memory_space<semaphore_mem>>
        %dma_start3A_821 = tpu.memref_squeeze %dma_start3A_820 : memref<1x!tpu.dma_semaphore, #tpu.memory_space<semaphore_mem>> -> memref<!tpu.dma_semaphore, #tpu.memory_space<semaphore_mem>>
        tpu.enqueue_indirect_dma source(%dma_start3A_819 : memref<10240x128xf32, #tpu.memory_space<hbm>>) target(%dma_start3A_809 : memref<64x128xf32, #tpu.memory_space<vmem>>) offsets(%dma_start3A_812 : memref<64xi32, #tpu.memory_space<vmem>>) semaphore(%dma_start3A_821 : memref<!tpu.dma_semaphore, #tpu.memory_space<semaphore_mem>>)
      } else {
      }
      %dma_wait3A_773 = arith.constant 3 : i32
      %dma_wait3A_774 = arith.constant 3 : i32
      %dma_wait3A_775 = arith.constant 0 : i32
      %dma_wait3A_776 = arith.constant 0 : i32
      %dma_wait3A_777 = tpu.memref_slice %arg9[%dma_wait3A_773, %dma_wait3A_775, %dma_wait3A_776] : memref<4x64x128xf32, #tpu.memory_space<vmem>> -> memref<1x64x128xf32, #tpu.memory_space<vmem>>
      %dma_wait3A_778 = tpu.memref_squeeze %dma_wait3A_777 : memref<1x64x128xf32, #tpu.memory_space<vmem>> -> memref<64x128xf32, #tpu.memory_space<vmem>>
      %dma_wait3A_779 = arith.constant 0 : i32
      %dma_wait3A_780 = tpu.memref_slice %arg7[%add3A_760, %dma_wait3A_779] : memref<40x64xi32, #tpu.memory_space<vmem>> -> memref<1x64xi32, #tpu.memory_space<vmem>>
      %dma_wait3A_781 = tpu.memref_squeeze %dma_wait3A_780 : memref<1x64xi32, #tpu.memory_space<vmem>> -> memref<64xi32, #tpu.memory_space<vmem>>
      %dma_wait3A_782 = arith.constant 0 : i32
      %dma_wait3A_783 = arith.constant 0 : i32
      %dma_wait3A_784 = tpu.memref_slice %arg2[%add3A_313, %dma_wait3A_782, %dma_wait3A_783] : memref<4x10240x128xf32, #tpu.memory_space<hbm>> -> memref<1x10240x128xf32, #tpu.memory_space<hbm>>
      %dma_wait3A_785 = tpu.memref_squeeze %dma_wait3A_784 : memref<1x10240x128xf32, #tpu.memory_space<hbm>> -> memref<10240x128xf32, #tpu.memory_space<hbm>>
      %dma_wait3A_786 = arith.constant 0 : i32
      %dma_wait3A_787 = arith.constant 0 : i32
      %dma_wait3A_788 = tpu.memref_slice %dma_wait3A_785[%dma_wait3A_786, %dma_wait3A_787] : memref<10240x128xf32, #tpu.memory_space<hbm>> -> memref<10240x128xf32, #tpu.memory_space<hbm>>
      %dma_wait3A_789 = tpu.memref_slice %arg11[%dma_wait3A_774] : memref<4x!tpu.dma_semaphore, #tpu.memory_space<semaphore_mem>> -> memref<1x!tpu.dma_semaphore, #tpu.memory_space<semaphore_mem>>
      %dma_wait3A_790 = tpu.memref_squeeze %dma_wait3A_789 : memref<1x!tpu.dma_semaphore, #tpu.memory_space<semaphore_mem>> -> memref<!tpu.dma_semaphore, #tpu.memory_space<semaphore_mem>>
      tpu.wait_indirect_dma semaphore(%dma_wait3A_790 : memref<!tpu.dma_semaphore, #tpu.memory_space<semaphore_mem>>) src(%dma_wait3A_788 : memref<10240x128xf32, #tpu.memory_space<hbm>>) dst(%dma_wait3A_778 : memref<64x128xf32, #tpu.memory_space<vmem>>)
      %dma_start3A_791 = arith.constant 3 : i32
      %dma_start3A_792 = arith.constant 0 : i32
      %dma_start3A_793 = arith.constant 0 : i32
      %dma_start3A_794 = tpu.memref_slice %arg9[%dma_start3A_791, %dma_start3A_792, %dma_start3A_793] : memref<4x64x128xf32, #tpu.memory_space<vmem>> -> memref<1x64x128xf32, #tpu.memory_space<vmem>>
      %dma_start3A_795 = tpu.memref_squeeze %dma_start3A_794 : memref<1x64x128xf32, #tpu.memory_space<vmem>> -> memref<64x128xf32, #tpu.memory_space<vmem>>
      %dma_start3A_796 = arith.constant 0 : i32
      %dma_start3A_797 = tpu.memref_slice %arg8[%add3A_760, %dma_start3A_796] : memref<40x64xi32, #tpu.memory_space<vmem>> -> memref<1x64xi32, #tpu.memory_space<vmem>>
      %dma_start3A_798 = tpu.memref_squeeze %dma_start3A_797 : memref<1x64xi32, #tpu.memory_space<vmem>> -> memref<64xi32, #tpu.memory_space<vmem>>
      %dma_start3A_799 = arith.constant 0 : i32
      %dma_start3A_800 = arith.constant 0 : i32
      %dma_start3A_801 = tpu.memref_slice %arg10[%dma_start3A_799, %dma_start3A_800] : memref<10240x128xf32, #tpu.memory_space<vmem_shared>> -> memref<10240x128xf32, #tpu.memory_space<vmem_shared>>
      tpu.enqueue_indirect_dma source(%dma_start3A_795 : memref<64x128xf32, #tpu.memory_space<vmem>>) target(%dma_start3A_801 : memref<10240x128xf32, #tpu.memory_space<vmem_shared>>) offsets(%dma_start3A_798 : memref<64xi32, #tpu.memory_space<vmem>>) semaphore(%arg12 : memref<!tpu.dma_semaphore, #tpu.memory_space<semaphore_mem>>) {add = true}
    }
    %scan3A_533 = arith.constant 10 : i32
    %dma_wait3A_534 = arith.constant 3 : i32
    %dma_wait3A_535 = arith.constant 39 : i32
    %dma_wait3A_536 = arith.constant 0 : i32
    %dma_wait3A_537 = arith.constant 0 : i32
    %dma_wait3A_538 = tpu.memref_slice %arg9[%dma_wait3A_534, %dma_wait3A_536, %dma_wait3A_537] : memref<4x64x128xf32, #tpu.memory_space<vmem>> -> memref<1x64x128xf32, #tpu.memory_space<vmem>>
    %dma_wait3A_539 = tpu.memref_squeeze %dma_wait3A_538 : memref<1x64x128xf32, #tpu.memory_space<vmem>> -> memref<64x128xf32, #tpu.memory_space<vmem>>
    %dma_wait3A_540 = arith.constant 0 : i32
    %dma_wait3A_541 = tpu.memref_slice %arg8[%dma_wait3A_535, %dma_wait3A_540] : memref<40x64xi32, #tpu.memory_space<vmem>> -> memref<1x64xi32, #tpu.memory_space<vmem>>
    %dma_wait3A_542 = tpu.memref_squeeze %dma_wait3A_541 : memref<1x64xi32, #tpu.memory_space<vmem>> -> memref<64xi32, #tpu.memory_space<vmem>>
    %dma_wait3A_543 = arith.constant 0 : i32
    %dma_wait3A_544 = arith.constant 0 : i32
    %dma_wait3A_545 = tpu.memref_slice %arg10[%dma_wait3A_543, %dma_wait3A_544] : memref<10240x128xf32, #tpu.memory_space<vmem_shared>> -> memref<10240x128xf32, #tpu.memory_space<vmem_shared>>
    tpu.wait_indirect_dma semaphore(%arg12 : memref<!tpu.dma_semaphore, #tpu.memory_space<semaphore_mem>>) src(%dma_wait3A_539 : memref<64x128xf32, #tpu.memory_space<vmem>>) dst(%dma_wait3A_545 : memref<10240x128xf32, #tpu.memory_space<vmem_shared>>)
    %run_scoped3A_546 = arith.constant 3 : i32
    "tpu.region"() ({
      %run_scoped3A_625 = tpu.sem_alloc : memref<!tpu.dma_semaphore, #tpu.memory_space<semaphore_mem>>
      %dma_start3A_626 = arith.constant 0 : i32
      %dma_start3A_627 = arith.constant 0 : i32
      %dma_start3A_628 = tpu.memref_slice %arg3[%arg1, %run_scoped3A_546, %dma_start3A_626, %dma_start3A_627] : memref<16x4x40x64xi32, #tpu.memory_space<hbm>> -> memref<1x1x40x64xi32, #tpu.memory_space<hbm>>
      %dma_start3A_629 = tpu.memref_squeeze %dma_start3A_628 : memref<1x1x40x64xi32, #tpu.memory_space<hbm>> -> memref<40x64xi32, #tpu.memory_space<hbm>>
      %dma_start3A_630 = arith.constant 0 : i32
      %dma_start3A_631 = arith.constant 0 : i32
      %dma_start3A_632 = tpu.memref_slice %arg3[%arg1, %run_scoped3A_546, %dma_start3A_630, %dma_start3A_631] : memref<16x4x40x64xi32, #tpu.memory_space<hbm>> -> memref<1x1x40x64xi32, #tpu.memory_space<hbm>>
      %dma_start3A_633 = tpu.memref_squeeze %dma_start3A_632 : memref<1x1x40x64xi32, #tpu.memory_space<hbm>> -> memref<40x64xi32, #tpu.memory_space<hbm>>
      tpu.enqueue_dma source(%dma_start3A_633 : memref<40x64xi32, #tpu.memory_space<hbm>>) target(%arg7 : memref<40x64xi32, #tpu.memory_space<vmem>>) target_semaphore(%run_scoped3A_625 : memref<!tpu.dma_semaphore, #tpu.memory_space<semaphore_mem>>)
      %dma_wait3A_634 = arith.constant 0 : i32
      %dma_wait3A_635 = arith.constant 0 : i32
      %dma_wait3A_636 = tpu.memref_slice %arg3[%arg1, %run_scoped3A_546, %dma_wait3A_634, %dma_wait3A_635] : memref<16x4x40x64xi32, #tpu.memory_space<hbm>> -> memref<1x1x40x64xi32, #tpu.memory_space<hbm>>
      %dma_wait3A_637 = tpu.memref_squeeze %dma_wait3A_636 : memref<1x1x40x64xi32, #tpu.memory_space<hbm>> -> memref<40x64xi32, #tpu.memory_space<hbm>>
      %dma_wait3A_638 = arith.constant 0 : i32
      %dma_wait3A_639 = arith.constant 0 : i32
      %dma_wait3A_640 = tpu.memref_slice %arg3[%arg1, %run_scoped3A_546, %dma_wait3A_638, %dma_wait3A_639] : memref<16x4x40x64xi32, #tpu.memory_space<hbm>> -> memref<1x1x40x64xi32, #tpu.memory_space<hbm>>
      %dma_wait3A_641 = tpu.memref_squeeze %dma_wait3A_640 : memref<1x1x40x64xi32, #tpu.memory_space<hbm>> -> memref<40x64xi32, #tpu.memory_space<hbm>>
      tpu.wait_dma2 semaphore(%run_scoped3A_625 : memref<!tpu.dma_semaphore, #tpu.memory_space<semaphore_mem>>) src(%dma_wait3A_641 : memref<40x64xi32, #tpu.memory_space<hbm>>) dst(%arg7 : memref<40x64xi32, #tpu.memory_space<vmem>>)
      tpu.yield
    }) : () -> ()
    %run_scoped3A_547 = arith.constant 3 : i32
    "tpu.region"() ({
      %run_scoped3A_625 = tpu.sem_alloc : memref<!tpu.dma_semaphore, #tpu.memory_space<semaphore_mem>>
      %dma_start3A_626 = arith.constant 0 : i32
      %dma_start3A_627 = arith.constant 0 : i32
      %dma_start3A_628 = tpu.memref_slice %arg4[%arg1, %run_scoped3A_547, %dma_start3A_626, %dma_start3A_627] : memref<16x4x40x64xi32, #tpu.memory_space<hbm>> -> memref<1x1x40x64xi32, #tpu.memory_space<hbm>>
      %dma_start3A_629 = tpu.memref_squeeze %dma_start3A_628 : memref<1x1x40x64xi32, #tpu.memory_space<hbm>> -> memref<40x64xi32, #tpu.memory_space<hbm>>
      %dma_start3A_630 = arith.constant 0 : i32
      %dma_start3A_631 = arith.constant 0 : i32
      %dma_start3A_632 = tpu.memref_slice %arg4[%arg1, %run_scoped3A_547, %dma_start3A_630, %dma_start3A_631] : memref<16x4x40x64xi32, #tpu.memory_space<hbm>> -> memref<1x1x40x64xi32, #tpu.memory_space<hbm>>
      %dma_start3A_633 = tpu.memref_squeeze %dma_start3A_632 : memref<1x1x40x64xi32, #tpu.memory_space<hbm>> -> memref<40x64xi32, #tpu.memory_space<hbm>>
      tpu.enqueue_dma source(%dma_start3A_633 : memref<40x64xi32, #tpu.memory_space<hbm>>) target(%arg8 : memref<40x64xi32, #tpu.memory_space<vmem>>) target_semaphore(%run_scoped3A_625 : memref<!tpu.dma_semaphore, #tpu.memory_space<semaphore_mem>>)
      %dma_wait3A_634 = arith.constant 0 : i32
      %dma_wait3A_635 = arith.constant 0 : i32
      %dma_wait3A_636 = tpu.memref_slice %arg4[%arg1, %run_scoped3A_547, %dma_wait3A_634, %dma_wait3A_635] : memref<16x4x40x64xi32, #tpu.memory_space<hbm>> -> memref<1x1x40x64xi32, #tpu.memory_space<hbm>>
      %dma_wait3A_637 = tpu.memref_squeeze %dma_wait3A_636 : memref<1x1x40x64xi32, #tpu.memory_space<hbm>> -> memref<40x64xi32, #tpu.memory_space<hbm>>
      %dma_wait3A_638 = arith.constant 0 : i32
      %dma_wait3A_639 = arith.constant 0 : i32
      %dma_wait3A_640 = tpu.memref_slice %arg4[%arg1, %run_scoped3A_547, %dma_wait3A_638, %dma_wait3A_639] : memref<16x4x40x64xi32, #tpu.memory_space<hbm>> -> memref<1x1x40x64xi32, #tpu.memory_space<hbm>>
      %dma_wait3A_641 = tpu.memref_squeeze %dma_wait3A_640 : memref<1x1x40x64xi32, #tpu.memory_space<hbm>> -> memref<40x64xi32, #tpu.memory_space<hbm>>
      tpu.wait_dma2 semaphore(%run_scoped3A_625 : memref<!tpu.dma_semaphore, #tpu.memory_space<semaphore_mem>>) src(%dma_wait3A_641 : memref<40x64xi32, #tpu.memory_space<hbm>>) dst(%arg8 : memref<40x64xi32, #tpu.memory_space<vmem>>)
      tpu.yield
    }) : () -> ()
    %dma_start3A_548 = arith.constant 0 : i32
    %dma_start3A_549 = arith.constant 0 : i32
    %dma_start3A_550 = arith.constant 0 : i32
    %dma_start3A_551 = arith.constant 0 : i32
    %dma_start3A_552 = arith.constant 0 : i32
    %dma_start3A_553 = tpu.memref_slice %arg9[%dma_start3A_549, %dma_start3A_551, %dma_start3A_552] : memref<4x64x128xf32, #tpu.memory_space<vmem>> -> memref<1x64x128xf32, #tpu.memory_space<vmem>>
    %dma_start3A_554 = tpu.memref_squeeze %dma_start3A_553 : memref<1x64x128xf32, #tpu.memory_space<vmem>> -> memref<64x128xf32, #tpu.memory_space<vmem>>
    %dma_start3A_555 = arith.constant 0 : i32
    %dma_start3A_556 = tpu.memref_slice %arg7[%dma_start3A_548, %dma_start3A_555] : memref<40x64xi32, #tpu.memory_space<vmem>> -> memref<1x64xi32, #tpu.memory_space<vmem>>
    %dma_start3A_557 = tpu.memref_squeeze %dma_start3A_556 : memref<1x64xi32, #tpu.memory_space<vmem>> -> memref<64xi32, #tpu.memory_space<vmem>>
    %dma_start3A_558 = arith.constant 0 : i32
    %dma_start3A_559 = arith.constant 0 : i32
    %dma_start3A_560 = tpu.memref_slice %arg2[%add3A_313, %dma_start3A_558, %dma_start3A_559] : memref<4x10240x128xf32, #tpu.memory_space<hbm>> -> memref<1x10240x128xf32, #tpu.memory_space<hbm>>
    %dma_start3A_561 = tpu.memref_squeeze %dma_start3A_560 : memref<1x10240x128xf32, #tpu.memory_space<hbm>> -> memref<10240x128xf32, #tpu.memory_space<hbm>>
    %dma_start3A_562 = arith.constant 0 : i32
    %dma_start3A_563 = arith.constant 0 : i32
    %dma_start3A_564 = tpu.memref_slice %dma_start3A_561[%dma_start3A_562, %dma_start3A_563] : memref<10240x128xf32, #tpu.memory_space<hbm>> -> memref<10240x128xf32, #tpu.memory_space<hbm>>
    %dma_start3A_565 = tpu.memref_slice %arg11[%dma_start3A_550] : memref<4x!tpu.dma_semaphore, #tpu.memory_space<semaphore_mem>> -> memref<1x!tpu.dma_semaphore, #tpu.memory_space<semaphore_mem>>
    %dma_start3A_566 = tpu.memref_squeeze %dma_start3A_565 : memref<1x!tpu.dma_semaphore, #tpu.memory_space<semaphore_mem>> -> memref<!tpu.dma_semaphore, #tpu.memory_space<semaphore_mem>>
    tpu.enqueue_indirect_dma source(%dma_start3A_564 : memref<10240x128xf32, #tpu.memory_space<hbm>>) target(%dma_start3A_554 : memref<64x128xf32, #tpu.memory_space<vmem>>) offsets(%dma_start3A_557 : memref<64xi32, #tpu.memory_space<vmem>>) semaphore(%dma_start3A_566 : memref<!tpu.dma_semaphore, #tpu.memory_space<semaphore_mem>>)
    %dma_start3A_567 = arith.constant 1 : i32
    %dma_start3A_568 = arith.constant 1 : i32
    %dma_start3A_569 = arith.constant 1 : i32
    %dma_start3A_570 = arith.constant 0 : i32
    %dma_start3A_571 = arith.constant 0 : i32
    %dma_start3A_572 = tpu.memref_slice %arg9[%dma_start3A_568, %dma_start3A_570, %dma_start3A_571] : memref<4x64x128xf32, #tpu.memory_space<vmem>> -> memref<1x64x128xf32, #tpu.memory_space<vmem>>
    %dma_start3A_573 = tpu.memref_squeeze %dma_start3A_572 : memref<1x64x128xf32, #tpu.memory_space<vmem>> -> memref<64x128xf32, #tpu.memory_space<vmem>>
    %dma_start3A_574 = arith.constant 0 : i32
    %dma_start3A_575 = tpu.memref_slice %arg7[%dma_start3A_567, %dma_start3A_574] : memref<40x64xi32, #tpu.memory_space<vmem>> -> memref<1x64xi32, #tpu.memory_space<vmem>>
    %dma_start3A_576 = tpu.memref_squeeze %dma_start3A_575 : memref<1x64xi32, #tpu.memory_space<vmem>> -> memref<64xi32, #tpu.memory_space<vmem>>
    %dma_start3A_577 = arith.constant 0 : i32
    %dma_start3A_578 = arith.constant 0 : i32
    %dma_start3A_579 = tpu.memref_slice %arg2[%add3A_313, %dma_start3A_577, %dma_start3A_578] : memref<4x10240x128xf32, #tpu.memory_space<hbm>> -> memref<1x10240x128xf32, #tpu.memory_space<hbm>>
    %dma_start3A_580 = tpu.memref_squeeze %dma_start3A_579 : memref<1x10240x128xf32, #tpu.memory_space<hbm>> -> memref<10240x128xf32, #tpu.memory_space<hbm>>
    %dma_start3A_581 = arith.constant 0 : i32
    %dma_start3A_582 = arith.constant 0 : i32
    %dma_start3A_583 = tpu.memref_slice %dma_start3A_580[%dma_start3A_581, %dma_start3A_582] : memref<10240x128xf32, #tpu.memory_space<hbm>> -> memref<10240x128xf32, #tpu.memory_space<hbm>>
    %dma_start3A_584 = tpu.memref_slice %arg11[%dma_start3A_569] : memref<4x!tpu.dma_semaphore, #tpu.memory_space<semaphore_mem>> -> memref<1x!tpu.dma_semaphore, #tpu.memory_space<semaphore_mem>>
    %dma_start3A_585 = tpu.memref_squeeze %dma_start3A_584 : memref<1x!tpu.dma_semaphore, #tpu.memory_space<semaphore_mem>> -> memref<!tpu.dma_semaphore, #tpu.memory_space<semaphore_mem>>
    tpu.enqueue_indirect_dma source(%dma_start3A_583 : memref<10240x128xf32, #tpu.memory_space<hbm>>) target(%dma_start3A_573 : memref<64x128xf32, #tpu.memory_space<vmem>>) offsets(%dma_start3A_576 : memref<64xi32, #tpu.memory_space<vmem>>) semaphore(%dma_start3A_585 : memref<!tpu.dma_semaphore, #tpu.memory_space<semaphore_mem>>)
    %dma_start3A_586 = arith.constant 2 : i32
    %dma_start3A_587 = arith.constant 2 : i32
    %dma_start3A_588 = arith.constant 2 : i32
    %dma_start3A_589 = arith.constant 0 : i32
    %dma_start3A_590 = arith.constant 0 : i32
    %dma_start3A_591 = tpu.memref_slice %arg9[%dma_start3A_587, %dma_start3A_589, %dma_start3A_590] : memref<4x64x128xf32, #tpu.memory_space<vmem>> -> memref<1x64x128xf32, #tpu.memory_space<vmem>>
    %dma_start3A_592 = tpu.memref_squeeze %dma_start3A_591 : memref<1x64x128xf32, #tpu.memory_space<vmem>> -> memref<64x128xf32, #tpu.memory_space<vmem>>
    %dma_start3A_593 = arith.constant 0 : i32
    %dma_start3A_594 = tpu.memref_slice %arg7[%dma_start3A_586, %dma_start3A_593] : memref<40x64xi32, #tpu.memory_space<vmem>> -> memref<1x64xi32, #tpu.memory_space<vmem>>
    %dma_start3A_595 = tpu.memref_squeeze %dma_start3A_594 : memref<1x64xi32, #tpu.memory_space<vmem>> -> memref<64xi32, #tpu.memory_space<vmem>>
    %dma_start3A_596 = arith.constant 0 : i32
    %dma_start3A_597 = arith.constant 0 : i32
    %dma_start3A_598 = tpu.memref_slice %arg2[%add3A_313, %dma_start3A_596, %dma_start3A_597] : memref<4x10240x128xf32, #tpu.memory_space<hbm>> -> memref<1x10240x128xf32, #tpu.memory_space<hbm>>
    %dma_start3A_599 = tpu.memref_squeeze %dma_start3A_598 : memref<1x10240x128xf32, #tpu.memory_space<hbm>> -> memref<10240x128xf32, #tpu.memory_space<hbm>>
    %dma_start3A_600 = arith.constant 0 : i32
    %dma_start3A_601 = arith.constant 0 : i32
    %dma_start3A_602 = tpu.memref_slice %dma_start3A_599[%dma_start3A_600, %dma_start3A_601] : memref<10240x128xf32, #tpu.memory_space<hbm>> -> memref<10240x128xf32, #tpu.memory_space<hbm>>
    %dma_start3A_603 = tpu.memref_slice %arg11[%dma_start3A_588] : memref<4x!tpu.dma_semaphore, #tpu.memory_space<semaphore_mem>> -> memref<1x!tpu.dma_semaphore, #tpu.memory_space<semaphore_mem>>
    %dma_start3A_604 = tpu.memref_squeeze %dma_start3A_603 : memref<1x!tpu.dma_semaphore, #tpu.memory_space<semaphore_mem>> -> memref<!tpu.dma_semaphore, #tpu.memory_space<semaphore_mem>>
    tpu.enqueue_indirect_dma source(%dma_start3A_602 : memref<10240x128xf32, #tpu.memory_space<hbm>>) target(%dma_start3A_592 : memref<64x128xf32, #tpu.memory_space<vmem>>) offsets(%dma_start3A_595 : memref<64xi32, #tpu.memory_space<vmem>>) semaphore(%dma_start3A_604 : memref<!tpu.dma_semaphore, #tpu.memory_space<semaphore_mem>>)
    %scan3A_605 = arith.constant 0 : i32
    %scan3A_606 = arith.constant 0 : i32
    %scan3A_607 = arith.constant 10 : i32
    %scan3A_608 = arith.addi %scan3A_606, %scan3A_607 : i32
    %scan3A_609 = arith.constant 1 : i32
    scf.for %scan3A_625 = %scan3A_606 to %scan3A_608 step %scan3A_609  : i32 {
      %mul3A_626 = arith.constant 4 : i32
      %mul3A_627 = arith.muli %scan3A_625, %mul3A_626 : i32
      %add3A_628 = arith.constant 0 : i32
      %add3A_629 = arith.addi %mul3A_627, %add3A_628 : i32
      %gt3A = arith.constant 0 : i32
      %gt3A_630 = arith.cmpi sgt, %add3A_629, %gt3A : i32
      %convert_element_type3A = arith.extui %gt3A_630 : i1 to i32
      %cond3A = arith.constant 0 : i32
      %cond3A_631 = arith.cmpi ne, %convert_element_type3A, %cond3A : i32
      scf.if %cond3A_631 {
        %sub3A = arith.constant 1 : i32
        %sub3A_802 = arith.subi %add3A_629, %sub3A : i32
        %dma_wait3A_803 = arith.constant 3 : i32
        %dma_wait3A_804 = arith.constant 0 : i32
        %dma_wait3A_805 = arith.constant 0 : i32
        %dma_wait3A_806 = tpu.memref_slice %arg9[%dma_wait3A_803, %dma_wait3A_804, %dma_wait3A_805] : memref<4x64x128xf32, #tpu.memory_space<vmem>> -> memref<1x64x128xf32, #tpu.memory_space<vmem>>
        %dma_wait3A_807 = tpu.memref_squeeze %dma_wait3A_806 : memref<1x64x128xf32, #tpu.memory_space<vmem>> -> memref<64x128xf32, #tpu.memory_space<vmem>>
        %dma_wait3A_808 = arith.constant 0 : i32
        %dma_wait3A_809 = tpu.memref_slice %arg8[%sub3A_802, %dma_wait3A_808] : memref<40x64xi32, #tpu.memory_space<vmem>> -> memref<1x64xi32, #tpu.memory_space<vmem>>
        %dma_wait3A_810 = tpu.memref_squeeze %dma_wait3A_809 : memref<1x64xi32, #tpu.memory_space<vmem>> -> memref<64xi32, #tpu.memory_space<vmem>>
        %dma_wait3A_811 = arith.constant 0 : i32
        %dma_wait3A_812 = arith.constant 0 : i32
        %dma_wait3A_813 = tpu.memref_slice %arg10[%dma_wait3A_811, %dma_wait3A_812] : memref<10240x128xf32, #tpu.memory_space<vmem_shared>> -> memref<10240x128xf32, #tpu.memory_space<vmem_shared>>
        tpu.wait_indirect_dma semaphore(%arg12 : memref<!tpu.dma_semaphore, #tpu.memory_space<semaphore_mem>>) src(%dma_wait3A_807 : memref<64x128xf32, #tpu.memory_space<vmem>>) dst(%dma_wait3A_813 : memref<10240x128xf32, #tpu.memory_space<vmem_shared>>)
      } else {
      }
      %add3A_632 = arith.constant 3 : i32
      %add3A_633 = arith.addi %add3A_629, %add3A_632 : i32
      %lt3A = arith.constant 40 : i32
      %lt3A_634 = arith.cmpi slt, %add3A_633, %lt3A : i32
      %convert_element_type3A_635 = arith.extui %lt3A_634 : i1 to i32
      %cond3A_636 = arith.constant 0 : i32
      %cond3A_637 = arith.cmpi ne, %convert_element_type3A_635, %cond3A_636 : i32
      scf.if %cond3A_637 {
        %add3A_802 = arith.constant 3 : i32
        %add3A_803 = arith.addi %add3A_629, %add3A_802 : i32
        %dma_start3A_804 = arith.constant 3 : i32
        %dma_start3A_805 = arith.constant 3 : i32
        %dma_start3A_806 = arith.constant 0 : i32
        %dma_start3A_807 = arith.constant 0 : i32
        %dma_start3A_808 = tpu.memref_slice %arg9[%dma_start3A_804, %dma_start3A_806, %dma_start3A_807] : memref<4x64x128xf32, #tpu.memory_space<vmem>> -> memref<1x64x128xf32, #tpu.memory_space<vmem>>
        %dma_start3A_809 = tpu.memref_squeeze %dma_start3A_808 : memref<1x64x128xf32, #tpu.memory_space<vmem>> -> memref<64x128xf32, #tpu.memory_space<vmem>>
        %dma_start3A_810 = arith.constant 0 : i32
        %dma_start3A_811 = tpu.memref_slice %arg7[%add3A_803, %dma_start3A_810] : memref<40x64xi32, #tpu.memory_space<vmem>> -> memref<1x64xi32, #tpu.memory_space<vmem>>
        %dma_start3A_812 = tpu.memref_squeeze %dma_start3A_811 : memref<1x64xi32, #tpu.memory_space<vmem>> -> memref<64xi32, #tpu.memory_space<vmem>>
        %dma_start3A_813 = arith.constant 0 : i32
        %dma_start3A_814 = arith.constant 0 : i32
        %dma_start3A_815 = tpu.memref_slice %arg2[%add3A_313, %dma_start3A_813, %dma_start3A_814] : memref<4x10240x128xf32, #tpu.memory_space<hbm>> -> memref<1x10240x128xf32, #tpu.memory_space<hbm>>
        %dma_start3A_816 = tpu.memref_squeeze %dma_start3A_815 : memref<1x10240x128xf32, #tpu.memory_space<hbm>> -> memref<10240x128xf32, #tpu.memory_space<hbm>>
        %dma_start3A_817 = arith.constant 0 : i32
        %dma_start3A_818 = arith.constant 0 : i32
        %dma_start3A_819 = tpu.memref_slice %dma_start3A_816[%dma_start3A_817, %dma_start3A_818] : memref<10240x128xf32, #tpu.memory_space<hbm>> -> memref<10240x128xf32, #tpu.memory_space<hbm>>
        %dma_start3A_820 = tpu.memref_slice %arg11[%dma_start3A_805] : memref<4x!tpu.dma_semaphore, #tpu.memory_space<semaphore_mem>> -> memref<1x!tpu.dma_semaphore, #tpu.memory_space<semaphore_mem>>
        %dma_start3A_821 = tpu.memref_squeeze %dma_start3A_820 : memref<1x!tpu.dma_semaphore, #tpu.memory_space<semaphore_mem>> -> memref<!tpu.dma_semaphore, #tpu.memory_space<semaphore_mem>>
        tpu.enqueue_indirect_dma source(%dma_start3A_819 : memref<10240x128xf32, #tpu.memory_space<hbm>>) target(%dma_start3A_809 : memref<64x128xf32, #tpu.memory_space<vmem>>) offsets(%dma_start3A_812 : memref<64xi32, #tpu.memory_space<vmem>>) semaphore(%dma_start3A_821 : memref<!tpu.dma_semaphore, #tpu.memory_space<semaphore_mem>>)
      } else {
      }
      %dma_wait3A_638 = arith.constant 0 : i32
      %dma_wait3A_639 = arith.constant 0 : i32
      %dma_wait3A_640 = arith.constant 0 : i32
      %dma_wait3A_641 = arith.constant 0 : i32
      %dma_wait3A_642 = tpu.memref_slice %arg9[%dma_wait3A_638, %dma_wait3A_640, %dma_wait3A_641] : memref<4x64x128xf32, #tpu.memory_space<vmem>> -> memref<1x64x128xf32, #tpu.memory_space<vmem>>
      %dma_wait3A_643 = tpu.memref_squeeze %dma_wait3A_642 : memref<1x64x128xf32, #tpu.memory_space<vmem>> -> memref<64x128xf32, #tpu.memory_space<vmem>>
      %dma_wait3A_644 = arith.constant 0 : i32
      %dma_wait3A_645 = tpu.memref_slice %arg7[%add3A_629, %dma_wait3A_644] : memref<40x64xi32, #tpu.memory_space<vmem>> -> memref<1x64xi32, #tpu.memory_space<vmem>>
      %dma_wait3A_646 = tpu.memref_squeeze %dma_wait3A_645 : memref<1x64xi32, #tpu.memory_space<vmem>> -> memref<64xi32, #tpu.memory_space<vmem>>
      %dma_wait3A_647 = arith.constant 0 : i32
      %dma_wait3A_648 = arith.constant 0 : i32
      %dma_wait3A_649 = tpu.memref_slice %arg2[%add3A_313, %dma_wait3A_647, %dma_wait3A_648] : memref<4x10240x128xf32, #tpu.memory_space<hbm>> -> memref<1x10240x128xf32, #tpu.memory_space<hbm>>
      %dma_wait3A_650 = tpu.memref_squeeze %dma_wait3A_649 : memref<1x10240x128xf32, #tpu.memory_space<hbm>> -> memref<10240x128xf32, #tpu.memory_space<hbm>>
      %dma_wait3A_651 = arith.constant 0 : i32
      %dma_wait3A_652 = arith.constant 0 : i32
      %dma_wait3A_653 = tpu.memref_slice %dma_wait3A_650[%dma_wait3A_651, %dma_wait3A_652] : memref<10240x128xf32, #tpu.memory_space<hbm>> -> memref<10240x128xf32, #tpu.memory_space<hbm>>
      %dma_wait3A_654 = tpu.memref_slice %arg11[%dma_wait3A_639] : memref<4x!tpu.dma_semaphore, #tpu.memory_space<semaphore_mem>> -> memref<1x!tpu.dma_semaphore, #tpu.memory_space<semaphore_mem>>
      %dma_wait3A_655 = tpu.memref_squeeze %dma_wait3A_654 : memref<1x!tpu.dma_semaphore, #tpu.memory_space<semaphore_mem>> -> memref<!tpu.dma_semaphore, #tpu.memory_space<semaphore_mem>>
      tpu.wait_indirect_dma semaphore(%dma_wait3A_655 : memref<!tpu.dma_semaphore, #tpu.memory_space<semaphore_mem>>) src(%dma_wait3A_653 : memref<10240x128xf32, #tpu.memory_space<hbm>>) dst(%dma_wait3A_643 : memref<64x128xf32, #tpu.memory_space<vmem>>)
      %dma_start3A_656 = arith.constant 0 : i32
      %dma_start3A_657 = arith.constant 0 : i32
      %dma_start3A_658 = arith.constant 0 : i32
      %dma_start3A_659 = tpu.memref_slice %arg9[%dma_start3A_656, %dma_start3A_657, %dma_start3A_658] : memref<4x64x128xf32, #tpu.memory_space<vmem>> -> memref<1x64x128xf32, #tpu.memory_space<vmem>>
      %dma_start3A_660 = tpu.memref_squeeze %dma_start3A_659 : memref<1x64x128xf32, #tpu.memory_space<vmem>> -> memref<64x128xf32, #tpu.memory_space<vmem>>
      %dma_start3A_661 = arith.constant 0 : i32
      %dma_start3A_662 = tpu.memref_slice %arg8[%add3A_629, %dma_start3A_661] : memref<40x64xi32, #tpu.memory_space<vmem>> -> memref<1x64xi32, #tpu.memory_space<vmem>>
      %dma_start3A_663 = tpu.memref_squeeze %dma_start3A_662 : memref<1x64xi32, #tpu.memory_space<vmem>> -> memref<64xi32, #tpu.memory_space<vmem>>
      %dma_start3A_664 = arith.constant 0 : i32
      %dma_start3A_665 = arith.constant 0 : i32
      %dma_start3A_666 = tpu.memref_slice %arg10[%dma_start3A_664, %dma_start3A_665] : memref<10240x128xf32, #tpu.memory_space<vmem_shared>> -> memref<10240x128xf32, #tpu.memory_space<vmem_shared>>
      tpu.enqueue_indirect_dma source(%dma_start3A_660 : memref<64x128xf32, #tpu.memory_space<vmem>>) target(%dma_start3A_666 : memref<10240x128xf32, #tpu.memory_space<vmem_shared>>) offsets(%dma_start3A_663 : memref<64xi32, #tpu.memory_space<vmem>>) semaphore(%arg12 : memref<!tpu.dma_semaphore, #tpu.memory_space<semaphore_mem>>) {add = true}
      %mul3A_667 = arith.constant 4 : i32
      %mul3A_668 = arith.muli %scan3A_625, %mul3A_667 : i32
      %add3A_669 = arith.constant 1 : i32
      %add3A_670 = arith.addi %mul3A_668, %add3A_669 : i32
      %gt3A_671 = arith.constant 0 : i32
      %gt3A_672 = arith.cmpi sgt, %add3A_670, %gt3A_671 : i32
      %convert_element_type3A_673 = arith.extui %gt3A_672 : i1 to i32
      %cond3A_674 = arith.constant 0 : i32
      %cond3A_675 = arith.cmpi ne, %convert_element_type3A_673, %cond3A_674 : i32
      scf.if %cond3A_675 {
        %sub3A = arith.constant 1 : i32
        %sub3A_802 = arith.subi %add3A_670, %sub3A : i32
        %dma_wait3A_803 = arith.constant 0 : i32
        %dma_wait3A_804 = arith.constant 0 : i32
        %dma_wait3A_805 = arith.constant 0 : i32
        %dma_wait3A_806 = tpu.memref_slice %arg9[%dma_wait3A_803, %dma_wait3A_804, %dma_wait3A_805] : memref<4x64x128xf32, #tpu.memory_space<vmem>> -> memref<1x64x128xf32, #tpu.memory_space<vmem>>
        %dma_wait3A_807 = tpu.memref_squeeze %dma_wait3A_806 : memref<1x64x128xf32, #tpu.memory_space<vmem>> -> memref<64x128xf32, #tpu.memory_space<vmem>>
        %dma_wait3A_808 = arith.constant 0 : i32
        %dma_wait3A_809 = tpu.memref_slice %arg8[%sub3A_802, %dma_wait3A_808] : memref<40x64xi32, #tpu.memory_space<vmem>> -> memref<1x64xi32, #tpu.memory_space<vmem>>
        %dma_wait3A_810 = tpu.memref_squeeze %dma_wait3A_809 : memref<1x64xi32, #tpu.memory_space<vmem>> -> memref<64xi32, #tpu.memory_space<vmem>>
        %dma_wait3A_811 = arith.constant 0 : i32
        %dma_wait3A_812 = arith.constant 0 : i32
        %dma_wait3A_813 = tpu.memref_slice %arg10[%dma_wait3A_811, %dma_wait3A_812] : memref<10240x128xf32, #tpu.memory_space<vmem_shared>> -> memref<10240x128xf32, #tpu.memory_space<vmem_shared>>
        tpu.wait_indirect_dma semaphore(%arg12 : memref<!tpu.dma_semaphore, #tpu.memory_space<semaphore_mem>>) src(%dma_wait3A_807 : memref<64x128xf32, #tpu.memory_space<vmem>>) dst(%dma_wait3A_813 : memref<10240x128xf32, #tpu.memory_space<vmem_shared>>)
      } else {
      }
      %add3A_676 = arith.constant 3 : i32
      %add3A_677 = arith.addi %add3A_670, %add3A_676 : i32
      %lt3A_678 = arith.constant 40 : i32
      %lt3A_679 = arith.cmpi slt, %add3A_677, %lt3A_678 : i32
      %convert_element_type3A_680 = arith.extui %lt3A_679 : i1 to i32
      %cond3A_681 = arith.constant 0 : i32
      %cond3A_682 = arith.cmpi ne, %convert_element_type3A_680, %cond3A_681 : i32
      scf.if %cond3A_682 {
        %add3A_802 = arith.constant 3 : i32
        %add3A_803 = arith.addi %add3A_670, %add3A_802 : i32
        %dma_start3A_804 = arith.constant 0 : i32
        %dma_start3A_805 = arith.constant 0 : i32
        %dma_start3A_806 = arith.constant 0 : i32
        %dma_start3A_807 = arith.constant 0 : i32
        %dma_start3A_808 = tpu.memref_slice %arg9[%dma_start3A_804, %dma_start3A_806, %dma_start3A_807] : memref<4x64x128xf32, #tpu.memory_space<vmem>> -> memref<1x64x128xf32, #tpu.memory_space<vmem>>
        %dma_start3A_809 = tpu.memref_squeeze %dma_start3A_808 : memref<1x64x128xf32, #tpu.memory_space<vmem>> -> memref<64x128xf32, #tpu.memory_space<vmem>>
        %dma_start3A_810 = arith.constant 0 : i32
        %dma_start3A_811 = tpu.memref_slice %arg7[%add3A_803, %dma_start3A_810] : memref<40x64xi32, #tpu.memory_space<vmem>> -> memref<1x64xi32, #tpu.memory_space<vmem>>
        %dma_start3A_812 = tpu.memref_squeeze %dma_start3A_811 : memref<1x64xi32, #tpu.memory_space<vmem>> -> memref<64xi32, #tpu.memory_space<vmem>>
        %dma_start3A_813 = arith.constant 0 : i32
        %dma_start3A_814 = arith.constant 0 : i32
        %dma_start3A_815 = tpu.memref_slice %arg2[%add3A_313, %dma_start3A_813, %dma_start3A_814] : memref<4x10240x128xf32, #tpu.memory_space<hbm>> -> memref<1x10240x128xf32, #tpu.memory_space<hbm>>
        %dma_start3A_816 = tpu.memref_squeeze %dma_start3A_815 : memref<1x10240x128xf32, #tpu.memory_space<hbm>> -> memref<10240x128xf32, #tpu.memory_space<hbm>>
        %dma_start3A_817 = arith.constant 0 : i32
        %dma_start3A_818 = arith.constant 0 : i32
        %dma_start3A_819 = tpu.memref_slice %dma_start3A_816[%dma_start3A_817, %dma_start3A_818] : memref<10240x128xf32, #tpu.memory_space<hbm>> -> memref<10240x128xf32, #tpu.memory_space<hbm>>
        %dma_start3A_820 = tpu.memref_slice %arg11[%dma_start3A_805] : memref<4x!tpu.dma_semaphore, #tpu.memory_space<semaphore_mem>> -> memref<1x!tpu.dma_semaphore, #tpu.memory_space<semaphore_mem>>
        %dma_start3A_821 = tpu.memref_squeeze %dma_start3A_820 : memref<1x!tpu.dma_semaphore, #tpu.memory_space<semaphore_mem>> -> memref<!tpu.dma_semaphore, #tpu.memory_space<semaphore_mem>>
        tpu.enqueue_indirect_dma source(%dma_start3A_819 : memref<10240x128xf32, #tpu.memory_space<hbm>>) target(%dma_start3A_809 : memref<64x128xf32, #tpu.memory_space<vmem>>) offsets(%dma_start3A_812 : memref<64xi32, #tpu.memory_space<vmem>>) semaphore(%dma_start3A_821 : memref<!tpu.dma_semaphore, #tpu.memory_space<semaphore_mem>>)
      } else {
      }
      %dma_wait3A_683 = arith.constant 1 : i32
      %dma_wait3A_684 = arith.constant 1 : i32
      %dma_wait3A_685 = arith.constant 0 : i32
      %dma_wait3A_686 = arith.constant 0 : i32
      %dma_wait3A_687 = tpu.memref_slice %arg9[%dma_wait3A_683, %dma_wait3A_685, %dma_wait3A_686] : memref<4x64x128xf32, #tpu.memory_space<vmem>> -> memref<1x64x128xf32, #tpu.memory_space<vmem>>
      %dma_wait3A_688 = tpu.memref_squeeze %dma_wait3A_687 : memref<1x64x128xf32, #tpu.memory_space<vmem>> -> memref<64x128xf32, #tpu.memory_space<vmem>>
      %dma_wait3A_689 = arith.constant 0 : i32
      %dma_wait3A_690 = tpu.memref_slice %arg7[%add3A_670, %dma_wait3A_689] : memref<40x64xi32, #tpu.memory_space<vmem>> -> memref<1x64xi32, #tpu.memory_space<vmem>>
      %dma_wait3A_691 = tpu.memref_squeeze %dma_wait3A_690 : memref<1x64xi32, #tpu.memory_space<vmem>> -> memref<64xi32, #tpu.memory_space<vmem>>
      %dma_wait3A_692 = arith.constant 0 : i32
      %dma_wait3A_693 = arith.constant 0 : i32
      %dma_wait3A_694 = tpu.memref_slice %arg2[%add3A_313, %dma_wait3A_692, %dma_wait3A_693] : memref<4x10240x128xf32, #tpu.memory_space<hbm>> -> memref<1x10240x128xf32, #tpu.memory_space<hbm>>
      %dma_wait3A_695 = tpu.memref_squeeze %dma_wait3A_694 : memref<1x10240x128xf32, #tpu.memory_space<hbm>> -> memref<10240x128xf32, #tpu.memory_space<hbm>>
      %dma_wait3A_696 = arith.constant 0 : i32
      %dma_wait3A_697 = arith.constant 0 : i32
      %dma_wait3A_698 = tpu.memref_slice %dma_wait3A_695[%dma_wait3A_696, %dma_wait3A_697] : memref<10240x128xf32, #tpu.memory_space<hbm>> -> memref<10240x128xf32, #tpu.memory_space<hbm>>
      %dma_wait3A_699 = tpu.memref_slice %arg11[%dma_wait3A_684] : memref<4x!tpu.dma_semaphore, #tpu.memory_space<semaphore_mem>> -> memref<1x!tpu.dma_semaphore, #tpu.memory_space<semaphore_mem>>
      %dma_wait3A_700 = tpu.memref_squeeze %dma_wait3A_699 : memref<1x!tpu.dma_semaphore, #tpu.memory_space<semaphore_mem>> -> memref<!tpu.dma_semaphore, #tpu.memory_space<semaphore_mem>>
      tpu.wait_indirect_dma semaphore(%dma_wait3A_700 : memref<!tpu.dma_semaphore, #tpu.memory_space<semaphore_mem>>) src(%dma_wait3A_698 : memref<10240x128xf32, #tpu.memory_space<hbm>>) dst(%dma_wait3A_688 : memref<64x128xf32, #tpu.memory_space<vmem>>)
      %dma_start3A_701 = arith.constant 1 : i32
      %dma_start3A_702 = arith.constant 0 : i32
      %dma_start3A_703 = arith.constant 0 : i32
      %dma_start3A_704 = tpu.memref_slice %arg9[%dma_start3A_701, %dma_start3A_702, %dma_start3A_703] : memref<4x64x128xf32, #tpu.memory_space<vmem>> -> memref<1x64x128xf32, #tpu.memory_space<vmem>>
      %dma_start3A_705 = tpu.memref_squeeze %dma_start3A_704 : memref<1x64x128xf32, #tpu.memory_space<vmem>> -> memref<64x128xf32, #tpu.memory_space<vmem>>
      %dma_start3A_706 = arith.constant 0 : i32
      %dma_start3A_707 = tpu.memref_slice %arg8[%add3A_670, %dma_start3A_706] : memref<40x64xi32, #tpu.memory_space<vmem>> -> memref<1x64xi32, #tpu.memory_space<vmem>>
      %dma_start3A_708 = tpu.memref_squeeze %dma_start3A_707 : memref<1x64xi32, #tpu.memory_space<vmem>> -> memref<64xi32, #tpu.memory_space<vmem>>
      %dma_start3A_709 = arith.constant 0 : i32
      %dma_start3A_710 = arith.constant 0 : i32
      %dma_start3A_711 = tpu.memref_slice %arg10[%dma_start3A_709, %dma_start3A_710] : memref<10240x128xf32, #tpu.memory_space<vmem_shared>> -> memref<10240x128xf32, #tpu.memory_space<vmem_shared>>
      tpu.enqueue_indirect_dma source(%dma_start3A_705 : memref<64x128xf32, #tpu.memory_space<vmem>>) target(%dma_start3A_711 : memref<10240x128xf32, #tpu.memory_space<vmem_shared>>) offsets(%dma_start3A_708 : memref<64xi32, #tpu.memory_space<vmem>>) semaphore(%arg12 : memref<!tpu.dma_semaphore, #tpu.memory_space<semaphore_mem>>) {add = true}
      %mul3A_712 = arith.constant 4 : i32
      %mul3A_713 = arith.muli %scan3A_625, %mul3A_712 : i32
      %add3A_714 = arith.constant 2 : i32
      %add3A_715 = arith.addi %mul3A_713, %add3A_714 : i32
      %gt3A_716 = arith.constant 0 : i32
      %gt3A_717 = arith.cmpi sgt, %add3A_715, %gt3A_716 : i32
      %convert_element_type3A_718 = arith.extui %gt3A_717 : i1 to i32
      %cond3A_719 = arith.constant 0 : i32
      %cond3A_720 = arith.cmpi ne, %convert_element_type3A_718, %cond3A_719 : i32
      scf.if %cond3A_720 {
        %sub3A = arith.constant 1 : i32
        %sub3A_802 = arith.subi %add3A_715, %sub3A : i32
        %dma_wait3A_803 = arith.constant 1 : i32
        %dma_wait3A_804 = arith.constant 0 : i32
        %dma_wait3A_805 = arith.constant 0 : i32
        %dma_wait3A_806 = tpu.memref_slice %arg9[%dma_wait3A_803, %dma_wait3A_804, %dma_wait3A_805] : memref<4x64x128xf32, #tpu.memory_space<vmem>> -> memref<1x64x128xf32, #tpu.memory_space<vmem>>
        %dma_wait3A_807 = tpu.memref_squeeze %dma_wait3A_806 : memref<1x64x128xf32, #tpu.memory_space<vmem>> -> memref<64x128xf32, #tpu.memory_space<vmem>>
        %dma_wait3A_808 = arith.constant 0 : i32
        %dma_wait3A_809 = tpu.memref_slice %arg8[%sub3A_802, %dma_wait3A_808] : memref<40x64xi32, #tpu.memory_space<vmem>> -> memref<1x64xi32, #tpu.memory_space<vmem>>
        %dma_wait3A_810 = tpu.memref_squeeze %dma_wait3A_809 : memref<1x64xi32, #tpu.memory_space<vmem>> -> memref<64xi32, #tpu.memory_space<vmem>>
        %dma_wait3A_811 = arith.constant 0 : i32
        %dma_wait3A_812 = arith.constant 0 : i32
        %dma_wait3A_813 = tpu.memref_slice %arg10[%dma_wait3A_811, %dma_wait3A_812] : memref<10240x128xf32, #tpu.memory_space<vmem_shared>> -> memref<10240x128xf32, #tpu.memory_space<vmem_shared>>
        tpu.wait_indirect_dma semaphore(%arg12 : memref<!tpu.dma_semaphore, #tpu.memory_space<semaphore_mem>>) src(%dma_wait3A_807 : memref<64x128xf32, #tpu.memory_space<vmem>>) dst(%dma_wait3A_813 : memref<10240x128xf32, #tpu.memory_space<vmem_shared>>)
      } else {
      }
      %add3A_721 = arith.constant 3 : i32
      %add3A_722 = arith.addi %add3A_715, %add3A_721 : i32
      %lt3A_723 = arith.constant 40 : i32
      %lt3A_724 = arith.cmpi slt, %add3A_722, %lt3A_723 : i32
      %convert_element_type3A_725 = arith.extui %lt3A_724 : i1 to i32
      %cond3A_726 = arith.constant 0 : i32
      %cond3A_727 = arith.cmpi ne, %convert_element_type3A_725, %cond3A_726 : i32
      scf.if %cond3A_727 {
        %add3A_802 = arith.constant 3 : i32
        %add3A_803 = arith.addi %add3A_715, %add3A_802 : i32
        %dma_start3A_804 = arith.constant 1 : i32
        %dma_start3A_805 = arith.constant 1 : i32
        %dma_start3A_806 = arith.constant 0 : i32
        %dma_start3A_807 = arith.constant 0 : i32
        %dma_start3A_808 = tpu.memref_slice %arg9[%dma_start3A_804, %dma_start3A_806, %dma_start3A_807] : memref<4x64x128xf32, #tpu.memory_space<vmem>> -> memref<1x64x128xf32, #tpu.memory_space<vmem>>
        %dma_start3A_809 = tpu.memref_squeeze %dma_start3A_808 : memref<1x64x128xf32, #tpu.memory_space<vmem>> -> memref<64x128xf32, #tpu.memory_space<vmem>>
        %dma_start3A_810 = arith.constant 0 : i32
        %dma_start3A_811 = tpu.memref_slice %arg7[%add3A_803, %dma_start3A_810] : memref<40x64xi32, #tpu.memory_space<vmem>> -> memref<1x64xi32, #tpu.memory_space<vmem>>
        %dma_start3A_812 = tpu.memref_squeeze %dma_start3A_811 : memref<1x64xi32, #tpu.memory_space<vmem>> -> memref<64xi32, #tpu.memory_space<vmem>>
        %dma_start3A_813 = arith.constant 0 : i32
        %dma_start3A_814 = arith.constant 0 : i32
        %dma_start3A_815 = tpu.memref_slice %arg2[%add3A_313, %dma_start3A_813, %dma_start3A_814] : memref<4x10240x128xf32, #tpu.memory_space<hbm>> -> memref<1x10240x128xf32, #tpu.memory_space<hbm>>
        %dma_start3A_816 = tpu.memref_squeeze %dma_start3A_815 : memref<1x10240x128xf32, #tpu.memory_space<hbm>> -> memref<10240x128xf32, #tpu.memory_space<hbm>>
        %dma_start3A_817 = arith.constant 0 : i32
        %dma_start3A_818 = arith.constant 0 : i32
        %dma_start3A_819 = tpu.memref_slice %dma_start3A_816[%dma_start3A_817, %dma_start3A_818] : memref<10240x128xf32, #tpu.memory_space<hbm>> -> memref<10240x128xf32, #tpu.memory_space<hbm>>
        %dma_start3A_820 = tpu.memref_slice %arg11[%dma_start3A_805] : memref<4x!tpu.dma_semaphore, #tpu.memory_space<semaphore_mem>> -> memref<1x!tpu.dma_semaphore, #tpu.memory_space<semaphore_mem>>
        %dma_start3A_821 = tpu.memref_squeeze %dma_start3A_820 : memref<1x!tpu.dma_semaphore, #tpu.memory_space<semaphore_mem>> -> memref<!tpu.dma_semaphore, #tpu.memory_space<semaphore_mem>>
        tpu.enqueue_indirect_dma source(%dma_start3A_819 : memref<10240x128xf32, #tpu.memory_space<hbm>>) target(%dma_start3A_809 : memref<64x128xf32, #tpu.memory_space<vmem>>) offsets(%dma_start3A_812 : memref<64xi32, #tpu.memory_space<vmem>>) semaphore(%dma_start3A_821 : memref<!tpu.dma_semaphore, #tpu.memory_space<semaphore_mem>>)
      } else {
      }
      %dma_wait3A_728 = arith.constant 2 : i32
      %dma_wait3A_729 = arith.constant 2 : i32
      %dma_wait3A_730 = arith.constant 0 : i32
      %dma_wait3A_731 = arith.constant 0 : i32
      %dma_wait3A_732 = tpu.memref_slice %arg9[%dma_wait3A_728, %dma_wait3A_730, %dma_wait3A_731] : memref<4x64x128xf32, #tpu.memory_space<vmem>> -> memref<1x64x128xf32, #tpu.memory_space<vmem>>
      %dma_wait3A_733 = tpu.memref_squeeze %dma_wait3A_732 : memref<1x64x128xf32, #tpu.memory_space<vmem>> -> memref<64x128xf32, #tpu.memory_space<vmem>>
      %dma_wait3A_734 = arith.constant 0 : i32
      %dma_wait3A_735 = tpu.memref_slice %arg7[%add3A_715, %dma_wait3A_734] : memref<40x64xi32, #tpu.memory_space<vmem>> -> memref<1x64xi32, #tpu.memory_space<vmem>>
      %dma_wait3A_736 = tpu.memref_squeeze %dma_wait3A_735 : memref<1x64xi32, #tpu.memory_space<vmem>> -> memref<64xi32, #tpu.memory_space<vmem>>
      %dma_wait3A_737 = arith.constant 0 : i32
      %dma_wait3A_738 = arith.constant 0 : i32
      %dma_wait3A_739 = tpu.memref_slice %arg2[%add3A_313, %dma_wait3A_737, %dma_wait3A_738] : memref<4x10240x128xf32, #tpu.memory_space<hbm>> -> memref<1x10240x128xf32, #tpu.memory_space<hbm>>
      %dma_wait3A_740 = tpu.memref_squeeze %dma_wait3A_739 : memref<1x10240x128xf32, #tpu.memory_space<hbm>> -> memref<10240x128xf32, #tpu.memory_space<hbm>>
      %dma_wait3A_741 = arith.constant 0 : i32
      %dma_wait3A_742 = arith.constant 0 : i32
      %dma_wait3A_743 = tpu.memref_slice %dma_wait3A_740[%dma_wait3A_741, %dma_wait3A_742] : memref<10240x128xf32, #tpu.memory_space<hbm>> -> memref<10240x128xf32, #tpu.memory_space<hbm>>
      %dma_wait3A_744 = tpu.memref_slice %arg11[%dma_wait3A_729] : memref<4x!tpu.dma_semaphore, #tpu.memory_space<semaphore_mem>> -> memref<1x!tpu.dma_semaphore, #tpu.memory_space<semaphore_mem>>
      %dma_wait3A_745 = tpu.memref_squeeze %dma_wait3A_744 : memref<1x!tpu.dma_semaphore, #tpu.memory_space<semaphore_mem>> -> memref<!tpu.dma_semaphore, #tpu.memory_space<semaphore_mem>>
      tpu.wait_indirect_dma semaphore(%dma_wait3A_745 : memref<!tpu.dma_semaphore, #tpu.memory_space<semaphore_mem>>) src(%dma_wait3A_743 : memref<10240x128xf32, #tpu.memory_space<hbm>>) dst(%dma_wait3A_733 : memref<64x128xf32, #tpu.memory_space<vmem>>)
      %dma_start3A_746 = arith.constant 2 : i32
      %dma_start3A_747 = arith.constant 0 : i32
      %dma_start3A_748 = arith.constant 0 : i32
      %dma_start3A_749 = tpu.memref_slice %arg9[%dma_start3A_746, %dma_start3A_747, %dma_start3A_748] : memref<4x64x128xf32, #tpu.memory_space<vmem>> -> memref<1x64x128xf32, #tpu.memory_space<vmem>>
      %dma_start3A_750 = tpu.memref_squeeze %dma_start3A_749 : memref<1x64x128xf32, #tpu.memory_space<vmem>> -> memref<64x128xf32, #tpu.memory_space<vmem>>
      %dma_start3A_751 = arith.constant 0 : i32
      %dma_start3A_752 = tpu.memref_slice %arg8[%add3A_715, %dma_start3A_751] : memref<40x64xi32, #tpu.memory_space<vmem>> -> memref<1x64xi32, #tpu.memory_space<vmem>>
      %dma_start3A_753 = tpu.memref_squeeze %dma_start3A_752 : memref<1x64xi32, #tpu.memory_space<vmem>> -> memref<64xi32, #tpu.memory_space<vmem>>
      %dma_start3A_754 = arith.constant 0 : i32
      %dma_start3A_755 = arith.constant 0 : i32
      %dma_start3A_756 = tpu.memref_slice %arg10[%dma_start3A_754, %dma_start3A_755] : memref<10240x128xf32, #tpu.memory_space<vmem_shared>> -> memref<10240x128xf32, #tpu.memory_space<vmem_shared>>
      tpu.enqueue_indirect_dma source(%dma_start3A_750 : memref<64x128xf32, #tpu.memory_space<vmem>>) target(%dma_start3A_756 : memref<10240x128xf32, #tpu.memory_space<vmem_shared>>) offsets(%dma_start3A_753 : memref<64xi32, #tpu.memory_space<vmem>>) semaphore(%arg12 : memref<!tpu.dma_semaphore, #tpu.memory_space<semaphore_mem>>) {add = true}
      %mul3A_757 = arith.constant 4 : i32
      %mul3A_758 = arith.muli %scan3A_625, %mul3A_757 : i32
      %add3A_759 = arith.constant 3 : i32
      %add3A_760 = arith.addi %mul3A_758, %add3A_759 : i32
      %gt3A_761 = arith.constant 0 : i32
      %gt3A_762 = arith.cmpi sgt, %add3A_760, %gt3A_761 : i32
      %convert_element_type3A_763 = arith.extui %gt3A_762 : i1 to i32
      %cond3A_764 = arith.constant 0 : i32
      %cond3A_765 = arith.cmpi ne, %convert_element_type3A_763, %cond3A_764 : i32
      scf.if %cond3A_765 {
        %sub3A = arith.constant 1 : i32
        %sub3A_802 = arith.subi %add3A_760, %sub3A : i32
        %dma_wait3A_803 = arith.constant 2 : i32
        %dma_wait3A_804 = arith.constant 0 : i32
        %dma_wait3A_805 = arith.constant 0 : i32
        %dma_wait3A_806 = tpu.memref_slice %arg9[%dma_wait3A_803, %dma_wait3A_804, %dma_wait3A_805] : memref<4x64x128xf32, #tpu.memory_space<vmem>> -> memref<1x64x128xf32, #tpu.memory_space<vmem>>
        %dma_wait3A_807 = tpu.memref_squeeze %dma_wait3A_806 : memref<1x64x128xf32, #tpu.memory_space<vmem>> -> memref<64x128xf32, #tpu.memory_space<vmem>>
        %dma_wait3A_808 = arith.constant 0 : i32
        %dma_wait3A_809 = tpu.memref_slice %arg8[%sub3A_802, %dma_wait3A_808] : memref<40x64xi32, #tpu.memory_space<vmem>> -> memref<1x64xi32, #tpu.memory_space<vmem>>
        %dma_wait3A_810 = tpu.memref_squeeze %dma_wait3A_809 : memref<1x64xi32, #tpu.memory_space<vmem>> -> memref<64xi32, #tpu.memory_space<vmem>>
        %dma_wait3A_811 = arith.constant 0 : i32
        %dma_wait3A_812 = arith.constant 0 : i32
        %dma_wait3A_813 = tpu.memref_slice %arg10[%dma_wait3A_811, %dma_wait3A_812] : memref<10240x128xf32, #tpu.memory_space<vmem_shared>> -> memref<10240x128xf32, #tpu.memory_space<vmem_shared>>
        tpu.wait_indirect_dma semaphore(%arg12 : memref<!tpu.dma_semaphore, #tpu.memory_space<semaphore_mem>>) src(%dma_wait3A_807 : memref<64x128xf32, #tpu.memory_space<vmem>>) dst(%dma_wait3A_813 : memref<10240x128xf32, #tpu.memory_space<vmem_shared>>)
      } else {
      }
      %add3A_766 = arith.constant 3 : i32
      %add3A_767 = arith.addi %add3A_760, %add3A_766 : i32
      %lt3A_768 = arith.constant 40 : i32
      %lt3A_769 = arith.cmpi slt, %add3A_767, %lt3A_768 : i32
      %convert_element_type3A_770 = arith.extui %lt3A_769 : i1 to i32
      %cond3A_771 = arith.constant 0 : i32
      %cond3A_772 = arith.cmpi ne, %convert_element_type3A_770, %cond3A_771 : i32
      scf.if %cond3A_772 {
        %add3A_802 = arith.constant 3 : i32
        %add3A_803 = arith.addi %add3A_760, %add3A_802 : i32
        %dma_start3A_804 = arith.constant 2 : i32
        %dma_start3A_805 = arith.constant 2 : i32
        %dma_start3A_806 = arith.constant 0 : i32
        %dma_start3A_807 = arith.constant 0 : i32
        %dma_start3A_808 = tpu.memref_slice %arg9[%dma_start3A_804, %dma_start3A_806, %dma_start3A_807] : memref<4x64x128xf32, #tpu.memory_space<vmem>> -> memref<1x64x128xf32, #tpu.memory_space<vmem>>
        %dma_start3A_809 = tpu.memref_squeeze %dma_start3A_808 : memref<1x64x128xf32, #tpu.memory_space<vmem>> -> memref<64x128xf32, #tpu.memory_space<vmem>>
        %dma_start3A_810 = arith.constant 0 : i32
        %dma_start3A_811 = tpu.memref_slice %arg7[%add3A_803, %dma_start3A_810] : memref<40x64xi32, #tpu.memory_space<vmem>> -> memref<1x64xi32, #tpu.memory_space<vmem>>
        %dma_start3A_812 = tpu.memref_squeeze %dma_start3A_811 : memref<1x64xi32, #tpu.memory_space<vmem>> -> memref<64xi32, #tpu.memory_space<vmem>>
        %dma_start3A_813 = arith.constant 0 : i32
        %dma_start3A_814 = arith.constant 0 : i32
        %dma_start3A_815 = tpu.memref_slice %arg2[%add3A_313, %dma_start3A_813, %dma_start3A_814] : memref<4x10240x128xf32, #tpu.memory_space<hbm>> -> memref<1x10240x128xf32, #tpu.memory_space<hbm>>
        %dma_start3A_816 = tpu.memref_squeeze %dma_start3A_815 : memref<1x10240x128xf32, #tpu.memory_space<hbm>> -> memref<10240x128xf32, #tpu.memory_space<hbm>>
        %dma_start3A_817 = arith.constant 0 : i32
        %dma_start3A_818 = arith.constant 0 : i32
        %dma_start3A_819 = tpu.memref_slice %dma_start3A_816[%dma_start3A_817, %dma_start3A_818] : memref<10240x128xf32, #tpu.memory_space<hbm>> -> memref<10240x128xf32, #tpu.memory_space<hbm>>
        %dma_start3A_820 = tpu.memref_slice %arg11[%dma_start3A_805] : memref<4x!tpu.dma_semaphore, #tpu.memory_space<semaphore_mem>> -> memref<1x!tpu.dma_semaphore, #tpu.memory_space<semaphore_mem>>
        %dma_start3A_821 = tpu.memref_squeeze %dma_start3A_820 : memref<1x!tpu.dma_semaphore, #tpu.memory_space<semaphore_mem>> -> memref<!tpu.dma_semaphore, #tpu.memory_space<semaphore_mem>>
        tpu.enqueue_indirect_dma source(%dma_start3A_819 : memref<10240x128xf32, #tpu.memory_space<hbm>>) target(%dma_start3A_809 : memref<64x128xf32, #tpu.memory_space<vmem>>) offsets(%dma_start3A_812 : memref<64xi32, #tpu.memory_space<vmem>>) semaphore(%dma_start3A_821 : memref<!tpu.dma_semaphore, #tpu.memory_space<semaphore_mem>>)
      } else {
      }
      %dma_wait3A_773 = arith.constant 3 : i32
      %dma_wait3A_774 = arith.constant 3 : i32
      %dma_wait3A_775 = arith.constant 0 : i32
      %dma_wait3A_776 = arith.constant 0 : i32
      %dma_wait3A_777 = tpu.memref_slice %arg9[%dma_wait3A_773, %dma_wait3A_775, %dma_wait3A_776] : memref<4x64x128xf32, #tpu.memory_space<vmem>> -> memref<1x64x128xf32, #tpu.memory_space<vmem>>
      %dma_wait3A_778 = tpu.memref_squeeze %dma_wait3A_777 : memref<1x64x128xf32, #tpu.memory_space<vmem>> -> memref<64x128xf32, #tpu.memory_space<vmem>>
      %dma_wait3A_779 = arith.constant 0 : i32
      %dma_wait3A_780 = tpu.memref_slice %arg7[%add3A_760, %dma_wait3A_779] : memref<40x64xi32, #tpu.memory_space<vmem>> -> memref<1x64xi32, #tpu.memory_space<vmem>>
      %dma_wait3A_781 = tpu.memref_squeeze %dma_wait3A_780 : memref<1x64xi32, #tpu.memory_space<vmem>> -> memref<64xi32, #tpu.memory_space<vmem>>
      %dma_wait3A_782 = arith.constant 0 : i32
      %dma_wait3A_783 = arith.constant 0 : i32
      %dma_wait3A_784 = tpu.memref_slice %arg2[%add3A_313, %dma_wait3A_782, %dma_wait3A_783] : memref<4x10240x128xf32, #tpu.memory_space<hbm>> -> memref<1x10240x128xf32, #tpu.memory_space<hbm>>
      %dma_wait3A_785 = tpu.memref_squeeze %dma_wait3A_784 : memref<1x10240x128xf32, #tpu.memory_space<hbm>> -> memref<10240x128xf32, #tpu.memory_space<hbm>>
      %dma_wait3A_786 = arith.constant 0 : i32
      %dma_wait3A_787 = arith.constant 0 : i32
      %dma_wait3A_788 = tpu.memref_slice %dma_wait3A_785[%dma_wait3A_786, %dma_wait3A_787] : memref<10240x128xf32, #tpu.memory_space<hbm>> -> memref<10240x128xf32, #tpu.memory_space<hbm>>
      %dma_wait3A_789 = tpu.memref_slice %arg11[%dma_wait3A_774] : memref<4x!tpu.dma_semaphore, #tpu.memory_space<semaphore_mem>> -> memref<1x!tpu.dma_semaphore, #tpu.memory_space<semaphore_mem>>
      %dma_wait3A_790 = tpu.memref_squeeze %dma_wait3A_789 : memref<1x!tpu.dma_semaphore, #tpu.memory_space<semaphore_mem>> -> memref<!tpu.dma_semaphore, #tpu.memory_space<semaphore_mem>>
      tpu.wait_indirect_dma semaphore(%dma_wait3A_790 : memref<!tpu.dma_semaphore, #tpu.memory_space<semaphore_mem>>) src(%dma_wait3A_788 : memref<10240x128xf32, #tpu.memory_space<hbm>>) dst(%dma_wait3A_778 : memref<64x128xf32, #tpu.memory_space<vmem>>)
      %dma_start3A_791 = arith.constant 3 : i32
      %dma_start3A_792 = arith.constant 0 : i32
      %dma_start3A_793 = arith.constant 0 : i32
      %dma_start3A_794 = tpu.memref_slice %arg9[%dma_start3A_791, %dma_start3A_792, %dma_start3A_793] : memref<4x64x128xf32, #tpu.memory_space<vmem>> -> memref<1x64x128xf32, #tpu.memory_space<vmem>>
      %dma_start3A_795 = tpu.memref_squeeze %dma_start3A_794 : memref<1x64x128xf32, #tpu.memory_space<vmem>> -> memref<64x128xf32, #tpu.memory_space<vmem>>
      %dma_start3A_796 = arith.constant 0 : i32
      %dma_start3A_797 = tpu.memref_slice %arg8[%add3A_760, %dma_start3A_796] : memref<40x64xi32, #tpu.memory_space<vmem>> -> memref<1x64xi32, #tpu.memory_space<vmem>>
      %dma_start3A_798 = tpu.memref_squeeze %dma_start3A_797 : memref<1x64xi32, #tpu.memory_space<vmem>> -> memref<64xi32, #tpu.memory_space<vmem>>
      %dma_start3A_799 = arith.constant 0 : i32
      %dma_start3A_800 = arith.constant 0 : i32
      %dma_start3A_801 = tpu.memref_slice %arg10[%dma_start3A_799, %dma_start3A_800] : memref<10240x128xf32, #tpu.memory_space<vmem_shared>> -> memref<10240x128xf32, #tpu.memory_space<vmem_shared>>
      tpu.enqueue_indirect_dma source(%dma_start3A_795 : memref<64x128xf32, #tpu.memory_space<vmem>>) target(%dma_start3A_801 : memref<10240x128xf32, #tpu.memory_space<vmem_shared>>) offsets(%dma_start3A_798 : memref<64xi32, #tpu.memory_space<vmem>>) semaphore(%arg12 : memref<!tpu.dma_semaphore, #tpu.memory_space<semaphore_mem>>) {add = true}
    }
    %scan3A_610 = arith.constant 10 : i32
    %dma_wait3A_611 = arith.constant 3 : i32
    %dma_wait3A_612 = arith.constant 39 : i32
    %dma_wait3A_613 = arith.constant 0 : i32
    %dma_wait3A_614 = arith.constant 0 : i32
    %dma_wait3A_615 = tpu.memref_slice %arg9[%dma_wait3A_611, %dma_wait3A_613, %dma_wait3A_614] : memref<4x64x128xf32, #tpu.memory_space<vmem>> -> memref<1x64x128xf32, #tpu.memory_space<vmem>>
    %dma_wait3A_616 = tpu.memref_squeeze %dma_wait3A_615 : memref<1x64x128xf32, #tpu.memory_space<vmem>> -> memref<64x128xf32, #tpu.memory_space<vmem>>
    %dma_wait3A_617 = arith.constant 0 : i32
    %dma_wait3A_618 = tpu.memref_slice %arg8[%dma_wait3A_612, %dma_wait3A_617] : memref<40x64xi32, #tpu.memory_space<vmem>> -> memref<1x64xi32, #tpu.memory_space<vmem>>
    %dma_wait3A_619 = tpu.memref_squeeze %dma_wait3A_618 : memref<1x64xi32, #tpu.memory_space<vmem>> -> memref<64xi32, #tpu.memory_space<vmem>>
    %dma_wait3A_620 = arith.constant 0 : i32
    %dma_wait3A_621 = arith.constant 0 : i32
    %dma_wait3A_622 = tpu.memref_slice %arg10[%dma_wait3A_620, %dma_wait3A_621] : memref<10240x128xf32, #tpu.memory_space<vmem_shared>> -> memref<10240x128xf32, #tpu.memory_space<vmem_shared>>
    tpu.wait_indirect_dma semaphore(%arg12 : memref<!tpu.dma_semaphore, #tpu.memory_space<semaphore_mem>>) src(%dma_wait3A_616 : memref<64x128xf32, #tpu.memory_space<vmem>>) dst(%dma_wait3A_622 : memref<10240x128xf32, #tpu.memory_space<vmem_shared>>)
    %barrier3A_623 = arith.constant 0 : index
    tpu.barrier barrier_id(%barrier3A_623)
    "tpu.region"() ({
      %run_scoped3A_625 = tpu.sem_alloc : memref<!tpu.dma_semaphore, #tpu.memory_space<semaphore_mem>>
      %dma_start3A_626 = arith.constant 0 : i32
      %dma_start3A_627 = arith.constant 0 : i32
      %dma_start3A_628 = tpu.memref_slice %arg6[%add3A_313, %dma_start3A_626, %dma_start3A_627] : memref<4x10240x128xf32, #tpu.memory_space<hbm>> -> memref<1x10240x128xf32, #tpu.memory_space<hbm>>
      %dma_start3A_629 = tpu.memref_squeeze %dma_start3A_628 : memref<1x10240x128xf32, #tpu.memory_space<hbm>> -> memref<10240x128xf32, #tpu.memory_space<hbm>>
      %dma_start3A_630 = arith.constant 0 : i32
      %dma_start3A_631 = tpu.memref_slice %dma_start3A_629[%mul3A_0, %dma_start3A_630] : memref<10240x128xf32, #tpu.memory_space<hbm>> -> memref<640x128xf32, #tpu.memory_space<hbm>>
      %dma_start3A_632 = arith.constant 0 : i32
      %dma_start3A_633 = tpu.memref_slice %arg10[%mul3A_0, %dma_start3A_632] : memref<10240x128xf32, #tpu.memory_space<vmem_shared>> -> memref<640x128xf32, #tpu.memory_space<vmem_shared>>
      tpu.enqueue_dma source(%dma_start3A_633 : memref<640x128xf32, #tpu.memory_space<vmem_shared>>) target(%dma_start3A_631 : memref<640x128xf32, #tpu.memory_space<hbm>>) target_semaphore(%run_scoped3A_625 : memref<!tpu.dma_semaphore, #tpu.memory_space<semaphore_mem>>)
      %dma_wait3A_634 = arith.constant 0 : i32
      %dma_wait3A_635 = arith.constant 0 : i32
      %dma_wait3A_636 = tpu.memref_slice %arg6[%add3A_313, %dma_wait3A_634, %dma_wait3A_635] : memref<4x10240x128xf32, #tpu.memory_space<hbm>> -> memref<1x10240x128xf32, #tpu.memory_space<hbm>>
      %dma_wait3A_637 = tpu.memref_squeeze %dma_wait3A_636 : memref<1x10240x128xf32, #tpu.memory_space<hbm>> -> memref<10240x128xf32, #tpu.memory_space<hbm>>
      %dma_wait3A_638 = arith.constant 0 : i32
      %dma_wait3A_639 = tpu.memref_slice %dma_wait3A_637[%mul3A_0, %dma_wait3A_638] : memref<10240x128xf32, #tpu.memory_space<hbm>> -> memref<640x128xf32, #tpu.memory_space<hbm>>
      %dma_wait3A_640 = arith.constant 0 : i32
      %dma_wait3A_641 = tpu.memref_slice %arg10[%mul3A_0, %dma_wait3A_640] : memref<10240x128xf32, #tpu.memory_space<vmem_shared>> -> memref<640x128xf32, #tpu.memory_space<vmem_shared>>
      tpu.wait_dma2 semaphore(%run_scoped3A_625 : memref<!tpu.dma_semaphore, #tpu.memory_space<semaphore_mem>>) src(%dma_wait3A_641 : memref<640x128xf32, #tpu.memory_space<vmem_shared>>) dst(%dma_wait3A_639 : memref<640x128xf32, #tpu.memory_space<hbm>>)
      tpu.yield
    }) : () -> ()
    %barrier3A_624 = arith.constant 0 : index
    tpu.barrier barrier_id(%barrier3A_624)
    return
  }
}

</mosaic_0001>

<sc_bundles>
// kernel: _segment_sum_sc.3.cloned.1.call-start
scs
__scs_entry_jumppad:
0x0: {  	(pc) =	sbr.rel $0x88, $3  }
0x1: {  	(tag) =	ssettag $0x0;
	lr =	simm.s32 $0x1  }
0x2: {  	[smem:$0x3F9D] =	sst lr;
	_ =	strace $0xD0000000  }
0x3: {  	_ = 	snop  }
0x4: {  	_ = 	snop  }
0x5: {  	_ = 	snop  }
0x6: {  	_ = 	snop  }
0x7: {  	_ = 	snop  }
__scs_overlays_trampoline_lowered:
0x8: {  	[smem:$0x3FAC] =	sst s0  }
0x9: {  	[smem:$0x3FAD] =	sst s1  }
0xa: {  	[smem:$0x3FAE] =	sst s2  }
0xb: {  	[smem:$0x3FAF] =	sst s3  }
0xc: {  	[smem:$0x3FB0] =	sst s4  }
0xd: {  	[smem:$0x3FB1] =	sst s5  }
0xe: {  	[smem:$0x3FB2] =	sst s6  }
0xf: {  	[smem:$0x3FB3] =	sst s7  }
0x10: {  	[smem:$0x3FB4] =	sst s8  }
0x11: {  	[smem:$0x3FB5] =	sst s9;
	s0 =	simm.s32 @!p0 $0x0  }
0x12: {  	s1 =	sld [smem:$0x3F9B];
	s0 =	simm.s32 @p0 $0x1  }
0x13: {  	[smem:$0x3FB6] =	sst s0;
	s0 =	simm.s32 @!p1 $0x0  }
0x14: {  	s2 =	sld [smem:$0x3F9A];
	s0 =	simm.s32 @p1 $0x1  }
0x15: {  	[smem:$0x3FB7] =	sst s0;
	s0 =	simm.s32 @!p2 $0x0  }
0x16: {  	s3 =	sld [smem:$0x3FDB];
	s0 =	simm.s32 @p2 $0x1  }
0x17: {  	s4 =	simm.s32 $0x1BF5;
	[smem:$0x3FB9] =	sst s0  }
0x18: {  	s0 =	sld [smem:$0x3F9C];
	_ =	swait.ge [sflag:s4], $0x0  }
0x19: {  	s7 =	sld [smem:$0x3F9D]  }
0x1a: {  	s8 =	sadd.s32 $0xFFFFE003, lr  }
0x1b: {  	s9 =	sadd.s32 $0xFFFFFEF7, lr;
	s5 =	simm.s32 $0xFFFFFFFF;
	p2 =	slt.u32 s8, $0xFFFFF086  }
0x1c: {  	p1 =	slt.u32 s9, $0xF7A;
	s5 =	simm.s32 @!p2 $0x0  }
0x1d: {  	s5 =	simm.s32 @p1 $0x1;
	p0 =	seq.s32 s7, s2  }
0x1e: {  	s7 =	smul.u32 @!p0 $0xF7A, s2;
	p2 =	seq.s32 @!p0 s5, $0x0  }
0x1f: {  	s9 =	smul.u32 $0xF7A, s1;
	s8 =	simm.s32 @!p0 $0x1BF5;
	p2 =	por !p2, p0  }
0x20: {  	[sflag:s8] =	ssyncset.s32 @!p0 $0xFFFFF086;
	s6 =	sadd.s32 @!p0 s3, s7;
	s7 =	simm.s32 @!p0 $0x108  }
0x21: {  	s3 =	sadd.s32 s3, s9;
	s6 =	sadd.s32 @!p0 $0x88, s6;
	s7 =	simm.s32 @p2 $0x1082  }
0x22: {  	[simem:s7], [sflag:s8] =	dma.local @!p0 [hbm:s6], $0xF7A  }
0x23: {  	s9 =	sor.u32 $0xD0000000, s2;
	s6 =	simm.s32 $0x108;
	_ =	swait.ge @!p0 [sflag:s8], $0x0  }
0x24: {  	s3 =	sadd.s32 $0x88, s3;
	s6 =	simm.s32 @!p1 $0x1082;
	[sflag:s4] =	ssyncset.s32 $0xFFFFF086  }
0x25: {  	[simem:s6], [sflag:s4] =	dma.local [hbm:s3], $0xF7A  }
0x26: {  	[smem:$0x3F9D] =	sst s1;
	(tag) =	ssettag s2;
	_ =	strace s9  }
0x27: {  	s1 =	sld [smem:$0x3FAD]  }
0x28: {  	s2 =	sld [smem:$0x3FAE]  }
0x29: {  	s4 =	sld [smem:$0x3FB0]  }
0x2a: {  	p0 =	seq.s32 s5, $0x0;
	s5 =	sld [smem:$0x3FB1]  }
0x2b: {  	s6 =	sld [smem:$0x3FB2]  }
0x2c: {  	s7 =	sld [smem:$0x3FB3]  }
0x2d: {  	s3 =	simm.s32 $0x108;
	s8 =	sld [smem:$0x3FB4]  }
0x2e: {  	s3 =	simm.s32 @!p0 $0x1082;
	s9 =	sld [smem:$0x3FB5]  }
0x2f: {  	lr =	sadd.s32 s0, s3;
	s0 =	sld [smem:$0x3FAC]  }
0x30: {  	s3 =	sld [smem:$0x3FAF]  }
0x31: {  	[smem:$0x3FB8] =	sst s10  }
0x32: {  	s10 =	sld [smem:$0x3FB6];
	_ =	sdelay $0x3  }
0x33: {  	p0 =	seq.s32 s10, $0x1;
	s10 =	sld [smem:$0x3FB8];
	_ =	sdelay $0x3  }
0x34: {  	[smem:$0x3FB8] =	sst s10  }
0x35: {  	s10 =	sld [smem:$0x3FB7];
	_ =	sdelay $0x3  }
0x36: {  	p1 =	seq.s32 s10, $0x1;
	s10 =	sld [smem:$0x3FB8];
	_ =	sdelay $0x3  }
0x37: {  	[smem:$0x3FB8] =	sst s10  }
0x38: {  	s10 =	sld [smem:$0x3FB9]  }
0x39: {  	_ = 	snop;
	(pc) =	sbr.ind lr, $3  }
0x3a: {  	_ = 	snop  }
0x3b: {  	_ = 	snop  }
0x3c: {  	p2 =	seq.s32 s10, $0x1;
	s10 =	sld [smem:$0x3FB8]  }
0x3d: {  	_ =	shalt  }
0x3e: {  	_ =	shalt  }
0x3f: {  	_ =	shalt  }
0x40: {  	_ =	shalt  }
0x41: {  	_ =	shalt  }
0x42: {  	_ =	shalt  }
0x43: {  	_ =	shalt  }
0x44: {  	_ =	shalt  }
0x45: {  	_ =	shalt  }
0x46: {  	_ =	shalt  }
0x47: {  	_ =	shalt  }
0x48: {  	_ =	shalt  }
0x49: {  	_ =	shalt  }
0x4a: {  	_ =	shalt  }
0x4b: {  	_ =	shalt  }
0x4c: {  	_ =	shalt  }
0x4d: {  	_ =	shalt  }
0x4e: {  	_ =	shalt  }
0x4f: {  	_ =	shalt  }
0x50: {  	_ =	shalt  }
0x51: {  	_ =	shalt  }
0x52: {  	_ =	shalt  }
0x53: {  	_ =	shalt  }
0x54: {  	_ =	shalt  }
0x55: {  	_ =	shalt  }
0x56: {  	_ =	shalt  }
0x57: {  	_ =	shalt  }
0x58: {  	_ =	shalt  }
0x59: {  	_ =	shalt  }
0x5a: {  	_ =	shalt  }
0x5b: {  	_ =	shalt  }
0x5c: {  	_ =	shalt  }
0x5d: {  	_ =	shalt  }
0x5e: {  	_ =	shalt  }
0x5f: {  	_ =	shalt  }
0x60: {  	_ =	shalt  }
0x61: {  	_ =	shalt  }
0x62: {  	_ =	shalt  }
0x63: {  	_ =	shalt  }
0x64: {  	_ =	shalt  }
0x65: {  	_ =	shalt  }
0x66: {  	_ =	shalt  }
0x67: {  	_ =	shalt  }
0x68: {  	_ =	shalt  }
0x69: {  	_ =	shalt  }
0x6a: {  	_ =	shalt  }
0x6b: {  	_ =	shalt  }
0x6c: {  	_ =	shalt  }
0x6d: {  	_ =	shalt  }
0x6e: {  	_ =	shalt  }
0x6f: {  	_ =	shalt  }
0x70: {  	_ =	shalt  }
0x71: {  	_ =	shalt  }
0x72: {  	_ =	shalt  }
0x73: {  	_ =	shalt  }
0x74: {  	_ =	shalt  }
0x75: {  	_ =	shalt  }
0x76: {  	_ =	shalt  }
0x77: {  	_ =	shalt  }
0x78: {  	_ =	shalt  }
0x79: {  	_ =	shalt  }
0x7a: {  	_ =	shalt  }
0x7b: {  	_ =	shalt  }
0x7c: {  	_ =	shalt  }
0x7d: {  	_ =	shalt  }
0x7e: {  	_ =	shalt  }
0x7f: {  	_ =	shalt  }
0x80: {  	_ =	shalt  }
0x81: {  	_ =	shalt  }
0x82: {  	_ =	shalt  }
0x83: {  	_ =	shalt  }
0x84: {  	_ =	shalt  }
0x85: {  	_ =	shalt  }
0x86: {  	_ =	shalt  }
0x87: {  	_ =	shalt  }
.Lfunc_end0:
.L_simem_size_0:
called_computation_lowered:
.L_overlay_start_0:
0x88: {  	s2 =	sld [smem:$0x3FD9]  }
0x89: {  	s3 =	sld [smem:$0x3FFE];
	_ =	sdelay $0x1  }
0x8a: {  	s1 =	srdreg.scid  }
0x8b: {  	s0 =	sand.u32 $0x1, s1  }
0x8c: {  	s18 =	sshll.u32 s0, $0xA;
	s2 =	sadd.s32 s3, s2  }
0x8d: {  	s2 =	sadd.s32 s2, s18  }
0x8e: {  	[smem:$0x3FC4] =	sst s2  }
0x8f: {  	_ = 	snop  }
0x90: {  	s2 =	sld [smem:$0x3FC9]  }
0x91: {  	s19 =	sld [smem:$0x3FC8]  }
0x92: {  	s4 =	sld [smem:$0x3FC7]  }
0x93: {  	s5 =	sld [smem:$0x3FC6]  }
0x94: {  	s6 =	sld [smem:$0x3FD0];
	(tm) =	ssettm $0x1  }
0x95: {  	s7 =	sld [smem:$0x3FFB];
	_ =	sdelay $0x3  }
0x96: {  	_ =	strace s7  }
0x97: {  	s7 =	sld [smem:$0x3FFC];
	_ =	sdelay $0x3  }
0x98: {  	_ =	strace s7  }
0x99: {  	s7 =	sld [smem:$0x3FFD];
	_ =	sdelay $0x3  }
0x9a: {  	_ =	strace s7  }
0x9b: {  	_ =	strace $0x8FFFFFFF  }
0x9c: {  	s20 =	sld [smem:$0x3FDB];
	_ =	sdelay $0x1  }
0x9d: {  	s8 =	simm.s32 $_scs_section_size  }
0x9e: {  	s9 =	simm.s32 $_size__tile_overlayer_lowered;
	s10 =	simm.s32 $_tile_overlayer_lowered  }
0x9f: {  	s23 =	simm.s32 $0x1BFF;
	s22 =	sshll.u32 s10, $0x1;
	s7 =	sadd.s32 s8, s20  }
0xa0: {  	s11 =	simm.s32 $0x0;
	s21 =	sshll.u32 s9, $0x1;
	s9 =	sadd.s32 s22, s7  }
0xa1: {  	[timem:s11], [sflag:s23] =	dma.local [hbm:s9], s21  }
0xa2: {  	_ =	swait.ge [sflag:s23], s21  }
0xa3: {  	s8 =	ssub.s32 $0x0, s21;
	[sflag:s23] =	ssyncset.done $0x0  }
0xa4: {  	[sflag:s23] =	ssyncadd.s32 s8;
	_ =	sdelay $0x1  }
0xa5: {  	s24 =	simm.s32 $0x1B8B  }
0xa6: {  	_ =	swait.ge [sflag:s24], $0x1  }
0xa7: {  	[sflag:s24] =	ssyncset.done $0x0  }
0xa8: {  	s25 =	simm.s32 $0x1B8E;
	[sflag:s24] =	ssyncadd.s32 $0xFFFFFFFF  }
0xa9: {  	s26 =	simm.s32 $execute0_lowered;
	[smem:$0x3FD2] =	sst s25  }
0xaa: {  	s8 =	sshll.u32 s26, $0x1;
	_ =	strace $0x80000046;
	[dreg:$0x1] =	wrdreg $0xFFFFFFFF  }
0xab: {  	s28 =	simm.s32 $_size_execute0_lowered;
	s7 =	sadd.s32 s7, s8;
	[dreg:$0x0] =	wrdreg $0x0  }
0xac: {  	s8 =	sshll.u32 s28, $0x1;
	[dreg:$0x2] =	wrdreg s7  }
0xad: {  	[dreg:$0x3] =	wrdreg s8  }
0xae: {  	[dreg:$0x4] =	wrdreg $0xC0  }
0xaf: {  	_ =	task [dreg:s11], $0x5FFFF  }
0xb0: {  	[dreg:$0x1] =	wrdreg $0xFFFFFFFF  }
0xb1: {  	[dreg:$0x0] =	wrdreg $0x60  }
0xb2: {  	[dreg:$0x2] =	wrdreg s2  }
0xb3: {  	[dreg:$0x3] =	wrdreg s19  }
0xb4: {  	[dreg:$0x4] =	wrdreg s4  }
0xb5: {  	[dreg:$0x5] =	wrdreg s5  }
0xb6: {  	[dreg:$0x6] =	wrdreg s6  }
0xb7: {  	[dreg:$0x7] =	wrdreg $0xA8000  }
0xb8: {  	[dreg:$0x8] =	wrdreg $0x9  }
0xb9: {  	_ =	task.clear_ibuf [dreg:s11], $0x9FFFF;
	_ =	strace $0x90000046  }
0xba: {  	s29 =	simm.s32 $0x9;
	_ =	strace $0x80000048  }
0xbb: {  	_ =	swait.ge [sflag:s29], $0x1  }
0xbc: {  	[sflag:s29] =	ssyncadd.s32 $0xFFFFFFFF  }
0xbd: {  	_ =	strace $0x90000048  }
0xbe: {  	_ =	sfence  }
0xbf: {  	s30 =	sld [smem:$0x0];
	_ =	sdelay $0x2  }
0xc0: {  	s31 =	sshll.u32 s1, $0xD;
	s1 =	sshrl.u32 s1, $0x2  }
0xc1: {  	s3 =	sand.u32 $0x4000, s31;
	s1 =	sadd.s32 s1, s30  }
0xc2: {  	s0 =	sor.u32 s3, s0;
	s1 =	sshll.u32 s1, $0x11  }
0xc3: {  	s0 =	sor.u32 s1, s0  }
0xc4: {  	s0 =	sadd.s32 $0x8F2B, s0  }
0xc5: {  	[sflag:s0] =	ssyncadd.remote.s32 $0x1  }
0xc6: {  	_ =	sfence.sel $0xFFFF  }
0xc7: {  	[dreg:$0x0] =	wrdreg $0xFFFFFFFF;
	(pc) =	sbr.abs _section_cstart, $3  }
0xc8: {  	[dreg:$0x1] =	wrdreg $0xFFFFFFFF  }
0xc9: {  	_ =	task.clear_ibuf [dreg:s11], $0x2FFFF;
	_ =	strace $0x9FFFFFFF  }
0xca: {  	(tm) =	ssettm $0x7FFFFFFF  }
0xcb: {  	_ =	shalt  }
tec
execute0_lowered:
.L_overlay_start_1:
0x0: {  	(tag) =	ssettag $0x1  }
0x1: {  	s0 =	rddreg [dreg:$0x0]  }
0x2: {  	s1 =	rddreg [dreg:$0x1]  }
0x3: {  	s3 =	rddreg [dreg:$0x2]  }
0x4: {  	s4 =	rddreg [dreg:$0x3]  }
0x5: {  	s5 =	rddreg [dreg:$0x4]  }
0x6: {  	s2 =	rddreg [dreg:$0x5]  }
0x7: {  	s6 =	srdreg.scid;
	s7 =	simm.s32 $0x0;
	s11 =	stileid.u32  }
0x8: {  	s28 =	simm.s32 $0x6800;
	s30 =	simm.s32 $0x8800;
	s8 =	smul.u32 $0x50000, s11  }
0x9: {  	s31 =	simm.s32 $0x1;
	s6 =	sand.u32 $0x1, s6;
	s10 =	smul.u32 $0x2800, s11  }
0xa: {  	[smem:$0x7FF] =	sst s7;
	s12 =	smul.u32 $0x5000, s11;
	s13 =	sshll.u32 s11, $0x6  }
0xb: {  	s11 =	simm.s32 $0x2600;
	s29 =	ssub.s32 $0x2, s6;
	s14 =	smul.u32 $0x50000, s6  }
0xc: {  	_ =	strace $0x80000047;
	s26 =	sor.u32 $0x1C06, s13;
	s6 =	smul.u32 $0x280000, s6  }
0xd: {  	s9 =	sshrl.u32 s29, $0x1;
	s8 =	sshrl.u32 s8, $0x2;
	s4 =	sadd.s32 s4, s10  }
0xe: {  	s15 =	sshrl.u32 s12, $0x3;
	[dreg:$0x9] =	wrdreg s26;
	s7 =	ssub.s32 s29, s9  }
0xf: {  	s8 =	sadd.s32 s8, s2;
	[dreg:$0x8] =	wrdreg s4;
	s16 =	sadd.s32 s1, s15  }
0x10: {  	s17 =	sadd.s32 s3, s15;
	s9 =	sadd.s32 s0, s14;
	s18 =	sadd.s32 $0x280, s15  }
0x11: {  	s12 =	sadd.s32 $0x500, s15;
	s4 =	sadd.s32 $0x780, s15;
	[dreg:$0x7] =	wrdreg s8  }
0x12: {  	s6 =	sshrl.u32 s6, $0x3;
	s23 =	sadd.s32 s5, s14;
	[dreg:$0xa] =	wrdreg s16  }
0x13: {  	s14 =	simm.s32 $0x2780;
	s15 =	simm.s32 $0x0;
	[dreg:$0xb] =	wrdreg s17  }
0x14: {  	s13 =	sadd.s32 s1, s18;
	s8 =	sadd.s32 s3, s18;
	s19 =	sadd.s32 s1, s12  }
0x15: {  	s20 =	sadd.s32 s3, s12;
	s1 =	sadd.s32 s1, s4;
	s21 =	sadd.s32 s3, s4  }
0x16: {  	s22 =	sadd.s32 $0x28000, s6;
	s25 =	smax.u32 s7, $0x1;
	[dreg:$0xc] =	wrdreg s13  }
0x17: {  	s18 =	simm.s32 $0x6;
	s29 =	sadd.s32 s10, s23;
	[dreg:$0xd] =	wrdreg s8  }
0x18: {  	s4 =	simm.s32 $0x2;
	s17 =	simm.s32 $0x1480;
	[dreg:$0xe] =	wrdreg s19  }
0x19: {  	s23 =	simm.s32 $0x280;
	s3 =	simm.s32 $0x1500;
	[dreg:$0xf] =	wrdreg s20  }
0x1a: {  	s7 =	simm.s32 $0x4;
	s12 =	simm.s32 $0x2680;
	[dreg:$0x10] =	wrdreg s1  }
0x1b: {  	[dreg:$0x11] =	wrdreg s21;
	s16 =	sadd.s32 s0, s22;
	s24 =	sadd.s32 s5, s22  }
0x1c: {  	[dreg:$0x12] =	wrdreg s25;
	s19 =	simm.s32 $0x1400;
	s20 =	simm.s32 $0x40  }
0x1d: {  	s21 =	simm.s32 $0x2800;
	[dreg:$0x13] =	wrdreg s29;
	s25 =	simm.s32 $0x4800  }
0x1e: {  	s1 =	simm.s32 $0x200;
	s5 =	simm.s32 $0x300;
	s8 =	simm.s32 $0x1580  }
0x1f: {  	s13 =	simm.s32 $0x2700;
	s0 =	sadd.s32 s10, s24;
	s24 =	simm.s32 $0x3  }
0x20: {  	s10 =	simm.s32 $0x1380;
	[dreg:$0x14] =	wrdreg s0;
	s0 =	simm.s32 $0x5  }
.LBB2_1:
0x21: {  	s6 =	rddreg [dreg:$0x7]  }
0x22: {  	s22 =	rddreg [dreg:$0x8];
	s6 =	sshrl.u32 s6, $0x3  }
0x23: {  	[spmem:s6], [sflag:s26] =	dma.local [hbm:s22], $0x2800  }
0x24: {  	_ =	swait.ge [sflag:s18], $0x2800  }
0x25: {  	[sflag:s18] =	ssyncset.done $0x0  }
0x26: {  	[sflag:s18] =	ssyncadd.s32 $0xFFFFD800  }
0x27: {  	[bflag:$0x0] =	sbarrier.arrive $0xFFFF  }
0x28: {  	s22 =	simm.s32 $0x0;
	s29 =	rddreg [dreg:$0xa]  }
0x29: {  	[tilespmem:s22], [sflag:$0x6] =	stream.linear.gather [hbm4b:s29+s22], $0x1400, $0x38;
	[tilespmem:$0x1E800] =	vst v63  }
0x2a: {  	_ =	swait.ge [sflag:s18], $0x1400  }
0x2b: {  	[sflag:s18] =	ssyncset.done $0x0  }
0x2c: {  	s29 =	rddreg [dreg:$0xb];
	[sflag:s18] =	ssyncadd.s32 $0xFFFFEC00  }
0x2d: {  	[tilespmem:s19], [sflag:$0x6] =	stream.linear.gather [hbm4b:s29+s22], $0x1400, $0x38;
	[tilespmem:$0x1E800] =	vst v63  }
0x2e: {  	_ =	swait.ge [sflag:s18], $0x1400  }
0x2f: {  	[sflag:s18] =	ssyncset.done $0x0  }
0x30: {  	[sflag:s18] =	ssyncadd.s32 $0xFFFFEC00  }
0x31: {  	[tilespmem:s21], [sflag:$0x1] =	stream.indirect.gather [hbm4b:s9+s20], $0x80, s22, s20, $0xb8;
	[tilespmem:$0x1E800] =	vst v63  }
0x32: {  	s26 =	simm.s32 $0x80  }
0x33: {  	[tilespmem:s25], [sflag:$0x2] =	stream.indirect.gather [hbm4b:s9+s20], $0x80, s26, s20, $0xb8;
	[tilespmem:$0x1E800] =	vst v63  }
0x34: {  	s29 =	simm.s32 $0x100  }
0x35: {  	[tilespmem:s28], [sflag:$0x3] =	stream.indirect.gather [hbm4b:s9+s20], $0x80, s29, s20, $0xb8;
	[tilespmem:$0x1E800] =	vst v63  }
0x36: {  	s26 =	simm.s32 $0x180  }
0x37: {  	[tilespmem:s30], [sflag:$0x4] =	stream.indirect.gather [hbm4b:s9+s20], $0x80, s26, s20, $0xb8;
	[tilespmem:$0x1E800] =	vst v63  }
0x38: {  	_ =	swait.ge [sflag:s31], $0x2000  }
0x39: {  	[sflag:s31] =	ssyncset.done $0x0  }
0x3a: {  	[sflag:s31] =	ssyncadd.s32 $0xFFFFE000  }
0x3b: {  	[spmem:s2] =	stream.indirect.scatter.add.f32 [tilespmem:s21], [sflag:$0x5], $0x80, s19, s20, $0xb8;
	[tilespmem:$0x1E800] =	vst v63  }
0x3c: {  	_ =	swait.ge [sflag:s0], $0x2000  }
0x3d: {  	[sflag:s0] =	ssyncset.done $0x0  }
0x3e: {  	[sflag:s0] =	ssyncadd.s32 $0xFFFFE000  }
0x3f: {  	[tilespmem:s21], [sflag:$0x1] =	stream.indirect.gather [hbm4b:s9+s20], $0x80, s1, s20, $0xb8;
	[tilespmem:$0x1E800] =	vst v63  }
0x40: {  	_ =	swait.ge [sflag:s4], $0x2000  }
0x41: {  	[sflag:s4] =	ssyncset.done $0x0  }
0x42: {  	[sflag:s4] =	ssyncadd.s32 $0xFFFFE000  }
0x43: {  	[spmem:s2] =	stream.indirect.scatter.add.f32 [tilespmem:s25], [sflag:$0x5], $0x80, s17, s20, $0xb8;
	[tilespmem:$0x1E800] =	vst v63  }
0x44: {  	_ =	swait.ge [sflag:s0], $0x2000  }
0x45: {  	[sflag:s0] =	ssyncset.done $0x0  }
0x46: {  	[sflag:s0] =	ssyncadd.s32 $0xFFFFE000  }
0x47: {  	[tilespmem:s25], [sflag:$0x2] =	stream.indirect.gather [hbm4b:s9+s20], $0x80, s23, s20, $0xb8;
	[tilespmem:$0x1E800] =	vst v63  }
0x48: {  	_ =	swait.ge [sflag:s24], $0x2000  }
0x49: {  	[sflag:s24] =	ssyncset.done $0x0  }
0x4a: {  	[sflag:s24] =	ssyncadd.s32 $0xFFFFE000  }
0x4b: {  	[spmem:s2] =	stream.indirect.scatter.add.f32 [tilespmem:s28], [sflag:$0x5], $0x80, s3, s20, $0xb8;
	[tilespmem:$0x1E800] =	vst v63  }
0x4c: {  	_ =	swait.ge [sflag:s0], $0x2000  }
0x4d: {  	[sflag:s0] =	ssyncset.done $0x0  }
0x4e: {  	[sflag:s0] =	ssyncadd.s32 $0xFFFFE000  }
0x4f: {  	[tilespmem:s28], [sflag:$0x3] =	stream.indirect.gather [hbm4b:s9+s20], $0x80, s5, s20, $0xb8;
	[tilespmem:$0x1E800] =	vst v63  }
0x50: {  	_ =	swait.ge [sflag:s7], $0x2000  }
0x51: {  	[sflag:s7] =	ssyncset.done $0x0  }
0x52: {  	[sflag:s7] =	ssyncadd.s32 $0xFFFFE000  }
0x53: {  	[spmem:s2] =	stream.indirect.scatter.add.f32 [tilespmem:s30], [sflag:$0x5], $0x80, s8, s20, $0xb8;
	[tilespmem:$0x1E800] =	vst v63  }
0x54: {  	_ =	swait.ge [sflag:s0], $0x2000  }
0x55: {  	[sflag:s0] =	ssyncset.done $0x0  }
0x56: {  	s29 =	simm.s32 $0x380;
	[sflag:s0] =	ssyncadd.s32 $0xFFFFE000  }
0x57: {  	[tilespmem:s30], [sflag:$0x4] =	stream.indirect.gather [hbm4b:s9+s20], $0x80, s29, s20, $0xb8;
	[tilespmem:$0x1E800] =	vst v63  }
0x58: {  	_ =	swait.ge [sflag:s31], $0x2000  }
0x59: {  	[sflag:s31] =	ssyncset.done $0x0  }
0x5a: {  	s26 =	simm.s32 $0x1600;
	[sflag:s31] =	ssyncadd.s32 $0xFFFFE000  }
0x5b: {  	[spmem:s2] =	stream.indirect.scatter.add.f32 [tilespmem:s21], [sflag:$0x5], $0x80, s26, s20, $0xb8;
	[tilespmem:$0x1E800] =	vst v63  }
0x5c: {  	_ =	swait.ge [sflag:s0], $0x2000  }
0x5d: {  	[sflag:s0] =	ssyncset.done $0x0  }
0x5e: {  	s29 =	simm.s32 $0x400;
	[sflag:s0] =	ssyncadd.s32 $0xFFFFE000  }
0x5f: {  	[tilespmem:s21], [sflag:$0x1] =	stream.indirect.gather [hbm4b:s9+s20], $0x80, s29, s20, $0xb8;
	[tilespmem:$0x1E800] =	vst v63  }
0x60: {  	_ =	swait.ge [sflag:s4], $0x2000  }
0x61: {  	[sflag:s4] =	ssyncset.done $0x0  }
0x62: {  	s26 =	simm.s32 $0x1680;
	[sflag:s4] =	ssyncadd.s32 $0xFFFFE000  }
0x63: {  	[spmem:s2] =	stream.indirect.scatter.add.f32 [tilespmem:s25], [sflag:$0x5], $0x80, s26, s20, $0xb8;
	[tilespmem:$0x1E800] =	vst v63  }
0x64: {  	_ =	swait.ge [sflag:s0], $0x2000  }
0x65: {  	[sflag:s0] =	ssyncset.done $0x0  }
0x66: {  	s29 =	simm.s32 $0x480;
	[sflag:s0] =	ssyncadd.s32 $0xFFFFE000  }
0x67: {  	[tilespmem:s25], [sflag:$0x2] =	stream.indirect.gather [hbm4b:s9+s20], $0x80, s29, s20, $0xb8;
	[tilespmem:$0x1E800] =	vst v63  }
0x68: {  	_ =	swait.ge [sflag:s24], $0x2000  }
0x69: {  	[sflag:s24] =	ssyncset.done $0x0  }
0x6a: {  	s26 =	simm.s32 $0x1700;
	[sflag:s24] =	ssyncadd.s32 $0xFFFFE000  }
0x6b: {  	[spmem:s2] =	stream.indirect.scatter.add.f32 [tilespmem:s28], [sflag:$0x5], $0x80, s26, s20, $0xb8;
	[tilespmem:$0x1E800] =	vst v63  }
0x6c: {  	_ =	swait.ge [sflag:s0], $0x2000  }
0x6d: {  	[sflag:s0] =	ssyncset.done $0x0  }
0x6e: {  	s29 =	simm.s32 $0x500;
	[sflag:s0] =	ssyncadd.s32 $0xFFFFE000  }
0x6f: {  	[tilespmem:s28], [sflag:$0x3] =	stream.indirect.gather [hbm4b:s9+s20], $0x80, s29, s20, $0xb8;
	[tilespmem:$0x1E800] =	vst v63  }
0x70: {  	_ =	swait.ge [sflag:s7], $0x2000  }
0x71: {  	[sflag:s7] =	ssyncset.done $0x0  }
0x72: {  	s22 =	simm.s32 $0x800;
	s26 =	simm.s32 $0x1780;
	[sflag:s7] =	ssyncadd.s32 $0xFFFFE000  }
.LBB2_2:
0x73: {  	[spmem:s2] =	stream.indirect.scatter.add.f32 [tilespmem:s30], [sflag:$0x5], $0x80, s26, s20, $0xb8;
	[tilespmem:$0x1E800] =	vst v63  }
0x74: {  	s26 =	smov.u32 s22  }
0x75: {  	p0 =	sne.s32 s22, $0x3800;
	s22 =	sadd.s32 $0x800, s22;
	_ =	swait.ge [sflag:s0], $0x2000  }
0x76: {  	s26 =	sshra.s32 s26, $0x2;
	[sflag:s0] =	ssyncset.done $0x0  }
0x77: {  	s29 =	sadd.s32 $0x380, s26;
	[sflag:s0] =	ssyncadd.s32 $0xFFFFE000  }
0x78: {  	[tilespmem:s30], [sflag:$0x4] =	stream.indirect.gather [hbm4b:s9+s20], $0x80, s29, s20, $0xb8;
	[tilespmem:$0x1E800] =	vst v63  }
0x79: {  	_ =	swait.ge [sflag:s31], $0x2000  }
0x7a: {  	[sflag:s31] =	ssyncset.done $0x0  }
0x7b: {  	s29 =	sadd.s32 $0x1600, s26;
	[sflag:s31] =	ssyncadd.s32 $0xFFFFE000  }
0x7c: {  	[spmem:s2] =	stream.indirect.scatter.add.f32 [tilespmem:s21], [sflag:$0x5], $0x80, s29, s20, $0xb8;
	[tilespmem:$0x1E800] =	vst v63  }
0x7d: {  	_ =	swait.ge [sflag:s0], $0x2000  }
0x7e: {  	[sflag:s0] =	ssyncset.done $0x0  }
0x7f: {  	s29 =	sadd.s32 $0x400, s26;
	[sflag:s0] =	ssyncadd.s32 $0xFFFFE000  }
0x80: {  	[tilespmem:s21], [sflag:$0x1] =	stream.indirect.gather [hbm4b:s9+s20], $0x80, s29, s20, $0xb8;
	[tilespmem:$0x1E800] =	vst v63  }
0x81: {  	_ =	swait.ge [sflag:s4], $0x2000  }
0x82: {  	[sflag:s4] =	ssyncset.done $0x0  }
0x83: {  	s29 =	sadd.s32 $0x1680, s26;
	[sflag:s4] =	ssyncadd.s32 $0xFFFFE000  }
0x84: {  	[spmem:s2] =	stream.indirect.scatter.add.f32 [tilespmem:s25], [sflag:$0x5], $0x80, s29, s20, $0xb8;
	[tilespmem:$0x1E800] =	vst v63  }
0x85: {  	_ =	swait.ge [sflag:s0], $0x2000  }
0x86: {  	[sflag:s0] =	ssyncset.done $0x0  }
0x87: {  	s29 =	sadd.s32 $0x480, s26;
	[sflag:s0] =	ssyncadd.s32 $0xFFFFE000  }
0x88: {  	[tilespmem:s25], [sflag:$0x2] =	stream.indirect.gather [hbm4b:s9+s20], $0x80, s29, s20, $0xb8;
	[tilespmem:$0x1E800] =	vst v63  }
0x89: {  	_ =	swait.ge [sflag:s24], $0x2000  }
0x8a: {  	[sflag:s24] =	ssyncset.done $0x0  }
0x8b: {  	s29 =	sadd.s32 $0x1700, s26;
	[sflag:s24] =	ssyncadd.s32 $0xFFFFE000  }
0x8c: {  	[spmem:s2] =	stream.indirect.scatter.add.f32 [tilespmem:s28], [sflag:$0x5], $0x80, s29, s20, $0xb8;
	[tilespmem:$0x1E800] =	vst v63  }
0x8d: {  	_ =	swait.ge [sflag:s0], $0x2000  }
0x8e: {  	[sflag:s0] =	ssyncset.done $0x0  }
.Ltmp0:
0x8f: {  	s29 =	sadd.s32 $0x500, s26;
	[sflag:s0] =	ssyncadd.s32 $0xFFFFE000;
	(pc) =	sbr.rel @p0 .LBB2_2-.Ltmp0, $4  }
0x90: {  	[tilespmem:s28], [sflag:$0x3] =	stream.indirect.gather [hbm4b:s9+s20], $0x80, s29, s20, $0xb8;
	[tilespmem:$0x1E800] =	vst v63  }
0x91: {  	_ =	swait.ge [sflag:s7], $0x2000  }
0x92: {  	[sflag:s7] =	ssyncset.done $0x0  }
0x93: {  	s26 =	sadd.s32 $0x1780, s26;
	[sflag:s7] =	ssyncadd.s32 $0xFFFFE000  }
0x94: {  	[spmem:s2] =	stream.indirect.scatter.add.f32 [tilespmem:s30], [sflag:$0x5], $0x80, s26, s20, $0xb8;
	[tilespmem:$0x1E800] =	vst v63  }
0x95: {  	_ =	swait.ge [sflag:s0], $0x2000  }
0x96: {  	[sflag:s0] =	ssyncset.done $0x0  }
0x97: {  	[sflag:s0] =	ssyncadd.s32 $0xFFFFE000  }
0x98: {  	[tilespmem:s30], [sflag:$0x4] =	stream.indirect.gather [hbm4b:s9+s20], $0x80, s10, s20, $0xb8;
	[tilespmem:$0x1E800] =	vst v63  }
0x99: {  	_ =	swait.ge [sflag:s31], $0x2000  }
0x9a: {  	[sflag:s31] =	ssyncset.done $0x0  }
0x9b: {  	[sflag:s31] =	ssyncadd.s32 $0xFFFFE000  }
0x9c: {  	[spmem:s2] =	stream.indirect.scatter.add.f32 [tilespmem:s21], [sflag:$0x5], $0x80, s11, s20, $0xb8;
	[tilespmem:$0x1E800] =	vst v63  }
0x9d: {  	_ =	swait.ge [sflag:s0], $0x2000  }
0x9e: {  	[sflag:s0] =	ssyncset.done $0x0  }
0x9f: {  	[sflag:s0] =	ssyncadd.s32 $0xFFFFE000  }
0xa0: {  	_ =	swait.ge [sflag:s4], $0x2000  }
0xa1: {  	[sflag:s4] =	ssyncset.done $0x0  }
0xa2: {  	[sflag:s4] =	ssyncadd.s32 $0xFFFFE000  }
0xa3: {  	[spmem:s2] =	stream.indirect.scatter.add.f32 [tilespmem:s25], [sflag:$0x5], $0x80, s12, s20, $0xb8;
	[tilespmem:$0x1E800] =	vst v63  }
0xa4: {  	_ =	swait.ge [sflag:s0], $0x2000  }
0xa5: {  	[sflag:s0] =	ssyncset.done $0x0  }
0xa6: {  	[sflag:s0] =	ssyncadd.s32 $0xFFFFE000  }
0xa7: {  	_ =	swait.ge [sflag:s24], $0x2000  }
0xa8: {  	[sflag:s24] =	ssyncset.done $0x0  }
0xa9: {  	[sflag:s24] =	ssyncadd.s32 $0xFFFFE000  }
0xaa: {  	[spmem:s2] =	stream.indirect.scatter.add.f32 [tilespmem:s28], [sflag:$0x5], $0x80, s13, s20, $0xb8;
	[tilespmem:$0x1E800] =	vst v63  }
0xab: {  	_ =	swait.ge [sflag:s0], $0x2000  }
0xac: {  	[sflag:s0] =	ssyncset.done $0x0  }
0xad: {  	[sflag:s0] =	ssyncadd.s32 $0xFFFFE000  }
0xae: {  	_ =	swait.ge [sflag:s7], $0x2000  }
0xaf: {  	[sflag:s7] =	ssyncset.done $0x0  }
0xb0: {  	[sflag:s7] =	ssyncadd.s32 $0xFFFFE000  }
0xb1: {  	[spmem:s2] =	stream.indirect.scatter.add.f32 [tilespmem:s30], [sflag:$0x5], $0x80, s14, s20, $0xb8;
	[tilespmem:$0x1E800] =	vst v63  }
0xb2: {  	_ =	swait.ge [sflag:s0], $0x2000  }
0xb3: {  	[sflag:s0] =	ssyncset.done $0x0  }
0xb4: {  	s22 =	simm.s32 $0x0;
	s29 =	rddreg [dreg:$0xc];
	[sflag:s0] =	ssyncadd.s32 $0xFFFFE000  }
0xb5: {  	[tilespmem:s22], [sflag:$0x6] =	stream.linear.gather [hbm4b:s29+s22], $0x1400, $0x38;
	[tilespmem:$0x1E800] =	vst v63  }
0xb6: {  	_ =	swait.ge [sflag:s18], $0x1400  }
0xb7: {  	[sflag:s18] =	ssyncset.done $0x0  }
0xb8: {  	s29 =	rddreg [dreg:$0xd];
	[sflag:s18] =	ssyncadd.s32 $0xFFFFEC00  }
0xb9: {  	[tilespmem:s19], [sflag:$0x6] =	stream.linear.gather [hbm4b:s29+s22], $0x1400, $0x38;
	[tilespmem:$0x1E800] =	vst v63  }
0xba: {  	_ =	swait.ge [sflag:s18], $0x1400  }
0xbb: {  	[sflag:s18] =	ssyncset.done $0x0  }
0xbc: {  	[sflag:s18] =	ssyncadd.s32 $0xFFFFEC00  }
0xbd: {  	[tilespmem:s21], [sflag:$0x1] =	stream.indirect.gather [hbm4b:s9+s20], $0x80, s22, s20, $0xb8;
	[tilespmem:$0x1E800] =	vst v63  }
0xbe: {  	s26 =	simm.s32 $0x80  }
0xbf: {  	[tilespmem:s25], [sflag:$0x2] =	stream.indirect.gather [hbm4b:s9+s20], $0x80, s26, s20, $0xb8;
	[tilespmem:$0x1E800] =	vst v63  }
0xc0: {  	s29 =	simm.s32 $0x100  }
0xc1: {  	[tilespmem:s28], [sflag:$0x3] =	stream.indirect.gather [hbm4b:s9+s20], $0x80, s29, s20, $0xb8;
	[tilespmem:$0x1E800] =	vst v63  }
0xc2: {  	s26 =	simm.s32 $0x180  }
0xc3: {  	[tilespmem:s30], [sflag:$0x4] =	stream.indirect.gather [hbm4b:s9+s20], $0x80, s26, s20, $0xb8;
	[tilespmem:$0x1E800] =	vst v63  }
0xc4: {  	_ =	swait.ge [sflag:s31], $0x2000  }
0xc5: {  	[sflag:s31] =	ssyncset.done $0x0  }
0xc6: {  	[sflag:s31] =	ssyncadd.s32 $0xFFFFE000  }
0xc7: {  	[spmem:s2] =	stream.indirect.scatter.add.f32 [tilespmem:s21], [sflag:$0x5], $0x80, s19, s20, $0xb8;
	[tilespmem:$0x1E800] =	vst v63  }
0xc8: {  	_ =	swait.ge [sflag:s0], $0x2000  }
0xc9: {  	[sflag:s0] =	ssyncset.done $0x0  }
0xca: {  	[sflag:s0] =	ssyncadd.s32 $0xFFFFE000  }
0xcb: {  	[tilespmem:s21], [sflag:$0x1] =	stream.indirect.gather [hbm4b:s9+s20], $0x80, s1, s20, $0xb8;
	[tilespmem:$0x1E800] =	vst v63  }
0xcc: {  	_ =	swait.ge [sflag:s4], $0x2000  }
0xcd: {  	[sflag:s4] =	ssyncset.done $0x0  }
0xce: {  	[sflag:s4] =	ssyncadd.s32 $0xFFFFE000  }
0xcf: {  	[spmem:s2] =	stream.indirect.scatter.add.f32 [tilespmem:s25], [sflag:$0x5], $0x80, s17, s20, $0xb8;
	[tilespmem:$0x1E800] =	vst v63  }
0xd0: {  	_ =	swait.ge [sflag:s0], $0x2000  }
0xd1: {  	[sflag:s0] =	ssyncset.done $0x0  }
0xd2: {  	[sflag:s0] =	ssyncadd.s32 $0xFFFFE000  }
0xd3: {  	[tilespmem:s25], [sflag:$0x2] =	stream.indirect.gather [hbm4b:s9+s20], $0x80, s23, s20, $0xb8;
	[tilespmem:$0x1E800] =	vst v63  }
0xd4: {  	_ =	swait.ge [sflag:s24], $0x2000  }
0xd5: {  	[sflag:s24] =	ssyncset.done $0x0  }
0xd6: {  	[sflag:s24] =	ssyncadd.s32 $0xFFFFE000  }
0xd7: {  	[spmem:s2] =	stream.indirect.scatter.add.f32 [tilespmem:s28], [sflag:$0x5], $0x80, s3, s20, $0xb8;
	[tilespmem:$0x1E800] =	vst v63  }
0xd8: {  	_ =	swait.ge [sflag:s0], $0x2000  }
0xd9: {  	[sflag:s0] =	ssyncset.done $0x0  }
0xda: {  	[sflag:s0] =	ssyncadd.s32 $0xFFFFE000  }
0xdb: {  	[tilespmem:s28], [sflag:$0x3] =	stream.indirect.gather [hbm4b:s9+s20], $0x80, s5, s20, $0xb8;
	[tilespmem:$0x1E800] =	vst v63  }
0xdc: {  	_ =	swait.ge [sflag:s7], $0x2000  }
0xdd: {  	[sflag:s7] =	ssyncset.done $0x0  }
0xde: {  	[sflag:s7] =	ssyncadd.s32 $0xFFFFE000  }
0xdf: {  	[spmem:s2] =	stream.indirect.scatter.add.f32 [tilespmem:s30], [sflag:$0x5], $0x80, s8, s20, $0xb8;
	[tilespmem:$0x1E800] =	vst v63  }
0xe0: {  	_ =	swait.ge [sflag:s0], $0x2000  }
0xe1: {  	[sflag:s0] =	ssyncset.done $0x0  }
0xe2: {  	s29 =	simm.s32 $0x380;
	[sflag:s0] =	ssyncadd.s32 $0xFFFFE000  }
0xe3: {  	[tilespmem:s30], [sflag:$0x4] =	stream.indirect.gather [hbm4b:s9+s20], $0x80, s29, s20, $0xb8;
	[tilespmem:$0x1E800] =	vst v63  }
0xe4: {  	_ =	swait.ge [sflag:s31], $0x2000  }
0xe5: {  	[sflag:s31] =	ssyncset.done $0x0  }
0xe6: {  	s26 =	simm.s32 $0x1600;
	[sflag:s31] =	ssyncadd.s32 $0xFFFFE000  }
0xe7: {  	[spmem:s2] =	stream.indirect.scatter.add.f32 [tilespmem:s21], [sflag:$0x5], $0x80, s26, s20, $0xb8;
	[tilespmem:$0x1E800] =	vst v63  }
0xe8: {  	_ =	swait.ge [sflag:s0], $0x2000  }
0xe9: {  	[sflag:s0] =	ssyncset.done $0x0  }
0xea: {  	s29 =	simm.s32 $0x400;
	[sflag:s0] =	ssyncadd.s32 $0xFFFFE000  }
0xeb: {  	[tilespmem:s21], [sflag:$0x1] =	stream.indirect.gather [hbm4b:s9+s20], $0x80, s29, s20, $0xb8;
	[tilespmem:$0x1E800] =	vst v63  }
0xec: {  	_ =	swait.ge [sflag:s4], $0x2000  }
0xed: {  	[sflag:s4] =	ssyncset.done $0x0  }
0xee: {  	s26 =	simm.s32 $0x1680;
	[sflag:s4] =	ssyncadd.s32 $0xFFFFE000  }
0xef: {  	[spmem:s2] =	stream.indirect.scatter.add.f32 [tilespmem:s25], [sflag:$0x5], $0x80, s26, s20, $0xb8;
	[tilespmem:$0x1E800] =	vst v63  }
0xf0: {  	_ =	swait.ge [sflag:s0], $0x2000  }
0xf1: {  	[sflag:s0] =	ssyncset.done $0x0  }
0xf2: {  	s29 =	simm.s32 $0x480;
	[sflag:s0] =	ssyncadd.s32 $0xFFFFE000  }
0xf3: {  	[tilespmem:s25], [sflag:$0x2] =	stream.indirect.gather [hbm4b:s9+s20], $0x80, s29, s20, $0xb8;
	[tilespmem:$0x1E800] =	vst v63  }
0xf4: {  	_ =	swait.ge [sflag:s24], $0x2000  }
0xf5: {  	[sflag:s24] =	ssyncset.done $0x0  }
0xf6: {  	s26 =	simm.s32 $0x1700;
	[sflag:s24] =	ssyncadd.s32 $0xFFFFE000  }
0xf7: {  	[spmem:s2] =	stream.indirect.scatter.add.f32 [tilespmem:s28], [sflag:$0x5], $0x80, s26, s20, $0xb8;
	[tilespmem:$0x1E800] =	vst v63  }
0xf8: {  	_ =	swait.ge [sflag:s0], $0x2000  }
0xf9: {  	[sflag:s0] =	ssyncset.done $0x0  }
0xfa: {  	s29 =	simm.s32 $0x500;
	[sflag:s0] =	ssyncadd.s32 $0xFFFFE000  }
0xfb: {  	[tilespmem:s28], [sflag:$0x3] =	stream.indirect.gather [hbm4b:s9+s20], $0x80, s29, s20, $0xb8;
	[tilespmem:$0x1E800] =	vst v63  }
0xfc: {  	_ =	swait.ge [sflag:s7], $0x2000  }
0xfd: {  	[sflag:s7] =	ssyncset.done $0x0  }
0xfe: {  	s22 =	simm.s32 $0x800;
	s26 =	simm.s32 $0x1780;
	[sflag:s7] =	ssyncadd.s32 $0xFFFFE000  }
.LBB2_4:
0xff: {  	[spmem:s2] =	stream.indirect.scatter.add.f32 [tilespmem:s30], [sflag:$0x5], $0x80, s26, s20, $0xb8;
	[tilespmem:$0x1E800] =	vst v63  }
0x100: {  	s26 =	smov.u32 s22  }
0x101: {  	p0 =	sne.s32 s22, $0x3800;
	s22 =	sadd.s32 $0x800, s22;
	_ =	swait.ge [sflag:s0], $0x2000  }
0x102: {  	s26 =	sshra.s32 s26, $0x2;
	[sflag:s0] =	ssyncset.done $0x0  }
0x103: {  	s29 =	sadd.s32 $0x380, s26;
	[sflag:s0] =	ssyncadd.s32 $0xFFFFE000  }
0x104: {  	[tilespmem:s30], [sflag:$0x4] =	stream.indirect.gather [hbm4b:s9+s20], $0x80, s29, s20, $0xb8;
	[tilespmem:$0x1E800] =	vst v63  }
0x105: {  	_ =	swait.ge [sflag:s31], $0x2000  }
0x106: {  	[sflag:s31] =	ssyncset.done $0x0  }
0x107: {  	s29 =	sadd.s32 $0x1600, s26;
	[sflag:s31] =	ssyncadd.s32 $0xFFFFE000  }
0x108: {  	[spmem:s2] =	stream.indirect.scatter.add.f32 [tilespmem:s21], [sflag:$0x5], $0x80, s29, s20, $0xb8;
	[tilespmem:$0x1E800] =	vst v63  }
0x109: {  	_ =	swait.ge [sflag:s0], $0x2000  }
0x10a: {  	[sflag:s0] =	ssyncset.done $0x0  }
0x10b: {  	s29 =	sadd.s32 $0x400, s26;
	[sflag:s0] =	ssyncadd.s32 $0xFFFFE000  }
0x10c: {  	[tilespmem:s21], [sflag:$0x1] =	stream.indirect.gather [hbm4b:s9+s20], $0x80, s29, s20, $0xb8;
	[tilespmem:$0x1E800] =	vst v63  }
0x10d: {  	_ =	swait.ge [sflag:s4], $0x2000  }
0x10e: {  	[sflag:s4] =	ssyncset.done $0x0  }
0x10f: {  	s29 =	sadd.s32 $0x1680, s26;
	[sflag:s4] =	ssyncadd.s32 $0xFFFFE000  }
0x110: {  	[spmem:s2] =	stream.indirect.scatter.add.f32 [tilespmem:s25], [sflag:$0x5], $0x80, s29, s20, $0xb8;
	[tilespmem:$0x1E800] =	vst v63  }
0x111: {  	_ =	swait.ge [sflag:s0], $0x2000  }
0x112: {  	[sflag:s0] =	ssyncset.done $0x0  }
0x113: {  	s29 =	sadd.s32 $0x480, s26;
	[sflag:s0] =	ssyncadd.s32 $0xFFFFE000  }
0x114: {  	[tilespmem:s25], [sflag:$0x2] =	stream.indirect.gather [hbm4b:s9+s20], $0x80, s29, s20, $0xb8;
	[tilespmem:$0x1E800] =	vst v63  }
0x115: {  	_ =	swait.ge [sflag:s24], $0x2000  }
0x116: {  	[sflag:s24] =	ssyncset.done $0x0  }
0x117: {  	s29 =	sadd.s32 $0x1700, s26;
	[sflag:s24] =	ssyncadd.s32 $0xFFFFE000  }
0x118: {  	[spmem:s2] =	stream.indirect.scatter.add.f32 [tilespmem:s28], [sflag:$0x5], $0x80, s29, s20, $0xb8;
	[tilespmem:$0x1E800] =	vst v63  }
0x119: {  	_ =	swait.ge [sflag:s0], $0x2000  }
0x11a: {  	[sflag:s0] =	ssyncset.done $0x0  }
.Ltmp1:
0x11b: {  	s29 =	sadd.s32 $0x500, s26;
	[sflag:s0] =	ssyncadd.s32 $0xFFFFE000;
	(pc) =	sbr.rel @p0 .LBB2_4-.Ltmp1, $4  }
0x11c: {  	[tilespmem:s28], [sflag:$0x3] =	stream.indirect.gather [hbm4b:s9+s20], $0x80, s29, s20, $0xb8;
	[tilespmem:$0x1E800] =	vst v63  }
0x11d: {  	_ =	swait.ge [sflag:s7], $0x2000  }
0x11e: {  	[sflag:s7] =	ssyncset.done $0x0  }
0x11f: {  	s26 =	sadd.s32 $0x1780, s26;
	[sflag:s7] =	ssyncadd.s32 $0xFFFFE000  }
0x120: {  	[spmem:s2] =	stream.indirect.scatter.add.f32 [tilespmem:s30], [sflag:$0x5], $0x80, s26, s20, $0xb8;
	[tilespmem:$0x1E800] =	vst v63  }
0x121: {  	_ =	swait.ge [sflag:s0], $0x2000  }
0x122: {  	[sflag:s0] =	ssyncset.done $0x0  }
0x123: {  	[sflag:s0] =	ssyncadd.s32 $0xFFFFE000  }
0x124: {  	[tilespmem:s30], [sflag:$0x4] =	stream.indirect.gather [hbm4b:s9+s20], $0x80, s10, s20, $0xb8;
	[tilespmem:$0x1E800] =	vst v63  }
0x125: {  	_ =	swait.ge [sflag:s31], $0x2000  }
0x126: {  	[sflag:s31] =	ssyncset.done $0x0  }
0x127: {  	[sflag:s31] =	ssyncadd.s32 $0xFFFFE000  }
0x128: {  	[spmem:s2] =	stream.indirect.scatter.add.f32 [tilespmem:s21], [sflag:$0x5], $0x80, s11, s20, $0xb8;
	[tilespmem:$0x1E800] =	vst v63  }
0x129: {  	_ =	swait.ge [sflag:s0], $0x2000  }
0x12a: {  	[sflag:s0] =	ssyncset.done $0x0  }
0x12b: {  	[sflag:s0] =	ssyncadd.s32 $0xFFFFE000  }
0x12c: {  	_ =	swait.ge [sflag:s4], $0x2000  }
0x12d: {  	[sflag:s4] =	ssyncset.done $0x0  }
0x12e: {  	[sflag:s4] =	ssyncadd.s32 $0xFFFFE000  }
0x12f: {  	[spmem:s2] =	stream.indirect.scatter.add.f32 [tilespmem:s25], [sflag:$0x5], $0x80, s12, s20, $0xb8;
	[tilespmem:$0x1E800] =	vst v63  }
0x130: {  	_ =	swait.ge [sflag:s0], $0x2000  }
0x131: {  	[sflag:s0] =	ssyncset.done $0x0  }
0x132: {  	[sflag:s0] =	ssyncadd.s32 $0xFFFFE000  }
0x133: {  	_ =	swait.ge [sflag:s24], $0x2000  }
0x134: {  	[sflag:s24] =	ssyncset.done $0x0  }
0x135: {  	[sflag:s24] =	ssyncadd.s32 $0xFFFFE000  }
0x136: {  	[spmem:s2] =	stream.indirect.scatter.add.f32 [tilespmem:s28], [sflag:$0x5], $0x80, s13, s20, $0xb8;
	[tilespmem:$0x1E800] =	vst v63  }
0x137: {  	_ =	swait.ge [sflag:s0], $0x2000  }
0x138: {  	[sflag:s0] =	ssyncset.done $0x0  }
0x139: {  	[sflag:s0] =	ssyncadd.s32 $0xFFFFE000  }
0x13a: {  	_ =	swait.ge [sflag:s7], $0x2000  }
0x13b: {  	[sflag:s7] =	ssyncset.done $0x0  }
0x13c: {  	[sflag:s7] =	ssyncadd.s32 $0xFFFFE000  }
0x13d: {  	[spmem:s2] =	stream.indirect.scatter.add.f32 [tilespmem:s30], [sflag:$0x5], $0x80, s14, s20, $0xb8;
	[tilespmem:$0x1E800] =	vst v63  }
0x13e: {  	_ =	swait.ge [sflag:s0], $0x2000  }
0x13f: {  	[sflag:s0] =	ssyncset.done $0x0  }
0x140: {  	s22 =	simm.s32 $0x0;
	s29 =	rddreg [dreg:$0xe];
	[sflag:s0] =	ssyncadd.s32 $0xFFFFE000  }
0x141: {  	[tilespmem:s22], [sflag:$0x6] =	stream.linear.gather [hbm4b:s29+s22], $0x1400, $0x38;
	[tilespmem:$0x1E800] =	vst v63  }
0x142: {  	_ =	swait.ge [sflag:s18], $0x1400  }
0x143: {  	[sflag:s18] =	ssyncset.done $0x0  }
0x144: {  	s29 =	rddreg [dreg:$0xf];
	[sflag:s18] =	ssyncadd.s32 $0xFFFFEC00  }
0x145: {  	[tilespmem:s19], [sflag:$0x6] =	stream.linear.gather [hbm4b:s29+s22], $0x1400, $0x38;
	[tilespmem:$0x1E800] =	vst v63  }
0x146: {  	_ =	swait.ge [sflag:s18], $0x1400  }
0x147: {  	[sflag:s18] =	ssyncset.done $0x0  }
0x148: {  	[sflag:s18] =	ssyncadd.s32 $0xFFFFEC00  }
0x149: {  	[tilespmem:s21], [sflag:$0x1] =	stream.indirect.gather [hbm4b:s9+s20], $0x80, s22, s20, $0xb8;
	[tilespmem:$0x1E800] =	vst v63  }
0x14a: {  	s26 =	simm.s32 $0x80  }
0x14b: {  	[tilespmem:s25], [sflag:$0x2] =	stream.indirect.gather [hbm4b:s9+s20], $0x80, s26, s20, $0xb8;
	[tilespmem:$0x1E800] =	vst v63  }
0x14c: {  	s29 =	simm.s32 $0x100  }
0x14d: {  	[tilespmem:s28], [sflag:$0x3] =	stream.indirect.gather [hbm4b:s9+s20], $0x80, s29, s20, $0xb8;
	[tilespmem:$0x1E800] =	vst v63  }
0x14e: {  	s26 =	simm.s32 $0x180  }
0x14f: {  	[tilespmem:s30], [sflag:$0x4] =	stream.indirect.gather [hbm4b:s9+s20], $0x80, s26, s20, $0xb8;
	[tilespmem:$0x1E800] =	vst v63  }
0x150: {  	_ =	swait.ge [sflag:s31], $0x2000  }
0x151: {  	[sflag:s31] =	ssyncset.done $0x0  }
0x152: {  	[sflag:s31] =	ssyncadd.s32 $0xFFFFE000  }
0x153: {  	[spmem:s2] =	stream.indirect.scatter.add.f32 [tilespmem:s21], [sflag:$0x5], $0x80, s19, s20, $0xb8;
	[tilespmem:$0x1E800] =	vst v63  }
0x154: {  	_ =	swait.ge [sflag:s0], $0x2000  }
0x155: {  	[sflag:s0] =	ssyncset.done $0x0  }
0x156: {  	[sflag:s0] =	ssyncadd.s32 $0xFFFFE000  }
0x157: {  	[tilespmem:s21], [sflag:$0x1] =	stream.indirect.gather [hbm4b:s9+s20], $0x80, s1, s20, $0xb8;
	[tilespmem:$0x1E800] =	vst v63  }
0x158: {  	_ =	swait.ge [sflag:s4], $0x2000  }
0x159: {  	[sflag:s4] =	ssyncset.done $0x0  }
0x15a: {  	[sflag:s4] =	ssyncadd.s32 $0xFFFFE000  }
0x15b: {  	[spmem:s2] =	stream.indirect.scatter.add.f32 [tilespmem:s25], [sflag:$0x5], $0x80, s17, s20, $0xb8;
	[tilespmem:$0x1E800] =	vst v63  }
0x15c: {  	_ =	swait.ge [sflag:s0], $0x2000  }
0x15d: {  	[sflag:s0] =	ssyncset.done $0x0  }
0x15e: {  	[sflag:s0] =	ssyncadd.s32 $0xFFFFE000  }
0x15f: {  	[tilespmem:s25], [sflag:$0x2] =	stream.indirect.gather [hbm4b:s9+s20], $0x80, s23, s20, $0xb8;
	[tilespmem:$0x1E800] =	vst v63  }
0x160: {  	_ =	swait.ge [sflag:s24], $0x2000  }
0x161: {  	[sflag:s24] =	ssyncset.done $0x0  }
0x162: {  	[sflag:s24] =	ssyncadd.s32 $0xFFFFE000  }
0x163: {  	[spmem:s2] =	stream.indirect.scatter.add.f32 [tilespmem:s28], [sflag:$0x5], $0x80, s3, s20, $0xb8;
	[tilespmem:$0x1E800] =	vst v63  }
0x164: {  	_ =	swait.ge [sflag:s0], $0x2000  }
0x165: {  	[sflag:s0] =	ssyncset.done $0x0  }
0x166: {  	[sflag:s0] =	ssyncadd.s32 $0xFFFFE000  }
0x167: {  	[tilespmem:s28], [sflag:$0x3] =	stream.indirect.gather [hbm4b:s9+s20], $0x80, s5, s20, $0xb8;
	[tilespmem:$0x1E800] =	vst v63  }
0x168: {  	_ =	swait.ge [sflag:s7], $0x2000  }
0x169: {  	[sflag:s7] =	ssyncset.done $0x0  }
0x16a: {  	[sflag:s7] =	ssyncadd.s32 $0xFFFFE000  }
0x16b: {  	[spmem:s2] =	stream.indirect.scatter.add.f32 [tilespmem:s30], [sflag:$0x5], $0x80, s8, s20, $0xb8;
	[tilespmem:$0x1E800] =	vst v63  }
0x16c: {  	_ =	swait.ge [sflag:s0], $0x2000  }
0x16d: {  	[sflag:s0] =	ssyncset.done $0x0  }
0x16e: {  	s29 =	simm.s32 $0x380;
	[sflag:s0] =	ssyncadd.s32 $0xFFFFE000  }
0x16f: {  	[tilespmem:s30], [sflag:$0x4] =	stream.indirect.gather [hbm4b:s9+s20], $0x80, s29, s20, $0xb8;
	[tilespmem:$0x1E800] =	vst v63  }
0x170: {  	_ =	swait.ge [sflag:s31], $0x2000  }
0x171: {  	[sflag:s31] =	ssyncset.done $0x0  }
0x172: {  	s26 =	simm.s32 $0x1600;
	[sflag:s31] =	ssyncadd.s32 $0xFFFFE000  }
0x173: {  	[spmem:s2] =	stream.indirect.scatter.add.f32 [tilespmem:s21], [sflag:$0x5], $0x80, s26, s20, $0xb8;
	[tilespmem:$0x1E800] =	vst v63  }
0x174: {  	_ =	swait.ge [sflag:s0], $0x2000  }
0x175: {  	[sflag:s0] =	ssyncset.done $0x0  }
0x176: {  	s29 =	simm.s32 $0x400;
	[sflag:s0] =	ssyncadd.s32 $0xFFFFE000  }
0x177: {  	[tilespmem:s21], [sflag:$0x1] =	stream.indirect.gather [hbm4b:s9+s20], $0x80, s29, s20, $0xb8;
	[tilespmem:$0x1E800] =	vst v63  }
0x178: {  	_ =	swait.ge [sflag:s4], $0x2000  }
0x179: {  	[sflag:s4] =	ssyncset.done $0x0  }
0x17a: {  	s26 =	simm.s32 $0x1680;
	[sflag:s4] =	ssyncadd.s32 $0xFFFFE000  }
0x17b: {  	[spmem:s2] =	stream.indirect.scatter.add.f32 [tilespmem:s25], [sflag:$0x5], $0x80, s26, s20, $0xb8;
	[tilespmem:$0x1E800] =	vst v63  }
0x17c: {  	_ =	swait.ge [sflag:s0], $0x2000  }
0x17d: {  	[sflag:s0] =	ssyncset.done $0x0  }
0x17e: {  	s29 =	simm.s32 $0x480;
	[sflag:s0] =	ssyncadd.s32 $0xFFFFE000  }
0x17f: {  	[tilespmem:s25], [sflag:$0x2] =	stream.indirect.gather [hbm4b:s9+s20], $0x80, s29, s20, $0xb8;
	[tilespmem:$0x1E800] =	vst v63  }
0x180: {  	_ =	swait.ge [sflag:s24], $0x2000  }
0x181: {  	[sflag:s24] =	ssyncset.done $0x0  }
0x182: {  	s26 =	simm.s32 $0x1700;
	[sflag:s24] =	ssyncadd.s32 $0xFFFFE000  }
0x183: {  	[spmem:s2] =	stream.indirect.scatter.add.f32 [tilespmem:s28], [sflag:$0x5], $0x80, s26, s20, $0xb8;
	[tilespmem:$0x1E800] =	vst v63  }
0x184: {  	_ =	swait.ge [sflag:s0], $0x2000  }
0x185: {  	[sflag:s0] =	ssyncset.done $0x0  }
0x186: {  	s29 =	simm.s32 $0x500;
	[sflag:s0] =	ssyncadd.s32 $0xFFFFE000  }
0x187: {  	[tilespmem:s28], [sflag:$0x3] =	stream.indirect.gather [hbm4b:s9+s20], $0x80, s29, s20, $0xb8;
	[tilespmem:$0x1E800] =	vst v63  }
0x188: {  	_ =	swait.ge [sflag:s7], $0x2000  }
0x189: {  	[sflag:s7] =	ssyncset.done $0x0  }
0x18a: {  	s22 =	simm.s32 $0x800;
	s26 =	simm.s32 $0x1780;
	[sflag:s7] =	ssyncadd.s32 $0xFFFFE000  }
.LBB2_6:
0x18b: {  	[spmem:s2] =	stream.indirect.scatter.add.f32 [tilespmem:s30], [sflag:$0x5], $0x80, s26, s20, $0xb8;
	[tilespmem:$0x1E800] =	vst v63  }
0x18c: {  	s26 =	smov.u32 s22  }
0x18d: {  	p0 =	sne.s32 s22, $0x3800;
	s22 =	sadd.s32 $0x800, s22;
	_ =	swait.ge [sflag:s0], $0x2000  }
0x18e: {  	s26 =	sshra.s32 s26, $0x2;
	[sflag:s0] =	ssyncset.done $0x0  }
0x18f: {  	s29 =	sadd.s32 $0x380, s26;
	[sflag:s0] =	ssyncadd.s32 $0xFFFFE000  }
0x190: {  	[tilespmem:s30], [sflag:$0x4] =	stream.indirect.gather [hbm4b:s9+s20], $0x80, s29, s20, $0xb8;
	[tilespmem:$0x1E800] =	vst v63  }
0x191: {  	_ =	swait.ge [sflag:s31], $0x2000  }
0x192: {  	[sflag:s31] =	ssyncset.done $0x0  }
0x193: {  	s29 =	sadd.s32 $0x1600, s26;
	[sflag:s31] =	ssyncadd.s32 $0xFFFFE000  }
0x194: {  	[spmem:s2] =	stream.indirect.scatter.add.f32 [tilespmem:s21], [sflag:$0x5], $0x80, s29, s20, $0xb8;
	[tilespmem:$0x1E800] =	vst v63  }
0x195: {  	_ =	swait.ge [sflag:s0], $0x2000  }
0x196: {  	[sflag:s0] =	ssyncset.done $0x0  }
0x197: {  	s29 =	sadd.s32 $0x400, s26;
	[sflag:s0] =	ssyncadd.s32 $0xFFFFE000  }
0x198: {  	[tilespmem:s21], [sflag:$0x1] =	stream.indirect.gather [hbm4b:s9+s20], $0x80, s29, s20, $0xb8;
	[tilespmem:$0x1E800] =	vst v63  }
0x199: {  	_ =	swait.ge [sflag:s4], $0x2000  }
0x19a: {  	[sflag:s4] =	ssyncset.done $0x0  }
0x19b: {  	s29 =	sadd.s32 $0x1680, s26;
	[sflag:s4] =	ssyncadd.s32 $0xFFFFE000  }
0x19c: {  	[spmem:s2] =	stream.indirect.scatter.add.f32 [tilespmem:s25], [sflag:$0x5], $0x80, s29, s20, $0xb8;
	[tilespmem:$0x1E800] =	vst v63  }
0x19d: {  	_ =	swait.ge [sflag:s0], $0x2000  }
0x19e: {  	[sflag:s0] =	ssyncset.done $0x0  }
0x19f: {  	s29 =	sadd.s32 $0x480, s26;
	[sflag:s0] =	ssyncadd.s32 $0xFFFFE000  }
0x1a0: {  	[tilespmem:s25], [sflag:$0x2] =	stream.indirect.gather [hbm4b:s9+s20], $0x80, s29, s20, $0xb8;
	[tilespmem:$0x1E800] =	vst v63  }
0x1a1: {  	_ =	swait.ge [sflag:s24], $0x2000  }
0x1a2: {  	[sflag:s24] =	ssyncset.done $0x0  }
0x1a3: {  	s29 =	sadd.s32 $0x1700, s26;
	[sflag:s24] =	ssyncadd.s32 $0xFFFFE000  }
0x1a4: {  	[spmem:s2] =	stream.indirect.scatter.add.f32 [tilespmem:s28], [sflag:$0x5], $0x80, s29, s20, $0xb8;
	[tilespmem:$0x1E800] =	vst v63  }
0x1a5: {  	_ =	swait.ge [sflag:s0], $0x2000  }
0x1a6: {  	[sflag:s0] =	ssyncset.done $0x0  }
.Ltmp2:
0x1a7: {  	s29 =	sadd.s32 $0x500, s26;
	[sflag:s0] =	ssyncadd.s32 $0xFFFFE000;
	(pc) =	sbr.rel @p0 .LBB2_6-.Ltmp2, $4  }
0x1a8: {  	[tilespmem:s28], [sflag:$0x3] =	stream.indirect.gather [hbm4b:s9+s20], $0x80, s29, s20, $0xb8;
	[tilespmem:$0x1E800] =	vst v63  }
0x1a9: {  	_ =	swait.ge [sflag:s7], $0x2000  }
0x1aa: {  	[sflag:s7] =	ssyncset.done $0x0  }
0x1ab: {  	s26 =	sadd.s32 $0x1780, s26;
	[sflag:s7] =	ssyncadd.s32 $0xFFFFE000  }
0x1ac: {  	[spmem:s2] =	stream.indirect.scatter.add.f32 [tilespmem:s30], [sflag:$0x5], $0x80, s26, s20, $0xb8;
	[tilespmem:$0x1E800] =	vst v63  }
0x1ad: {  	_ =	swait.ge [sflag:s0], $0x2000  }
0x1ae: {  	[sflag:s0] =	ssyncset.done $0x0  }
0x1af: {  	[sflag:s0] =	ssyncadd.s32 $0xFFFFE000  }
0x1b0: {  	[tilespmem:s30], [sflag:$0x4] =	stream.indirect.gather [hbm4b:s9+s20], $0x80, s10, s20, $0xb8;
	[tilespmem:$0x1E800] =	vst v63  }
0x1b1: {  	_ =	swait.ge [sflag:s31], $0x2000  }
0x1b2: {  	[sflag:s31] =	ssyncset.done $0x0  }
0x1b3: {  	[sflag:s31] =	ssyncadd.s32 $0xFFFFE000  }
0x1b4: {  	[spmem:s2] =	stream.indirect.scatter.add.f32 [tilespmem:s21], [sflag:$0x5], $0x80, s11, s20, $0xb8;
	[tilespmem:$0x1E800] =	vst v63  }
0x1b5: {  	_ =	swait.ge [sflag:s0], $0x2000  }
0x1b6: {  	[sflag:s0] =	ssyncset.done $0x0  }
0x1b7: {  	[sflag:s0] =	ssyncadd.s32 $0xFFFFE000  }
0x1b8: {  	_ =	swait.ge [sflag:s4], $0x2000  }
0x1b9: {  	[sflag:s4] =	ssyncset.done $0x0  }
0x1ba: {  	[sflag:s4] =	ssyncadd.s32 $0xFFFFE000  }
0x1bb: {  	[spmem:s2] =	stream.indirect.scatter.add.f32 [tilespmem:s25], [sflag:$0x5], $0x80, s12, s20, $0xb8;
	[tilespmem:$0x1E800] =	vst v63  }
0x1bc: {  	_ =	swait.ge [sflag:s0], $0x2000  }
0x1bd: {  	[sflag:s0] =	ssyncset.done $0x0  }
0x1be: {  	[sflag:s0] =	ssyncadd.s32 $0xFFFFE000  }
0x1bf: {  	_ =	swait.ge [sflag:s24], $0x2000  }
0x1c0: {  	[sflag:s24] =	ssyncset.done $0x0  }
0x1c1: {  	[sflag:s24] =	ssyncadd.s32 $0xFFFFE000  }
0x1c2: {  	[spmem:s2] =	stream.indirect.scatter.add.f32 [tilespmem:s28], [sflag:$0x5], $0x80, s13, s20, $0xb8;
	[tilespmem:$0x1E800] =	vst v63  }
0x1c3: {  	_ =	swait.ge [sflag:s0], $0x2000  }
0x1c4: {  	[sflag:s0] =	ssyncset.done $0x0  }
0x1c5: {  	[sflag:s0] =	ssyncadd.s32 $0xFFFFE000  }
0x1c6: {  	_ =	swait.ge [sflag:s7], $0x2000  }
0x1c7: {  	[sflag:s7] =	ssyncset.done $0x0  }
0x1c8: {  	[sflag:s7] =	ssyncadd.s32 $0xFFFFE000  }
0x1c9: {  	[spmem:s2] =	stream.indirect.scatter.add.f32 [tilespmem:s30], [sflag:$0x5], $0x80, s14, s20, $0xb8;
	[tilespmem:$0x1E800] =	vst v63  }
0x1ca: {  	_ =	swait.ge [sflag:s0], $0x2000  }
0x1cb: {  	[sflag:s0] =	ssyncset.done $0x0  }
0x1cc: {  	s22 =	simm.s32 $0x0;
	s29 =	rddreg [dreg:$0x10];
	[sflag:s0] =	ssyncadd.s32 $0xFFFFE000  }
0x1cd: {  	[tilespmem:s22], [sflag:$0x6] =	stream.linear.gather [hbm4b:s29+s22], $0x1400, $0x38;
	[tilespmem:$0x1E800] =	vst v63  }
0x1ce: {  	_ =	swait.ge [sflag:s18], $0x1400  }
0x1cf: {  	[sflag:s18] =	ssyncset.done $0x0  }
0x1d0: {  	s29 =	rddreg [dreg:$0x11];
	[sflag:s18] =	ssyncadd.s32 $0xFFFFEC00  }
0x1d1: {  	[tilespmem:s19], [sflag:$0x6] =	stream.linear.gather [hbm4b:s29+s22], $0x1400, $0x38;
	[tilespmem:$0x1E800] =	vst v63  }
0x1d2: {  	_ =	swait.ge [sflag:s18], $0x1400  }
0x1d3: {  	[sflag:s18] =	ssyncset.done $0x0  }
0x1d4: {  	[sflag:s18] =	ssyncadd.s32 $0xFFFFEC00  }
0x1d5: {  	[tilespmem:s21], [sflag:$0x1] =	stream.indirect.gather [hbm4b:s9+s20], $0x80, s22, s20, $0xb8;
	[tilespmem:$0x1E800] =	vst v63  }
0x1d6: {  	s26 =	simm.s32 $0x80  }
0x1d7: {  	[tilespmem:s25], [sflag:$0x2] =	stream.indirect.gather [hbm4b:s9+s20], $0x80, s26, s20, $0xb8;
	[tilespmem:$0x1E800] =	vst v63  }
0x1d8: {  	s29 =	simm.s32 $0x100  }
0x1d9: {  	[tilespmem:s28], [sflag:$0x3] =	stream.indirect.gather [hbm4b:s9+s20], $0x80, s29, s20, $0xb8;
	[tilespmem:$0x1E800] =	vst v63  }
0x1da: {  	s26 =	simm.s32 $0x180  }
0x1db: {  	[tilespmem:s30], [sflag:$0x4] =	stream.indirect.gather [hbm4b:s9+s20], $0x80, s26, s20, $0xb8;
	[tilespmem:$0x1E800] =	vst v63  }
0x1dc: {  	_ =	swait.ge [sflag:s31], $0x2000  }
0x1dd: {  	[sflag:s31] =	ssyncset.done $0x0  }
0x1de: {  	[sflag:s31] =	ssyncadd.s32 $0xFFFFE000  }
0x1df: {  	[spmem:s2] =	stream.indirect.scatter.add.f32 [tilespmem:s21], [sflag:$0x5], $0x80, s19, s20, $0xb8;
	[tilespmem:$0x1E800] =	vst v63  }
0x1e0: {  	_ =	swait.ge [sflag:s0], $0x2000  }
0x1e1: {  	[sflag:s0] =	ssyncset.done $0x0  }
0x1e2: {  	[sflag:s0] =	ssyncadd.s32 $0xFFFFE000  }
0x1e3: {  	[tilespmem:s21], [sflag:$0x1] =	stream.indirect.gather [hbm4b:s9+s20], $0x80, s1, s20, $0xb8;
	[tilespmem:$0x1E800] =	vst v63  }
0x1e4: {  	_ =	swait.ge [sflag:s4], $0x2000  }
0x1e5: {  	[sflag:s4] =	ssyncset.done $0x0  }
0x1e6: {  	[sflag:s4] =	ssyncadd.s32 $0xFFFFE000  }
0x1e7: {  	[spmem:s2] =	stream.indirect.scatter.add.f32 [tilespmem:s25], [sflag:$0x5], $0x80, s17, s20, $0xb8;
	[tilespmem:$0x1E800] =	vst v63  }
0x1e8: {  	_ =	swait.ge [sflag:s0], $0x2000  }
0x1e9: {  	[sflag:s0] =	ssyncset.done $0x0  }
0x1ea: {  	[sflag:s0] =	ssyncadd.s32 $0xFFFFE000  }
0x1eb: {  	[tilespmem:s25], [sflag:$0x2] =	stream.indirect.gather [hbm4b:s9+s20], $0x80, s23, s20, $0xb8;
	[tilespmem:$0x1E800] =	vst v63  }
0x1ec: {  	_ =	swait.ge [sflag:s24], $0x2000  }
0x1ed: {  	[sflag:s24] =	ssyncset.done $0x0  }
0x1ee: {  	[sflag:s24] =	ssyncadd.s32 $0xFFFFE000  }
0x1ef: {  	[spmem:s2] =	stream.indirect.scatter.add.f32 [tilespmem:s28], [sflag:$0x5], $0x80, s3, s20, $0xb8;
	[tilespmem:$0x1E800] =	vst v63  }
0x1f0: {  	_ =	swait.ge [sflag:s0], $0x2000  }
0x1f1: {  	[sflag:s0] =	ssyncset.done $0x0  }
0x1f2: {  	[sflag:s0] =	ssyncadd.s32 $0xFFFFE000  }
0x1f3: {  	[tilespmem:s28], [sflag:$0x3] =	stream.indirect.gather [hbm4b:s9+s20], $0x80, s5, s20, $0xb8;
	[tilespmem:$0x1E800] =	vst v63  }
0x1f4: {  	_ =	swait.ge [sflag:s7], $0x2000  }
0x1f5: {  	[sflag:s7] =	ssyncset.done $0x0  }
0x1f6: {  	[sflag:s7] =	ssyncadd.s32 $0xFFFFE000  }
0x1f7: {  	[spmem:s2] =	stream.indirect.scatter.add.f32 [tilespmem:s30], [sflag:$0x5], $0x80, s8, s20, $0xb8;
	[tilespmem:$0x1E800] =	vst v63  }
0x1f8: {  	_ =	swait.ge [sflag:s0], $0x2000  }
0x1f9: {  	[sflag:s0] =	ssyncset.done $0x0  }
0x1fa: {  	s29 =	simm.s32 $0x380;
	[sflag:s0] =	ssyncadd.s32 $0xFFFFE000  }
0x1fb: {  	[tilespmem:s30], [sflag:$0x4] =	stream.indirect.gather [hbm4b:s9+s20], $0x80, s29, s20, $0xb8;
	[tilespmem:$0x1E800] =	vst v63  }
0x1fc: {  	_ =	swait.ge [sflag:s31], $0x2000  }
0x1fd: {  	[sflag:s31] =	ssyncset.done $0x0  }
0x1fe: {  	s26 =	simm.s32 $0x1600;
	[sflag:s31] =	ssyncadd.s32 $0xFFFFE000  }
0x1ff: {  	[spmem:s2] =	stream.indirect.scatter.add.f32 [tilespmem:s21], [sflag:$0x5], $0x80, s26, s20, $0xb8;
	[tilespmem:$0x1E800] =	vst v63  }
0x200: {  	_ =	swait.ge [sflag:s0], $0x2000  }
0x201: {  	[sflag:s0] =	ssyncset.done $0x0  }
0x202: {  	s29 =	simm.s32 $0x400;
	[sflag:s0] =	ssyncadd.s32 $0xFFFFE000  }
0x203: {  	[tilespmem:s21], [sflag:$0x1] =	stream.indirect.gather [hbm4b:s9+s20], $0x80, s29, s20, $0xb8;
	[tilespmem:$0x1E800] =	vst v63  }
0x204: {  	_ =	swait.ge [sflag:s4], $0x2000  }
0x205: {  	[sflag:s4] =	ssyncset.done $0x0  }
0x206: {  	s26 =	simm.s32 $0x1680;
	[sflag:s4] =	ssyncadd.s32 $0xFFFFE000  }
0x207: {  	[spmem:s2] =	stream.indirect.scatter.add.f32 [tilespmem:s25], [sflag:$0x5], $0x80, s26, s20, $0xb8;
	[tilespmem:$0x1E800] =	vst v63  }
0x208: {  	_ =	swait.ge [sflag:s0], $0x2000  }
0x209: {  	[sflag:s0] =	ssyncset.done $0x0  }
0x20a: {  	s29 =	simm.s32 $0x480;
	[sflag:s0] =	ssyncadd.s32 $0xFFFFE000  }
0x20b: {  	[tilespmem:s25], [sflag:$0x2] =	stream.indirect.gather [hbm4b:s9+s20], $0x80, s29, s20, $0xb8;
	[tilespmem:$0x1E800] =	vst v63  }
0x20c: {  	_ =	swait.ge [sflag:s24], $0x2000  }
0x20d: {  	[sflag:s24] =	ssyncset.done $0x0  }
0x20e: {  	s26 =	simm.s32 $0x1700;
	[sflag:s24] =	ssyncadd.s32 $0xFFFFE000  }
0x20f: {  	[spmem:s2] =	stream.indirect.scatter.add.f32 [tilespmem:s28], [sflag:$0x5], $0x80, s26, s20, $0xb8;
	[tilespmem:$0x1E800] =	vst v63  }
0x210: {  	_ =	swait.ge [sflag:s0], $0x2000  }
0x211: {  	[sflag:s0] =	ssyncset.done $0x0  }
0x212: {  	s29 =	simm.s32 $0x500;
	[sflag:s0] =	ssyncadd.s32 $0xFFFFE000  }
0x213: {  	[tilespmem:s28], [sflag:$0x3] =	stream.indirect.gather [hbm4b:s9+s20], $0x80, s29, s20, $0xb8;
	[tilespmem:$0x1E800] =	vst v63  }
0x214: {  	_ =	swait.ge [sflag:s7], $0x2000  }
0x215: {  	[sflag:s7] =	ssyncset.done $0x0  }
0x216: {  	s22 =	simm.s32 $0x800;
	s26 =	simm.s32 $0x1780;
	[sflag:s7] =	ssyncadd.s32 $0xFFFFE000  }
.LBB2_8:
0x217: {  	[spmem:s2] =	stream.indirect.scatter.add.f32 [tilespmem:s30], [sflag:$0x5], $0x80, s26, s20, $0xb8;
	[tilespmem:$0x1E800] =	vst v63  }
0x218: {  	s26 =	smov.u32 s22  }
0x219: {  	p0 =	sne.s32 s22, $0x3800;
	s22 =	sadd.s32 $0x800, s22;
	_ =	swait.ge [sflag:s0], $0x2000  }
0x21a: {  	s26 =	sshra.s32 s26, $0x2;
	[sflag:s0] =	ssyncset.done $0x0  }
0x21b: {  	s29 =	sadd.s32 $0x380, s26;
	[sflag:s0] =	ssyncadd.s32 $0xFFFFE000  }
0x21c: {  	[tilespmem:s30], [sflag:$0x4] =	stream.indirect.gather [hbm4b:s9+s20], $0x80, s29, s20, $0xb8;
	[tilespmem:$0x1E800] =	vst v63  }
0x21d: {  	_ =	swait.ge [sflag:s31], $0x2000  }
0x21e: {  	[sflag:s31] =	ssyncset.done $0x0  }
0x21f: {  	s29 =	sadd.s32 $0x1600, s26;
	[sflag:s31] =	ssyncadd.s32 $0xFFFFE000  }
0x220: {  	[spmem:s2] =	stream.indirect.scatter.add.f32 [tilespmem:s21], [sflag:$0x5], $0x80, s29, s20, $0xb8;
	[tilespmem:$0x1E800] =	vst v63  }
0x221: {  	_ =	swait.ge [sflag:s0], $0x2000  }
0x222: {  	[sflag:s0] =	ssyncset.done $0x0  }
0x223: {  	s29 =	sadd.s32 $0x400, s26;
	[sflag:s0] =	ssyncadd.s32 $0xFFFFE000  }
0x224: {  	[tilespmem:s21], [sflag:$0x1] =	stream.indirect.gather [hbm4b:s9+s20], $0x80, s29, s20, $0xb8;
	[tilespmem:$0x1E800] =	vst v63  }
0x225: {  	_ =	swait.ge [sflag:s4], $0x2000  }
0x226: {  	[sflag:s4] =	ssyncset.done $0x0  }
0x227: {  	s29 =	sadd.s32 $0x1680, s26;
	[sflag:s4] =	ssyncadd.s32 $0xFFFFE000  }
0x228: {  	[spmem:s2] =	stream.indirect.scatter.add.f32 [tilespmem:s25], [sflag:$0x5], $0x80, s29, s20, $0xb8;
	[tilespmem:$0x1E800] =	vst v63  }
0x229: {  	_ =	swait.ge [sflag:s0], $0x2000  }
0x22a: {  	[sflag:s0] =	ssyncset.done $0x0  }
0x22b: {  	s29 =	sadd.s32 $0x480, s26;
	[sflag:s0] =	ssyncadd.s32 $0xFFFFE000  }
0x22c: {  	[tilespmem:s25], [sflag:$0x2] =	stream.indirect.gather [hbm4b:s9+s20], $0x80, s29, s20, $0xb8;
	[tilespmem:$0x1E800] =	vst v63  }
0x22d: {  	_ =	swait.ge [sflag:s24], $0x2000  }
0x22e: {  	[sflag:s24] =	ssyncset.done $0x0  }
0x22f: {  	s29 =	sadd.s32 $0x1700, s26;
	[sflag:s24] =	ssyncadd.s32 $0xFFFFE000  }
0x230: {  	[spmem:s2] =	stream.indirect.scatter.add.f32 [tilespmem:s28], [sflag:$0x5], $0x80, s29, s20, $0xb8;
	[tilespmem:$0x1E800] =	vst v63  }
0x231: {  	_ =	swait.ge [sflag:s0], $0x2000  }
0x232: {  	[sflag:s0] =	ssyncset.done $0x0  }
.Ltmp3:
0x233: {  	s29 =	sadd.s32 $0x500, s26;
	[sflag:s0] =	ssyncadd.s32 $0xFFFFE000;
	(pc) =	sbr.rel @p0 .LBB2_8-.Ltmp3, $4  }
0x234: {  	[tilespmem:s28], [sflag:$0x3] =	stream.indirect.gather [hbm4b:s9+s20], $0x80, s29, s20, $0xb8;
	[tilespmem:$0x1E800] =	vst v63  }
0x235: {  	_ =	swait.ge [sflag:s7], $0x2000  }
0x236: {  	[sflag:s7] =	ssyncset.done $0x0  }
0x237: {  	s26 =	sadd.s32 $0x1780, s26;
	[sflag:s7] =	ssyncadd.s32 $0xFFFFE000  }
0x238: {  	[spmem:s2] =	stream.indirect.scatter.add.f32 [tilespmem:s30], [sflag:$0x5], $0x80, s26, s20, $0xb8;
	[tilespmem:$0x1E800] =	vst v63  }
0x239: {  	_ =	swait.ge [sflag:s0], $0x2000  }
0x23a: {  	[sflag:s0] =	ssyncset.done $0x0  }
0x23b: {  	[sflag:s0] =	ssyncadd.s32 $0xFFFFE000  }
0x23c: {  	[tilespmem:s30], [sflag:$0x4] =	stream.indirect.gather [hbm4b:s9+s20], $0x80, s10, s20, $0xb8;
	[tilespmem:$0x1E800] =	vst v63  }
0x23d: {  	_ =	swait.ge [sflag:s31], $0x2000  }
0x23e: {  	[sflag:s31] =	ssyncset.done $0x0  }
0x23f: {  	[sflag:s31] =	ssyncadd.s32 $0xFFFFE000  }
0x240: {  	[spmem:s2] =	stream.indirect.scatter.add.f32 [tilespmem:s21], [sflag:$0x5], $0x80, s11, s20, $0xb8;
	[tilespmem:$0x1E800] =	vst v63  }
0x241: {  	_ =	swait.ge [sflag:s0], $0x2000  }
0x242: {  	[sflag:s0] =	ssyncset.done $0x0  }
0x243: {  	[sflag:s0] =	ssyncadd.s32 $0xFFFFE000  }
0x244: {  	_ =	swait.ge [sflag:s4], $0x2000  }
0x245: {  	[sflag:s4] =	ssyncset.done $0x0  }
0x246: {  	[sflag:s4] =	ssyncadd.s32 $0xFFFFE000  }
0x247: {  	[spmem:s2] =	stream.indirect.scatter.add.f32 [tilespmem:s25], [sflag:$0x5], $0x80, s12, s20, $0xb8;
	[tilespmem:$0x1E800] =	vst v63  }
0x248: {  	_ =	swait.ge [sflag:s0], $0x2000  }
0x249: {  	[sflag:s0] =	ssyncset.done $0x0  }
0x24a: {  	[sflag:s0] =	ssyncadd.s32 $0xFFFFE000  }
0x24b: {  	_ =	swait.ge [sflag:s24], $0x2000  }
0x24c: {  	[sflag:s24] =	ssyncset.done $0x0  }
0x24d: {  	[sflag:s24] =	ssyncadd.s32 $0xFFFFE000  }
0x24e: {  	[spmem:s2] =	stream.indirect.scatter.add.f32 [tilespmem:s28], [sflag:$0x5], $0x80, s13, s20, $0xb8;
	[tilespmem:$0x1E800] =	vst v63  }
0x24f: {  	_ =	swait.ge [sflag:s0], $0x2000  }
0x250: {  	[sflag:s0] =	ssyncset.done $0x0  }
0x251: {  	[sflag:s0] =	ssyncadd.s32 $0xFFFFE000  }
0x252: {  	_ =	swait.ge [sflag:s7], $0x2000  }
0x253: {  	[sflag:s7] =	ssyncset.done $0x0  }
0x254: {  	[sflag:s7] =	ssyncadd.s32 $0xFFFFE000  }
0x255: {  	[spmem:s2] =	stream.indirect.scatter.add.f32 [tilespmem:s30], [sflag:$0x5], $0x80, s14, s20, $0xb8;
	[tilespmem:$0x1E800] =	vst v63  }
0x256: {  	_ =	swait.ge [sflag:s0], $0x2000  }
0x257: {  	[sflag:s0] =	ssyncset.done $0x0  }
0x258: {  	[sflag:s0] =	ssyncadd.s32 $0xFFFFE000  }
0x259: {  	[bflag:$0x0] =	sbarrier.arrive $0xFFFF  }
0x25a: {  	s26 =	rddreg [dreg:$0x9]  }
0x25b: {  	s22 =	rddreg [dreg:$0x13]  }
0x25c: {  	[hbm:s22], [sflag:s26] =	dma.local [spmem:s6], $0x2800  }
0x25d: {  	_ =	swait.ge [sflag:s18], $0x2800  }
0x25e: {  	[sflag:s18] =	ssyncset.done $0x0  }
0x25f: {  	[sflag:s18] =	ssyncadd.s32 $0xFFFFD800  }
0x260: {  	[bflag:$0x0] =	sbarrier.arrive $0xFFFF  }
0x261: {  	s29 =	rddreg [dreg:$0x8]  }
0x262: {  	[spmem:s6], [sflag:s26] =	dma.local [hbm:s29], $0x2800  }
0x263: {  	_ =	swait.ge [sflag:s18], $0x2800  }
0x264: {  	[sflag:s18] =	ssyncset.done $0x0  }
0x265: {  	[sflag:s18] =	ssyncadd.s32 $0xFFFFD800  }
0x266: {  	[bflag:$0x0] =	sbarrier.arrive $0xFFFF  }
0x267: {  	s22 =	simm.s32 $0x0;
	s29 =	rddreg [dreg:$0xa]  }
0x268: {  	[tilespmem:s22], [sflag:$0x6] =	stream.linear.gather [hbm4b:s29+s22], $0x1400, $0x38;
	[tilespmem:$0x1E800] =	vst v63  }
0x269: {  	_ =	swait.ge [sflag:s18], $0x1400  }
0x26a: {  	[sflag:s18] =	ssyncset.done $0x0  }
0x26b: {  	s29 =	rddreg [dreg:$0xb];
	[sflag:s18] =	ssyncadd.s32 $0xFFFFEC00  }
0x26c: {  	[tilespmem:s19], [sflag:$0x6] =	stream.linear.gather [hbm4b:s29+s22], $0x1400, $0x38;
	[tilespmem:$0x1E800] =	vst v63  }
0x26d: {  	_ =	swait.ge [sflag:s18], $0x1400  }
0x26e: {  	[sflag:s18] =	ssyncset.done $0x0  }
0x26f: {  	[sflag:s18] =	ssyncadd.s32 $0xFFFFEC00  }
0x270: {  	[tilespmem:s21], [sflag:$0x1] =	stream.indirect.gather [hbm4b:s16+s20], $0x80, s22, s20, $0xb8;
	[tilespmem:$0x1E800] =	vst v63  }
0x271: {  	s26 =	simm.s32 $0x80  }
0x272: {  	[tilespmem:s25], [sflag:$0x2] =	stream.indirect.gather [hbm4b:s16+s20], $0x80, s26, s20, $0xb8;
	[tilespmem:$0x1E800] =	vst v63  }
0x273: {  	s29 =	simm.s32 $0x100  }
0x274: {  	[tilespmem:s28], [sflag:$0x3] =	stream.indirect.gather [hbm4b:s16+s20], $0x80, s29, s20, $0xb8;
	[tilespmem:$0x1E800] =	vst v63  }
0x275: {  	s26 =	simm.s32 $0x180  }
0x276: {  	[tilespmem:s30], [sflag:$0x4] =	stream.indirect.gather [hbm4b:s16+s20], $0x80, s26, s20, $0xb8;
	[tilespmem:$0x1E800] =	vst v63  }
0x277: {  	_ =	swait.ge [sflag:s31], $0x2000  }
0x278: {  	[sflag:s31] =	ssyncset.done $0x0  }
0x279: {  	[sflag:s31] =	ssyncadd.s32 $0xFFFFE000  }
0x27a: {  	[spmem:s2] =	stream.indirect.scatter.add.f32 [tilespmem:s21], [sflag:$0x5], $0x80, s19, s20, $0xb8;
	[tilespmem:$0x1E800] =	vst v63  }
0x27b: {  	_ =	swait.ge [sflag:s0], $0x2000  }
0x27c: {  	[sflag:s0] =	ssyncset.done $0x0  }
0x27d: {  	[sflag:s0] =	ssyncadd.s32 $0xFFFFE000  }
0x27e: {  	[tilespmem:s21], [sflag:$0x1] =	stream.indirect.gather [hbm4b:s16+s20], $0x80, s1, s20, $0xb8;
	[tilespmem:$0x1E800] =	vst v63  }
0x27f: {  	_ =	swait.ge [sflag:s4], $0x2000  }
0x280: {  	[sflag:s4] =	ssyncset.done $0x0  }
0x281: {  	[sflag:s4] =	ssyncadd.s32 $0xFFFFE000  }
0x282: {  	[spmem:s2] =	stream.indirect.scatter.add.f32 [tilespmem:s25], [sflag:$0x5], $0x80, s17, s20, $0xb8;
	[tilespmem:$0x1E800] =	vst v63  }
0x283: {  	_ =	swait.ge [sflag:s0], $0x2000  }
0x284: {  	[sflag:s0] =	ssyncset.done $0x0  }
0x285: {  	[sflag:s0] =	ssyncadd.s32 $0xFFFFE000  }
0x286: {  	[tilespmem:s25], [sflag:$0x2] =	stream.indirect.gather [hbm4b:s16+s20], $0x80, s23, s20, $0xb8;
	[tilespmem:$0x1E800] =	vst v63  }
0x287: {  	_ =	swait.ge [sflag:s24], $0x2000  }
0x288: {  	[sflag:s24] =	ssyncset.done $0x0  }
0x289: {  	[sflag:s24] =	ssyncadd.s32 $0xFFFFE000  }
0x28a: {  	[spmem:s2] =	stream.indirect.scatter.add.f32 [tilespmem:s28], [sflag:$0x5], $0x80, s3, s20, $0xb8;
	[tilespmem:$0x1E800] =	vst v63  }
0x28b: {  	_ =	swait.ge [sflag:s0], $0x2000  }
0x28c: {  	[sflag:s0] =	ssyncset.done $0x0  }
0x28d: {  	[sflag:s0] =	ssyncadd.s32 $0xFFFFE000  }
0x28e: {  	[tilespmem:s28], [sflag:$0x3] =	stream.indirect.gather [hbm4b:s16+s20], $0x80, s5, s20, $0xb8;
	[tilespmem:$0x1E800] =	vst v63  }
0x28f: {  	_ =	swait.ge [sflag:s7], $0x2000  }
0x290: {  	[sflag:s7] =	ssyncset.done $0x0  }
0x291: {  	[sflag:s7] =	ssyncadd.s32 $0xFFFFE000  }
0x292: {  	[spmem:s2] =	stream.indirect.scatter.add.f32 [tilespmem:s30], [sflag:$0x5], $0x80, s8, s20, $0xb8;
	[tilespmem:$0x1E800] =	vst v63  }
0x293: {  	_ =	swait.ge [sflag:s0], $0x2000  }
0x294: {  	[sflag:s0] =	ssyncset.done $0x0  }
0x295: {  	s29 =	simm.s32 $0x380;
	[sflag:s0] =	ssyncadd.s32 $0xFFFFE000  }
0x296: {  	[tilespmem:s30], [sflag:$0x4] =	stream.indirect.gather [hbm4b:s16+s20], $0x80, s29, s20, $0xb8;
	[tilespmem:$0x1E800] =	vst v63  }
0x297: {  	_ =	swait.ge [sflag:s31], $0x2000  }
0x298: {  	[sflag:s31] =	ssyncset.done $0x0  }
0x299: {  	s26 =	simm.s32 $0x1600;
	[sflag:s31] =	ssyncadd.s32 $0xFFFFE000  }
0x29a: {  	[spmem:s2] =	stream.indirect.scatter.add.f32 [tilespmem:s21], [sflag:$0x5], $0x80, s26, s20, $0xb8;
	[tilespmem:$0x1E800] =	vst v63  }
0x29b: {  	_ =	swait.ge [sflag:s0], $0x2000  }
0x29c: {  	[sflag:s0] =	ssyncset.done $0x0  }
0x29d: {  	s29 =	simm.s32 $0x400;
	[sflag:s0] =	ssyncadd.s32 $0xFFFFE000  }
0x29e: {  	[tilespmem:s21], [sflag:$0x1] =	stream.indirect.gather [hbm4b:s16+s20], $0x80, s29, s20, $0xb8;
	[tilespmem:$0x1E800] =	vst v63  }
0x29f: {  	_ =	swait.ge [sflag:s4], $0x2000  }
0x2a0: {  	[sflag:s4] =	ssyncset.done $0x0  }
0x2a1: {  	s26 =	simm.s32 $0x1680;
	[sflag:s4] =	ssyncadd.s32 $0xFFFFE000  }
0x2a2: {  	[spmem:s2] =	stream.indirect.scatter.add.f32 [tilespmem:s25], [sflag:$0x5], $0x80, s26, s20, $0xb8;
	[tilespmem:$0x1E800] =	vst v63  }
0x2a3: {  	_ =	swait.ge [sflag:s0], $0x2000  }
0x2a4: {  	[sflag:s0] =	ssyncset.done $0x0  }
0x2a5: {  	s29 =	simm.s32 $0x480;
	[sflag:s0] =	ssyncadd.s32 $0xFFFFE000  }
0x2a6: {  	[tilespmem:s25], [sflag:$0x2] =	stream.indirect.gather [hbm4b:s16+s20], $0x80, s29, s20, $0xb8;
	[tilespmem:$0x1E800] =	vst v63  }
0x2a7: {  	_ =	swait.ge [sflag:s24], $0x2000  }
0x2a8: {  	[sflag:s24] =	ssyncset.done $0x0  }
0x2a9: {  	s26 =	simm.s32 $0x1700;
	[sflag:s24] =	ssyncadd.s32 $0xFFFFE000  }
0x2aa: {  	[spmem:s2] =	stream.indirect.scatter.add.f32 [tilespmem:s28], [sflag:$0x5], $0x80, s26, s20, $0xb8;
	[tilespmem:$0x1E800] =	vst v63  }
0x2ab: {  	_ =	swait.ge [sflag:s0], $0x2000  }
0x2ac: {  	[sflag:s0] =	ssyncset.done $0x0  }
0x2ad: {  	s29 =	simm.s32 $0x500;
	[sflag:s0] =	ssyncadd.s32 $0xFFFFE000  }
0x2ae: {  	[tilespmem:s28], [sflag:$0x3] =	stream.indirect.gather [hbm4b:s16+s20], $0x80, s29, s20, $0xb8;
	[tilespmem:$0x1E800] =	vst v63  }
0x2af: {  	_ =	swait.ge [sflag:s7], $0x2000  }
0x2b0: {  	[sflag:s7] =	ssyncset.done $0x0  }
0x2b1: {  	s22 =	simm.s32 $0x800;
	s26 =	simm.s32 $0x1780;
	[sflag:s7] =	ssyncadd.s32 $0xFFFFE000  }
.LBB2_10:
0x2b2: {  	[spmem:s2] =	stream.indirect.scatter.add.f32 [tilespmem:s30], [sflag:$0x5], $0x80, s26, s20, $0xb8;
	[tilespmem:$0x1E800] =	vst v63  }
0x2b3: {  	s26 =	smov.u32 s22  }
0x2b4: {  	p0 =	sne.s32 s22, $0x3800;
	s22 =	sadd.s32 $0x800, s22;
	_ =	swait.ge [sflag:s0], $0x2000  }
0x2b5: {  	s26 =	sshra.s32 s26, $0x2;
	[sflag:s0] =	ssyncset.done $0x0  }
0x2b6: {  	s29 =	sadd.s32 $0x380, s26;
	[sflag:s0] =	ssyncadd.s32 $0xFFFFE000  }
0x2b7: {  	[tilespmem:s30], [sflag:$0x4] =	stream.indirect.gather [hbm4b:s16+s20], $0x80, s29, s20, $0xb8;
	[tilespmem:$0x1E800] =	vst v63  }
0x2b8: {  	_ =	swait.ge [sflag:s31], $0x2000  }
0x2b9: {  	[sflag:s31] =	ssyncset.done $0x0  }
0x2ba: {  	s29 =	sadd.s32 $0x1600, s26;
	[sflag:s31] =	ssyncadd.s32 $0xFFFFE000  }
0x2bb: {  	[spmem:s2] =	stream.indirect.scatter.add.f32 [tilespmem:s21], [sflag:$0x5], $0x80, s29, s20, $0xb8;
	[tilespmem:$0x1E800] =	vst v63  }
0x2bc: {  	_ =	swait.ge [sflag:s0], $0x2000  }
0x2bd: {  	[sflag:s0] =	ssyncset.done $0x0  }
0x2be: {  	s29 =	sadd.s32 $0x400, s26;
	[sflag:s0] =	ssyncadd.s32 $0xFFFFE000  }
0x2bf: {  	[tilespmem:s21], [sflag:$0x1] =	stream.indirect.gather [hbm4b:s16+s20], $0x80, s29, s20, $0xb8;
	[tilespmem:$0x1E800] =	vst v63  }
0x2c0: {  	_ =	swait.ge [sflag:s4], $0x2000  }
0x2c1: {  	[sflag:s4] =	ssyncset.done $0x0  }
0x2c2: {  	s29 =	sadd.s32 $0x1680, s26;
	[sflag:s4] =	ssyncadd.s32 $0xFFFFE000  }
0x2c3: {  	[spmem:s2] =	stream.indirect.scatter.add.f32 [tilespmem:s25], [sflag:$0x5], $0x80, s29, s20, $0xb8;
	[tilespmem:$0x1E800] =	vst v63  }
0x2c4: {  	_ =	swait.ge [sflag:s0], $0x2000  }
0x2c5: {  	[sflag:s0] =	ssyncset.done $0x0  }
0x2c6: {  	s29 =	sadd.s32 $0x480, s26;
	[sflag:s0] =	ssyncadd.s32 $0xFFFFE000  }
0x2c7: {  	[tilespmem:s25], [sflag:$0x2] =	stream.indirect.gather [hbm4b:s16+s20], $0x80, s29, s20, $0xb8;
	[tilespmem:$0x1E800] =	vst v63  }
0x2c8: {  	_ =	swait.ge [sflag:s24], $0x2000  }
0x2c9: {  	[sflag:s24] =	ssyncset.done $0x0  }
0x2ca: {  	s29 =	sadd.s32 $0x1700, s26;
	[sflag:s24] =	ssyncadd.s32 $0xFFFFE000  }
0x2cb: {  	[spmem:s2] =	stream.indirect.scatter.add.f32 [tilespmem:s28], [sflag:$0x5], $0x80, s29, s20, $0xb8;
	[tilespmem:$0x1E800] =	vst v63  }
0x2cc: {  	_ =	swait.ge [sflag:s0], $0x2000  }
0x2cd: {  	[sflag:s0] =	ssyncset.done $0x0  }
.Ltmp4:
0x2ce: {  	s29 =	sadd.s32 $0x500, s26;
	[sflag:s0] =	ssyncadd.s32 $0xFFFFE000;
	(pc) =	sbr.rel @p0 .LBB2_10-.Ltmp4, $4  }
0x2cf: {  	[tilespmem:s28], [sflag:$0x3] =	stream.indirect.gather [hbm4b:s16+s20], $0x80, s29, s20, $0xb8;
	[tilespmem:$0x1E800] =	vst v63  }
0x2d0: {  	_ =	swait.ge [sflag:s7], $0x2000  }
0x2d1: {  	[sflag:s7] =	ssyncset.done $0x0  }
0x2d2: {  	s26 =	sadd.s32 $0x1780, s26;
	[sflag:s7] =	ssyncadd.s32 $0xFFFFE000  }
0x2d3: {  	[spmem:s2] =	stream.indirect.scatter.add.f32 [tilespmem:s30], [sflag:$0x5], $0x80, s26, s20, $0xb8;
	[tilespmem:$0x1E800] =	vst v63  }
0x2d4: {  	_ =	swait.ge [sflag:s0], $0x2000  }
0x2d5: {  	[sflag:s0] =	ssyncset.done $0x0  }
0x2d6: {  	[sflag:s0] =	ssyncadd.s32 $0xFFFFE000  }
0x2d7: {  	[tilespmem:s30], [sflag:$0x4] =	stream.indirect.gather [hbm4b:s16+s20], $0x80, s10, s20, $0xb8;
	[tilespmem:$0x1E800] =	vst v63  }
0x2d8: {  	_ =	swait.ge [sflag:s31], $0x2000  }
0x2d9: {  	[sflag:s31] =	ssyncset.done $0x0  }
0x2da: {  	[sflag:s31] =	ssyncadd.s32 $0xFFFFE000  }
0x2db: {  	[spmem:s2] =	stream.indirect.scatter.add.f32 [tilespmem:s21], [sflag:$0x5], $0x80, s11, s20, $0xb8;
	[tilespmem:$0x1E800] =	vst v63  }
0x2dc: {  	_ =	swait.ge [sflag:s0], $0x2000  }
0x2dd: {  	[sflag:s0] =	ssyncset.done $0x0  }
0x2de: {  	[sflag:s0] =	ssyncadd.s32 $0xFFFFE000  }
0x2df: {  	_ =	swait.ge [sflag:s4], $0x2000  }
0x2e0: {  	[sflag:s4] =	ssyncset.done $0x0  }
0x2e1: {  	[sflag:s4] =	ssyncadd.s32 $0xFFFFE000  }
0x2e2: {  	[spmem:s2] =	stream.indirect.scatter.add.f32 [tilespmem:s25], [sflag:$0x5], $0x80, s12, s20, $0xb8;
	[tilespmem:$0x1E800] =	vst v63  }
0x2e3: {  	_ =	swait.ge [sflag:s0], $0x2000  }
0x2e4: {  	[sflag:s0] =	ssyncset.done $0x0  }
0x2e5: {  	[sflag:s0] =	ssyncadd.s32 $0xFFFFE000  }
0x2e6: {  	_ =	swait.ge [sflag:s24], $0x2000  }
0x2e7: {  	[sflag:s24] =	ssyncset.done $0x0  }
0x2e8: {  	[sflag:s24] =	ssyncadd.s32 $0xFFFFE000  }
0x2e9: {  	[spmem:s2] =	stream.indirect.scatter.add.f32 [tilespmem:s28], [sflag:$0x5], $0x80, s13, s20, $0xb8;
	[tilespmem:$0x1E800] =	vst v63  }
0x2ea: {  	_ =	swait.ge [sflag:s0], $0x2000  }
0x2eb: {  	[sflag:s0] =	ssyncset.done $0x0  }
0x2ec: {  	[sflag:s0] =	ssyncadd.s32 $0xFFFFE000  }
0x2ed: {  	_ =	swait.ge [sflag:s7], $0x2000  }
0x2ee: {  	[sflag:s7] =	ssyncset.done $0x0  }
0x2ef: {  	[sflag:s7] =	ssyncadd.s32 $0xFFFFE000  }
0x2f0: {  	[spmem:s2] =	stream.indirect.scatter.add.f32 [tilespmem:s30], [sflag:$0x5], $0x80, s14, s20, $0xb8;
	[tilespmem:$0x1E800] =	vst v63  }
0x2f1: {  	_ =	swait.ge [sflag:s0], $0x2000  }
0x2f2: {  	[sflag:s0] =	ssyncset.done $0x0  }
0x2f3: {  	s22 =	simm.s32 $0x0;
	s29 =	rddreg [dreg:$0xc];
	[sflag:s0] =	ssyncadd.s32 $0xFFFFE000  }
0x2f4: {  	[tilespmem:s22], [sflag:$0x6] =	stream.linear.gather [hbm4b:s29+s22], $0x1400, $0x38;
	[tilespmem:$0x1E800] =	vst v63  }
0x2f5: {  	_ =	swait.ge [sflag:s18], $0x1400  }
0x2f6: {  	[sflag:s18] =	ssyncset.done $0x0  }
0x2f7: {  	s29 =	rddreg [dreg:$0xd];
	[sflag:s18] =	ssyncadd.s32 $0xFFFFEC00  }
0x2f8: {  	[tilespmem:s19], [sflag:$0x6] =	stream.linear.gather [hbm4b:s29+s22], $0x1400, $0x38;
	[tilespmem:$0x1E800] =	vst v63  }
0x2f9: {  	_ =	swait.ge [sflag:s18], $0x1400  }
0x2fa: {  	[sflag:s18] =	ssyncset.done $0x0  }
0x2fb: {  	[sflag:s18] =	ssyncadd.s32 $0xFFFFEC00  }
0x2fc: {  	[tilespmem:s21], [sflag:$0x1] =	stream.indirect.gather [hbm4b:s16+s20], $0x80, s22, s20, $0xb8;
	[tilespmem:$0x1E800] =	vst v63  }
0x2fd: {  	s26 =	simm.s32 $0x80  }
0x2fe: {  	[tilespmem:s25], [sflag:$0x2] =	stream.indirect.gather [hbm4b:s16+s20], $0x80, s26, s20, $0xb8;
	[tilespmem:$0x1E800] =	vst v63  }
0x2ff: {  	s29 =	simm.s32 $0x100  }
0x300: {  	[tilespmem:s28], [sflag:$0x3] =	stream.indirect.gather [hbm4b:s16+s20], $0x80, s29, s20, $0xb8;
	[tilespmem:$0x1E800] =	vst v63  }
0x301: {  	s26 =	simm.s32 $0x180  }
0x302: {  	[tilespmem:s30], [sflag:$0x4] =	stream.indirect.gather [hbm4b:s16+s20], $0x80, s26, s20, $0xb8;
	[tilespmem:$0x1E800] =	vst v63  }
0x303: {  	_ =	swait.ge [sflag:s31], $0x2000  }
0x304: {  	[sflag:s31] =	ssyncset.done $0x0  }
0x305: {  	[sflag:s31] =	ssyncadd.s32 $0xFFFFE000  }
0x306: {  	[spmem:s2] =	stream.indirect.scatter.add.f32 [tilespmem:s21], [sflag:$0x5], $0x80, s19, s20, $0xb8;
	[tilespmem:$0x1E800] =	vst v63  }
0x307: {  	_ =	swait.ge [sflag:s0], $0x2000  }
0x308: {  	[sflag:s0] =	ssyncset.done $0x0  }
0x309: {  	[sflag:s0] =	ssyncadd.s32 $0xFFFFE000  }
0x30a: {  	[tilespmem:s21], [sflag:$0x1] =	stream.indirect.gather [hbm4b:s16+s20], $0x80, s1, s20, $0xb8;
	[tilespmem:$0x1E800] =	vst v63  }
0x30b: {  	_ =	swait.ge [sflag:s4], $0x2000  }
0x30c: {  	[sflag:s4] =	ssyncset.done $0x0  }
0x30d: {  	[sflag:s4] =	ssyncadd.s32 $0xFFFFE000  }
0x30e: {  	[spmem:s2] =	stream.indirect.scatter.add.f32 [tilespmem:s25], [sflag:$0x5], $0x80, s17, s20, $0xb8;
	[tilespmem:$0x1E800] =	vst v63  }
0x30f: {  	_ =	swait.ge [sflag:s0], $0x2000  }
0x310: {  	[sflag:s0] =	ssyncset.done $0x0  }
0x311: {  	[sflag:s0] =	ssyncadd.s32 $0xFFFFE000  }
0x312: {  	[tilespmem:s25], [sflag:$0x2] =	stream.indirect.gather [hbm4b:s16+s20], $0x80, s23, s20, $0xb8;
	[tilespmem:$0x1E800] =	vst v63  }
0x313: {  	_ =	swait.ge [sflag:s24], $0x2000  }
0x314: {  	[sflag:s24] =	ssyncset.done $0x0  }
0x315: {  	[sflag:s24] =	ssyncadd.s32 $0xFFFFE000  }
0x316: {  	[spmem:s2] =	stream.indirect.scatter.add.f32 [tilespmem:s28], [sflag:$0x5], $0x80, s3, s20, $0xb8;
	[tilespmem:$0x1E800] =	vst v63  }
0x317: {  	_ =	swait.ge [sflag:s0], $0x2000  }
0x318: {  	[sflag:s0] =	ssyncset.done $0x0  }
0x319: {  	[sflag:s0] =	ssyncadd.s32 $0xFFFFE000  }
0x31a: {  	[tilespmem:s28], [sflag:$0x3] =	stream.indirect.gather [hbm4b:s16+s20], $0x80, s5, s20, $0xb8;
	[tilespmem:$0x1E800] =	vst v63  }
0x31b: {  	_ =	swait.ge [sflag:s7], $0x2000  }
0x31c: {  	[sflag:s7] =	ssyncset.done $0x0  }
0x31d: {  	[sflag:s7] =	ssyncadd.s32 $0xFFFFE000  }
0x31e: {  	[spmem:s2] =	stream.indirect.scatter.add.f32 [tilespmem:s30], [sflag:$0x5], $0x80, s8, s20, $0xb8;
	[tilespmem:$0x1E800] =	vst v63  }
0x31f: {  	_ =	swait.ge [sflag:s0], $0x2000  }
0x320: {  	[sflag:s0] =	ssyncset.done $0x0  }
0x321: {  	s29 =	simm.s32 $0x380;
	[sflag:s0] =	ssyncadd.s32 $0xFFFFE000  }
0x322: {  	[tilespmem:s30], [sflag:$0x4] =	stream.indirect.gather [hbm4b:s16+s20], $0x80, s29, s20, $0xb8;
	[tilespmem:$0x1E800] =	vst v63  }
0x323: {  	_ =	swait.ge [sflag:s31], $0x2000  }
0x324: {  	[sflag:s31] =	ssyncset.done $0x0  }
0x325: {  	s26 =	simm.s32 $0x1600;
	[sflag:s31] =	ssyncadd.s32 $0xFFFFE000  }
0x326: {  	[spmem:s2] =	stream.indirect.scatter.add.f32 [tilespmem:s21], [sflag:$0x5], $0x80, s26, s20, $0xb8;
	[tilespmem:$0x1E800] =	vst v63  }
0x327: {  	_ =	swait.ge [sflag:s0], $0x2000  }
0x328: {  	[sflag:s0] =	ssyncset.done $0x0  }
0x329: {  	s29 =	simm.s32 $0x400;
	[sflag:s0] =	ssyncadd.s32 $0xFFFFE000  }
0x32a: {  	[tilespmem:s21], [sflag:$0x1] =	stream.indirect.gather [hbm4b:s16+s20], $0x80, s29, s20, $0xb8;
	[tilespmem:$0x1E800] =	vst v63  }
0x32b: {  	_ =	swait.ge [sflag:s4], $0x2000  }
0x32c: {  	[sflag:s4] =	ssyncset.done $0x0  }
0x32d: {  	s26 =	simm.s32 $0x1680;
	[sflag:s4] =	ssyncadd.s32 $0xFFFFE000  }
0x32e: {  	[spmem:s2] =	stream.indirect.scatter.add.f32 [tilespmem:s25], [sflag:$0x5], $0x80, s26, s20, $0xb8;
	[tilespmem:$0x1E800] =	vst v63  }
0x32f: {  	_ =	swait.ge [sflag:s0], $0x2000  }
0x330: {  	[sflag:s0] =	ssyncset.done $0x0  }
0x331: {  	s29 =	simm.s32 $0x480;
	[sflag:s0] =	ssyncadd.s32 $0xFFFFE000  }
0x332: {  	[tilespmem:s25], [sflag:$0x2] =	stream.indirect.gather [hbm4b:s16+s20], $0x80, s29, s20, $0xb8;
	[tilespmem:$0x1E800] =	vst v63  }
0x333: {  	_ =	swait.ge [sflag:s24], $0x2000  }
0x334: {  	[sflag:s24] =	ssyncset.done $0x0  }
0x335: {  	s26 =	simm.s32 $0x1700;
	[sflag:s24] =	ssyncadd.s32 $0xFFFFE000  }
0x336: {  	[spmem:s2] =	stream.indirect.scatter.add.f32 [tilespmem:s28], [sflag:$0x5], $0x80, s26, s20, $0xb8;
	[tilespmem:$0x1E800] =	vst v63  }
0x337: {  	_ =	swait.ge [sflag:s0], $0x2000  }
0x338: {  	[sflag:s0] =	ssyncset.done $0x0  }
0x339: {  	s29 =	simm.s32 $0x500;
	[sflag:s0] =	ssyncadd.s32 $0xFFFFE000  }
0x33a: {  	[tilespmem:s28], [sflag:$0x3] =	stream.indirect.gather [hbm4b:s16+s20], $0x80, s29, s20, $0xb8;
	[tilespmem:$0x1E800] =	vst v63  }
0x33b: {  	_ =	swait.ge [sflag:s7], $0x2000  }
0x33c: {  	[sflag:s7] =	ssyncset.done $0x0  }
0x33d: {  	s22 =	simm.s32 $0x800;
	s26 =	simm.s32 $0x1780;
	[sflag:s7] =	ssyncadd.s32 $0xFFFFE000  }
.LBB2_12:
0x33e: {  	[spmem:s2] =	stream.indirect.scatter.add.f32 [tilespmem:s30], [sflag:$0x5], $0x80, s26, s20, $0xb8;
	[tilespmem:$0x1E800] =	vst v63  }
0x33f: {  	s26 =	smov.u32 s22  }
0x340: {  	p0 =	sne.s32 s22, $0x3800;
	s22 =	sadd.s32 $0x800, s22;
	_ =	swait.ge [sflag:s0], $0x2000  }
0x341: {  	s26 =	sshra.s32 s26, $0x2;
	[sflag:s0] =	ssyncset.done $0x0  }
0x342: {  	s29 =	sadd.s32 $0x380, s26;
	[sflag:s0] =	ssyncadd.s32 $0xFFFFE000  }
0x343: {  	[tilespmem:s30], [sflag:$0x4] =	stream.indirect.gather [hbm4b:s16+s20], $0x80, s29, s20, $0xb8;
	[tilespmem:$0x1E800] =	vst v63  }
0x344: {  	_ =	swait.ge [sflag:s31], $0x2000  }
0x345: {  	[sflag:s31] =	ssyncset.done $0x0  }
0x346: {  	s29 =	sadd.s32 $0x1600, s26;
	[sflag:s31] =	ssyncadd.s32 $0xFFFFE000  }
0x347: {  	[spmem:s2] =	stream.indirect.scatter.add.f32 [tilespmem:s21], [sflag:$0x5], $0x80, s29, s20, $0xb8;
	[tilespmem:$0x1E800] =	vst v63  }
0x348: {  	_ =	swait.ge [sflag:s0], $0x2000  }
0x349: {  	[sflag:s0] =	ssyncset.done $0x0  }
0x34a: {  	s29 =	sadd.s32 $0x400, s26;
	[sflag:s0] =	ssyncadd.s32 $0xFFFFE000  }
0x34b: {  	[tilespmem:s21], [sflag:$0x1] =	stream.indirect.gather [hbm4b:s16+s20], $0x80, s29, s20, $0xb8;
	[tilespmem:$0x1E800] =	vst v63  }
0x34c: {  	_ =	swait.ge [sflag:s4], $0x2000  }
0x34d: {  	[sflag:s4] =	ssyncset.done $0x0  }
0x34e: {  	s29 =	sadd.s32 $0x1680, s26;
	[sflag:s4] =	ssyncadd.s32 $0xFFFFE000  }
0x34f: {  	[spmem:s2] =	stream.indirect.scatter.add.f32 [tilespmem:s25], [sflag:$0x5], $0x80, s29, s20, $0xb8;
	[tilespmem:$0x1E800] =	vst v63  }
0x350: {  	_ =	swait.ge [sflag:s0], $0x2000  }
0x351: {  	[sflag:s0] =	ssyncset.done $0x0  }
0x352: {  	s29 =	sadd.s32 $0x480, s26;
	[sflag:s0] =	ssyncadd.s32 $0xFFFFE000  }
0x353: {  	[tilespmem:s25], [sflag:$0x2] =	stream.indirect.gather [hbm4b:s16+s20], $0x80, s29, s20, $0xb8;
	[tilespmem:$0x1E800] =	vst v63  }
0x354: {  	_ =	swait.ge [sflag:s24], $0x2000  }
0x355: {  	[sflag:s24] =	ssyncset.done $0x0  }
0x356: {  	s29 =	sadd.s32 $0x1700, s26;
	[sflag:s24] =	ssyncadd.s32 $0xFFFFE000  }
0x357: {  	[spmem:s2] =	stream.indirect.scatter.add.f32 [tilespmem:s28], [sflag:$0x5], $0x80, s29, s20, $0xb8;
	[tilespmem:$0x1E800] =	vst v63  }
0x358: {  	_ =	swait.ge [sflag:s0], $0x2000  }
0x359: {  	[sflag:s0] =	ssyncset.done $0x0  }
.Ltmp5:
0x35a: {  	s29 =	sadd.s32 $0x500, s26;
	[sflag:s0] =	ssyncadd.s32 $0xFFFFE000;
	(pc) =	sbr.rel @p0 .LBB2_12-.Ltmp5, $4  }
0x35b: {  	[tilespmem:s28], [sflag:$0x3] =	stream.indirect.gather [hbm4b:s16+s20], $0x80, s29, s20, $0xb8;
	[tilespmem:$0x1E800] =	vst v63  }
0x35c: {  	_ =	swait.ge [sflag:s7], $0x2000  }
0x35d: {  	[sflag:s7] =	ssyncset.done $0x0  }
0x35e: {  	s26 =	sadd.s32 $0x1780, s26;
	[sflag:s7] =	ssyncadd.s32 $0xFFFFE000  }
0x35f: {  	[spmem:s2] =	stream.indirect.scatter.add.f32 [tilespmem:s30], [sflag:$0x5], $0x80, s26, s20, $0xb8;
	[tilespmem:$0x1E800] =	vst v63  }
0x360: {  	_ =	swait.ge [sflag:s0], $0x2000  }
0x361: {  	[sflag:s0] =	ssyncset.done $0x0  }
0x362: {  	[sflag:s0] =	ssyncadd.s32 $0xFFFFE000  }
0x363: {  	[tilespmem:s30], [sflag:$0x4] =	stream.indirect.gather [hbm4b:s16+s20], $0x80, s10, s20, $0xb8;
	[tilespmem:$0x1E800] =	vst v63  }
0x364: {  	_ =	swait.ge [sflag:s31], $0x2000  }
0x365: {  	[sflag:s31] =	ssyncset.done $0x0  }
0x366: {  	[sflag:s31] =	ssyncadd.s32 $0xFFFFE000  }
0x367: {  	[spmem:s2] =	stream.indirect.scatter.add.f32 [tilespmem:s21], [sflag:$0x5], $0x80, s11, s20, $0xb8;
	[tilespmem:$0x1E800] =	vst v63  }
0x368: {  	_ =	swait.ge [sflag:s0], $0x2000  }
0x369: {  	[sflag:s0] =	ssyncset.done $0x0  }
0x36a: {  	[sflag:s0] =	ssyncadd.s32 $0xFFFFE000  }
0x36b: {  	_ =	swait.ge [sflag:s4], $0x2000  }
0x36c: {  	[sflag:s4] =	ssyncset.done $0x0  }
0x36d: {  	[sflag:s4] =	ssyncadd.s32 $0xFFFFE000  }
0x36e: {  	[spmem:s2] =	stream.indirect.scatter.add.f32 [tilespmem:s25], [sflag:$0x5], $0x80, s12, s20, $0xb8;
	[tilespmem:$0x1E800] =	vst v63  }
0x36f: {  	_ =	swait.ge [sflag:s0], $0x2000  }
0x370: {  	[sflag:s0] =	ssyncset.done $0x0  }
0x371: {  	[sflag:s0] =	ssyncadd.s32 $0xFFFFE000  }
0x372: {  	_ =	swait.ge [sflag:s24], $0x2000  }
0x373: {  	[sflag:s24] =	ssyncset.done $0x0  }
0x374: {  	[sflag:s24] =	ssyncadd.s32 $0xFFFFE000  }
0x375: {  	[spmem:s2] =	stream.indirect.scatter.add.f32 [tilespmem:s28], [sflag:$0x5], $0x80, s13, s20, $0xb8;
	[tilespmem:$0x1E800] =	vst v63  }
0x376: {  	_ =	swait.ge [sflag:s0], $0x2000  }
0x377: {  	[sflag:s0] =	ssyncset.done $0x0  }
0x378: {  	[sflag:s0] =	ssyncadd.s32 $0xFFFFE000  }
0x379: {  	_ =	swait.ge [sflag:s7], $0x2000  }
0x37a: {  	[sflag:s7] =	ssyncset.done $0x0  }
0x37b: {  	[sflag:s7] =	ssyncadd.s32 $0xFFFFE000  }
0x37c: {  	[spmem:s2] =	stream.indirect.scatter.add.f32 [tilespmem:s30], [sflag:$0x5], $0x80, s14, s20, $0xb8;
	[tilespmem:$0x1E800] =	vst v63  }
0x37d: {  	_ =	swait.ge [sflag:s0], $0x2000  }
0x37e: {  	[sflag:s0] =	ssyncset.done $0x0  }
0x37f: {  	s22 =	simm.s32 $0x0;
	s29 =	rddreg [dreg:$0xe];
	[sflag:s0] =	ssyncadd.s32 $0xFFFFE000  }
0x380: {  	[tilespmem:s22], [sflag:$0x6] =	stream.linear.gather [hbm4b:s29+s22], $0x1400, $0x38;
	[tilespmem:$0x1E800] =	vst v63  }
0x381: {  	_ =	swait.ge [sflag:s18], $0x1400  }
0x382: {  	[sflag:s18] =	ssyncset.done $0x0  }
0x383: {  	s29 =	rddreg [dreg:$0xf];
	[sflag:s18] =	ssyncadd.s32 $0xFFFFEC00  }
0x384: {  	[tilespmem:s19], [sflag:$0x6] =	stream.linear.gather [hbm4b:s29+s22], $0x1400, $0x38;
	[tilespmem:$0x1E800] =	vst v63  }
0x385: {  	_ =	swait.ge [sflag:s18], $0x1400  }
0x386: {  	[sflag:s18] =	ssyncset.done $0x0  }
0x387: {  	[sflag:s18] =	ssyncadd.s32 $0xFFFFEC00  }
0x388: {  	[tilespmem:s21], [sflag:$0x1] =	stream.indirect.gather [hbm4b:s16+s20], $0x80, s22, s20, $0xb8;
	[tilespmem:$0x1E800] =	vst v63  }
0x389: {  	s26 =	simm.s32 $0x80  }
0x38a: {  	[tilespmem:s25], [sflag:$0x2] =	stream.indirect.gather [hbm4b:s16+s20], $0x80, s26, s20, $0xb8;
	[tilespmem:$0x1E800] =	vst v63  }
0x38b: {  	s29 =	simm.s32 $0x100  }
0x38c: {  	[tilespmem:s28], [sflag:$0x3] =	stream.indirect.gather [hbm4b:s16+s20], $0x80, s29, s20, $0xb8;
	[tilespmem:$0x1E800] =	vst v63  }
0x38d: {  	s26 =	simm.s32 $0x180  }
0x38e: {  	[tilespmem:s30], [sflag:$0x4] =	stream.indirect.gather [hbm4b:s16+s20], $0x80, s26, s20, $0xb8;
	[tilespmem:$0x1E800] =	vst v63  }
0x38f: {  	_ =	swait.ge [sflag:s31], $0x2000  }
0x390: {  	[sflag:s31] =	ssyncset.done $0x0  }
0x391: {  	[sflag:s31] =	ssyncadd.s32 $0xFFFFE000  }
0x392: {  	[spmem:s2] =	stream.indirect.scatter.add.f32 [tilespmem:s21], [sflag:$0x5], $0x80, s19, s20, $0xb8;
	[tilespmem:$0x1E800] =	vst v63  }
0x393: {  	_ =	swait.ge [sflag:s0], $0x2000  }
0x394: {  	[sflag:s0] =	ssyncset.done $0x0  }
0x395: {  	[sflag:s0] =	ssyncadd.s32 $0xFFFFE000  }
0x396: {  	[tilespmem:s21], [sflag:$0x1] =	stream.indirect.gather [hbm4b:s16+s20], $0x80, s1, s20, $0xb8;
	[tilespmem:$0x1E800] =	vst v63  }
0x397: {  	_ =	swait.ge [sflag:s4], $0x2000  }
0x398: {  	[sflag:s4] =	ssyncset.done $0x0  }
0x399: {  	[sflag:s4] =	ssyncadd.s32 $0xFFFFE000  }
0x39a: {  	[spmem:s2] =	stream.indirect.scatter.add.f32 [tilespmem:s25], [sflag:$0x5], $0x80, s17, s20, $0xb8;
	[tilespmem:$0x1E800] =	vst v63  }
0x39b: {  	_ =	swait.ge [sflag:s0], $0x2000  }
0x39c: {  	[sflag:s0] =	ssyncset.done $0x0  }
0x39d: {  	[sflag:s0] =	ssyncadd.s32 $0xFFFFE000  }
0x39e: {  	[tilespmem:s25], [sflag:$0x2] =	stream.indirect.gather [hbm4b:s16+s20], $0x80, s23, s20, $0xb8;
	[tilespmem:$0x1E800] =	vst v63  }
0x39f: {  	_ =	swait.ge [sflag:s24], $0x2000  }
0x3a0: {  	[sflag:s24] =	ssyncset.done $0x0  }
0x3a1: {  	[sflag:s24] =	ssyncadd.s32 $0xFFFFE000  }
0x3a2: {  	[spmem:s2] =	stream.indirect.scatter.add.f32 [tilespmem:s28], [sflag:$0x5], $0x80, s3, s20, $0xb8;
	[tilespmem:$0x1E800] =	vst v63  }
0x3a3: {  	_ =	swait.ge [sflag:s0], $0x2000  }
0x3a4: {  	[sflag:s0] =	ssyncset.done $0x0  }
0x3a5: {  	[sflag:s0] =	ssyncadd.s32 $0xFFFFE000  }
0x3a6: {  	[tilespmem:s28], [sflag:$0x3] =	stream.indirect.gather [hbm4b:s16+s20], $0x80, s5, s20, $0xb8;
	[tilespmem:$0x1E800] =	vst v63  }
0x3a7: {  	_ =	swait.ge [sflag:s7], $0x2000  }
0x3a8: {  	[sflag:s7] =	ssyncset.done $0x0  }
0x3a9: {  	[sflag:s7] =	ssyncadd.s32 $0xFFFFE000  }
0x3aa: {  	[spmem:s2] =	stream.indirect.scatter.add.f32 [tilespmem:s30], [sflag:$0x5], $0x80, s8, s20, $0xb8;
	[tilespmem:$0x1E800] =	vst v63  }
0x3ab: {  	_ =	swait.ge [sflag:s0], $0x2000  }
0x3ac: {  	[sflag:s0] =	ssyncset.done $0x0  }
0x3ad: {  	s29 =	simm.s32 $0x380;
	[sflag:s0] =	ssyncadd.s32 $0xFFFFE000  }
0x3ae: {  	[tilespmem:s30], [sflag:$0x4] =	stream.indirect.gather [hbm4b:s16+s20], $0x80, s29, s20, $0xb8;
	[tilespmem:$0x1E800] =	vst v63  }
0x3af: {  	_ =	swait.ge [sflag:s31], $0x2000  }
0x3b0: {  	[sflag:s31] =	ssyncset.done $0x0  }
0x3b1: {  	s26 =	simm.s32 $0x1600;
	[sflag:s31] =	ssyncadd.s32 $0xFFFFE000  }
0x3b2: {  	[spmem:s2] =	stream.indirect.scatter.add.f32 [tilespmem:s21], [sflag:$0x5], $0x80, s26, s20, $0xb8;
	[tilespmem:$0x1E800] =	vst v63  }
0x3b3: {  	_ =	swait.ge [sflag:s0], $0x2000  }
0x3b4: {  	[sflag:s0] =	ssyncset.done $0x0  }
0x3b5: {  	s29 =	simm.s32 $0x400;
	[sflag:s0] =	ssyncadd.s32 $0xFFFFE000  }
0x3b6: {  	[tilespmem:s21], [sflag:$0x1] =	stream.indirect.gather [hbm4b:s16+s20], $0x80, s29, s20, $0xb8;
	[tilespmem:$0x1E800] =	vst v63  }
0x3b7: {  	_ =	swait.ge [sflag:s4], $0x2000  }
0x3b8: {  	[sflag:s4] =	ssyncset.done $0x0  }
0x3b9: {  	s26 =	simm.s32 $0x1680;
	[sflag:s4] =	ssyncadd.s32 $0xFFFFE000  }
0x3ba: {  	[spmem:s2] =	stream.indirect.scatter.add.f32 [tilespmem:s25], [sflag:$0x5], $0x80, s26, s20, $0xb8;
	[tilespmem:$0x1E800] =	vst v63  }
0x3bb: {  	_ =	swait.ge [sflag:s0], $0x2000  }
0x3bc: {  	[sflag:s0] =	ssyncset.done $0x0  }
0x3bd: {  	s29 =	simm.s32 $0x480;
	[sflag:s0] =	ssyncadd.s32 $0xFFFFE000  }
0x3be: {  	[tilespmem:s25], [sflag:$0x2] =	stream.indirect.gather [hbm4b:s16+s20], $0x80, s29, s20, $0xb8;
	[tilespmem:$0x1E800] =	vst v63  }
0x3bf: {  	_ =	swait.ge [sflag:s24], $0x2000  }
0x3c0: {  	[sflag:s24] =	ssyncset.done $0x0  }
0x3c1: {  	s26 =	simm.s32 $0x1700;
	[sflag:s24] =	ssyncadd.s32 $0xFFFFE000  }
0x3c2: {  	[spmem:s2] =	stream.indirect.scatter.add.f32 [tilespmem:s28], [sflag:$0x5], $0x80, s26, s20, $0xb8;
	[tilespmem:$0x1E800] =	vst v63  }
0x3c3: {  	_ =	swait.ge [sflag:s0], $0x2000  }
0x3c4: {  	[sflag:s0] =	ssyncset.done $0x0  }
0x3c5: {  	s29 =	simm.s32 $0x500;
	[sflag:s0] =	ssyncadd.s32 $0xFFFFE000  }
0x3c6: {  	[tilespmem:s28], [sflag:$0x3] =	stream.indirect.gather [hbm4b:s16+s20], $0x80, s29, s20, $0xb8;
	[tilespmem:$0x1E800] =	vst v63  }
0x3c7: {  	_ =	swait.ge [sflag:s7], $0x2000  }
0x3c8: {  	[sflag:s7] =	ssyncset.done $0x0  }
0x3c9: {  	s22 =	simm.s32 $0x800;
	s26 =	simm.s32 $0x1780;
	[sflag:s7] =	ssyncadd.s32 $0xFFFFE000  }
.LBB2_14:
0x3ca: {  	[spmem:s2] =	stream.indirect.scatter.add.f32 [tilespmem:s30], [sflag:$0x5], $0x80, s26, s20, $0xb8;
	[tilespmem:$0x1E800] =	vst v63  }
0x3cb: {  	s26 =	smov.u32 s22  }
0x3cc: {  	p0 =	sne.s32 s22, $0x3800;
	s22 =	sadd.s32 $0x800, s22;
	_ =	swait.ge [sflag:s0], $0x2000  }
0x3cd: {  	s26 =	sshra.s32 s26, $0x2;
	[sflag:s0] =	ssyncset.done $0x0  }
0x3ce: {  	s29 =	sadd.s32 $0x380, s26;
	[sflag:s0] =	ssyncadd.s32 $0xFFFFE000  }
0x3cf: {  	[tilespmem:s30], [sflag:$0x4] =	stream.indirect.gather [hbm4b:s16+s20], $0x80, s29, s20, $0xb8;
	[tilespmem:$0x1E800] =	vst v63  }
0x3d0: {  	_ =	swait.ge [sflag:s31], $0x2000  }
0x3d1: {  	[sflag:s31] =	ssyncset.done $0x0  }
0x3d2: {  	s29 =	sadd.s32 $0x1600, s26;
	[sflag:s31] =	ssyncadd.s32 $0xFFFFE000  }
0x3d3: {  	[spmem:s2] =	stream.indirect.scatter.add.f32 [tilespmem:s21], [sflag:$0x5], $0x80, s29, s20, $0xb8;
	[tilespmem:$0x1E800] =	vst v63  }
0x3d4: {  	_ =	swait.ge [sflag:s0], $0x2000  }
0x3d5: {  	[sflag:s0] =	ssyncset.done $0x0  }
0x3d6: {  	s29 =	sadd.s32 $0x400, s26;
	[sflag:s0] =	ssyncadd.s32 $0xFFFFE000  }
0x3d7: {  	[tilespmem:s21], [sflag:$0x1] =	stream.indirect.gather [hbm4b:s16+s20], $0x80, s29, s20, $0xb8;
	[tilespmem:$0x1E800] =	vst v63  }
0x3d8: {  	_ =	swait.ge [sflag:s4], $0x2000  }
0x3d9: {  	[sflag:s4] =	ssyncset.done $0x0  }
0x3da: {  	s29 =	sadd.s32 $0x1680, s26;
	[sflag:s4] =	ssyncadd.s32 $0xFFFFE000  }
0x3db: {  	[spmem:s2] =	stream.indirect.scatter.add.f32 [tilespmem:s25], [sflag:$0x5], $0x80, s29, s20, $0xb8;
	[tilespmem:$0x1E800] =	vst v63  }
0x3dc: {  	_ =	swait.ge [sflag:s0], $0x2000  }
0x3dd: {  	[sflag:s0] =	ssyncset.done $0x0  }
0x3de: {  	s29 =	sadd.s32 $0x480, s26;
	[sflag:s0] =	ssyncadd.s32 $0xFFFFE000  }
0x3df: {  	[tilespmem:s25], [sflag:$0x2] =	stream.indirect.gather [hbm4b:s16+s20], $0x80, s29, s20, $0xb8;
	[tilespmem:$0x1E800] =	vst v63  }
0x3e0: {  	_ =	swait.ge [sflag:s24], $0x2000  }
0x3e1: {  	[sflag:s24] =	ssyncset.done $0x0  }
0x3e2: {  	s29 =	sadd.s32 $0x1700, s26;
	[sflag:s24] =	ssyncadd.s32 $0xFFFFE000  }
0x3e3: {  	[spmem:s2] =	stream.indirect.scatter.add.f32 [tilespmem:s28], [sflag:$0x5], $0x80, s29, s20, $0xb8;
	[tilespmem:$0x1E800] =	vst v63  }
0x3e4: {  	_ =	swait.ge [sflag:s0], $0x2000  }
0x3e5: {  	[sflag:s0] =	ssyncset.done $0x0  }
.Ltmp6:
0x3e6: {  	s29 =	sadd.s32 $0x500, s26;
	[sflag:s0] =	ssyncadd.s32 $0xFFFFE000;
	(pc) =	sbr.rel @p0 .LBB2_14-.Ltmp6, $4  }
0x3e7: {  	[tilespmem:s28], [sflag:$0x3] =	stream.indirect.gather [hbm4b:s16+s20], $0x80, s29, s20, $0xb8;
	[tilespmem:$0x1E800] =	vst v63  }
0x3e8: {  	_ =	swait.ge [sflag:s7], $0x2000  }
0x3e9: {  	[sflag:s7] =	ssyncset.done $0x0  }
0x3ea: {  	s26 =	sadd.s32 $0x1780, s26;
	[sflag:s7] =	ssyncadd.s32 $0xFFFFE000  }
0x3eb: {  	[spmem:s2] =	stream.indirect.scatter.add.f32 [tilespmem:s30], [sflag:$0x5], $0x80, s26, s20, $0xb8;
	[tilespmem:$0x1E800] =	vst v63  }
0x3ec: {  	_ =	swait.ge [sflag:s0], $0x2000  }
0x3ed: {  	[sflag:s0] =	ssyncset.done $0x0  }
0x3ee: {  	[sflag:s0] =	ssyncadd.s32 $0xFFFFE000  }
0x3ef: {  	[tilespmem:s30], [sflag:$0x4] =	stream.indirect.gather [hbm4b:s16+s20], $0x80, s10, s20, $0xb8;
	[tilespmem:$0x1E800] =	vst v63  }
0x3f0: {  	_ =	swait.ge [sflag:s31], $0x2000  }
0x3f1: {  	[sflag:s31] =	ssyncset.done $0x0  }
0x3f2: {  	[sflag:s31] =	ssyncadd.s32 $0xFFFFE000  }
0x3f3: {  	[spmem:s2] =	stream.indirect.scatter.add.f32 [tilespmem:s21], [sflag:$0x5], $0x80, s11, s20, $0xb8;
	[tilespmem:$0x1E800] =	vst v63  }
0x3f4: {  	_ =	swait.ge [sflag:s0], $0x2000  }
0x3f5: {  	[sflag:s0] =	ssyncset.done $0x0  }
0x3f6: {  	[sflag:s0] =	ssyncadd.s32 $0xFFFFE000  }
0x3f7: {  	_ =	swait.ge [sflag:s4], $0x2000  }
0x3f8: {  	[sflag:s4] =	ssyncset.done $0x0  }
0x3f9: {  	[sflag:s4] =	ssyncadd.s32 $0xFFFFE000  }
0x3fa: {  	[spmem:s2] =	stream.indirect.scatter.add.f32 [tilespmem:s25], [sflag:$0x5], $0x80, s12, s20, $0xb8;
	[tilespmem:$0x1E800] =	vst v63  }
0x3fb: {  	_ =	swait.ge [sflag:s0], $0x2000  }
0x3fc: {  	[sflag:s0] =	ssyncset.done $0x0  }
0x3fd: {  	[sflag:s0] =	ssyncadd.s32 $0xFFFFE000  }
0x3fe: {  	_ =	swait.ge [sflag:s24], $0x2000  }
0x3ff: {  	[sflag:s24] =	ssyncset.done $0x0  }
0x400: {  	[sflag:s24] =	ssyncadd.s32 $0xFFFFE000  }
0x401: {  	[spmem:s2] =	stream.indirect.scatter.add.f32 [tilespmem:s28], [sflag:$0x5], $0x80, s13, s20, $0xb8;
	[tilespmem:$0x1E800] =	vst v63  }
0x402: {  	_ =	swait.ge [sflag:s0], $0x2000  }
0x403: {  	[sflag:s0] =	ssyncset.done $0x0  }
0x404: {  	[sflag:s0] =	ssyncadd.s32 $0xFFFFE000  }
0x405: {  	_ =	swait.ge [sflag:s7], $0x2000  }
0x406: {  	[sflag:s7] =	ssyncset.done $0x0  }
0x407: {  	[sflag:s7] =	ssyncadd.s32 $0xFFFFE000  }
0x408: {  	[spmem:s2] =	stream.indirect.scatter.add.f32 [tilespmem:s30], [sflag:$0x5], $0x80, s14, s20, $0xb8;
	[tilespmem:$0x1E800] =	vst v63  }
0x409: {  	_ =	swait.ge [sflag:s0], $0x2000  }
0x40a: {  	[sflag:s0] =	ssyncset.done $0x0  }
0x40b: {  	s22 =	simm.s32 $0x0;
	s29 =	rddreg [dreg:$0x10];
	[sflag:s0] =	ssyncadd.s32 $0xFFFFE000  }
0x40c: {  	[tilespmem:s22], [sflag:$0x6] =	stream.linear.gather [hbm4b:s29+s22], $0x1400, $0x38;
	[tilespmem:$0x1E800] =	vst v63  }
0x40d: {  	_ =	swait.ge [sflag:s18], $0x1400  }
0x40e: {  	[sflag:s18] =	ssyncset.done $0x0  }
0x40f: {  	s29 =	rddreg [dreg:$0x11];
	[sflag:s18] =	ssyncadd.s32 $0xFFFFEC00  }
0x410: {  	[tilespmem:s19], [sflag:$0x6] =	stream.linear.gather [hbm4b:s29+s22], $0x1400, $0x38;
	[tilespmem:$0x1E800] =	vst v63  }
0x411: {  	_ =	swait.ge [sflag:s18], $0x1400  }
0x412: {  	[sflag:s18] =	ssyncset.done $0x0  }
0x413: {  	[sflag:s18] =	ssyncadd.s32 $0xFFFFEC00  }
0x414: {  	[tilespmem:s21], [sflag:$0x1] =	stream.indirect.gather [hbm4b:s16+s20], $0x80, s22, s20, $0xb8;
	[tilespmem:$0x1E800] =	vst v63  }
0x415: {  	s26 =	simm.s32 $0x80  }
0x416: {  	[tilespmem:s25], [sflag:$0x2] =	stream.indirect.gather [hbm4b:s16+s20], $0x80, s26, s20, $0xb8;
	[tilespmem:$0x1E800] =	vst v63  }
0x417: {  	s29 =	simm.s32 $0x100  }
0x418: {  	[tilespmem:s28], [sflag:$0x3] =	stream.indirect.gather [hbm4b:s16+s20], $0x80, s29, s20, $0xb8;
	[tilespmem:$0x1E800] =	vst v63  }
0x419: {  	s26 =	simm.s32 $0x180  }
0x41a: {  	[tilespmem:s30], [sflag:$0x4] =	stream.indirect.gather [hbm4b:s16+s20], $0x80, s26, s20, $0xb8;
	[tilespmem:$0x1E800] =	vst v63  }
0x41b: {  	_ =	swait.ge [sflag:s31], $0x2000  }
0x41c: {  	[sflag:s31] =	ssyncset.done $0x0  }
0x41d: {  	[sflag:s31] =	ssyncadd.s32 $0xFFFFE000  }
0x41e: {  	[spmem:s2] =	stream.indirect.scatter.add.f32 [tilespmem:s21], [sflag:$0x5], $0x80, s19, s20, $0xb8;
	[tilespmem:$0x1E800] =	vst v63  }
0x41f: {  	_ =	swait.ge [sflag:s0], $0x2000  }
0x420: {  	[sflag:s0] =	ssyncset.done $0x0  }
0x421: {  	[sflag:s0] =	ssyncadd.s32 $0xFFFFE000  }
0x422: {  	[tilespmem:s21], [sflag:$0x1] =	stream.indirect.gather [hbm4b:s16+s20], $0x80, s1, s20, $0xb8;
	[tilespmem:$0x1E800] =	vst v63  }
0x423: {  	_ =	swait.ge [sflag:s4], $0x2000  }
0x424: {  	[sflag:s4] =	ssyncset.done $0x0  }
0x425: {  	[sflag:s4] =	ssyncadd.s32 $0xFFFFE000  }
0x426: {  	[spmem:s2] =	stream.indirect.scatter.add.f32 [tilespmem:s25], [sflag:$0x5], $0x80, s17, s20, $0xb8;
	[tilespmem:$0x1E800] =	vst v63  }
0x427: {  	_ =	swait.ge [sflag:s0], $0x2000  }
0x428: {  	[sflag:s0] =	ssyncset.done $0x0  }
0x429: {  	[sflag:s0] =	ssyncadd.s32 $0xFFFFE000  }
0x42a: {  	[tilespmem:s25], [sflag:$0x2] =	stream.indirect.gather [hbm4b:s16+s20], $0x80, s23, s20, $0xb8;
	[tilespmem:$0x1E800] =	vst v63  }
0x42b: {  	_ =	swait.ge [sflag:s24], $0x2000  }
0x42c: {  	[sflag:s24] =	ssyncset.done $0x0  }
0x42d: {  	[sflag:s24] =	ssyncadd.s32 $0xFFFFE000  }
0x42e: {  	[spmem:s2] =	stream.indirect.scatter.add.f32 [tilespmem:s28], [sflag:$0x5], $0x80, s3, s20, $0xb8;
	[tilespmem:$0x1E800] =	vst v63  }
0x42f: {  	_ =	swait.ge [sflag:s0], $0x2000  }
0x430: {  	[sflag:s0] =	ssyncset.done $0x0  }
0x431: {  	[sflag:s0] =	ssyncadd.s32 $0xFFFFE000  }
0x432: {  	[tilespmem:s28], [sflag:$0x3] =	stream.indirect.gather [hbm4b:s16+s20], $0x80, s5, s20, $0xb8;
	[tilespmem:$0x1E800] =	vst v63  }
0x433: {  	_ =	swait.ge [sflag:s7], $0x2000  }
0x434: {  	[sflag:s7] =	ssyncset.done $0x0  }
0x435: {  	[sflag:s7] =	ssyncadd.s32 $0xFFFFE000  }
0x436: {  	[spmem:s2] =	stream.indirect.scatter.add.f32 [tilespmem:s30], [sflag:$0x5], $0x80, s8, s20, $0xb8;
	[tilespmem:$0x1E800] =	vst v63  }
0x437: {  	_ =	swait.ge [sflag:s0], $0x2000  }
0x438: {  	[sflag:s0] =	ssyncset.done $0x0  }
0x439: {  	s29 =	simm.s32 $0x380;
	[sflag:s0] =	ssyncadd.s32 $0xFFFFE000  }
0x43a: {  	[tilespmem:s30], [sflag:$0x4] =	stream.indirect.gather [hbm4b:s16+s20], $0x80, s29, s20, $0xb8;
	[tilespmem:$0x1E800] =	vst v63  }
0x43b: {  	_ =	swait.ge [sflag:s31], $0x2000  }
0x43c: {  	[sflag:s31] =	ssyncset.done $0x0  }
0x43d: {  	s26 =	simm.s32 $0x1600;
	[sflag:s31] =	ssyncadd.s32 $0xFFFFE000  }
0x43e: {  	[spmem:s2] =	stream.indirect.scatter.add.f32 [tilespmem:s21], [sflag:$0x5], $0x80, s26, s20, $0xb8;
	[tilespmem:$0x1E800] =	vst v63  }
0x43f: {  	_ =	swait.ge [sflag:s0], $0x2000  }
0x440: {  	[sflag:s0] =	ssyncset.done $0x0  }
0x441: {  	s29 =	simm.s32 $0x400;
	[sflag:s0] =	ssyncadd.s32 $0xFFFFE000  }
0x442: {  	[tilespmem:s21], [sflag:$0x1] =	stream.indirect.gather [hbm4b:s16+s20], $0x80, s29, s20, $0xb8;
	[tilespmem:$0x1E800] =	vst v63  }
0x443: {  	_ =	swait.ge [sflag:s4], $0x2000  }
0x444: {  	[sflag:s4] =	ssyncset.done $0x0  }
0x445: {  	s26 =	simm.s32 $0x1680;
	[sflag:s4] =	ssyncadd.s32 $0xFFFFE000  }
0x446: {  	[spmem:s2] =	stream.indirect.scatter.add.f32 [tilespmem:s25], [sflag:$0x5], $0x80, s26, s20, $0xb8;
	[tilespmem:$0x1E800] =	vst v63  }
0x447: {  	_ =	swait.ge [sflag:s0], $0x2000  }
0x448: {  	[sflag:s0] =	ssyncset.done $0x0  }
0x449: {  	s29 =	simm.s32 $0x480;
	[sflag:s0] =	ssyncadd.s32 $0xFFFFE000  }
0x44a: {  	[tilespmem:s25], [sflag:$0x2] =	stream.indirect.gather [hbm4b:s16+s20], $0x80, s29, s20, $0xb8;
	[tilespmem:$0x1E800] =	vst v63  }
0x44b: {  	_ =	swait.ge [sflag:s24], $0x2000  }
0x44c: {  	[sflag:s24] =	ssyncset.done $0x0  }
0x44d: {  	s26 =	simm.s32 $0x1700;
	[sflag:s24] =	ssyncadd.s32 $0xFFFFE000  }
0x44e: {  	[spmem:s2] =	stream.indirect.scatter.add.f32 [tilespmem:s28], [sflag:$0x5], $0x80, s26, s20, $0xb8;
	[tilespmem:$0x1E800] =	vst v63  }
0x44f: {  	_ =	swait.ge [sflag:s0], $0x2000  }
0x450: {  	[sflag:s0] =	ssyncset.done $0x0  }
0x451: {  	s29 =	simm.s32 $0x500;
	[sflag:s0] =	ssyncadd.s32 $0xFFFFE000  }
0x452: {  	[tilespmem:s28], [sflag:$0x3] =	stream.indirect.gather [hbm4b:s16+s20], $0x80, s29, s20, $0xb8;
	[tilespmem:$0x1E800] =	vst v63  }
0x453: {  	_ =	swait.ge [sflag:s7], $0x2000  }
0x454: {  	[sflag:s7] =	ssyncset.done $0x0  }
0x455: {  	s22 =	simm.s32 $0x800;
	s26 =	simm.s32 $0x1780;
	[sflag:s7] =	ssyncadd.s32 $0xFFFFE000  }
.LBB2_16:
0x456: {  	[spmem:s2] =	stream.indirect.scatter.add.f32 [tilespmem:s30], [sflag:$0x5], $0x80, s26, s20, $0xb8;
	[tilespmem:$0x1E800] =	vst v63  }
0x457: {  	s26 =	smov.u32 s22  }
0x458: {  	p0 =	sne.s32 s22, $0x3800;
	s22 =	sadd.s32 $0x800, s22;
	_ =	swait.ge [sflag:s0], $0x2000  }
0x459: {  	s26 =	sshra.s32 s26, $0x2;
	[sflag:s0] =	ssyncset.done $0x0  }
0x45a: {  	s29 =	sadd.s32 $0x380, s26;
	[sflag:s0] =	ssyncadd.s32 $0xFFFFE000  }
0x45b: {  	[tilespmem:s30], [sflag:$0x4] =	stream.indirect.gather [hbm4b:s16+s20], $0x80, s29, s20, $0xb8;
	[tilespmem:$0x1E800] =	vst v63  }
0x45c: {  	_ =	swait.ge [sflag:s31], $0x2000  }
0x45d: {  	[sflag:s31] =	ssyncset.done $0x0  }
0x45e: {  	s29 =	sadd.s32 $0x1600, s26;
	[sflag:s31] =	ssyncadd.s32 $0xFFFFE000  }
0x45f: {  	[spmem:s2] =	stream.indirect.scatter.add.f32 [tilespmem:s21], [sflag:$0x5], $0x80, s29, s20, $0xb8;
	[tilespmem:$0x1E800] =	vst v63  }
0x460: {  	_ =	swait.ge [sflag:s0], $0x2000  }
0x461: {  	[sflag:s0] =	ssyncset.done $0x0  }
0x462: {  	s29 =	sadd.s32 $0x400, s26;
	[sflag:s0] =	ssyncadd.s32 $0xFFFFE000  }
0x463: {  	[tilespmem:s21], [sflag:$0x1] =	stream.indirect.gather [hbm4b:s16+s20], $0x80, s29, s20, $0xb8;
	[tilespmem:$0x1E800] =	vst v63  }
0x464: {  	_ =	swait.ge [sflag:s4], $0x2000  }
0x465: {  	[sflag:s4] =	ssyncset.done $0x0  }
0x466: {  	s29 =	sadd.s32 $0x1680, s26;
	[sflag:s4] =	ssyncadd.s32 $0xFFFFE000  }
0x467: {  	[spmem:s2] =	stream.indirect.scatter.add.f32 [tilespmem:s25], [sflag:$0x5], $0x80, s29, s20, $0xb8;
	[tilespmem:$0x1E800] =	vst v63  }
0x468: {  	_ =	swait.ge [sflag:s0], $0x2000  }
0x469: {  	[sflag:s0] =	ssyncset.done $0x0  }
0x46a: {  	s29 =	sadd.s32 $0x480, s26;
	[sflag:s0] =	ssyncadd.s32 $0xFFFFE000  }
0x46b: {  	[tilespmem:s25], [sflag:$0x2] =	stream.indirect.gather [hbm4b:s16+s20], $0x80, s29, s20, $0xb8;
	[tilespmem:$0x1E800] =	vst v63  }
0x46c: {  	_ =	swait.ge [sflag:s24], $0x2000  }
0x46d: {  	[sflag:s24] =	ssyncset.done $0x0  }
0x46e: {  	s29 =	sadd.s32 $0x1700, s26;
	[sflag:s24] =	ssyncadd.s32 $0xFFFFE000  }
0x46f: {  	[spmem:s2] =	stream.indirect.scatter.add.f32 [tilespmem:s28], [sflag:$0x5], $0x80, s29, s20, $0xb8;
	[tilespmem:$0x1E800] =	vst v63  }
0x470: {  	_ =	swait.ge [sflag:s0], $0x2000  }
0x471: {  	[sflag:s0] =	ssyncset.done $0x0  }
.Ltmp7:
0x472: {  	s29 =	sadd.s32 $0x500, s26;
	[sflag:s0] =	ssyncadd.s32 $0xFFFFE000;
	(pc) =	sbr.rel @p0 .LBB2_16-.Ltmp7, $4  }
0x473: {  	[tilespmem:s28], [sflag:$0x3] =	stream.indirect.gather [hbm4b:s16+s20], $0x80, s29, s20, $0xb8;
	[tilespmem:$0x1E800] =	vst v63  }
0x474: {  	_ =	swait.ge [sflag:s7], $0x2000  }
0x475: {  	[sflag:s7] =	ssyncset.done $0x0  }
0x476: {  	s26 =	sadd.s32 $0x1780, s26;
	[sflag:s7] =	ssyncadd.s32 $0xFFFFE000  }
0x477: {  	[spmem:s2] =	stream.indirect.scatter.add.f32 [tilespmem:s30], [sflag:$0x5], $0x80, s26, s20, $0xb8;
	[tilespmem:$0x1E800] =	vst v63  }
0x478: {  	_ =	swait.ge [sflag:s0], $0x2000  }
0x479: {  	[sflag:s0] =	ssyncset.done $0x0  }
0x47a: {  	[sflag:s0] =	ssyncadd.s32 $0xFFFFE000  }
0x47b: {  	[tilespmem:s30], [sflag:$0x4] =	stream.indirect.gather [hbm4b:s16+s20], $0x80, s10, s20, $0xb8;
	[tilespmem:$0x1E800] =	vst v63  }
0x47c: {  	_ =	swait.ge [sflag:s31], $0x2000  }
0x47d: {  	[sflag:s31] =	ssyncset.done $0x0  }
0x47e: {  	[sflag:s31] =	ssyncadd.s32 $0xFFFFE000  }
0x47f: {  	[spmem:s2] =	stream.indirect.scatter.add.f32 [tilespmem:s21], [sflag:$0x5], $0x80, s11, s20, $0xb8;
	[tilespmem:$0x1E800] =	vst v63  }
0x480: {  	_ =	swait.ge [sflag:s0], $0x2000  }
0x481: {  	[sflag:s0] =	ssyncset.done $0x0  }
0x482: {  	[sflag:s0] =	ssyncadd.s32 $0xFFFFE000  }
0x483: {  	_ =	swait.ge [sflag:s4], $0x2000  }
0x484: {  	[sflag:s4] =	ssyncset.done $0x0  }
0x485: {  	[sflag:s4] =	ssyncadd.s32 $0xFFFFE000  }
0x486: {  	[spmem:s2] =	stream.indirect.scatter.add.f32 [tilespmem:s25], [sflag:$0x5], $0x80, s12, s20, $0xb8;
	[tilespmem:$0x1E800] =	vst v63  }
0x487: {  	_ =	swait.ge [sflag:s0], $0x2000  }
0x488: {  	[sflag:s0] =	ssyncset.done $0x0  }
0x489: {  	[sflag:s0] =	ssyncadd.s32 $0xFFFFE000  }
0x48a: {  	_ =	swait.ge [sflag:s24], $0x2000  }
0x48b: {  	[sflag:s24] =	ssyncset.done $0x0  }
0x48c: {  	[sflag:s24] =	ssyncadd.s32 $0xFFFFE000  }
0x48d: {  	[spmem:s2] =	stream.indirect.scatter.add.f32 [tilespmem:s28], [sflag:$0x5], $0x80, s13, s20, $0xb8;
	[tilespmem:$0x1E800] =	vst v63  }
0x48e: {  	_ =	swait.ge [sflag:s0], $0x2000  }
0x48f: {  	[sflag:s0] =	ssyncset.done $0x0  }
0x490: {  	[sflag:s0] =	ssyncadd.s32 $0xFFFFE000  }
0x491: {  	_ =	swait.ge [sflag:s7], $0x2000  }
0x492: {  	[sflag:s7] =	ssyncset.done $0x0  }
0x493: {  	[sflag:s7] =	ssyncadd.s32 $0xFFFFE000  }
0x494: {  	[spmem:s2] =	stream.indirect.scatter.add.f32 [tilespmem:s30], [sflag:$0x5], $0x80, s14, s20, $0xb8;
	[tilespmem:$0x1E800] =	vst v63  }
0x495: {  	_ =	swait.ge [sflag:s0], $0x2000  }
0x496: {  	[sflag:s0] =	ssyncset.done $0x0  }
0x497: {  	[sflag:s0] =	ssyncadd.s32 $0xFFFFE000  }
0x498: {  	[bflag:$0x0] =	sbarrier.arrive $0xFFFF  }
0x499: {  	s26 =	rddreg [dreg:$0x9]  }
0x49a: {  	s22 =	rddreg [dreg:$0x14]  }
0x49b: {  	[hbm:s22], [sflag:s26] =	dma.local [spmem:s6], $0x2800  }
0x49c: {  	_ =	swait.ge [sflag:s18], $0x2800  }
0x49d: {  	s15 =	sadd.s32 $0x1, s15;
	s29 =	rddreg [dreg:$0x12]  }
0x49e: {  	p0 =	sne.s32 s15, s29  }
.Ltmp8:
0x49f: {  	_ = 	snop;
	(pc) =	sbr.rel @p0 .LBB2_1-.Ltmp8, $3  }
0x4a0: {  	[sflag:s18] =	ssyncset.done $0x0  }
0x4a1: {  	[sflag:s18] =	ssyncadd.s32 $0xFFFFD800  }
0x4a2: {  	[bflag:$0x0] =	sbarrier.arrive $0xFFFF;
	_ =	sdelay $0x1  }
0x4a3: {  	_ =	sfence.sel $0x180000  }
0x4a4: {  	[bflag:$0x0] =	sbarrier.arrive $0xFFFF  }
0x4a5: {  	_ =	strace $0x90000047  }
0x4a6: {  	s0 =	stileid.u32;
	[bflag:$0x2] =	sbarrier.arrive $0xFFFF  }
0x4a7: {  	p0 =	sne.s32 s0, $0x0;
	s0 =	rddreg [dreg:$0x6]  }
0x4a8: {  	s0 =	sadd.s32 @!p0 $0x100000, s0  }
0x4a9: {  	[sflag:s0] =	ssyncadd.tile.s32 @!p0 $0x1;
	_ =	shalt  }
.Lfunc_end2:
_tile_overlayer_lowered:
.L_overlay_start_2:
0x4aa: {  	(tag) =	ssettag $0x2  }
0x4ab: {  	s0 =	rddreg [dreg:$0x0];
	s2 =	stileid.u32  }
0x4ac: {  	s1 =	rddreg [dreg:$0x1];
	p0 =	sne.s32 s2, $0x0  }
0x4ad: {  	s3 =	rddreg [dreg:$0x2];
	[bflag:$0x3] =	sbarrier.arrive $0xFFFF;
	s2 =	simm.s32 @!p0 $0x1C06  }
0x4ae: {  	[timem:s3], [sflag:s2] =	dma.local @!p0 [hbm:s0], s1  }
0x4af: {  	s0 =	simm.s32 @!p0 $0x6  }
0x4b0: {  	_ =	swait.ge @!p0 [sflag:s0], s1  }
0x4b1: {  	s1 =	ssub.s32 @!p0 $0x0, s1;
	[sflag:s0] =	ssyncset.done @!p0 $0x0  }
0x4b2: {  	[sflag:s0] =	ssyncadd.s32 @!p0 s1  }
0x4b3: {  	[bflag:$0x3] =	sbarrier.arrive $0xFFFF  }
0x4b4: {  	_ =	shalt  }

</sc_bundles>
